<compile_context>
chip_gen: v7x
topology: tpu7x:2x2x1
jax: 0.10.2.dev20260603
libtpu: 0.0.44.dev20260713+nightly
codegen_flags: <defaults>
</compile_context>

<pallas_src>
import functools

import jax
import jax.numpy as jnp
from jax import lax
from jax.experimental import pallas as pl
from jax.experimental.pallas import tpu as pltpu
from jax.experimental.pallas import tpu_sc as plsc

N = 10000
E = 160000
D_IN = 256
D_H = 256
N_CLS = 40

NC = 2
NS = 16
NPAD = 10240
EPAD = 163840
RPT = NPAD // NS
CHUNK = 128

MBLK = 512


def _mesh():
    return plsc.VectorSubcoreMesh(core_axis_name="c", subcore_axis_name="s")


NBUF = 8
NPH = 1


def _agg(u_stack, src2, dst3, zeros_dh, dh):
    nch = EPAD // NS // CHUNK
    epw = nch * CHUNK
    ncp = nch // NPH
    epp = ncp * CHUNK

    @functools.partial(
        pl.kernel,
        out_type=jax.ShapeDtypeStruct((NC * NPAD, dh), jnp.bfloat16),
        mesh=_mesh(),
        compiler_params=pltpu.CompilerParams(use_tc_tiling_on_sc=False),
        scratch_types=[
            pltpu.VMEM((epp,), jnp.int32),
            pltpu.VMEM((ncp, CHUNK), jnp.int32),
            pltpu.VMEM((NBUF, CHUNK, dh), jnp.bfloat16),
            pltpu.VMEM_SHARED((NPAD, dh), jnp.bfloat16),
            pltpu.SemaphoreType.DMA,
            pltpu.SemaphoreType.DMA,
        ],
    )
    def agg_kernel(u_hbm, src_hbm, dst_hbm, zeros_hbm, out_hbm,
                   sidx, didx, rows, acc, gsem, ssem):
        c = lax.axis_index("c")
        s = lax.axis_index("s")
        pltpu.sync_copy(zeros_hbm, acc.at[pl.ds(s * RPT, RPT)])
        plsc.subcore_barrier()

        def gather(k, b):
            pltpu.async_copy(
                u_hbm.at[sidx.at[pl.ds(k * CHUNK, CHUNK)]], rows.at[b], gsem)

        def wait_gather(b):
            pltpu.make_async_copy(
                u_hbm.at[sidx.at[pl.ds(0, CHUNK)]], rows.at[b], gsem).wait()

        def scatter(k, b):
            pltpu.async_copy(rows.at[b], acc.at[didx.at[k]], ssem, add=True)

        def wait_scatter(k, b):
            pltpu.make_async_copy(
                rows.at[b], acc.at[didx.at[k]], ssem).wait()

        def phase(p, carry):
            pltpu.sync_copy(
                src_hbm.at[pl.ds(c * EPAD + s * epw + p * epp, epp)], sidx)
            pltpu.sync_copy(dst_hbm.at[pl.ds(s * nch + p * ncp, ncp)], didx)

            for b in range(NBUF - 1):
                gather(b, b)

            def body(g, carry2):
                for b in range(NBUF):
                    k = g * NBUF + b
                    wait_gather(b)
                    scatter(k, b)

                    @pl.when(k >= 1)
                    def _():
                        wait_scatter(k - 1, (b + NBUF - 1) % NBUF)

                    @pl.when(k + NBUF - 1 <= ncp - 1)
                    def _():
                        gather(k + NBUF - 1, (b + NBUF - 1) % NBUF)

                return carry2

            lax.fori_loop(0, ncp // NBUF, body, 0)
            wait_scatter(ncp - 1, (NBUF - 1) % NBUF)
            return carry

        lax.fori_loop(0, NPH, phase, 0)
        plsc.subcore_barrier()
        pltpu.sync_copy(acc.at[pl.ds(s * RPT, RPT)],
                        out_hbm.at[pl.ds(c * NPAD + s * RPT, RPT)])

    return agg_kernel(u_stack, src2, dst3, zeros_dh)


def _deg(dst_p, ones16, zeros16):
    nch = EPAD // (NC * NS) // CHUNK

    @functools.partial(
        pl.kernel,
        out_type=jax.ShapeDtypeStruct((NC * NPAD, 16), jnp.float32),
        mesh=_mesh(),
        compiler_params=pltpu.CompilerParams(use_tc_tiling_on_sc=False),
        scratch_types=[
            pltpu.VMEM((CHUNK,), jnp.int32),
            pltpu.VMEM((CHUNK, 16), jnp.float32),
            pltpu.VMEM_SHARED((NPAD, 16), jnp.float32),
        ],
    )
    def deg_kernel(dst_hbm, ones_hbm, zeros_hbm, out_hbm, didx, ones_v, acc):
        c = lax.axis_index("c")
        s = lax.axis_index("s")
        pltpu.sync_copy(ones_hbm, ones_v)
        pltpu.sync_copy(zeros_hbm, acc.at[pl.ds(s * RPT, RPT)])
        plsc.subcore_barrier()
        base = (c * NS + s) * (nch * CHUNK)

        def body(k, carry):
            pltpu.sync_copy(dst_hbm.at[pl.ds(base + k * CHUNK, CHUNK)], didx)
            pltpu.sync_copy(ones_v, acc.at[didx], add=True)
            return carry

        lax.fori_loop(0, nch, body, 0)
        plsc.subcore_barrier()
        pltpu.sync_copy(acc.at[pl.ds(s * RPT, RPT)],
                        out_hbm.at[pl.ds(c * NPAD + s * RPT, RPT)])

    return deg_kernel(dst_p, ones16, zeros16)


def _mm_first(x_p, Ws, Wn):

    def body(x_ref, ws_ref, wn_ref, o_ref):
        w = (ws_ref[...] + wn_ref[...]).astype(jnp.bfloat16)
        u = jnp.dot(x_ref[...].astype(jnp.bfloat16), w,
                    preferred_element_type=jnp.float32)
        ub = u.astype(jnp.bfloat16)
        o_ref[0] = ub[:, :128]
        o_ref[1] = ub[:, 128:]

    return pl.pallas_call(
        body,
        grid=(NPAD // MBLK,),
        in_specs=[
            pl.BlockSpec((MBLK, 256), lambda g: (g, 0)),
            pl.BlockSpec((256, 256), lambda g: (0, 0)),
            pl.BlockSpec((256, 256), lambda g: (0, 0)),
        ],
        out_specs=pl.BlockSpec((2, MBLK, 128), lambda g: (0, g, 0)),
        out_shape=jax.ShapeDtypeStruct((2, NPAD, 128), jnp.bfloat16),
    )(x_p, Ws, Wn)


def _mm_mid(s_stack, deg_stack, Ws, Wn, b2d, dout):
    nb = NPAD // MBLK
    dh2 = dout // 2

    def body(s0_ref, s1_ref, d0_ref, d1_ref, ws_ref, wn_ref, b_ref, o_ref):
        deg = jnp.maximum(d0_ref[:, 0:1] + d1_ref[:, 0:1], 1.0)
        bb = b_ref[...]
        z0 = jnp.maximum(s0_ref[...].astype(jnp.float32) / deg + bb[:, :128],
                         0.0).astype(jnp.bfloat16)
        z1 = jnp.maximum(s1_ref[...].astype(jnp.float32) / deg + bb[:, 128:],
                         0.0).astype(jnp.bfloat16)
        w = (ws_ref[...] + wn_ref[...]).astype(jnp.bfloat16)
        u = (jnp.dot(z0, w[:128], preferred_element_type=jnp.float32)
             + jnp.dot(z1, w[128:], preferred_element_type=jnp.float32))
        ub = u.astype(jnp.bfloat16)
        o_ref[0] = ub[:, :dh2]
        o_ref[1] = ub[:, dh2:]

    return pl.pallas_call(
        body,
        grid=(nb,),
        in_specs=[
            pl.BlockSpec((MBLK, 128), lambda g: (g, 0)),
            pl.BlockSpec((MBLK, 128), lambda g: (g + nb, 0)),
            pl.BlockSpec((MBLK, 16), lambda g: (g, 0)),
            pl.BlockSpec((MBLK, 16), lambda g: (g + nb, 0)),
            pl.BlockSpec((256, dout), lambda g: (0, 0)),
            pl.BlockSpec((256, dout), lambda g: (0, 0)),
            pl.BlockSpec((1, 256), lambda g: (0, 0)),
        ],
        out_specs=pl.BlockSpec((2, MBLK, dh2), lambda g: (0, g, 0)),
        out_shape=jax.ShapeDtypeStruct((2, NPAD, dh2), jnp.bfloat16),
    )(s_stack, s_stack, deg_stack, deg_stack, Ws, Wn, b2d)


def _fin(s_stack, deg_stack, b2d):
    nb = NPAD // MBLK

    def body(s0_ref, s1_ref, d0_ref, d1_ref, b_ref, o_ref):
        deg = jnp.maximum(d0_ref[:, 0:1] + d1_ref[:, 0:1], 1.0)
        bb = b_ref[...]
        o_ref[:, :32] = s0_ref[...].astype(jnp.float32) / deg + bb[:, :32]
        o_ref[:, 32:] = s1_ref[...].astype(jnp.float32) / deg + bb[:, 32:]

    return pl.pallas_call(
        body,
        grid=(nb,),
        in_specs=[
            pl.BlockSpec((MBLK, 32), lambda g: (g, 0)),
            pl.BlockSpec((MBLK, 32), lambda g: (g + nb, 0)),
            pl.BlockSpec((MBLK, 16), lambda g: (g, 0)),
            pl.BlockSpec((MBLK, 16), lambda g: (g + nb, 0)),
            pl.BlockSpec((1, 64), lambda g: (0, 0)),
        ],
        out_specs=pl.BlockSpec((MBLK, 64), lambda g: (g, 0)),
        out_shape=jax.ShapeDtypeStruct((NPAD, 64), jnp.float32),
    )(s_stack, s_stack, deg_stack, deg_stack, b2d)


def kernel(inputs, edge_index, W_self0, W_neigh0, b0,
           W_self1, W_neigh1, b1, W_self2, W_neigh2, b2):
    x = inputs
    src = edge_index[0]
    dst = edge_index[1]
    src_p = jnp.concatenate([src, jnp.zeros((EPAD - E,), jnp.int32)])
    dst_p = jnp.concatenate([dst, jnp.full((EPAD - E,), NPAD - 1, jnp.int32)])
    x_p = jnp.pad(x, ((0, NPAD - N), (0, 0)))

    ones16 = jnp.ones((CHUNK, 16), jnp.float32)
    zeros16 = jnp.zeros((RPT, 16), jnp.float32)
    zeros128 = jnp.zeros((RPT, 128), jnp.bfloat16)
    zeros32 = jnp.zeros((RPT, 32), jnp.bfloat16)

    W2s = jnp.pad(W_self2, ((0, 0), (0, 64 - N_CLS)))
    W2n = jnp.pad(W_neigh2, ((0, 0), (0, 64 - N_CLS)))
    b0_2d = b0.reshape(1, 256)
    b1_2d = b1.reshape(1, 256)
    b2_2d = jnp.pad(b2, (0, 64 - N_CLS)).reshape(1, 64)

    src2 = jnp.concatenate([src_p, src_p + NPAD])
    dst3 = dst_p.reshape(EPAD // CHUNK, CHUNK)

    deg_stack = _deg(dst_p, ones16, zeros16)
    u0 = _mm_first(x_p, W_self0, W_neigh0).reshape(2 * NPAD, 128)
    s0 = _agg(u0, src2, dst3, zeros128, 128)

    u1 = _mm_mid(s0, deg_stack, W_self1, W_neigh1, b0_2d, 256)
    s1 = _agg(u1.reshape(2 * NPAD, 128), src2, dst3, zeros128, 128)

    u2 = _mm_mid(s1, deg_stack, W2s, W2n, b1_2d, 64)
    s2 = _agg(u2.reshape(2 * NPAD, 32), src2, dst3, zeros32, 32)

    out = _fin(s2, deg_stack, b2_2d)
    return out[:N, :N_CLS]

# --- scband reference (transcript-rebuilt; emitter-appended) ---
"""Pipeline reference for scband-graph-sage-18580028522746 (READ-ONLY COPY).

The authoritative reference and input builder live on the scoring server;
editing this copy changes nothing except your own understanding.
"""

import jax, jax.numpy as jnp
import numpy as np

N = 10000
E = 160000
D_IN = 256
D_H = 256
N_CLS = 40


def setup_inputs(seed: int = 0) -> dict:
    key = jax.random.key(seed)
    ks = jax.random.split(key, 12)
    x = jax.random.normal(ks[0], (N, D_IN), dtype=jnp.float32)
    edge_index = jax.random.randint(ks[1], (2, E), 0, N, dtype=jnp.int32)
    def lin(k, fi, fo):
        return jax.random.normal(k, (fi, fo), dtype=jnp.float32) * (1.0 / np.sqrt(fi))
    inp = {
        'inputs': x,
        'edge_index': edge_index,
        'W_self0': lin(ks[2], D_IN, D_H),
        'W_neigh0': lin(ks[3], D_IN, D_H),
        'b0': jnp.zeros((D_H,), jnp.float32),
        'W_self1': lin(ks[4], D_H, D_H),
        'W_neigh1': lin(ks[5], D_H, D_H),
        'b1': jnp.zeros((D_H,), jnp.float32),
        'W_self2': lin(ks[6], D_H, N_CLS),
        'W_neigh2': lin(ks[7], D_H, N_CLS),
        'b2': jnp.zeros((N_CLS,), jnp.float32),
    }
    return inp


def reference(inputs, edge_index, W_self0, W_neigh0, b0, W_self1, W_neigh1, b1, W_self2, W_neigh2, b2):
    # GraphSAGE with mean aggregator, split into Agg (SpMM) + MLP stages,
    # mirroring SAGEConvAgg / SAGEConvMLP (CAGNET-style). Dropout is identity
    # at inference. mlp_layer(graph, z, z): both self and neigh branches take z.
    src = edge_index[0]
    dst = edge_index[1]

    def mean_agg(h):
        # gather neighbor features along edges, scatter-add into dst nodes
        msg = jnp.take(h, src, axis=0)
        summed = jax.ops.segment_sum(msg, dst, num_segments=N)
        deg = jax.ops.segment_sum(jnp.ones((E, 1), h.dtype), dst, num_segments=N)
        return summed / jnp.clip(deg, 1.0, None)

    params = [(W_self0, W_neigh0, b0), (W_self1, W_neigh1, b1), (W_self2, W_neigh2, b2)]
    h = inputs
    n_layers = len(params)
    for i, (Ws, Wn, b) in enumerate(params):
        z = mean_agg(h)                      # SAGEConvAgg
        h = z @ Ws + z @ Wn + b              # SAGEConvMLP(z, z)
        if i < n_layers - 1:
            h = jax.nn.relu(h)               # activation
    return h

if __name__ == "__main__":
    import jax
    _d = setup_inputs()
    print(jax.jit(kernel)(*tuple(_d.values())))

</pallas_src>

<mosaic_0001>
#map = affine_map<(d0, d1) -> (0, 0)>
#map1 = affine_map<(d0, d1) -> (0)>
module attributes {stable_mosaic.version = 14 : i64} {
  func.func @agg_kernel(%arg0: i32, %arg1: i32, %arg2: memref<20480x128xbf16, #tpu.memory_space<hbm>>, %arg3: memref<327680xi32, #tpu.memory_space<hbm>>, %arg4: memref<1280x128xi32, #tpu.memory_space<hbm>>, %arg5: memref<640x128xbf16, #tpu.memory_space<hbm>>, %arg6: memref<20480x128xbf16, #tpu.memory_space<hbm>>, %arg7: memref<10240xi32, #tpu.memory_space<vmem>>, %arg8: memref<80x128xi32, #tpu.memory_space<vmem>>, %arg9: memref<8x128x128xbf16, #tpu.memory_space<vmem>>, %arg10: memref<10240x128xbf16, #tpu.memory_space<vmem_shared>>, %arg11: memref<!tpu.dma_semaphore, #tpu.memory_space<semaphore_mem>>, %arg12: memref<!tpu.dma_semaphore, #tpu.memory_space<semaphore_mem>>) attributes {dimension_semantics = [#tpu.dimension_semantics<core_parallel>, #tpu.dimension_semantics<subcore_parallel>], iteration_bounds = array<i64: 2, 16>, scalar_prefetch = 0 : i64, scratch_operands = 6 : i64, tpu.core_type = #tpu.core_type<sc_vector_subcore>, window_params = [{transform_indices = #map}, {transform_indices = #map1}, {transform_indices = #map}, {transform_indices = #map}, {transform_indices = #map}]} {
    %mul3A = arith.constant 640 : i32
    %mul3A_0 = arith.muli %arg1, %mul3A : i32
    "tpu.region"() ({
      %run_scoped3A = tpu.sem_alloc : memref<!tpu.dma_semaphore, #tpu.memory_space<semaphore_mem>>
      %dma_start3A_109 = arith.constant 0 : i32
      %dma_start3A_110 = tpu.memref_slice %arg10[%mul3A_0, %dma_start3A_109] : memref<10240x128xbf16, #tpu.memory_space<vmem_shared>> -> memref<640x128xbf16, #tpu.memory_space<vmem_shared>>
      tpu.enqueue_dma source(%arg5 : memref<640x128xbf16, #tpu.memory_space<hbm>>) target(%dma_start3A_110 : memref<640x128xbf16, #tpu.memory_space<vmem_shared>>) target_semaphore(%run_scoped3A : memref<!tpu.dma_semaphore, #tpu.memory_space<semaphore_mem>>)
      %dma_wait3A_111 = arith.constant 0 : i32
      %dma_wait3A_112 = tpu.memref_slice %arg10[%mul3A_0, %dma_wait3A_111] : memref<10240x128xbf16, #tpu.memory_space<vmem_shared>> -> memref<640x128xbf16, #tpu.memory_space<vmem_shared>>
      tpu.wait_dma2 semaphore(%run_scoped3A : memref<!tpu.dma_semaphore, #tpu.memory_space<semaphore_mem>>) src(%arg5 : memref<640x128xbf16, #tpu.memory_space<hbm>>) dst(%dma_wait3A_112 : memref<640x128xbf16, #tpu.memory_space<vmem_shared>>)
      tpu.yield
    }) : () -> ()
    %barrier3A = arith.constant 0 : index
    tpu.barrier barrier_id(%barrier3A)
    %scan3A = arith.constant 0 : i32
    %scan3A_1 = arith.constant 0 : i32
    %mul3A_2 = arith.constant 163840 : i32
    %mul3A_3 = arith.muli %arg0, %mul3A_2 : i32
    %mul3A_4 = arith.constant 10240 : i32
    %mul3A_5 = arith.muli %arg1, %mul3A_4 : i32
    %add3A = arith.addi %mul3A_3, %mul3A_5 : i32
    %mul3A_6 = arith.constant 10240 : i32
    %mul3A_7 = arith.muli %scan3A_1, %mul3A_6 : i32
    %add3A_8 = arith.addi %add3A, %mul3A_7 : i32
    "tpu.region"() ({
      %run_scoped3A = tpu.sem_alloc : memref<!tpu.dma_semaphore, #tpu.memory_space<semaphore_mem>>
      %dma_start3A_109 = tpu.memref_slice %arg3[%add3A_8] : memref<327680xi32, #tpu.memory_space<hbm>> -> memref<10240xi32, #tpu.memory_space<hbm>>
      %dma_start3A_110 = tpu.memref_slice %arg3[%add3A_8] : memref<327680xi32, #tpu.memory_space<hbm>> -> memref<10240xi32, #tpu.memory_space<hbm>>
      tpu.enqueue_dma source(%dma_start3A_110 : memref<10240xi32, #tpu.memory_space<hbm>>) target(%arg7 : memref<10240xi32, #tpu.memory_space<vmem>>) target_semaphore(%run_scoped3A : memref<!tpu.dma_semaphore, #tpu.memory_space<semaphore_mem>>)
      %dma_wait3A_111 = tpu.memref_slice %arg3[%add3A_8] : memref<327680xi32, #tpu.memory_space<hbm>> -> memref<10240xi32, #tpu.memory_space<hbm>>
      %dma_wait3A_112 = tpu.memref_slice %arg3[%add3A_8] : memref<327680xi32, #tpu.memory_space<hbm>> -> memref<10240xi32, #tpu.memory_space<hbm>>
      tpu.wait_dma2 semaphore(%run_scoped3A : memref<!tpu.dma_semaphore, #tpu.memory_space<semaphore_mem>>) src(%dma_wait3A_112 : memref<10240xi32, #tpu.memory_space<hbm>>) dst(%arg7 : memref<10240xi32, #tpu.memory_space<vmem>>)
      tpu.yield
    }) : () -> ()
    %mul3A_9 = arith.constant 80 : i32
    %mul3A_10 = arith.muli %arg1, %mul3A_9 : i32
    %mul3A_11 = arith.constant 80 : i32
    %mul3A_12 = arith.muli %scan3A_1, %mul3A_11 : i32
    %add3A_13 = arith.addi %mul3A_10, %mul3A_12 : i32
    "tpu.region"() ({
      %run_scoped3A = tpu.sem_alloc : memref<!tpu.dma_semaphore, #tpu.memory_space<semaphore_mem>>
      %dma_start3A_109 = arith.constant 0 : i32
      %dma_start3A_110 = tpu.memref_slice %arg4[%add3A_13, %dma_start3A_109] : memref<1280x128xi32, #tpu.memory_space<hbm>> -> memref<80x128xi32, #tpu.memory_space<hbm>>
      %dma_start3A_111 = arith.constant 0 : i32
      %dma_start3A_112 = tpu.memref_slice %arg4[%add3A_13, %dma_start3A_111] : memref<1280x128xi32, #tpu.memory_space<hbm>> -> memref<80x128xi32, #tpu.memory_space<hbm>>
      tpu.enqueue_dma source(%dma_start3A_112 : memref<80x128xi32, #tpu.memory_space<hbm>>) target(%arg8 : memref<80x128xi32, #tpu.memory_space<vmem>>) target_semaphore(%run_scoped3A : memref<!tpu.dma_semaphore, #tpu.memory_space<semaphore_mem>>)
      %dma_wait3A_113 = arith.constant 0 : i32
      %dma_wait3A_114 = tpu.memref_slice %arg4[%add3A_13, %dma_wait3A_113] : memref<1280x128xi32, #tpu.memory_space<hbm>> -> memref<80x128xi32, #tpu.memory_space<hbm>>
      %dma_wait3A_115 = arith.constant 0 : i32
      %dma_wait3A_116 = tpu.memref_slice %arg4[%add3A_13, %dma_wait3A_115] : memref<1280x128xi32, #tpu.memory_space<hbm>> -> memref<80x128xi32, #tpu.memory_space<hbm>>
      tpu.wait_dma2 semaphore(%run_scoped3A : memref<!tpu.dma_semaphore, #tpu.memory_space<semaphore_mem>>) src(%dma_wait3A_116 : memref<80x128xi32, #tpu.memory_space<hbm>>) dst(%arg8 : memref<80x128xi32, #tpu.memory_space<vmem>>)
      tpu.yield
    }) : () -> ()
    %dma_start3A = arith.constant 0 : i32
    %dma_start3A_14 = arith.constant 0 : i32
    %dma_start3A_15 = arith.constant 0 : i32
    %dma_start3A_16 = tpu.memref_slice %arg9[%dma_start3A, %dma_start3A_14, %dma_start3A_15] : memref<8x128x128xbf16, #tpu.memory_space<vmem>> -> memref<1x128x128xbf16, #tpu.memory_space<vmem>>
    %dma_start3A_17 = tpu.memref_squeeze %dma_start3A_16 : memref<1x128x128xbf16, #tpu.memory_space<vmem>> -> memref<128x128xbf16, #tpu.memory_space<vmem>>
    %dma_start3A_18 = arith.constant 0 : i32
    %dma_start3A_19 = tpu.memref_slice %arg7[%dma_start3A_18] : memref<10240xi32, #tpu.memory_space<vmem>> -> memref<128xi32, #tpu.memory_space<vmem>>
    %dma_start3A_20 = arith.constant 0 : i32
    %dma_start3A_21 = arith.constant 0 : i32
    %dma_start3A_22 = tpu.memref_slice %arg2[%dma_start3A_20, %dma_start3A_21] : memref<20480x128xbf16, #tpu.memory_space<hbm>> -> memref<20480x128xbf16, #tpu.memory_space<hbm>>
    tpu.enqueue_indirect_dma source(%dma_start3A_22 : memref<20480x128xbf16, #tpu.memory_space<hbm>>) target(%dma_start3A_17 : memref<128x128xbf16, #tpu.memory_space<vmem>>) offsets(%dma_start3A_19 : memref<128xi32, #tpu.memory_space<vmem>>) semaphore(%arg11 : memref<!tpu.dma_semaphore, #tpu.memory_space<semaphore_mem>>)
    %dma_start3A_23 = arith.constant 1 : i32
    %dma_start3A_24 = arith.constant 0 : i32
    %dma_start3A_25 = arith.constant 0 : i32
    %dma_start3A_26 = tpu.memref_slice %arg9[%dma_start3A_23, %dma_start3A_24, %dma_start3A_25] : memref<8x128x128xbf16, #tpu.memory_space<vmem>> -> memref<1x128x128xbf16, #tpu.memory_space<vmem>>
    %dma_start3A_27 = tpu.memref_squeeze %dma_start3A_26 : memref<1x128x128xbf16, #tpu.memory_space<vmem>> -> memref<128x128xbf16, #tpu.memory_space<vmem>>
    %dma_start3A_28 = arith.constant 128 : i32
    %dma_start3A_29 = tpu.memref_slice %arg7[%dma_start3A_28] : memref<10240xi32, #tpu.memory_space<vmem>> -> memref<128xi32, #tpu.memory_space<vmem>>
    %dma_start3A_30 = arith.constant 0 : i32
    %dma_start3A_31 = arith.constant 0 : i32
    %dma_start3A_32 = tpu.memref_slice %arg2[%dma_start3A_30, %dma_start3A_31] : memref<20480x128xbf16, #tpu.memory_space<hbm>> -> memref<20480x128xbf16, #tpu.memory_space<hbm>>
    tpu.enqueue_indirect_dma source(%dma_start3A_32 : memref<20480x128xbf16, #tpu.memory_space<hbm>>) target(%dma_start3A_27 : memref<128x128xbf16, #tpu.memory_space<vmem>>) offsets(%dma_start3A_29 : memref<128xi32, #tpu.memory_space<vmem>>) semaphore(%arg11 : memref<!tpu.dma_semaphore, #tpu.memory_space<semaphore_mem>>)
    %dma_start3A_33 = arith.constant 2 : i32
    %dma_start3A_34 = arith.constant 0 : i32
    %dma_start3A_35 = arith.constant 0 : i32
    %dma_start3A_36 = tpu.memref_slice %arg9[%dma_start3A_33, %dma_start3A_34, %dma_start3A_35] : memref<8x128x128xbf16, #tpu.memory_space<vmem>> -> memref<1x128x128xbf16, #tpu.memory_space<vmem>>
    %dma_start3A_37 = tpu.memref_squeeze %dma_start3A_36 : memref<1x128x128xbf16, #tpu.memory_space<vmem>> -> memref<128x128xbf16, #tpu.memory_space<vmem>>
    %dma_start3A_38 = arith.constant 256 : i32
    %dma_start3A_39 = tpu.memref_slice %arg7[%dma_start3A_38] : memref<10240xi32, #tpu.memory_space<vmem>> -> memref<128xi32, #tpu.memory_space<vmem>>
    %dma_start3A_40 = arith.constant 0 : i32
    %dma_start3A_41 = arith.constant 0 : i32
    %dma_start3A_42 = tpu.memref_slice %arg2[%dma_start3A_40, %dma_start3A_41] : memref<20480x128xbf16, #tpu.memory_space<hbm>> -> memref<20480x128xbf16, #tpu.memory_space<hbm>>
    tpu.enqueue_indirect_dma source(%dma_start3A_42 : memref<20480x128xbf16, #tpu.memory_space<hbm>>) target(%dma_start3A_37 : memref<128x128xbf16, #tpu.memory_space<vmem>>) offsets(%dma_start3A_39 : memref<128xi32, #tpu.memory_space<vmem>>) semaphore(%arg11 : memref<!tpu.dma_semaphore, #tpu.memory_space<semaphore_mem>>)
    %dma_start3A_43 = arith.constant 3 : i32
    %dma_start3A_44 = arith.constant 0 : i32
    %dma_start3A_45 = arith.constant 0 : i32
    %dma_start3A_46 = tpu.memref_slice %arg9[%dma_start3A_43, %dma_start3A_44, %dma_start3A_45] : memref<8x128x128xbf16, #tpu.memory_space<vmem>> -> memref<1x128x128xbf16, #tpu.memory_space<vmem>>
    %dma_start3A_47 = tpu.memref_squeeze %dma_start3A_46 : memref<1x128x128xbf16, #tpu.memory_space<vmem>> -> memref<128x128xbf16, #tpu.memory_space<vmem>>
    %dma_start3A_48 = arith.constant 384 : i32
    %dma_start3A_49 = tpu.memref_slice %arg7[%dma_start3A_48] : memref<10240xi32, #tpu.memory_space<vmem>> -> memref<128xi32, #tpu.memory_space<vmem>>
    %dma_start3A_50 = arith.constant 0 : i32
    %dma_start3A_51 = arith.constant 0 : i32
    %dma_start3A_52 = tpu.memref_slice %arg2[%dma_start3A_50, %dma_start3A_51] : memref<20480x128xbf16, #tpu.memory_space<hbm>> -> memref<20480x128xbf16, #tpu.memory_space<hbm>>
    tpu.enqueue_indirect_dma source(%dma_start3A_52 : memref<20480x128xbf16, #tpu.memory_space<hbm>>) target(%dma_start3A_47 : memref<128x128xbf16, #tpu.memory_space<vmem>>) offsets(%dma_start3A_49 : memref<128xi32, #tpu.memory_space<vmem>>) semaphore(%arg11 : memref<!tpu.dma_semaphore, #tpu.memory_space<semaphore_mem>>)
    %dma_start3A_53 = arith.constant 4 : i32
    %dma_start3A_54 = arith.constant 0 : i32
    %dma_start3A_55 = arith.constant 0 : i32
    %dma_start3A_56 = tpu.memref_slice %arg9[%dma_start3A_53, %dma_start3A_54, %dma_start3A_55] : memref<8x128x128xbf16, #tpu.memory_space<vmem>> -> memref<1x128x128xbf16, #tpu.memory_space<vmem>>
    %dma_start3A_57 = tpu.memref_squeeze %dma_start3A_56 : memref<1x128x128xbf16, #tpu.memory_space<vmem>> -> memref<128x128xbf16, #tpu.memory_space<vmem>>
    %dma_start3A_58 = arith.constant 512 : i32
    %dma_start3A_59 = tpu.memref_slice %arg7[%dma_start3A_58] : memref<10240xi32, #tpu.memory_space<vmem>> -> memref<128xi32, #tpu.memory_space<vmem>>
    %dma_start3A_60 = arith.constant 0 : i32
    %dma_start3A_61 = arith.constant 0 : i32
    %dma_start3A_62 = tpu.memref_slice %arg2[%dma_start3A_60, %dma_start3A_61] : memref<20480x128xbf16, #tpu.memory_space<hbm>> -> memref<20480x128xbf16, #tpu.memory_space<hbm>>
    tpu.enqueue_indirect_dma source(%dma_start3A_62 : memref<20480x128xbf16, #tpu.memory_space<hbm>>) target(%dma_start3A_57 : memref<128x128xbf16, #tpu.memory_space<vmem>>) offsets(%dma_start3A_59 : memref<128xi32, #tpu.memory_space<vmem>>) semaphore(%arg11 : memref<!tpu.dma_semaphore, #tpu.memory_space<semaphore_mem>>)
    %dma_start3A_63 = arith.constant 5 : i32
    %dma_start3A_64 = arith.constant 0 : i32
    %dma_start3A_65 = arith.constant 0 : i32
    %dma_start3A_66 = tpu.memref_slice %arg9[%dma_start3A_63, %dma_start3A_64, %dma_start3A_65] : memref<8x128x128xbf16, #tpu.memory_space<vmem>> -> memref<1x128x128xbf16, #tpu.memory_space<vmem>>
    %dma_start3A_67 = tpu.memref_squeeze %dma_start3A_66 : memref<1x128x128xbf16, #tpu.memory_space<vmem>> -> memref<128x128xbf16, #tpu.memory_space<vmem>>
    %dma_start3A_68 = arith.constant 640 : i32
    %dma_start3A_69 = tpu.memref_slice %arg7[%dma_start3A_68] : memref<10240xi32, #tpu.memory_space<vmem>> -> memref<128xi32, #tpu.memory_space<vmem>>
    %dma_start3A_70 = arith.constant 0 : i32
    %dma_start3A_71 = arith.constant 0 : i32
    %dma_start3A_72 = tpu.memref_slice %arg2[%dma_start3A_70, %dma_start3A_71] : memref<20480x128xbf16, #tpu.memory_space<hbm>> -> memref<20480x128xbf16, #tpu.memory_space<hbm>>
    tpu.enqueue_indirect_dma source(%dma_start3A_72 : memref<20480x128xbf16, #tpu.memory_space<hbm>>) target(%dma_start3A_67 : memref<128x128xbf16, #tpu.memory_space<vmem>>) offsets(%dma_start3A_69 : memref<128xi32, #tpu.memory_space<vmem>>) semaphore(%arg11 : memref<!tpu.dma_semaphore, #tpu.memory_space<semaphore_mem>>)
    %dma_start3A_73 = arith.constant 6 : i32
    %dma_start3A_74 = arith.constant 0 : i32
    %dma_start3A_75 = arith.constant 0 : i32
    %dma_start3A_76 = tpu.memref_slice %arg9[%dma_start3A_73, %dma_start3A_74, %dma_start3A_75] : memref<8x128x128xbf16, #tpu.memory_space<vmem>> -> memref<1x128x128xbf16, #tpu.memory_space<vmem>>
    %dma_start3A_77 = tpu.memref_squeeze %dma_start3A_76 : memref<1x128x128xbf16, #tpu.memory_space<vmem>> -> memref<128x128xbf16, #tpu.memory_space<vmem>>
    %dma_start3A_78 = arith.constant 768 : i32
    %dma_start3A_79 = tpu.memref_slice %arg7[%dma_start3A_78] : memref<10240xi32, #tpu.memory_space<vmem>> -> memref<128xi32, #tpu.memory_space<vmem>>
    %dma_start3A_80 = arith.constant 0 : i32
    %dma_start3A_81 = arith.constant 0 : i32
    %dma_start3A_82 = tpu.memref_slice %arg2[%dma_start3A_80, %dma_start3A_81] : memref<20480x128xbf16, #tpu.memory_space<hbm>> -> memref<20480x128xbf16, #tpu.memory_space<hbm>>
    tpu.enqueue_indirect_dma source(%dma_start3A_82 : memref<20480x128xbf16, #tpu.memory_space<hbm>>) target(%dma_start3A_77 : memref<128x128xbf16, #tpu.memory_space<vmem>>) offsets(%dma_start3A_79 : memref<128xi32, #tpu.memory_space<vmem>>) semaphore(%arg11 : memref<!tpu.dma_semaphore, #tpu.memory_space<semaphore_mem>>)
    %scan3A_83 = arith.constant 0 : i32
    %scan3A_84 = arith.constant 0 : i32
    %scan3A_85 = arith.constant 10 : i32
    %scan3A_86 = arith.addi %scan3A_84, %scan3A_85 : i32
    %scan3A_87 = arith.constant 1 : i32
    scf.for %scan3A_109 = %scan3A_84 to %scan3A_86 step %scan3A_87  : i32 {
      %mul3A_110 = arith.constant 8 : i32
      %mul3A_111 = arith.muli %scan3A_109, %mul3A_110 : i32
      %add3A_112 = arith.constant 0 : i32
      %add3A_113 = arith.addi %mul3A_111, %add3A_112 : i32
      %dma_wait3A_114 = arith.constant 0 : i32
      %dma_wait3A_115 = arith.constant 0 : i32
      %dma_wait3A_116 = arith.constant 0 : i32
      %dma_wait3A_117 = tpu.memref_slice %arg9[%dma_wait3A_114, %dma_wait3A_115, %dma_wait3A_116] : memref<8x128x128xbf16, #tpu.memory_space<vmem>> -> memref<1x128x128xbf16, #tpu.memory_space<vmem>>
      %dma_wait3A_118 = tpu.memref_squeeze %dma_wait3A_117 : memref<1x128x128xbf16, #tpu.memory_space<vmem>> -> memref<128x128xbf16, #tpu.memory_space<vmem>>
      %dma_wait3A_119 = arith.constant 0 : i32
      %dma_wait3A_120 = tpu.memref_slice %arg7[%dma_wait3A_119] : memref<10240xi32, #tpu.memory_space<vmem>> -> memref<128xi32, #tpu.memory_space<vmem>>
      %dma_wait3A_121 = arith.constant 0 : i32
      %dma_wait3A_122 = arith.constant 0 : i32
      %dma_wait3A_123 = tpu.memref_slice %arg2[%dma_wait3A_121, %dma_wait3A_122] : memref<20480x128xbf16, #tpu.memory_space<hbm>> -> memref<20480x128xbf16, #tpu.memory_space<hbm>>
      tpu.wait_indirect_dma semaphore(%arg11 : memref<!tpu.dma_semaphore, #tpu.memory_space<semaphore_mem>>) src(%dma_wait3A_123 : memref<20480x128xbf16, #tpu.memory_space<hbm>>) dst(%dma_wait3A_118 : memref<128x128xbf16, #tpu.memory_space<vmem>>)
      %dma_start3A_124 = arith.constant 0 : i32
      %dma_start3A_125 = arith.constant 0 : i32
      %dma_start3A_126 = arith.constant 0 : i32
      %dma_start3A_127 = tpu.memref_slice %arg9[%dma_start3A_124, %dma_start3A_125, %dma_start3A_126] : memref<8x128x128xbf16, #tpu.memory_space<vmem>> -> memref<1x128x128xbf16, #tpu.memory_space<vmem>>
      %dma_start3A_128 = tpu.memref_squeeze %dma_start3A_127 : memref<1x128x128xbf16, #tpu.memory_space<vmem>> -> memref<128x128xbf16, #tpu.memory_space<vmem>>
      %dma_start3A_129 = arith.constant 0 : i32
      %dma_start3A_130 = tpu.memref_slice %arg8[%add3A_113, %dma_start3A_129] : memref<80x128xi32, #tpu.memory_space<vmem>> -> memref<1x128xi32, #tpu.memory_space<vmem>>
      %dma_start3A_131 = tpu.memref_squeeze %dma_start3A_130 : memref<1x128xi32, #tpu.memory_space<vmem>> -> memref<128xi32, #tpu.memory_space<vmem>>
      %dma_start3A_132 = arith.constant 0 : i32
      %dma_start3A_133 = arith.constant 0 : i32
      %dma_start3A_134 = tpu.memref_slice %arg10[%dma_start3A_132, %dma_start3A_133] : memref<10240x128xbf16, #tpu.memory_space<vmem_shared>> -> memref<10240x128xbf16, #tpu.memory_space<vmem_shared>>
      tpu.enqueue_indirect_dma source(%dma_start3A_128 : memref<128x128xbf16, #tpu.memory_space<vmem>>) target(%dma_start3A_134 : memref<10240x128xbf16, #tpu.memory_space<vmem_shared>>) offsets(%dma_start3A_131 : memref<128xi32, #tpu.memory_space<vmem>>) semaphore(%arg12 : memref<!tpu.dma_semaphore, #tpu.memory_space<semaphore_mem>>) {add = true}
      %ge3A = arith.constant 1 : i32
      %ge3A_135 = arith.cmpi sge, %add3A_113, %ge3A : i32
      %convert_element_type3A = arith.extui %ge3A_135 : i1 to i32
      %cond3A = arith.constant 0 : i32
      %cond3A_136 = arith.cmpi ne, %convert_element_type3A, %cond3A : i32
      scf.if %cond3A_136 {
        %sub3A_417 = arith.constant 1 : i32
        %sub3A_418 = arith.subi %add3A_113, %sub3A_417 : i32
        %dma_wait3A_419 = arith.constant 7 : i32
        %dma_wait3A_420 = arith.constant 0 : i32
        %dma_wait3A_421 = arith.constant 0 : i32
        %dma_wait3A_422 = tpu.memref_slice %arg9[%dma_wait3A_419, %dma_wait3A_420, %dma_wait3A_421] : memref<8x128x128xbf16, #tpu.memory_space<vmem>> -> memref<1x128x128xbf16, #tpu.memory_space<vmem>>
        %dma_wait3A_423 = tpu.memref_squeeze %dma_wait3A_422 : memref<1x128x128xbf16, #tpu.memory_space<vmem>> -> memref<128x128xbf16, #tpu.memory_space<vmem>>
        %dma_wait3A_424 = arith.constant 0 : i32
        %dma_wait3A_425 = tpu.memref_slice %arg8[%sub3A_418, %dma_wait3A_424] : memref<80x128xi32, #tpu.memory_space<vmem>> -> memref<1x128xi32, #tpu.memory_space<vmem>>
        %dma_wait3A_426 = tpu.memref_squeeze %dma_wait3A_425 : memref<1x128xi32, #tpu.memory_space<vmem>> -> memref<128xi32, #tpu.memory_space<vmem>>
        %dma_wait3A_427 = arith.constant 0 : i32
        %dma_wait3A_428 = arith.constant 0 : i32
        %dma_wait3A_429 = tpu.memref_slice %arg10[%dma_wait3A_427, %dma_wait3A_428] : memref<10240x128xbf16, #tpu.memory_space<vmem_shared>> -> memref<10240x128xbf16, #tpu.memory_space<vmem_shared>>
        tpu.wait_indirect_dma semaphore(%arg12 : memref<!tpu.dma_semaphore, #tpu.memory_space<semaphore_mem>>) src(%dma_wait3A_423 : memref<128x128xbf16, #tpu.memory_space<vmem>>) dst(%dma_wait3A_429 : memref<10240x128xbf16, #tpu.memory_space<vmem_shared>>)
      } else {
      }
      %add3A_137 = arith.constant 8 : i32
      %add3A_138 = arith.addi %add3A_113, %add3A_137 : i32
      %sub3A = arith.constant 1 : i32
      %sub3A_139 = arith.subi %add3A_138, %sub3A : i32
      %le3A = arith.constant 79 : i32
      %le3A_140 = arith.cmpi sle, %sub3A_139, %le3A : i32
      %convert_element_type3A_141 = arith.extui %le3A_140 : i1 to i32
      %cond3A_142 = arith.constant 0 : i32
      %cond3A_143 = arith.cmpi ne, %convert_element_type3A_141, %cond3A_142 : i32
      scf.if %cond3A_143 {
        %add3A_417 = arith.constant 8 : i32
        %add3A_418 = arith.addi %add3A_113, %add3A_417 : i32
        %sub3A_419 = arith.constant 1 : i32
        %sub3A_420 = arith.subi %add3A_418, %sub3A_419 : i32
        %mul3A_421 = arith.constant 128 : i32
        %mul3A_422 = arith.muli %sub3A_420, %mul3A_421 : i32
        %dma_start3A_423 = arith.constant 7 : i32
        %dma_start3A_424 = arith.constant 0 : i32
        %dma_start3A_425 = arith.constant 0 : i32
        %dma_start3A_426 = tpu.memref_slice %arg9[%dma_start3A_423, %dma_start3A_424, %dma_start3A_425] : memref<8x128x128xbf16, #tpu.memory_space<vmem>> -> memref<1x128x128xbf16, #tpu.memory_space<vmem>>
        %dma_start3A_427 = tpu.memref_squeeze %dma_start3A_426 : memref<1x128x128xbf16, #tpu.memory_space<vmem>> -> memref<128x128xbf16, #tpu.memory_space<vmem>>
        %dma_start3A_428 = tpu.memref_slice %arg7[%mul3A_422] : memref<10240xi32, #tpu.memory_space<vmem>> -> memref<128xi32, #tpu.memory_space<vmem>>
        %dma_start3A_429 = arith.constant 0 : i32
        %dma_start3A_430 = arith.constant 0 : i32
        %dma_start3A_431 = tpu.memref_slice %arg2[%dma_start3A_429, %dma_start3A_430] : memref<20480x128xbf16, #tpu.memory_space<hbm>> -> memref<20480x128xbf16, #tpu.memory_space<hbm>>
        tpu.enqueue_indirect_dma source(%dma_start3A_431 : memref<20480x128xbf16, #tpu.memory_space<hbm>>) target(%dma_start3A_427 : memref<128x128xbf16, #tpu.memory_space<vmem>>) offsets(%dma_start3A_428 : memref<128xi32, #tpu.memory_space<vmem>>) semaphore(%arg11 : memref<!tpu.dma_semaphore, #tpu.memory_space<semaphore_mem>>)
      } else {
      }
      %mul3A_144 = arith.constant 8 : i32
      %mul3A_145 = arith.muli %scan3A_109, %mul3A_144 : i32
      %add3A_146 = arith.constant 1 : i32
      %add3A_147 = arith.addi %mul3A_145, %add3A_146 : i32
      %dma_wait3A_148 = arith.constant 1 : i32
      %dma_wait3A_149 = arith.constant 0 : i32
      %dma_wait3A_150 = arith.constant 0 : i32
      %dma_wait3A_151 = tpu.memref_slice %arg9[%dma_wait3A_148, %dma_wait3A_149, %dma_wait3A_150] : memref<8x128x128xbf16, #tpu.memory_space<vmem>> -> memref<1x128x128xbf16, #tpu.memory_space<vmem>>
      %dma_wait3A_152 = tpu.memref_squeeze %dma_wait3A_151 : memref<1x128x128xbf16, #tpu.memory_space<vmem>> -> memref<128x128xbf16, #tpu.memory_space<vmem>>
      %dma_wait3A_153 = arith.constant 0 : i32
      %dma_wait3A_154 = tpu.memref_slice %arg7[%dma_wait3A_153] : memref<10240xi32, #tpu.memory_space<vmem>> -> memref<128xi32, #tpu.memory_space<vmem>>
      %dma_wait3A_155 = arith.constant 0 : i32
      %dma_wait3A_156 = arith.constant 0 : i32
      %dma_wait3A_157 = tpu.memref_slice %arg2[%dma_wait3A_155, %dma_wait3A_156] : memref<20480x128xbf16, #tpu.memory_space<hbm>> -> memref<20480x128xbf16, #tpu.memory_space<hbm>>
      tpu.wait_indirect_dma semaphore(%arg11 : memref<!tpu.dma_semaphore, #tpu.memory_space<semaphore_mem>>) src(%dma_wait3A_157 : memref<20480x128xbf16, #tpu.memory_space<hbm>>) dst(%dma_wait3A_152 : memref<128x128xbf16, #tpu.memory_space<vmem>>)
      %dma_start3A_158 = arith.constant 1 : i32
      %dma_start3A_159 = arith.constant 0 : i32
      %dma_start3A_160 = arith.constant 0 : i32
      %dma_start3A_161 = tpu.memref_slice %arg9[%dma_start3A_158, %dma_start3A_159, %dma_start3A_160] : memref<8x128x128xbf16, #tpu.memory_space<vmem>> -> memref<1x128x128xbf16, #tpu.memory_space<vmem>>
      %dma_start3A_162 = tpu.memref_squeeze %dma_start3A_161 : memref<1x128x128xbf16, #tpu.memory_space<vmem>> -> memref<128x128xbf16, #tpu.memory_space<vmem>>
      %dma_start3A_163 = arith.constant 0 : i32
      %dma_start3A_164 = tpu.memref_slice %arg8[%add3A_147, %dma_start3A_163] : memref<80x128xi32, #tpu.memory_space<vmem>> -> memref<1x128xi32, #tpu.memory_space<vmem>>
      %dma_start3A_165 = tpu.memref_squeeze %dma_start3A_164 : memref<1x128xi32, #tpu.memory_space<vmem>> -> memref<128xi32, #tpu.memory_space<vmem>>
      %dma_start3A_166 = arith.constant 0 : i32
      %dma_start3A_167 = arith.constant 0 : i32
      %dma_start3A_168 = tpu.memref_slice %arg10[%dma_start3A_166, %dma_start3A_167] : memref<10240x128xbf16, #tpu.memory_space<vmem_shared>> -> memref<10240x128xbf16, #tpu.memory_space<vmem_shared>>
      tpu.enqueue_indirect_dma source(%dma_start3A_162 : memref<128x128xbf16, #tpu.memory_space<vmem>>) target(%dma_start3A_168 : memref<10240x128xbf16, #tpu.memory_space<vmem_shared>>) offsets(%dma_start3A_165 : memref<128xi32, #tpu.memory_space<vmem>>) semaphore(%arg12 : memref<!tpu.dma_semaphore, #tpu.memory_space<semaphore_mem>>) {add = true}
      %ge3A_169 = arith.constant 1 : i32
      %ge3A_170 = arith.cmpi sge, %add3A_147, %ge3A_169 : i32
      %convert_element_type3A_171 = arith.extui %ge3A_170 : i1 to i32
      %cond3A_172 = arith.constant 0 : i32
      %cond3A_173 = arith.cmpi ne, %convert_element_type3A_171, %cond3A_172 : i32
      scf.if %cond3A_173 {
        %sub3A_417 = arith.constant 1 : i32
        %sub3A_418 = arith.subi %add3A_147, %sub3A_417 : i32
        %dma_wait3A_419 = arith.constant 0 : i32
        %dma_wait3A_420 = arith.constant 0 : i32
        %dma_wait3A_421 = arith.constant 0 : i32
        %dma_wait3A_422 = tpu.memref_slice %arg9[%dma_wait3A_419, %dma_wait3A_420, %dma_wait3A_421] : memref<8x128x128xbf16, #tpu.memory_space<vmem>> -> memref<1x128x128xbf16, #tpu.memory_space<vmem>>
        %dma_wait3A_423 = tpu.memref_squeeze %dma_wait3A_422 : memref<1x128x128xbf16, #tpu.memory_space<vmem>> -> memref<128x128xbf16, #tpu.memory_space<vmem>>
        %dma_wait3A_424 = arith.constant 0 : i32
        %dma_wait3A_425 = tpu.memref_slice %arg8[%sub3A_418, %dma_wait3A_424] : memref<80x128xi32, #tpu.memory_space<vmem>> -> memref<1x128xi32, #tpu.memory_space<vmem>>
        %dma_wait3A_426 = tpu.memref_squeeze %dma_wait3A_425 : memref<1x128xi32, #tpu.memory_space<vmem>> -> memref<128xi32, #tpu.memory_space<vmem>>
        %dma_wait3A_427 = arith.constant 0 : i32
        %dma_wait3A_428 = arith.constant 0 : i32
        %dma_wait3A_429 = tpu.memref_slice %arg10[%dma_wait3A_427, %dma_wait3A_428] : memref<10240x128xbf16, #tpu.memory_space<vmem_shared>> -> memref<10240x128xbf16, #tpu.memory_space<vmem_shared>>
        tpu.wait_indirect_dma semaphore(%arg12 : memref<!tpu.dma_semaphore, #tpu.memory_space<semaphore_mem>>) src(%dma_wait3A_423 : memref<128x128xbf16, #tpu.memory_space<vmem>>) dst(%dma_wait3A_429 : memref<10240x128xbf16, #tpu.memory_space<vmem_shared>>)
      } else {
      }
      %add3A_174 = arith.constant 8 : i32
      %add3A_175 = arith.addi %add3A_147, %add3A_174 : i32
      %sub3A_176 = arith.constant 1 : i32
      %sub3A_177 = arith.subi %add3A_175, %sub3A_176 : i32
      %le3A_178 = arith.constant 79 : i32
      %le3A_179 = arith.cmpi sle, %sub3A_177, %le3A_178 : i32
      %convert_element_type3A_180 = arith.extui %le3A_179 : i1 to i32
      %cond3A_181 = arith.constant 0 : i32
      %cond3A_182 = arith.cmpi ne, %convert_element_type3A_180, %cond3A_181 : i32
      scf.if %cond3A_182 {
        %add3A_417 = arith.constant 8 : i32
        %add3A_418 = arith.addi %add3A_147, %add3A_417 : i32
        %sub3A_419 = arith.constant 1 : i32
        %sub3A_420 = arith.subi %add3A_418, %sub3A_419 : i32
        %mul3A_421 = arith.constant 128 : i32
        %mul3A_422 = arith.muli %sub3A_420, %mul3A_421 : i32
        %dma_start3A_423 = arith.constant 0 : i32
        %dma_start3A_424 = arith.constant 0 : i32
        %dma_start3A_425 = arith.constant 0 : i32
        %dma_start3A_426 = tpu.memref_slice %arg9[%dma_start3A_423, %dma_start3A_424, %dma_start3A_425] : memref<8x128x128xbf16, #tpu.memory_space<vmem>> -> memref<1x128x128xbf16, #tpu.memory_space<vmem>>
        %dma_start3A_427 = tpu.memref_squeeze %dma_start3A_426 : memref<1x128x128xbf16, #tpu.memory_space<vmem>> -> memref<128x128xbf16, #tpu.memory_space<vmem>>
        %dma_start3A_428 = tpu.memref_slice %arg7[%mul3A_422] : memref<10240xi32, #tpu.memory_space<vmem>> -> memref<128xi32, #tpu.memory_space<vmem>>
        %dma_start3A_429 = arith.constant 0 : i32
        %dma_start3A_430 = arith.constant 0 : i32
        %dma_start3A_431 = tpu.memref_slice %arg2[%dma_start3A_429, %dma_start3A_430] : memref<20480x128xbf16, #tpu.memory_space<hbm>> -> memref<20480x128xbf16, #tpu.memory_space<hbm>>
        tpu.enqueue_indirect_dma source(%dma_start3A_431 : memref<20480x128xbf16, #tpu.memory_space<hbm>>) target(%dma_start3A_427 : memref<128x128xbf16, #tpu.memory_space<vmem>>) offsets(%dma_start3A_428 : memref<128xi32, #tpu.memory_space<vmem>>) semaphore(%arg11 : memref<!tpu.dma_semaphore, #tpu.memory_space<semaphore_mem>>)
      } else {
      }
      %mul3A_183 = arith.constant 8 : i32
      %mul3A_184 = arith.muli %scan3A_109, %mul3A_183 : i32
      %add3A_185 = arith.constant 2 : i32
      %add3A_186 = arith.addi %mul3A_184, %add3A_185 : i32
      %dma_wait3A_187 = arith.constant 2 : i32
      %dma_wait3A_188 = arith.constant 0 : i32
      %dma_wait3A_189 = arith.constant 0 : i32
      %dma_wait3A_190 = tpu.memref_slice %arg9[%dma_wait3A_187, %dma_wait3A_188, %dma_wait3A_189] : memref<8x128x128xbf16, #tpu.memory_space<vmem>> -> memref<1x128x128xbf16, #tpu.memory_space<vmem>>
      %dma_wait3A_191 = tpu.memref_squeeze %dma_wait3A_190 : memref<1x128x128xbf16, #tpu.memory_space<vmem>> -> memref<128x128xbf16, #tpu.memory_space<vmem>>
      %dma_wait3A_192 = arith.constant 0 : i32
      %dma_wait3A_193 = tpu.memref_slice %arg7[%dma_wait3A_192] : memref<10240xi32, #tpu.memory_space<vmem>> -> memref<128xi32, #tpu.memory_space<vmem>>
      %dma_wait3A_194 = arith.constant 0 : i32
      %dma_wait3A_195 = arith.constant 0 : i32
      %dma_wait3A_196 = tpu.memref_slice %arg2[%dma_wait3A_194, %dma_wait3A_195] : memref<20480x128xbf16, #tpu.memory_space<hbm>> -> memref<20480x128xbf16, #tpu.memory_space<hbm>>
      tpu.wait_indirect_dma semaphore(%arg11 : memref<!tpu.dma_semaphore, #tpu.memory_space<semaphore_mem>>) src(%dma_wait3A_196 : memref<20480x128xbf16, #tpu.memory_space<hbm>>) dst(%dma_wait3A_191 : memref<128x128xbf16, #tpu.memory_space<vmem>>)
      %dma_start3A_197 = arith.constant 2 : i32
      %dma_start3A_198 = arith.constant 0 : i32
      %dma_start3A_199 = arith.constant 0 : i32
      %dma_start3A_200 = tpu.memref_slice %arg9[%dma_start3A_197, %dma_start3A_198, %dma_start3A_199] : memref<8x128x128xbf16, #tpu.memory_space<vmem>> -> memref<1x128x128xbf16, #tpu.memory_space<vmem>>
      %dma_start3A_201 = tpu.memref_squeeze %dma_start3A_200 : memref<1x128x128xbf16, #tpu.memory_space<vmem>> -> memref<128x128xbf16, #tpu.memory_space<vmem>>
      %dma_start3A_202 = arith.constant 0 : i32
      %dma_start3A_203 = tpu.memref_slice %arg8[%add3A_186, %dma_start3A_202] : memref<80x128xi32, #tpu.memory_space<vmem>> -> memref<1x128xi32, #tpu.memory_space<vmem>>
      %dma_start3A_204 = tpu.memref_squeeze %dma_start3A_203 : memref<1x128xi32, #tpu.memory_space<vmem>> -> memref<128xi32, #tpu.memory_space<vmem>>
      %dma_start3A_205 = arith.constant 0 : i32
      %dma_start3A_206 = arith.constant 0 : i32
      %dma_start3A_207 = tpu.memref_slice %arg10[%dma_start3A_205, %dma_start3A_206] : memref<10240x128xbf16, #tpu.memory_space<vmem_shared>> -> memref<10240x128xbf16, #tpu.memory_space<vmem_shared>>
      tpu.enqueue_indirect_dma source(%dma_start3A_201 : memref<128x128xbf16, #tpu.memory_space<vmem>>) target(%dma_start3A_207 : memref<10240x128xbf16, #tpu.memory_space<vmem_shared>>) offsets(%dma_start3A_204 : memref<128xi32, #tpu.memory_space<vmem>>) semaphore(%arg12 : memref<!tpu.dma_semaphore, #tpu.memory_space<semaphore_mem>>) {add = true}
      %ge3A_208 = arith.constant 1 : i32
      %ge3A_209 = arith.cmpi sge, %add3A_186, %ge3A_208 : i32
      %convert_element_type3A_210 = arith.extui %ge3A_209 : i1 to i32
      %cond3A_211 = arith.constant 0 : i32
      %cond3A_212 = arith.cmpi ne, %convert_element_type3A_210, %cond3A_211 : i32
      scf.if %cond3A_212 {
        %sub3A_417 = arith.constant 1 : i32
        %sub3A_418 = arith.subi %add3A_186, %sub3A_417 : i32
        %dma_wait3A_419 = arith.constant 1 : i32
        %dma_wait3A_420 = arith.constant 0 : i32
        %dma_wait3A_421 = arith.constant 0 : i32
        %dma_wait3A_422 = tpu.memref_slice %arg9[%dma_wait3A_419, %dma_wait3A_420, %dma_wait3A_421] : memref<8x128x128xbf16, #tpu.memory_space<vmem>> -> memref<1x128x128xbf16, #tpu.memory_space<vmem>>
        %dma_wait3A_423 = tpu.memref_squeeze %dma_wait3A_422 : memref<1x128x128xbf16, #tpu.memory_space<vmem>> -> memref<128x128xbf16, #tpu.memory_space<vmem>>
        %dma_wait3A_424 = arith.constant 0 : i32
        %dma_wait3A_425 = tpu.memref_slice %arg8[%sub3A_418, %dma_wait3A_424] : memref<80x128xi32, #tpu.memory_space<vmem>> -> memref<1x128xi32, #tpu.memory_space<vmem>>
        %dma_wait3A_426 = tpu.memref_squeeze %dma_wait3A_425 : memref<1x128xi32, #tpu.memory_space<vmem>> -> memref<128xi32, #tpu.memory_space<vmem>>
        %dma_wait3A_427 = arith.constant 0 : i32
        %dma_wait3A_428 = arith.constant 0 : i32
        %dma_wait3A_429 = tpu.memref_slice %arg10[%dma_wait3A_427, %dma_wait3A_428] : memref<10240x128xbf16, #tpu.memory_space<vmem_shared>> -> memref<10240x128xbf16, #tpu.memory_space<vmem_shared>>
        tpu.wait_indirect_dma semaphore(%arg12 : memref<!tpu.dma_semaphore, #tpu.memory_space<semaphore_mem>>) src(%dma_wait3A_423 : memref<128x128xbf16, #tpu.memory_space<vmem>>) dst(%dma_wait3A_429 : memref<10240x128xbf16, #tpu.memory_space<vmem_shared>>)
      } else {
      }
      %add3A_213 = arith.constant 8 : i32
      %add3A_214 = arith.addi %add3A_186, %add3A_213 : i32
      %sub3A_215 = arith.constant 1 : i32
      %sub3A_216 = arith.subi %add3A_214, %sub3A_215 : i32
      %le3A_217 = arith.constant 79 : i32
      %le3A_218 = arith.cmpi sle, %sub3A_216, %le3A_217 : i32
      %convert_element_type3A_219 = arith.extui %le3A_218 : i1 to i32
      %cond3A_220 = arith.constant 0 : i32
      %cond3A_221 = arith.cmpi ne, %convert_element_type3A_219, %cond3A_220 : i32
      scf.if %cond3A_221 {
        %add3A_417 = arith.constant 8 : i32
        %add3A_418 = arith.addi %add3A_186, %add3A_417 : i32
        %sub3A_419 = arith.constant 1 : i32
        %sub3A_420 = arith.subi %add3A_418, %sub3A_419 : i32
        %mul3A_421 = arith.constant 128 : i32
        %mul3A_422 = arith.muli %sub3A_420, %mul3A_421 : i32
        %dma_start3A_423 = arith.constant 1 : i32
        %dma_start3A_424 = arith.constant 0 : i32
        %dma_start3A_425 = arith.constant 0 : i32
        %dma_start3A_426 = tpu.memref_slice %arg9[%dma_start3A_423, %dma_start3A_424, %dma_start3A_425] : memref<8x128x128xbf16, #tpu.memory_space<vmem>> -> memref<1x128x128xbf16, #tpu.memory_space<vmem>>
        %dma_start3A_427 = tpu.memref_squeeze %dma_start3A_426 : memref<1x128x128xbf16, #tpu.memory_space<vmem>> -> memref<128x128xbf16, #tpu.memory_space<vmem>>
        %dma_start3A_428 = tpu.memref_slice %arg7[%mul3A_422] : memref<10240xi32, #tpu.memory_space<vmem>> -> memref<128xi32, #tpu.memory_space<vmem>>
        %dma_start3A_429 = arith.constant 0 : i32
        %dma_start3A_430 = arith.constant 0 : i32
        %dma_start3A_431 = tpu.memref_slice %arg2[%dma_start3A_429, %dma_start3A_430] : memref<20480x128xbf16, #tpu.memory_space<hbm>> -> memref<20480x128xbf16, #tpu.memory_space<hbm>>
        tpu.enqueue_indirect_dma source(%dma_start3A_431 : memref<20480x128xbf16, #tpu.memory_space<hbm>>) target(%dma_start3A_427 : memref<128x128xbf16, #tpu.memory_space<vmem>>) offsets(%dma_start3A_428 : memref<128xi32, #tpu.memory_space<vmem>>) semaphore(%arg11 : memref<!tpu.dma_semaphore, #tpu.memory_space<semaphore_mem>>)
      } else {
      }
      %mul3A_222 = arith.constant 8 : i32
      %mul3A_223 = arith.muli %scan3A_109, %mul3A_222 : i32
      %add3A_224 = arith.constant 3 : i32
      %add3A_225 = arith.addi %mul3A_223, %add3A_224 : i32
      %dma_wait3A_226 = arith.constant 3 : i32
      %dma_wait3A_227 = arith.constant 0 : i32
      %dma_wait3A_228 = arith.constant 0 : i32
      %dma_wait3A_229 = tpu.memref_slice %arg9[%dma_wait3A_226, %dma_wait3A_227, %dma_wait3A_228] : memref<8x128x128xbf16, #tpu.memory_space<vmem>> -> memref<1x128x128xbf16, #tpu.memory_space<vmem>>
      %dma_wait3A_230 = tpu.memref_squeeze %dma_wait3A_229 : memref<1x128x128xbf16, #tpu.memory_space<vmem>> -> memref<128x128xbf16, #tpu.memory_space<vmem>>
      %dma_wait3A_231 = arith.constant 0 : i32
      %dma_wait3A_232 = tpu.memref_slice %arg7[%dma_wait3A_231] : memref<10240xi32, #tpu.memory_space<vmem>> -> memref<128xi32, #tpu.memory_space<vmem>>
      %dma_wait3A_233 = arith.constant 0 : i32
      %dma_wait3A_234 = arith.constant 0 : i32
      %dma_wait3A_235 = tpu.memref_slice %arg2[%dma_wait3A_233, %dma_wait3A_234] : memref<20480x128xbf16, #tpu.memory_space<hbm>> -> memref<20480x128xbf16, #tpu.memory_space<hbm>>
      tpu.wait_indirect_dma semaphore(%arg11 : memref<!tpu.dma_semaphore, #tpu.memory_space<semaphore_mem>>) src(%dma_wait3A_235 : memref<20480x128xbf16, #tpu.memory_space<hbm>>) dst(%dma_wait3A_230 : memref<128x128xbf16, #tpu.memory_space<vmem>>)
      %dma_start3A_236 = arith.constant 3 : i32
      %dma_start3A_237 = arith.constant 0 : i32
      %dma_start3A_238 = arith.constant 0 : i32
      %dma_start3A_239 = tpu.memref_slice %arg9[%dma_start3A_236, %dma_start3A_237, %dma_start3A_238] : memref<8x128x128xbf16, #tpu.memory_space<vmem>> -> memref<1x128x128xbf16, #tpu.memory_space<vmem>>
      %dma_start3A_240 = tpu.memref_squeeze %dma_start3A_239 : memref<1x128x128xbf16, #tpu.memory_space<vmem>> -> memref<128x128xbf16, #tpu.memory_space<vmem>>
      %dma_start3A_241 = arith.constant 0 : i32
      %dma_start3A_242 = tpu.memref_slice %arg8[%add3A_225, %dma_start3A_241] : memref<80x128xi32, #tpu.memory_space<vmem>> -> memref<1x128xi32, #tpu.memory_space<vmem>>
      %dma_start3A_243 = tpu.memref_squeeze %dma_start3A_242 : memref<1x128xi32, #tpu.memory_space<vmem>> -> memref<128xi32, #tpu.memory_space<vmem>>
      %dma_start3A_244 = arith.constant 0 : i32
      %dma_start3A_245 = arith.constant 0 : i32
      %dma_start3A_246 = tpu.memref_slice %arg10[%dma_start3A_244, %dma_start3A_245] : memref<10240x128xbf16, #tpu.memory_space<vmem_shared>> -> memref<10240x128xbf16, #tpu.memory_space<vmem_shared>>
      tpu.enqueue_indirect_dma source(%dma_start3A_240 : memref<128x128xbf16, #tpu.memory_space<vmem>>) target(%dma_start3A_246 : memref<10240x128xbf16, #tpu.memory_space<vmem_shared>>) offsets(%dma_start3A_243 : memref<128xi32, #tpu.memory_space<vmem>>) semaphore(%arg12 : memref<!tpu.dma_semaphore, #tpu.memory_space<semaphore_mem>>) {add = true}
      %ge3A_247 = arith.constant 1 : i32
      %ge3A_248 = arith.cmpi sge, %add3A_225, %ge3A_247 : i32
      %convert_element_type3A_249 = arith.extui %ge3A_248 : i1 to i32
      %cond3A_250 = arith.constant 0 : i32
      %cond3A_251 = arith.cmpi ne, %convert_element_type3A_249, %cond3A_250 : i32
      scf.if %cond3A_251 {
        %sub3A_417 = arith.constant 1 : i32
        %sub3A_418 = arith.subi %add3A_225, %sub3A_417 : i32
        %dma_wait3A_419 = arith.constant 2 : i32
        %dma_wait3A_420 = arith.constant 0 : i32
        %dma_wait3A_421 = arith.constant 0 : i32
        %dma_wait3A_422 = tpu.memref_slice %arg9[%dma_wait3A_419, %dma_wait3A_420, %dma_wait3A_421] : memref<8x128x128xbf16, #tpu.memory_space<vmem>> -> memref<1x128x128xbf16, #tpu.memory_space<vmem>>
        %dma_wait3A_423 = tpu.memref_squeeze %dma_wait3A_422 : memref<1x128x128xbf16, #tpu.memory_space<vmem>> -> memref<128x128xbf16, #tpu.memory_space<vmem>>
        %dma_wait3A_424 = arith.constant 0 : i32
        %dma_wait3A_425 = tpu.memref_slice %arg8[%sub3A_418, %dma_wait3A_424] : memref<80x128xi32, #tpu.memory_space<vmem>> -> memref<1x128xi32, #tpu.memory_space<vmem>>
        %dma_wait3A_426 = tpu.memref_squeeze %dma_wait3A_425 : memref<1x128xi32, #tpu.memory_space<vmem>> -> memref<128xi32, #tpu.memory_space<vmem>>
        %dma_wait3A_427 = arith.constant 0 : i32
        %dma_wait3A_428 = arith.constant 0 : i32
        %dma_wait3A_429 = tpu.memref_slice %arg10[%dma_wait3A_427, %dma_wait3A_428] : memref<10240x128xbf16, #tpu.memory_space<vmem_shared>> -> memref<10240x128xbf16, #tpu.memory_space<vmem_shared>>
        tpu.wait_indirect_dma semaphore(%arg12 : memref<!tpu.dma_semaphore, #tpu.memory_space<semaphore_mem>>) src(%dma_wait3A_423 : memref<128x128xbf16, #tpu.memory_space<vmem>>) dst(%dma_wait3A_429 : memref<10240x128xbf16, #tpu.memory_space<vmem_shared>>)
      } else {
      }
      %add3A_252 = arith.constant 8 : i32
      %add3A_253 = arith.addi %add3A_225, %add3A_252 : i32
      %sub3A_254 = arith.constant 1 : i32
      %sub3A_255 = arith.subi %add3A_253, %sub3A_254 : i32
      %le3A_256 = arith.constant 79 : i32
      %le3A_257 = arith.cmpi sle, %sub3A_255, %le3A_256 : i32
      %convert_element_type3A_258 = arith.extui %le3A_257 : i1 to i32
      %cond3A_259 = arith.constant 0 : i32
      %cond3A_260 = arith.cmpi ne, %convert_element_type3A_258, %cond3A_259 : i32
      scf.if %cond3A_260 {
        %add3A_417 = arith.constant 8 : i32
        %add3A_418 = arith.addi %add3A_225, %add3A_417 : i32
        %sub3A_419 = arith.constant 1 : i32
        %sub3A_420 = arith.subi %add3A_418, %sub3A_419 : i32
        %mul3A_421 = arith.constant 128 : i32
        %mul3A_422 = arith.muli %sub3A_420, %mul3A_421 : i32
        %dma_start3A_423 = arith.constant 2 : i32
        %dma_start3A_424 = arith.constant 0 : i32
        %dma_start3A_425 = arith.constant 0 : i32
        %dma_start3A_426 = tpu.memref_slice %arg9[%dma_start3A_423, %dma_start3A_424, %dma_start3A_425] : memref<8x128x128xbf16, #tpu.memory_space<vmem>> -> memref<1x128x128xbf16, #tpu.memory_space<vmem>>
        %dma_start3A_427 = tpu.memref_squeeze %dma_start3A_426 : memref<1x128x128xbf16, #tpu.memory_space<vmem>> -> memref<128x128xbf16, #tpu.memory_space<vmem>>
        %dma_start3A_428 = tpu.memref_slice %arg7[%mul3A_422] : memref<10240xi32, #tpu.memory_space<vmem>> -> memref<128xi32, #tpu.memory_space<vmem>>
        %dma_start3A_429 = arith.constant 0 : i32
        %dma_start3A_430 = arith.constant 0 : i32
        %dma_start3A_431 = tpu.memref_slice %arg2[%dma_start3A_429, %dma_start3A_430] : memref<20480x128xbf16, #tpu.memory_space<hbm>> -> memref<20480x128xbf16, #tpu.memory_space<hbm>>
        tpu.enqueue_indirect_dma source(%dma_start3A_431 : memref<20480x128xbf16, #tpu.memory_space<hbm>>) target(%dma_start3A_427 : memref<128x128xbf16, #tpu.memory_space<vmem>>) offsets(%dma_start3A_428 : memref<128xi32, #tpu.memory_space<vmem>>) semaphore(%arg11 : memref<!tpu.dma_semaphore, #tpu.memory_space<semaphore_mem>>)
      } else {
      }
      %mul3A_261 = arith.constant 8 : i32
      %mul3A_262 = arith.muli %scan3A_109, %mul3A_261 : i32
      %add3A_263 = arith.constant 4 : i32
      %add3A_264 = arith.addi %mul3A_262, %add3A_263 : i32
      %dma_wait3A_265 = arith.constant 4 : i32
      %dma_wait3A_266 = arith.constant 0 : i32
      %dma_wait3A_267 = arith.constant 0 : i32
      %dma_wait3A_268 = tpu.memref_slice %arg9[%dma_wait3A_265, %dma_wait3A_266, %dma_wait3A_267] : memref<8x128x128xbf16, #tpu.memory_space<vmem>> -> memref<1x128x128xbf16, #tpu.memory_space<vmem>>
      %dma_wait3A_269 = tpu.memref_squeeze %dma_wait3A_268 : memref<1x128x128xbf16, #tpu.memory_space<vmem>> -> memref<128x128xbf16, #tpu.memory_space<vmem>>
      %dma_wait3A_270 = arith.constant 0 : i32
      %dma_wait3A_271 = tpu.memref_slice %arg7[%dma_wait3A_270] : memref<10240xi32, #tpu.memory_space<vmem>> -> memref<128xi32, #tpu.memory_space<vmem>>
      %dma_wait3A_272 = arith.constant 0 : i32
      %dma_wait3A_273 = arith.constant 0 : i32
      %dma_wait3A_274 = tpu.memref_slice %arg2[%dma_wait3A_272, %dma_wait3A_273] : memref<20480x128xbf16, #tpu.memory_space<hbm>> -> memref<20480x128xbf16, #tpu.memory_space<hbm>>
      tpu.wait_indirect_dma semaphore(%arg11 : memref<!tpu.dma_semaphore, #tpu.memory_space<semaphore_mem>>) src(%dma_wait3A_274 : memref<20480x128xbf16, #tpu.memory_space<hbm>>) dst(%dma_wait3A_269 : memref<128x128xbf16, #tpu.memory_space<vmem>>)
      %dma_start3A_275 = arith.constant 4 : i32
      %dma_start3A_276 = arith.constant 0 : i32
      %dma_start3A_277 = arith.constant 0 : i32
      %dma_start3A_278 = tpu.memref_slice %arg9[%dma_start3A_275, %dma_start3A_276, %dma_start3A_277] : memref<8x128x128xbf16, #tpu.memory_space<vmem>> -> memref<1x128x128xbf16, #tpu.memory_space<vmem>>
      %dma_start3A_279 = tpu.memref_squeeze %dma_start3A_278 : memref<1x128x128xbf16, #tpu.memory_space<vmem>> -> memref<128x128xbf16, #tpu.memory_space<vmem>>
      %dma_start3A_280 = arith.constant 0 : i32
      %dma_start3A_281 = tpu.memref_slice %arg8[%add3A_264, %dma_start3A_280] : memref<80x128xi32, #tpu.memory_space<vmem>> -> memref<1x128xi32, #tpu.memory_space<vmem>>
      %dma_start3A_282 = tpu.memref_squeeze %dma_start3A_281 : memref<1x128xi32, #tpu.memory_space<vmem>> -> memref<128xi32, #tpu.memory_space<vmem>>
      %dma_start3A_283 = arith.constant 0 : i32
      %dma_start3A_284 = arith.constant 0 : i32
      %dma_start3A_285 = tpu.memref_slice %arg10[%dma_start3A_283, %dma_start3A_284] : memref<10240x128xbf16, #tpu.memory_space<vmem_shared>> -> memref<10240x128xbf16, #tpu.memory_space<vmem_shared>>
      tpu.enqueue_indirect_dma source(%dma_start3A_279 : memref<128x128xbf16, #tpu.memory_space<vmem>>) target(%dma_start3A_285 : memref<10240x128xbf16, #tpu.memory_space<vmem_shared>>) offsets(%dma_start3A_282 : memref<128xi32, #tpu.memory_space<vmem>>) semaphore(%arg12 : memref<!tpu.dma_semaphore, #tpu.memory_space<semaphore_mem>>) {add = true}
      %ge3A_286 = arith.constant 1 : i32
      %ge3A_287 = arith.cmpi sge, %add3A_264, %ge3A_286 : i32
      %convert_element_type3A_288 = arith.extui %ge3A_287 : i1 to i32
      %cond3A_289 = arith.constant 0 : i32
      %cond3A_290 = arith.cmpi ne, %convert_element_type3A_288, %cond3A_289 : i32
      scf.if %cond3A_290 {
        %sub3A_417 = arith.constant 1 : i32
        %sub3A_418 = arith.subi %add3A_264, %sub3A_417 : i32
        %dma_wait3A_419 = arith.constant 3 : i32
        %dma_wait3A_420 = arith.constant 0 : i32
        %dma_wait3A_421 = arith.constant 0 : i32
        %dma_wait3A_422 = tpu.memref_slice %arg9[%dma_wait3A_419, %dma_wait3A_420, %dma_wait3A_421] : memref<8x128x128xbf16, #tpu.memory_space<vmem>> -> memref<1x128x128xbf16, #tpu.memory_space<vmem>>
        %dma_wait3A_423 = tpu.memref_squeeze %dma_wait3A_422 : memref<1x128x128xbf16, #tpu.memory_space<vmem>> -> memref<128x128xbf16, #tpu.memory_space<vmem>>
        %dma_wait3A_424 = arith.constant 0 : i32
        %dma_wait3A_425 = tpu.memref_slice %arg8[%sub3A_418, %dma_wait3A_424] : memref<80x128xi32, #tpu.memory_space<vmem>> -> memref<1x128xi32, #tpu.memory_space<vmem>>
        %dma_wait3A_426 = tpu.memref_squeeze %dma_wait3A_425 : memref<1x128xi32, #tpu.memory_space<vmem>> -> memref<128xi32, #tpu.memory_space<vmem>>
        %dma_wait3A_427 = arith.constant 0 : i32
        %dma_wait3A_428 = arith.constant 0 : i32
        %dma_wait3A_429 = tpu.memref_slice %arg10[%dma_wait3A_427, %dma_wait3A_428] : memref<10240x128xbf16, #tpu.memory_space<vmem_shared>> -> memref<10240x128xbf16, #tpu.memory_space<vmem_shared>>
        tpu.wait_indirect_dma semaphore(%arg12 : memref<!tpu.dma_semaphore, #tpu.memory_space<semaphore_mem>>) src(%dma_wait3A_423 : memref<128x128xbf16, #tpu.memory_space<vmem>>) dst(%dma_wait3A_429 : memref<10240x128xbf16, #tpu.memory_space<vmem_shared>>)
      } else {
      }
      %add3A_291 = arith.constant 8 : i32
      %add3A_292 = arith.addi %add3A_264, %add3A_291 : i32
      %sub3A_293 = arith.constant 1 : i32
      %sub3A_294 = arith.subi %add3A_292, %sub3A_293 : i32
      %le3A_295 = arith.constant 79 : i32
      %le3A_296 = arith.cmpi sle, %sub3A_294, %le3A_295 : i32
      %convert_element_type3A_297 = arith.extui %le3A_296 : i1 to i32
      %cond3A_298 = arith.constant 0 : i32
      %cond3A_299 = arith.cmpi ne, %convert_element_type3A_297, %cond3A_298 : i32
      scf.if %cond3A_299 {
        %add3A_417 = arith.constant 8 : i32
        %add3A_418 = arith.addi %add3A_264, %add3A_417 : i32
        %sub3A_419 = arith.constant 1 : i32
        %sub3A_420 = arith.subi %add3A_418, %sub3A_419 : i32
        %mul3A_421 = arith.constant 128 : i32
        %mul3A_422 = arith.muli %sub3A_420, %mul3A_421 : i32
        %dma_start3A_423 = arith.constant 3 : i32
        %dma_start3A_424 = arith.constant 0 : i32
        %dma_start3A_425 = arith.constant 0 : i32
        %dma_start3A_426 = tpu.memref_slice %arg9[%dma_start3A_423, %dma_start3A_424, %dma_start3A_425] : memref<8x128x128xbf16, #tpu.memory_space<vmem>> -> memref<1x128x128xbf16, #tpu.memory_space<vmem>>
        %dma_start3A_427 = tpu.memref_squeeze %dma_start3A_426 : memref<1x128x128xbf16, #tpu.memory_space<vmem>> -> memref<128x128xbf16, #tpu.memory_space<vmem>>
        %dma_start3A_428 = tpu.memref_slice %arg7[%mul3A_422] : memref<10240xi32, #tpu.memory_space<vmem>> -> memref<128xi32, #tpu.memory_space<vmem>>
        %dma_start3A_429 = arith.constant 0 : i32
        %dma_start3A_430 = arith.constant 0 : i32
        %dma_start3A_431 = tpu.memref_slice %arg2[%dma_start3A_429, %dma_start3A_430] : memref<20480x128xbf16, #tpu.memory_space<hbm>> -> memref<20480x128xbf16, #tpu.memory_space<hbm>>
        tpu.enqueue_indirect_dma source(%dma_start3A_431 : memref<20480x128xbf16, #tpu.memory_space<hbm>>) target(%dma_start3A_427 : memref<128x128xbf16, #tpu.memory_space<vmem>>) offsets(%dma_start3A_428 : memref<128xi32, #tpu.memory_space<vmem>>) semaphore(%arg11 : memref<!tpu.dma_semaphore, #tpu.memory_space<semaphore_mem>>)
      } else {
      }
      %mul3A_300 = arith.constant 8 : i32
      %mul3A_301 = arith.muli %scan3A_109, %mul3A_300 : i32
      %add3A_302 = arith.constant 5 : i32
      %add3A_303 = arith.addi %mul3A_301, %add3A_302 : i32
      %dma_wait3A_304 = arith.constant 5 : i32
      %dma_wait3A_305 = arith.constant 0 : i32
      %dma_wait3A_306 = arith.constant 0 : i32
      %dma_wait3A_307 = tpu.memref_slice %arg9[%dma_wait3A_304, %dma_wait3A_305, %dma_wait3A_306] : memref<8x128x128xbf16, #tpu.memory_space<vmem>> -> memref<1x128x128xbf16, #tpu.memory_space<vmem>>
      %dma_wait3A_308 = tpu.memref_squeeze %dma_wait3A_307 : memref<1x128x128xbf16, #tpu.memory_space<vmem>> -> memref<128x128xbf16, #tpu.memory_space<vmem>>
      %dma_wait3A_309 = arith.constant 0 : i32
      %dma_wait3A_310 = tpu.memref_slice %arg7[%dma_wait3A_309] : memref<10240xi32, #tpu.memory_space<vmem>> -> memref<128xi32, #tpu.memory_space<vmem>>
      %dma_wait3A_311 = arith.constant 0 : i32
      %dma_wait3A_312 = arith.constant 0 : i32
      %dma_wait3A_313 = tpu.memref_slice %arg2[%dma_wait3A_311, %dma_wait3A_312] : memref<20480x128xbf16, #tpu.memory_space<hbm>> -> memref<20480x128xbf16, #tpu.memory_space<hbm>>
      tpu.wait_indirect_dma semaphore(%arg11 : memref<!tpu.dma_semaphore, #tpu.memory_space<semaphore_mem>>) src(%dma_wait3A_313 : memref<20480x128xbf16, #tpu.memory_space<hbm>>) dst(%dma_wait3A_308 : memref<128x128xbf16, #tpu.memory_space<vmem>>)
      %dma_start3A_314 = arith.constant 5 : i32
      %dma_start3A_315 = arith.constant 0 : i32
      %dma_start3A_316 = arith.constant 0 : i32
      %dma_start3A_317 = tpu.memref_slice %arg9[%dma_start3A_314, %dma_start3A_315, %dma_start3A_316] : memref<8x128x128xbf16, #tpu.memory_space<vmem>> -> memref<1x128x128xbf16, #tpu.memory_space<vmem>>
      %dma_start3A_318 = tpu.memref_squeeze %dma_start3A_317 : memref<1x128x128xbf16, #tpu.memory_space<vmem>> -> memref<128x128xbf16, #tpu.memory_space<vmem>>
      %dma_start3A_319 = arith.constant 0 : i32
      %dma_start3A_320 = tpu.memref_slice %arg8[%add3A_303, %dma_start3A_319] : memref<80x128xi32, #tpu.memory_space<vmem>> -> memref<1x128xi32, #tpu.memory_space<vmem>>
      %dma_start3A_321 = tpu.memref_squeeze %dma_start3A_320 : memref<1x128xi32, #tpu.memory_space<vmem>> -> memref<128xi32, #tpu.memory_space<vmem>>
      %dma_start3A_322 = arith.constant 0 : i32
      %dma_start3A_323 = arith.constant 0 : i32
      %dma_start3A_324 = tpu.memref_slice %arg10[%dma_start3A_322, %dma_start3A_323] : memref<10240x128xbf16, #tpu.memory_space<vmem_shared>> -> memref<10240x128xbf16, #tpu.memory_space<vmem_shared>>
      tpu.enqueue_indirect_dma source(%dma_start3A_318 : memref<128x128xbf16, #tpu.memory_space<vmem>>) target(%dma_start3A_324 : memref<10240x128xbf16, #tpu.memory_space<vmem_shared>>) offsets(%dma_start3A_321 : memref<128xi32, #tpu.memory_space<vmem>>) semaphore(%arg12 : memref<!tpu.dma_semaphore, #tpu.memory_space<semaphore_mem>>) {add = true}
      %ge3A_325 = arith.constant 1 : i32
      %ge3A_326 = arith.cmpi sge, %add3A_303, %ge3A_325 : i32
      %convert_element_type3A_327 = arith.extui %ge3A_326 : i1 to i32
      %cond3A_328 = arith.constant 0 : i32
      %cond3A_329 = arith.cmpi ne, %convert_element_type3A_327, %cond3A_328 : i32
      scf.if %cond3A_329 {
        %sub3A_417 = arith.constant 1 : i32
        %sub3A_418 = arith.subi %add3A_303, %sub3A_417 : i32
        %dma_wait3A_419 = arith.constant 4 : i32
        %dma_wait3A_420 = arith.constant 0 : i32
        %dma_wait3A_421 = arith.constant 0 : i32
        %dma_wait3A_422 = tpu.memref_slice %arg9[%dma_wait3A_419, %dma_wait3A_420, %dma_wait3A_421] : memref<8x128x128xbf16, #tpu.memory_space<vmem>> -> memref<1x128x128xbf16, #tpu.memory_space<vmem>>
        %dma_wait3A_423 = tpu.memref_squeeze %dma_wait3A_422 : memref<1x128x128xbf16, #tpu.memory_space<vmem>> -> memref<128x128xbf16, #tpu.memory_space<vmem>>
        %dma_wait3A_424 = arith.constant 0 : i32
        %dma_wait3A_425 = tpu.memref_slice %arg8[%sub3A_418, %dma_wait3A_424] : memref<80x128xi32, #tpu.memory_space<vmem>> -> memref<1x128xi32, #tpu.memory_space<vmem>>
        %dma_wait3A_426 = tpu.memref_squeeze %dma_wait3A_425 : memref<1x128xi32, #tpu.memory_space<vmem>> -> memref<128xi32, #tpu.memory_space<vmem>>
        %dma_wait3A_427 = arith.constant 0 : i32
        %dma_wait3A_428 = arith.constant 0 : i32
        %dma_wait3A_429 = tpu.memref_slice %arg10[%dma_wait3A_427, %dma_wait3A_428] : memref<10240x128xbf16, #tpu.memory_space<vmem_shared>> -> memref<10240x128xbf16, #tpu.memory_space<vmem_shared>>
        tpu.wait_indirect_dma semaphore(%arg12 : memref<!tpu.dma_semaphore, #tpu.memory_space<semaphore_mem>>) src(%dma_wait3A_423 : memref<128x128xbf16, #tpu.memory_space<vmem>>) dst(%dma_wait3A_429 : memref<10240x128xbf16, #tpu.memory_space<vmem_shared>>)
      } else {
      }
      %add3A_330 = arith.constant 8 : i32
      %add3A_331 = arith.addi %add3A_303, %add3A_330 : i32
      %sub3A_332 = arith.constant 1 : i32
      %sub3A_333 = arith.subi %add3A_331, %sub3A_332 : i32
      %le3A_334 = arith.constant 79 : i32
      %le3A_335 = arith.cmpi sle, %sub3A_333, %le3A_334 : i32
      %convert_element_type3A_336 = arith.extui %le3A_335 : i1 to i32
      %cond3A_337 = arith.constant 0 : i32
      %cond3A_338 = arith.cmpi ne, %convert_element_type3A_336, %cond3A_337 : i32
      scf.if %cond3A_338 {
        %add3A_417 = arith.constant 8 : i32
        %add3A_418 = arith.addi %add3A_303, %add3A_417 : i32
        %sub3A_419 = arith.constant 1 : i32
        %sub3A_420 = arith.subi %add3A_418, %sub3A_419 : i32
        %mul3A_421 = arith.constant 128 : i32
        %mul3A_422 = arith.muli %sub3A_420, %mul3A_421 : i32
        %dma_start3A_423 = arith.constant 4 : i32
        %dma_start3A_424 = arith.constant 0 : i32
        %dma_start3A_425 = arith.constant 0 : i32
        %dma_start3A_426 = tpu.memref_slice %arg9[%dma_start3A_423, %dma_start3A_424, %dma_start3A_425] : memref<8x128x128xbf16, #tpu.memory_space<vmem>> -> memref<1x128x128xbf16, #tpu.memory_space<vmem>>
        %dma_start3A_427 = tpu.memref_squeeze %dma_start3A_426 : memref<1x128x128xbf16, #tpu.memory_space<vmem>> -> memref<128x128xbf16, #tpu.memory_space<vmem>>
        %dma_start3A_428 = tpu.memref_slice %arg7[%mul3A_422] : memref<10240xi32, #tpu.memory_space<vmem>> -> memref<128xi32, #tpu.memory_space<vmem>>
        %dma_start3A_429 = arith.constant 0 : i32
        %dma_start3A_430 = arith.constant 0 : i32
        %dma_start3A_431 = tpu.memref_slice %arg2[%dma_start3A_429, %dma_start3A_430] : memref<20480x128xbf16, #tpu.memory_space<hbm>> -> memref<20480x128xbf16, #tpu.memory_space<hbm>>
        tpu.enqueue_indirect_dma source(%dma_start3A_431 : memref<20480x128xbf16, #tpu.memory_space<hbm>>) target(%dma_start3A_427 : memref<128x128xbf16, #tpu.memory_space<vmem>>) offsets(%dma_start3A_428 : memref<128xi32, #tpu.memory_space<vmem>>) semaphore(%arg11 : memref<!tpu.dma_semaphore, #tpu.memory_space<semaphore_mem>>)
      } else {
      }
      %mul3A_339 = arith.constant 8 : i32
      %mul3A_340 = arith.muli %scan3A_109, %mul3A_339 : i32
      %add3A_341 = arith.constant 6 : i32
      %add3A_342 = arith.addi %mul3A_340, %add3A_341 : i32
      %dma_wait3A_343 = arith.constant 6 : i32
      %dma_wait3A_344 = arith.constant 0 : i32
      %dma_wait3A_345 = arith.constant 0 : i32
      %dma_wait3A_346 = tpu.memref_slice %arg9[%dma_wait3A_343, %dma_wait3A_344, %dma_wait3A_345] : memref<8x128x128xbf16, #tpu.memory_space<vmem>> -> memref<1x128x128xbf16, #tpu.memory_space<vmem>>
      %dma_wait3A_347 = tpu.memref_squeeze %dma_wait3A_346 : memref<1x128x128xbf16, #tpu.memory_space<vmem>> -> memref<128x128xbf16, #tpu.memory_space<vmem>>
      %dma_wait3A_348 = arith.constant 0 : i32
      %dma_wait3A_349 = tpu.memref_slice %arg7[%dma_wait3A_348] : memref<10240xi32, #tpu.memory_space<vmem>> -> memref<128xi32, #tpu.memory_space<vmem>>
      %dma_wait3A_350 = arith.constant 0 : i32
      %dma_wait3A_351 = arith.constant 0 : i32
      %dma_wait3A_352 = tpu.memref_slice %arg2[%dma_wait3A_350, %dma_wait3A_351] : memref<20480x128xbf16, #tpu.memory_space<hbm>> -> memref<20480x128xbf16, #tpu.memory_space<hbm>>
      tpu.wait_indirect_dma semaphore(%arg11 : memref<!tpu.dma_semaphore, #tpu.memory_space<semaphore_mem>>) src(%dma_wait3A_352 : memref<20480x128xbf16, #tpu.memory_space<hbm>>) dst(%dma_wait3A_347 : memref<128x128xbf16, #tpu.memory_space<vmem>>)
      %dma_start3A_353 = arith.constant 6 : i32
      %dma_start3A_354 = arith.constant 0 : i32
      %dma_start3A_355 = arith.constant 0 : i32
      %dma_start3A_356 = tpu.memref_slice %arg9[%dma_start3A_353, %dma_start3A_354, %dma_start3A_355] : memref<8x128x128xbf16, #tpu.memory_space<vmem>> -> memref<1x128x128xbf16, #tpu.memory_space<vmem>>
      %dma_start3A_357 = tpu.memref_squeeze %dma_start3A_356 : memref<1x128x128xbf16, #tpu.memory_space<vmem>> -> memref<128x128xbf16, #tpu.memory_space<vmem>>
      %dma_start3A_358 = arith.constant 0 : i32
      %dma_start3A_359 = tpu.memref_slice %arg8[%add3A_342, %dma_start3A_358] : memref<80x128xi32, #tpu.memory_space<vmem>> -> memref<1x128xi32, #tpu.memory_space<vmem>>
      %dma_start3A_360 = tpu.memref_squeeze %dma_start3A_359 : memref<1x128xi32, #tpu.memory_space<vmem>> -> memref<128xi32, #tpu.memory_space<vmem>>
      %dma_start3A_361 = arith.constant 0 : i32
      %dma_start3A_362 = arith.constant 0 : i32
      %dma_start3A_363 = tpu.memref_slice %arg10[%dma_start3A_361, %dma_start3A_362] : memref<10240x128xbf16, #tpu.memory_space<vmem_shared>> -> memref<10240x128xbf16, #tpu.memory_space<vmem_shared>>
      tpu.enqueue_indirect_dma source(%dma_start3A_357 : memref<128x128xbf16, #tpu.memory_space<vmem>>) target(%dma_start3A_363 : memref<10240x128xbf16, #tpu.memory_space<vmem_shared>>) offsets(%dma_start3A_360 : memref<128xi32, #tpu.memory_space<vmem>>) semaphore(%arg12 : memref<!tpu.dma_semaphore, #tpu.memory_space<semaphore_mem>>) {add = true}
      %ge3A_364 = arith.constant 1 : i32
      %ge3A_365 = arith.cmpi sge, %add3A_342, %ge3A_364 : i32
      %convert_element_type3A_366 = arith.extui %ge3A_365 : i1 to i32
      %cond3A_367 = arith.constant 0 : i32
      %cond3A_368 = arith.cmpi ne, %convert_element_type3A_366, %cond3A_367 : i32
      scf.if %cond3A_368 {
        %sub3A_417 = arith.constant 1 : i32
        %sub3A_418 = arith.subi %add3A_342, %sub3A_417 : i32
        %dma_wait3A_419 = arith.constant 5 : i32
        %dma_wait3A_420 = arith.constant 0 : i32
        %dma_wait3A_421 = arith.constant 0 : i32
        %dma_wait3A_422 = tpu.memref_slice %arg9[%dma_wait3A_419, %dma_wait3A_420, %dma_wait3A_421] : memref<8x128x128xbf16, #tpu.memory_space<vmem>> -> memref<1x128x128xbf16, #tpu.memory_space<vmem>>
        %dma_wait3A_423 = tpu.memref_squeeze %dma_wait3A_422 : memref<1x128x128xbf16, #tpu.memory_space<vmem>> -> memref<128x128xbf16, #tpu.memory_space<vmem>>
        %dma_wait3A_424 = arith.constant 0 : i32
        %dma_wait3A_425 = tpu.memref_slice %arg8[%sub3A_418, %dma_wait3A_424] : memref<80x128xi32, #tpu.memory_space<vmem>> -> memref<1x128xi32, #tpu.memory_space<vmem>>
        %dma_wait3A_426 = tpu.memref_squeeze %dma_wait3A_425 : memref<1x128xi32, #tpu.memory_space<vmem>> -> memref<128xi32, #tpu.memory_space<vmem>>
        %dma_wait3A_427 = arith.constant 0 : i32
        %dma_wait3A_428 = arith.constant 0 : i32
        %dma_wait3A_429 = tpu.memref_slice %arg10[%dma_wait3A_427, %dma_wait3A_428] : memref<10240x128xbf16, #tpu.memory_space<vmem_shared>> -> memref<10240x128xbf16, #tpu.memory_space<vmem_shared>>
        tpu.wait_indirect_dma semaphore(%arg12 : memref<!tpu.dma_semaphore, #tpu.memory_space<semaphore_mem>>) src(%dma_wait3A_423 : memref<128x128xbf16, #tpu.memory_space<vmem>>) dst(%dma_wait3A_429 : memref<10240x128xbf16, #tpu.memory_space<vmem_shared>>)
      } else {
      }
      %add3A_369 = arith.constant 8 : i32
      %add3A_370 = arith.addi %add3A_342, %add3A_369 : i32
      %sub3A_371 = arith.constant 1 : i32
      %sub3A_372 = arith.subi %add3A_370, %sub3A_371 : i32
      %le3A_373 = arith.constant 79 : i32
      %le3A_374 = arith.cmpi sle, %sub3A_372, %le3A_373 : i32
      %convert_element_type3A_375 = arith.extui %le3A_374 : i1 to i32
      %cond3A_376 = arith.constant 0 : i32
      %cond3A_377 = arith.cmpi ne, %convert_element_type3A_375, %cond3A_376 : i32
      scf.if %cond3A_377 {
        %add3A_417 = arith.constant 8 : i32
        %add3A_418 = arith.addi %add3A_342, %add3A_417 : i32
        %sub3A_419 = arith.constant 1 : i32
        %sub3A_420 = arith.subi %add3A_418, %sub3A_419 : i32
        %mul3A_421 = arith.constant 128 : i32
        %mul3A_422 = arith.muli %sub3A_420, %mul3A_421 : i32
        %dma_start3A_423 = arith.constant 5 : i32
        %dma_start3A_424 = arith.constant 0 : i32
        %dma_start3A_425 = arith.constant 0 : i32
        %dma_start3A_426 = tpu.memref_slice %arg9[%dma_start3A_423, %dma_start3A_424, %dma_start3A_425] : memref<8x128x128xbf16, #tpu.memory_space<vmem>> -> memref<1x128x128xbf16, #tpu.memory_space<vmem>>
        %dma_start3A_427 = tpu.memref_squeeze %dma_start3A_426 : memref<1x128x128xbf16, #tpu.memory_space<vmem>> -> memref<128x128xbf16, #tpu.memory_space<vmem>>
        %dma_start3A_428 = tpu.memref_slice %arg7[%mul3A_422] : memref<10240xi32, #tpu.memory_space<vmem>> -> memref<128xi32, #tpu.memory_space<vmem>>
        %dma_start3A_429 = arith.constant 0 : i32
        %dma_start3A_430 = arith.constant 0 : i32
        %dma_start3A_431 = tpu.memref_slice %arg2[%dma_start3A_429, %dma_start3A_430] : memref<20480x128xbf16, #tpu.memory_space<hbm>> -> memref<20480x128xbf16, #tpu.memory_space<hbm>>
        tpu.enqueue_indirect_dma source(%dma_start3A_431 : memref<20480x128xbf16, #tpu.memory_space<hbm>>) target(%dma_start3A_427 : memref<128x128xbf16, #tpu.memory_space<vmem>>) offsets(%dma_start3A_428 : memref<128xi32, #tpu.memory_space<vmem>>) semaphore(%arg11 : memref<!tpu.dma_semaphore, #tpu.memory_space<semaphore_mem>>)
      } else {
      }
      %mul3A_378 = arith.constant 8 : i32
      %mul3A_379 = arith.muli %scan3A_109, %mul3A_378 : i32
      %add3A_380 = arith.constant 7 : i32
      %add3A_381 = arith.addi %mul3A_379, %add3A_380 : i32
      %dma_wait3A_382 = arith.constant 7 : i32
      %dma_wait3A_383 = arith.constant 0 : i32
      %dma_wait3A_384 = arith.constant 0 : i32
      %dma_wait3A_385 = tpu.memref_slice %arg9[%dma_wait3A_382, %dma_wait3A_383, %dma_wait3A_384] : memref<8x128x128xbf16, #tpu.memory_space<vmem>> -> memref<1x128x128xbf16, #tpu.memory_space<vmem>>
      %dma_wait3A_386 = tpu.memref_squeeze %dma_wait3A_385 : memref<1x128x128xbf16, #tpu.memory_space<vmem>> -> memref<128x128xbf16, #tpu.memory_space<vmem>>
      %dma_wait3A_387 = arith.constant 0 : i32
      %dma_wait3A_388 = tpu.memref_slice %arg7[%dma_wait3A_387] : memref<10240xi32, #tpu.memory_space<vmem>> -> memref<128xi32, #tpu.memory_space<vmem>>
      %dma_wait3A_389 = arith.constant 0 : i32
      %dma_wait3A_390 = arith.constant 0 : i32
      %dma_wait3A_391 = tpu.memref_slice %arg2[%dma_wait3A_389, %dma_wait3A_390] : memref<20480x128xbf16, #tpu.memory_space<hbm>> -> memref<20480x128xbf16, #tpu.memory_space<hbm>>
      tpu.wait_indirect_dma semaphore(%arg11 : memref<!tpu.dma_semaphore, #tpu.memory_space<semaphore_mem>>) src(%dma_wait3A_391 : memref<20480x128xbf16, #tpu.memory_space<hbm>>) dst(%dma_wait3A_386 : memref<128x128xbf16, #tpu.memory_space<vmem>>)
      %dma_start3A_392 = arith.constant 7 : i32
      %dma_start3A_393 = arith.constant 0 : i32
      %dma_start3A_394 = arith.constant 0 : i32
      %dma_start3A_395 = tpu.memref_slice %arg9[%dma_start3A_392, %dma_start3A_393, %dma_start3A_394] : memref<8x128x128xbf16, #tpu.memory_space<vmem>> -> memref<1x128x128xbf16, #tpu.memory_space<vmem>>
      %dma_start3A_396 = tpu.memref_squeeze %dma_start3A_395 : memref<1x128x128xbf16, #tpu.memory_space<vmem>> -> memref<128x128xbf16, #tpu.memory_space<vmem>>
      %dma_start3A_397 = arith.constant 0 : i32
      %dma_start3A_398 = tpu.memref_slice %arg8[%add3A_381, %dma_start3A_397] : memref<80x128xi32, #tpu.memory_space<vmem>> -> memref<1x128xi32, #tpu.memory_space<vmem>>
      %dma_start3A_399 = tpu.memref_squeeze %dma_start3A_398 : memref<1x128xi32, #tpu.memory_space<vmem>> -> memref<128xi32, #tpu.memory_space<vmem>>
      %dma_start3A_400 = arith.constant 0 : i32
      %dma_start3A_401 = arith.constant 0 : i32
      %dma_start3A_402 = tpu.memref_slice %arg10[%dma_start3A_400, %dma_start3A_401] : memref<10240x128xbf16, #tpu.memory_space<vmem_shared>> -> memref<10240x128xbf16, #tpu.memory_space<vmem_shared>>
      tpu.enqueue_indirect_dma source(%dma_start3A_396 : memref<128x128xbf16, #tpu.memory_space<vmem>>) target(%dma_start3A_402 : memref<10240x128xbf16, #tpu.memory_space<vmem_shared>>) offsets(%dma_start3A_399 : memref<128xi32, #tpu.memory_space<vmem>>) semaphore(%arg12 : memref<!tpu.dma_semaphore, #tpu.memory_space<semaphore_mem>>) {add = true}
      %ge3A_403 = arith.constant 1 : i32
      %ge3A_404 = arith.cmpi sge, %add3A_381, %ge3A_403 : i32
      %convert_element_type3A_405 = arith.extui %ge3A_404 : i1 to i32
      %cond3A_406 = arith.constant 0 : i32
      %cond3A_407 = arith.cmpi ne, %convert_element_type3A_405, %cond3A_406 : i32
      scf.if %cond3A_407 {
        %sub3A_417 = arith.constant 1 : i32
        %sub3A_418 = arith.subi %add3A_381, %sub3A_417 : i32
        %dma_wait3A_419 = arith.constant 6 : i32
        %dma_wait3A_420 = arith.constant 0 : i32
        %dma_wait3A_421 = arith.constant 0 : i32
        %dma_wait3A_422 = tpu.memref_slice %arg9[%dma_wait3A_419, %dma_wait3A_420, %dma_wait3A_421] : memref<8x128x128xbf16, #tpu.memory_space<vmem>> -> memref<1x128x128xbf16, #tpu.memory_space<vmem>>
        %dma_wait3A_423 = tpu.memref_squeeze %dma_wait3A_422 : memref<1x128x128xbf16, #tpu.memory_space<vmem>> -> memref<128x128xbf16, #tpu.memory_space<vmem>>
        %dma_wait3A_424 = arith.constant 0 : i32
        %dma_wait3A_425 = tpu.memref_slice %arg8[%sub3A_418, %dma_wait3A_424] : memref<80x128xi32, #tpu.memory_space<vmem>> -> memref<1x128xi32, #tpu.memory_space<vmem>>
        %dma_wait3A_426 = tpu.memref_squeeze %dma_wait3A_425 : memref<1x128xi32, #tpu.memory_space<vmem>> -> memref<128xi32, #tpu.memory_space<vmem>>
        %dma_wait3A_427 = arith.constant 0 : i32
        %dma_wait3A_428 = arith.constant 0 : i32
        %dma_wait3A_429 = tpu.memref_slice %arg10[%dma_wait3A_427, %dma_wait3A_428] : memref<10240x128xbf16, #tpu.memory_space<vmem_shared>> -> memref<10240x128xbf16, #tpu.memory_space<vmem_shared>>
        tpu.wait_indirect_dma semaphore(%arg12 : memref<!tpu.dma_semaphore, #tpu.memory_space<semaphore_mem>>) src(%dma_wait3A_423 : memref<128x128xbf16, #tpu.memory_space<vmem>>) dst(%dma_wait3A_429 : memref<10240x128xbf16, #tpu.memory_space<vmem_shared>>)
      } else {
      }
      %add3A_408 = arith.constant 8 : i32
      %add3A_409 = arith.addi %add3A_381, %add3A_408 : i32
      %sub3A_410 = arith.constant 1 : i32
      %sub3A_411 = arith.subi %add3A_409, %sub3A_410 : i32
      %le3A_412 = arith.constant 79 : i32
      %le3A_413 = arith.cmpi sle, %sub3A_411, %le3A_412 : i32
      %convert_element_type3A_414 = arith.extui %le3A_413 : i1 to i32
      %cond3A_415 = arith.constant 0 : i32
      %cond3A_416 = arith.cmpi ne, %convert_element_type3A_414, %cond3A_415 : i32
      scf.if %cond3A_416 {
        %add3A_417 = arith.constant 8 : i32
        %add3A_418 = arith.addi %add3A_381, %add3A_417 : i32
        %sub3A_419 = arith.constant 1 : i32
        %sub3A_420 = arith.subi %add3A_418, %sub3A_419 : i32
        %mul3A_421 = arith.constant 128 : i32
        %mul3A_422 = arith.muli %sub3A_420, %mul3A_421 : i32
        %dma_start3A_423 = arith.constant 6 : i32
        %dma_start3A_424 = arith.constant 0 : i32
        %dma_start3A_425 = arith.constant 0 : i32
        %dma_start3A_426 = tpu.memref_slice %arg9[%dma_start3A_423, %dma_start3A_424, %dma_start3A_425] : memref<8x128x128xbf16, #tpu.memory_space<vmem>> -> memref<1x128x128xbf16, #tpu.memory_space<vmem>>
        %dma_start3A_427 = tpu.memref_squeeze %dma_start3A_426 : memref<1x128x128xbf16, #tpu.memory_space<vmem>> -> memref<128x128xbf16, #tpu.memory_space<vmem>>
        %dma_start3A_428 = tpu.memref_slice %arg7[%mul3A_422] : memref<10240xi32, #tpu.memory_space<vmem>> -> memref<128xi32, #tpu.memory_space<vmem>>
        %dma_start3A_429 = arith.constant 0 : i32
        %dma_start3A_430 = arith.constant 0 : i32
        %dma_start3A_431 = tpu.memref_slice %arg2[%dma_start3A_429, %dma_start3A_430] : memref<20480x128xbf16, #tpu.memory_space<hbm>> -> memref<20480x128xbf16, #tpu.memory_space<hbm>>
        tpu.enqueue_indirect_dma source(%dma_start3A_431 : memref<20480x128xbf16, #tpu.memory_space<hbm>>) target(%dma_start3A_427 : memref<128x128xbf16, #tpu.memory_space<vmem>>) offsets(%dma_start3A_428 : memref<128xi32, #tpu.memory_space<vmem>>) semaphore(%arg11 : memref<!tpu.dma_semaphore, #tpu.memory_space<semaphore_mem>>)
      } else {
      }
    }
    %scan3A_88 = arith.constant 10 : i32
    %dma_wait3A = arith.constant 7 : i32
    %dma_wait3A_89 = arith.constant 79 : i32
    %dma_wait3A_90 = arith.constant 0 : i32
    %dma_wait3A_91 = arith.constant 0 : i32
    %dma_wait3A_92 = tpu.memref_slice %arg9[%dma_wait3A, %dma_wait3A_90, %dma_wait3A_91] : memref<8x128x128xbf16, #tpu.memory_space<vmem>> -> memref<1x128x128xbf16, #tpu.memory_space<vmem>>
    %dma_wait3A_93 = tpu.memref_squeeze %dma_wait3A_92 : memref<1x128x128xbf16, #tpu.memory_space<vmem>> -> memref<128x128xbf16, #tpu.memory_space<vmem>>
    %dma_wait3A_94 = arith.constant 0 : i32
    %dma_wait3A_95 = tpu.memref_slice %arg8[%dma_wait3A_89, %dma_wait3A_94] : memref<80x128xi32, #tpu.memory_space<vmem>> -> memref<1x128xi32, #tpu.memory_space<vmem>>
    %dma_wait3A_96 = tpu.memref_squeeze %dma_wait3A_95 : memref<1x128xi32, #tpu.memory_space<vmem>> -> memref<128xi32, #tpu.memory_space<vmem>>
    %dma_wait3A_97 = arith.constant 0 : i32
    %dma_wait3A_98 = arith.constant 0 : i32
    %dma_wait3A_99 = tpu.memref_slice %arg10[%dma_wait3A_97, %dma_wait3A_98] : memref<10240x128xbf16, #tpu.memory_space<vmem_shared>> -> memref<10240x128xbf16, #tpu.memory_space<vmem_shared>>
    tpu.wait_indirect_dma semaphore(%arg12 : memref<!tpu.dma_semaphore, #tpu.memory_space<semaphore_mem>>) src(%dma_wait3A_93 : memref<128x128xbf16, #tpu.memory_space<vmem>>) dst(%dma_wait3A_99 : memref<10240x128xbf16, #tpu.memory_space<vmem_shared>>)
    %scan3A_100 = arith.constant 1 : i32
    %barrier3A_101 = arith.constant 0 : index
    tpu.barrier barrier_id(%barrier3A_101)
    %mul3A_102 = arith.constant 640 : i32
    %mul3A_103 = arith.muli %arg1, %mul3A_102 : i32
    %mul3A_104 = arith.constant 10240 : i32
    %mul3A_105 = arith.muli %arg0, %mul3A_104 : i32
    %mul3A_106 = arith.constant 640 : i32
    %mul3A_107 = arith.muli %arg1, %mul3A_106 : i32
    %add3A_108 = arith.addi %mul3A_105, %mul3A_107 : i32
    "tpu.region"() ({
      %run_scoped3A = tpu.sem_alloc : memref<!tpu.dma_semaphore, #tpu.memory_space<semaphore_mem>>
      %dma_start3A_109 = arith.constant 0 : i32
      %dma_start3A_110 = tpu.memref_slice %arg6[%add3A_108, %dma_start3A_109] : memref<20480x128xbf16, #tpu.memory_space<hbm>> -> memref<640x128xbf16, #tpu.memory_space<hbm>>
      %dma_start3A_111 = arith.constant 0 : i32
      %dma_start3A_112 = tpu.memref_slice %arg10[%mul3A_103, %dma_start3A_111] : memref<10240x128xbf16, #tpu.memory_space<vmem_shared>> -> memref<640x128xbf16, #tpu.memory_space<vmem_shared>>
      tpu.enqueue_dma source(%dma_start3A_112 : memref<640x128xbf16, #tpu.memory_space<vmem_shared>>) target(%dma_start3A_110 : memref<640x128xbf16, #tpu.memory_space<hbm>>) target_semaphore(%run_scoped3A : memref<!tpu.dma_semaphore, #tpu.memory_space<semaphore_mem>>)
      %dma_wait3A_113 = arith.constant 0 : i32
      %dma_wait3A_114 = tpu.memref_slice %arg6[%add3A_108, %dma_wait3A_113] : memref<20480x128xbf16, #tpu.memory_space<hbm>> -> memref<640x128xbf16, #tpu.memory_space<hbm>>
      %dma_wait3A_115 = arith.constant 0 : i32
      %dma_wait3A_116 = tpu.memref_slice %arg10[%mul3A_103, %dma_wait3A_115] : memref<10240x128xbf16, #tpu.memory_space<vmem_shared>> -> memref<640x128xbf16, #tpu.memory_space<vmem_shared>>
      tpu.wait_dma2 semaphore(%run_scoped3A : memref<!tpu.dma_semaphore, #tpu.memory_space<semaphore_mem>>) src(%dma_wait3A_116 : memref<640x128xbf16, #tpu.memory_space<vmem_shared>>) dst(%dma_wait3A_114 : memref<640x128xbf16, #tpu.memory_space<hbm>>)
      tpu.yield
    }) : () -> ()
    return
  }
}

#map = affine_map<(d0, d1) -> (0, 0)>
#map1 = affine_map<(d0, d1) -> (0)>
module attributes {stable_mosaic.version = 14 : i64} {
  func.func @agg_kernel(%arg0: i32, %arg1: i32, %arg2: memref<20480x128xbf16, #tpu.memory_space<hbm>>, %arg3: memref<327680xi32, #tpu.memory_space<hbm>>, %arg4: memref<1280x128xi32, #tpu.memory_space<hbm>>, %arg5: memref<640x128xbf16, #tpu.memory_space<hbm>>, %arg6: memref<20480x128xbf16, #tpu.memory_space<hbm>>, %arg7: memref<10240xi32, #tpu.memory_space<vmem>>, %arg8: memref<80x128xi32, #tpu.memory_space<vmem>>, %arg9: memref<8x128x128xbf16, #tpu.memory_space<vmem>>, %arg10: memref<10240x128xbf16, #tpu.memory_space<vmem_shared>>, %arg11: memref<!tpu.dma_semaphore, #tpu.memory_space<semaphore_mem>>, %arg12: memref<!tpu.dma_semaphore, #tpu.memory_space<semaphore_mem>>) attributes {dimension_semantics = [#tpu.dimension_semantics<core_parallel>, #tpu.dimension_semantics<subcore_parallel>], iteration_bounds = array<i64: 2, 16>, scalar_prefetch = 0 : i64, scratch_operands = 6 : i64, tpu.core_type = #tpu.core_type<sc_vector_subcore>, window_params = [{transform_indices = #map}, {transform_indices = #map1}, {transform_indices = #map}, {transform_indices = #map}, {transform_indices = #map}]} {
    %mul3A = arith.constant 640 : i32
    %mul3A_0 = arith.muli %arg1, %mul3A : i32
    "tpu.region"() ({
      %run_scoped3A = tpu.sem_alloc : memref<!tpu.dma_semaphore, #tpu.memory_space<semaphore_mem>>
      %dma_start3A_109 = arith.constant 0 : i32
      %dma_start3A_110 = tpu.memref_slice %arg10[%mul3A_0, %dma_start3A_109] : memref<10240x128xbf16, #tpu.memory_space<vmem_shared>> -> memref<640x128xbf16, #tpu.memory_space<vmem_shared>>
      tpu.enqueue_dma source(%arg5 : memref<640x128xbf16, #tpu.memory_space<hbm>>) target(%dma_start3A_110 : memref<640x128xbf16, #tpu.memory_space<vmem_shared>>) target_semaphore(%run_scoped3A : memref<!tpu.dma_semaphore, #tpu.memory_space<semaphore_mem>>)
      %dma_wait3A_111 = arith.constant 0 : i32
      %dma_wait3A_112 = tpu.memref_slice %arg10[%mul3A_0, %dma_wait3A_111] : memref<10240x128xbf16, #tpu.memory_space<vmem_shared>> -> memref<640x128xbf16, #tpu.memory_space<vmem_shared>>
      tpu.wait_dma2 semaphore(%run_scoped3A : memref<!tpu.dma_semaphore, #tpu.memory_space<semaphore_mem>>) src(%arg5 : memref<640x128xbf16, #tpu.memory_space<hbm>>) dst(%dma_wait3A_112 : memref<640x128xbf16, #tpu.memory_space<vmem_shared>>)
      tpu.yield
    }) : () -> ()
    %barrier3A = arith.constant 0 : index
    tpu.barrier barrier_id(%barrier3A)
    %scan3A = arith.constant 0 : i32
    %scan3A_1 = arith.constant 0 : i32
    %mul3A_2 = arith.constant 163840 : i32
    %mul3A_3 = arith.muli %arg0, %mul3A_2 : i32
    %mul3A_4 = arith.constant 10240 : i32
    %mul3A_5 = arith.muli %arg1, %mul3A_4 : i32
    %add3A = arith.addi %mul3A_3, %mul3A_5 : i32
    %mul3A_6 = arith.constant 10240 : i32
    %mul3A_7 = arith.muli %scan3A_1, %mul3A_6 : i32
    %add3A_8 = arith.addi %add3A, %mul3A_7 : i32
    "tpu.region"() ({
      %run_scoped3A = tpu.sem_alloc : memref<!tpu.dma_semaphore, #tpu.memory_space<semaphore_mem>>
      %dma_start3A_109 = tpu.memref_slice %arg3[%add3A_8] : memref<327680xi32, #tpu.memory_space<hbm>> -> memref<10240xi32, #tpu.memory_space<hbm>>
      %dma_start3A_110 = tpu.memref_slice %arg3[%add3A_8] : memref<327680xi32, #tpu.memory_space<hbm>> -> memref<10240xi32, #tpu.memory_space<hbm>>
      tpu.enqueue_dma source(%dma_start3A_110 : memref<10240xi32, #tpu.memory_space<hbm>>) target(%arg7 : memref<10240xi32, #tpu.memory_space<vmem>>) target_semaphore(%run_scoped3A : memref<!tpu.dma_semaphore, #tpu.memory_space<semaphore_mem>>)
      %dma_wait3A_111 = tpu.memref_slice %arg3[%add3A_8] : memref<327680xi32, #tpu.memory_space<hbm>> -> memref<10240xi32, #tpu.memory_space<hbm>>
      %dma_wait3A_112 = tpu.memref_slice %arg3[%add3A_8] : memref<327680xi32, #tpu.memory_space<hbm>> -> memref<10240xi32, #tpu.memory_space<hbm>>
      tpu.wait_dma2 semaphore(%run_scoped3A : memref<!tpu.dma_semaphore, #tpu.memory_space<semaphore_mem>>) src(%dma_wait3A_112 : memref<10240xi32, #tpu.memory_space<hbm>>) dst(%arg7 : memref<10240xi32, #tpu.memory_space<vmem>>)
      tpu.yield
    }) : () -> ()
    %mul3A_9 = arith.constant 80 : i32
    %mul3A_10 = arith.muli %arg1, %mul3A_9 : i32
    %mul3A_11 = arith.constant 80 : i32
    %mul3A_12 = arith.muli %scan3A_1, %mul3A_11 : i32
    %add3A_13 = arith.addi %mul3A_10, %mul3A_12 : i32
    "tpu.region"() ({
      %run_scoped3A = tpu.sem_alloc : memref<!tpu.dma_semaphore, #tpu.memory_space<semaphore_mem>>
      %dma_start3A_109 = arith.constant 0 : i32
      %dma_start3A_110 = tpu.memref_slice %arg4[%add3A_13, %dma_start3A_109] : memref<1280x128xi32, #tpu.memory_space<hbm>> -> memref<80x128xi32, #tpu.memory_space<hbm>>
      %dma_start3A_111 = arith.constant 0 : i32
      %dma_start3A_112 = tpu.memref_slice %arg4[%add3A_13, %dma_start3A_111] : memref<1280x128xi32, #tpu.memory_space<hbm>> -> memref<80x128xi32, #tpu.memory_space<hbm>>
      tpu.enqueue_dma source(%dma_start3A_112 : memref<80x128xi32, #tpu.memory_space<hbm>>) target(%arg8 : memref<80x128xi32, #tpu.memory_space<vmem>>) target_semaphore(%run_scoped3A : memref<!tpu.dma_semaphore, #tpu.memory_space<semaphore_mem>>)
      %dma_wait3A_113 = arith.constant 0 : i32
      %dma_wait3A_114 = tpu.memref_slice %arg4[%add3A_13, %dma_wait3A_113] : memref<1280x128xi32, #tpu.memory_space<hbm>> -> memref<80x128xi32, #tpu.memory_space<hbm>>
      %dma_wait3A_115 = arith.constant 0 : i32
      %dma_wait3A_116 = tpu.memref_slice %arg4[%add3A_13, %dma_wait3A_115] : memref<1280x128xi32, #tpu.memory_space<hbm>> -> memref<80x128xi32, #tpu.memory_space<hbm>>
      tpu.wait_dma2 semaphore(%run_scoped3A : memref<!tpu.dma_semaphore, #tpu.memory_space<semaphore_mem>>) src(%dma_wait3A_116 : memref<80x128xi32, #tpu.memory_space<hbm>>) dst(%arg8 : memref<80x128xi32, #tpu.memory_space<vmem>>)
      tpu.yield
    }) : () -> ()
    %dma_start3A = arith.constant 0 : i32
    %dma_start3A_14 = arith.constant 0 : i32
    %dma_start3A_15 = arith.constant 0 : i32
    %dma_start3A_16 = tpu.memref_slice %arg9[%dma_start3A, %dma_start3A_14, %dma_start3A_15] : memref<8x128x128xbf16, #tpu.memory_space<vmem>> -> memref<1x128x128xbf16, #tpu.memory_space<vmem>>
    %dma_start3A_17 = tpu.memref_squeeze %dma_start3A_16 : memref<1x128x128xbf16, #tpu.memory_space<vmem>> -> memref<128x128xbf16, #tpu.memory_space<vmem>>
    %dma_start3A_18 = arith.constant 0 : i32
    %dma_start3A_19 = tpu.memref_slice %arg7[%dma_start3A_18] : memref<10240xi32, #tpu.memory_space<vmem>> -> memref<128xi32, #tpu.memory_space<vmem>>
    %dma_start3A_20 = arith.constant 0 : i32
    %dma_start3A_21 = arith.constant 0 : i32
    %dma_start3A_22 = tpu.memref_slice %arg2[%dma_start3A_20, %dma_start3A_21] : memref<20480x128xbf16, #tpu.memory_space<hbm>> -> memref<20480x128xbf16, #tpu.memory_space<hbm>>
    tpu.enqueue_indirect_dma source(%dma_start3A_22 : memref<20480x128xbf16, #tpu.memory_space<hbm>>) target(%dma_start3A_17 : memref<128x128xbf16, #tpu.memory_space<vmem>>) offsets(%dma_start3A_19 : memref<128xi32, #tpu.memory_space<vmem>>) semaphore(%arg11 : memref<!tpu.dma_semaphore, #tpu.memory_space<semaphore_mem>>)
    %dma_start3A_23 = arith.constant 1 : i32
    %dma_start3A_24 = arith.constant 0 : i32
    %dma_start3A_25 = arith.constant 0 : i32
    %dma_start3A_26 = tpu.memref_slice %arg9[%dma_start3A_23, %dma_start3A_24, %dma_start3A_25] : memref<8x128x128xbf16, #tpu.memory_space<vmem>> -> memref<1x128x128xbf16, #tpu.memory_space<vmem>>
    %dma_start3A_27 = tpu.memref_squeeze %dma_start3A_26 : memref<1x128x128xbf16, #tpu.memory_space<vmem>> -> memref<128x128xbf16, #tpu.memory_space<vmem>>
    %dma_start3A_28 = arith.constant 128 : i32
    %dma_start3A_29 = tpu.memref_slice %arg7[%dma_start3A_28] : memref<10240xi32, #tpu.memory_space<vmem>> -> memref<128xi32, #tpu.memory_space<vmem>>
    %dma_start3A_30 = arith.constant 0 : i32
    %dma_start3A_31 = arith.constant 0 : i32
    %dma_start3A_32 = tpu.memref_slice %arg2[%dma_start3A_30, %dma_start3A_31] : memref<20480x128xbf16, #tpu.memory_space<hbm>> -> memref<20480x128xbf16, #tpu.memory_space<hbm>>
    tpu.enqueue_indirect_dma source(%dma_start3A_32 : memref<20480x128xbf16, #tpu.memory_space<hbm>>) target(%dma_start3A_27 : memref<128x128xbf16, #tpu.memory_space<vmem>>) offsets(%dma_start3A_29 : memref<128xi32, #tpu.memory_space<vmem>>) semaphore(%arg11 : memref<!tpu.dma_semaphore, #tpu.memory_space<semaphore_mem>>)
    %dma_start3A_33 = arith.constant 2 : i32
    %dma_start3A_34 = arith.constant 0 : i32
    %dma_start3A_35 = arith.constant 0 : i32
    %dma_start3A_36 = tpu.memref_slice %arg9[%dma_start3A_33, %dma_start3A_34, %dma_start3A_35] : memref<8x128x128xbf16, #tpu.memory_space<vmem>> -> memref<1x128x128xbf16, #tpu.memory_space<vmem>>
    %dma_start3A_37 = tpu.memref_squeeze %dma_start3A_36 : memref<1x128x128xbf16, #tpu.memory_space<vmem>> -> memref<128x128xbf16, #tpu.memory_space<vmem>>
    %dma_start3A_38 = arith.constant 256 : i32
    %dma_start3A_39 = tpu.memref_slice %arg7[%dma_start3A_38] : memref<10240xi32, #tpu.memory_space<vmem>> -> memref<128xi32, #tpu.memory_space<vmem>>
    %dma_start3A_40 = arith.constant 0 : i32
    %dma_start3A_41 = arith.constant 0 : i32
    %dma_start3A_42 = tpu.memref_slice %arg2[%dma_start3A_40, %dma_start3A_41] : memref<20480x128xbf16, #tpu.memory_space<hbm>> -> memref<20480x128xbf16, #tpu.memory_space<hbm>>
    tpu.enqueue_indirect_dma source(%dma_start3A_42 : memref<20480x128xbf16, #tpu.memory_space<hbm>>) target(%dma_start3A_37 : memref<128x128xbf16, #tpu.memory_space<vmem>>) offsets(%dma_start3A_39 : memref<128xi32, #tpu.memory_space<vmem>>) semaphore(%arg11 : memref<!tpu.dma_semaphore, #tpu.memory_space<semaphore_mem>>)
    %dma_start3A_43 = arith.constant 3 : i32
    %dma_start3A_44 = arith.constant 0 : i32
    %dma_start3A_45 = arith.constant 0 : i32
    %dma_start3A_46 = tpu.memref_slice %arg9[%dma_start3A_43, %dma_start3A_44, %dma_start3A_45] : memref<8x128x128xbf16, #tpu.memory_space<vmem>> -> memref<1x128x128xbf16, #tpu.memory_space<vmem>>
    %dma_start3A_47 = tpu.memref_squeeze %dma_start3A_46 : memref<1x128x128xbf16, #tpu.memory_space<vmem>> -> memref<128x128xbf16, #tpu.memory_space<vmem>>
    %dma_start3A_48 = arith.constant 384 : i32
    %dma_start3A_49 = tpu.memref_slice %arg7[%dma_start3A_48] : memref<10240xi32, #tpu.memory_space<vmem>> -> memref<128xi32, #tpu.memory_space<vmem>>
    %dma_start3A_50 = arith.constant 0 : i32
    %dma_start3A_51 = arith.constant 0 : i32
    %dma_start3A_52 = tpu.memref_slice %arg2[%dma_start3A_50, %dma_start3A_51] : memref<20480x128xbf16, #tpu.memory_space<hbm>> -> memref<20480x128xbf16, #tpu.memory_space<hbm>>
    tpu.enqueue_indirect_dma source(%dma_start3A_52 : memref<20480x128xbf16, #tpu.memory_space<hbm>>) target(%dma_start3A_47 : memref<128x128xbf16, #tpu.memory_space<vmem>>) offsets(%dma_start3A_49 : memref<128xi32, #tpu.memory_space<vmem>>) semaphore(%arg11 : memref<!tpu.dma_semaphore, #tpu.memory_space<semaphore_mem>>)
    %dma_start3A_53 = arith.constant 4 : i32
    %dma_start3A_54 = arith.constant 0 : i32
    %dma_start3A_55 = arith.constant 0 : i32
    %dma_start3A_56 = tpu.memref_slice %arg9[%dma_start3A_53, %dma_start3A_54, %dma_start3A_55] : memref<8x128x128xbf16, #tpu.memory_space<vmem>> -> memref<1x128x128xbf16, #tpu.memory_space<vmem>>
    %dma_start3A_57 = tpu.memref_squeeze %dma_start3A_56 : memref<1x128x128xbf16, #tpu.memory_space<vmem>> -> memref<128x128xbf16, #tpu.memory_space<vmem>>
    %dma_start3A_58 = arith.constant 512 : i32
    %dma_start3A_59 = tpu.memref_slice %arg7[%dma_start3A_58] : memref<10240xi32, #tpu.memory_space<vmem>> -> memref<128xi32, #tpu.memory_space<vmem>>
    %dma_start3A_60 = arith.constant 0 : i32
    %dma_start3A_61 = arith.constant 0 : i32
    %dma_start3A_62 = tpu.memref_slice %arg2[%dma_start3A_60, %dma_start3A_61] : memref<20480x128xbf16, #tpu.memory_space<hbm>> -> memref<20480x128xbf16, #tpu.memory_space<hbm>>
    tpu.enqueue_indirect_dma source(%dma_start3A_62 : memref<20480x128xbf16, #tpu.memory_space<hbm>>) target(%dma_start3A_57 : memref<128x128xbf16, #tpu.memory_space<vmem>>) offsets(%dma_start3A_59 : memref<128xi32, #tpu.memory_space<vmem>>) semaphore(%arg11 : memref<!tpu.dma_semaphore, #tpu.memory_space<semaphore_mem>>)
    %dma_start3A_63 = arith.constant 5 : i32
    %dma_start3A_64 = arith.constant 0 : i32
    %dma_start3A_65 = arith.constant 0 : i32
    %dma_start3A_66 = tpu.memref_slice %arg9[%dma_start3A_63, %dma_start3A_64, %dma_start3A_65] : memref<8x128x128xbf16, #tpu.memory_space<vmem>> -> memref<1x128x128xbf16, #tpu.memory_space<vmem>>
    %dma_start3A_67 = tpu.memref_squeeze %dma_start3A_66 : memref<1x128x128xbf16, #tpu.memory_space<vmem>> -> memref<128x128xbf16, #tpu.memory_space<vmem>>
    %dma_start3A_68 = arith.constant 640 : i32
    %dma_start3A_69 = tpu.memref_slice %arg7[%dma_start3A_68] : memref<10240xi32, #tpu.memory_space<vmem>> -> memref<128xi32, #tpu.memory_space<vmem>>
    %dma_start3A_70 = arith.constant 0 : i32
    %dma_start3A_71 = arith.constant 0 : i32
    %dma_start3A_72 = tpu.memref_slice %arg2[%dma_start3A_70, %dma_start3A_71] : memref<20480x128xbf16, #tpu.memory_space<hbm>> -> memref<20480x128xbf16, #tpu.memory_space<hbm>>
    tpu.enqueue_indirect_dma source(%dma_start3A_72 : memref<20480x128xbf16, #tpu.memory_space<hbm>>) target(%dma_start3A_67 : memref<128x128xbf16, #tpu.memory_space<vmem>>) offsets(%dma_start3A_69 : memref<128xi32, #tpu.memory_space<vmem>>) semaphore(%arg11 : memref<!tpu.dma_semaphore, #tpu.memory_space<semaphore_mem>>)
    %dma_start3A_73 = arith.constant 6 : i32
    %dma_start3A_74 = arith.constant 0 : i32
    %dma_start3A_75 = arith.constant 0 : i32
    %dma_start3A_76 = tpu.memref_slice %arg9[%dma_start3A_73, %dma_start3A_74, %dma_start3A_75] : memref<8x128x128xbf16, #tpu.memory_space<vmem>> -> memref<1x128x128xbf16, #tpu.memory_space<vmem>>
    %dma_start3A_77 = tpu.memref_squeeze %dma_start3A_76 : memref<1x128x128xbf16, #tpu.memory_space<vmem>> -> memref<128x128xbf16, #tpu.memory_space<vmem>>
    %dma_start3A_78 = arith.constant 768 : i32
    %dma_start3A_79 = tpu.memref_slice %arg7[%dma_start3A_78] : memref<10240xi32, #tpu.memory_space<vmem>> -> memref<128xi32, #tpu.memory_space<vmem>>
    %dma_start3A_80 = arith.constant 0 : i32
    %dma_start3A_81 = arith.constant 0 : i32
    %dma_start3A_82 = tpu.memref_slice %arg2[%dma_start3A_80, %dma_start3A_81] : memref<20480x128xbf16, #tpu.memory_space<hbm>> -> memref<20480x128xbf16, #tpu.memory_space<hbm>>
    tpu.enqueue_indirect_dma source(%dma_start3A_82 : memref<20480x128xbf16, #tpu.memory_space<hbm>>) target(%dma_start3A_77 : memref<128x128xbf16, #tpu.memory_space<vmem>>) offsets(%dma_start3A_79 : memref<128xi32, #tpu.memory_space<vmem>>) semaphore(%arg11 : memref<!tpu.dma_semaphore, #tpu.memory_space<semaphore_mem>>)
    %scan3A_83 = arith.constant 0 : i32
    %scan3A_84 = arith.constant 0 : i32
    %scan3A_85 = arith.constant 10 : i32
    %scan3A_86 = arith.addi %scan3A_84, %scan3A_85 : i32
    %scan3A_87 = arith.constant 1 : i32
    scf.for %scan3A_109 = %scan3A_84 to %scan3A_86 step %scan3A_87  : i32 {
      %mul3A_110 = arith.constant 8 : i32
      %mul3A_111 = arith.muli %scan3A_109, %mul3A_110 : i32
      %add3A_112 = arith.constant 0 : i32
      %add3A_113 = arith.addi %mul3A_111, %add3A_112 : i32
      %dma_wait3A_114 = arith.constant 0 : i32
      %dma_wait3A_115 = arith.constant 0 : i32
      %dma_wait3A_116 = arith.constant 0 : i32
      %dma_wait3A_117 = tpu.memref_slice %arg9[%dma_wait3A_114, %dma_wait3A_115, %dma_wait3A_116] : memref<8x128x128xbf16, #tpu.memory_space<vmem>> -> memref<1x128x128xbf16, #tpu.memory_space<vmem>>
      %dma_wait3A_118 = tpu.memref_squeeze %dma_wait3A_117 : memref<1x128x128xbf16, #tpu.memory_space<vmem>> -> memref<128x128xbf16, #tpu.memory_space<vmem>>
      %dma_wait3A_119 = arith.constant 0 : i32
      %dma_wait3A_120 = tpu.memref_slice %arg7[%dma_wait3A_119] : memref<10240xi32, #tpu.memory_space<vmem>> -> memref<128xi32, #tpu.memory_space<vmem>>
      %dma_wait3A_121 = arith.constant 0 : i32
      %dma_wait3A_122 = arith.constant 0 : i32
      %dma_wait3A_123 = tpu.memref_slice %arg2[%dma_wait3A_121, %dma_wait3A_122] : memref<20480x128xbf16, #tpu.memory_space<hbm>> -> memref<20480x128xbf16, #tpu.memory_space<hbm>>
      tpu.wait_indirect_dma semaphore(%arg11 : memref<!tpu.dma_semaphore, #tpu.memory_space<semaphore_mem>>) src(%dma_wait3A_123 : memref<20480x128xbf16, #tpu.memory_space<hbm>>) dst(%dma_wait3A_118 : memref<128x128xbf16, #tpu.memory_space<vmem>>)
      %dma_start3A_124 = arith.constant 0 : i32
      %dma_start3A_125 = arith.constant 0 : i32
      %dma_start3A_126 = arith.constant 0 : i32
      %dma_start3A_127 = tpu.memref_slice %arg9[%dma_start3A_124, %dma_start3A_125, %dma_start3A_126] : memref<8x128x128xbf16, #tpu.memory_space<vmem>> -> memref<1x128x128xbf16, #tpu.memory_space<vmem>>
      %dma_start3A_128 = tpu.memref_squeeze %dma_start3A_127 : memref<1x128x128xbf16, #tpu.memory_space<vmem>> -> memref<128x128xbf16, #tpu.memory_space<vmem>>
      %dma_start3A_129 = arith.constant 0 : i32
      %dma_start3A_130 = tpu.memref_slice %arg8[%add3A_113, %dma_start3A_129] : memref<80x128xi32, #tpu.memory_space<vmem>> -> memref<1x128xi32, #tpu.memory_space<vmem>>
      %dma_start3A_131 = tpu.memref_squeeze %dma_start3A_130 : memref<1x128xi32, #tpu.memory_space<vmem>> -> memref<128xi32, #tpu.memory_space<vmem>>
      %dma_start3A_132 = arith.constant 0 : i32
      %dma_start3A_133 = arith.constant 0 : i32
      %dma_start3A_134 = tpu.memref_slice %arg10[%dma_start3A_132, %dma_start3A_133] : memref<10240x128xbf16, #tpu.memory_space<vmem_shared>> -> memref<10240x128xbf16, #tpu.memory_space<vmem_shared>>
      tpu.enqueue_indirect_dma source(%dma_start3A_128 : memref<128x128xbf16, #tpu.memory_space<vmem>>) target(%dma_start3A_134 : memref<10240x128xbf16, #tpu.memory_space<vmem_shared>>) offsets(%dma_start3A_131 : memref<128xi32, #tpu.memory_space<vmem>>) semaphore(%arg12 : memref<!tpu.dma_semaphore, #tpu.memory_space<semaphore_mem>>) {add = true}
      %ge3A = arith.constant 1 : i32
      %ge3A_135 = arith.cmpi sge, %add3A_113, %ge3A : i32
      %convert_element_type3A = arith.extui %ge3A_135 : i1 to i32
      %cond3A = arith.constant 0 : i32
      %cond3A_136 = arith.cmpi ne, %convert_element_type3A, %cond3A : i32
      scf.if %cond3A_136 {
        %sub3A_417 = arith.constant 1 : i32
        %sub3A_418 = arith.subi %add3A_113, %sub3A_417 : i32
        %dma_wait3A_419 = arith.constant 7 : i32
        %dma_wait3A_420 = arith.constant 0 : i32
        %dma_wait3A_421 = arith.constant 0 : i32
        %dma_wait3A_422 = tpu.memref_slice %arg9[%dma_wait3A_419, %dma_wait3A_420, %dma_wait3A_421] : memref<8x128x128xbf16, #tpu.memory_space<vmem>> -> memref<1x128x128xbf16, #tpu.memory_space<vmem>>
        %dma_wait3A_423 = tpu.memref_squeeze %dma_wait3A_422 : memref<1x128x128xbf16, #tpu.memory_space<vmem>> -> memref<128x128xbf16, #tpu.memory_space<vmem>>
        %dma_wait3A_424 = arith.constant 0 : i32
        %dma_wait3A_425 = tpu.memref_slice %arg8[%sub3A_418, %dma_wait3A_424] : memref<80x128xi32, #tpu.memory_space<vmem>> -> memref<1x128xi32, #tpu.memory_space<vmem>>
        %dma_wait3A_426 = tpu.memref_squeeze %dma_wait3A_425 : memref<1x128xi32, #tpu.memory_space<vmem>> -> memref<128xi32, #tpu.memory_space<vmem>>
        %dma_wait3A_427 = arith.constant 0 : i32
        %dma_wait3A_428 = arith.constant 0 : i32
        %dma_wait3A_429 = tpu.memref_slice %arg10[%dma_wait3A_427, %dma_wait3A_428] : memref<10240x128xbf16, #tpu.memory_space<vmem_shared>> -> memref<10240x128xbf16, #tpu.memory_space<vmem_shared>>
        tpu.wait_indirect_dma semaphore(%arg12 : memref<!tpu.dma_semaphore, #tpu.memory_space<semaphore_mem>>) src(%dma_wait3A_423 : memref<128x128xbf16, #tpu.memory_space<vmem>>) dst(%dma_wait3A_429 : memref<10240x128xbf16, #tpu.memory_space<vmem_shared>>)
      } else {
      }
      %add3A_137 = arith.constant 8 : i32
      %add3A_138 = arith.addi %add3A_113, %add3A_137 : i32
      %sub3A = arith.constant 1 : i32
      %sub3A_139 = arith.subi %add3A_138, %sub3A : i32
      %le3A = arith.constant 79 : i32
      %le3A_140 = arith.cmpi sle, %sub3A_139, %le3A : i32
      %convert_element_type3A_141 = arith.extui %le3A_140 : i1 to i32
      %cond3A_142 = arith.constant 0 : i32
      %cond3A_143 = arith.cmpi ne, %convert_element_type3A_141, %cond3A_142 : i32
      scf.if %cond3A_143 {
        %add3A_417 = arith.constant 8 : i32
        %add3A_418 = arith.addi %add3A_113, %add3A_417 : i32
        %sub3A_419 = arith.constant 1 : i32
        %sub3A_420 = arith.subi %add3A_418, %sub3A_419 : i32
        %mul3A_421 = arith.constant 128 : i32
        %mul3A_422 = arith.muli %sub3A_420, %mul3A_421 : i32
        %dma_start3A_423 = arith.constant 7 : i32
        %dma_start3A_424 = arith.constant 0 : i32
        %dma_start3A_425 = arith.constant 0 : i32
        %dma_start3A_426 = tpu.memref_slice %arg9[%dma_start3A_423, %dma_start3A_424, %dma_start3A_425] : memref<8x128x128xbf16, #tpu.memory_space<vmem>> -> memref<1x128x128xbf16, #tpu.memory_space<vmem>>
        %dma_start3A_427 = tpu.memref_squeeze %dma_start3A_426 : memref<1x128x128xbf16, #tpu.memory_space<vmem>> -> memref<128x128xbf16, #tpu.memory_space<vmem>>
        %dma_start3A_428 = tpu.memref_slice %arg7[%mul3A_422] : memref<10240xi32, #tpu.memory_space<vmem>> -> memref<128xi32, #tpu.memory_space<vmem>>
        %dma_start3A_429 = arith.constant 0 : i32
        %dma_start3A_430 = arith.constant 0 : i32
        %dma_start3A_431 = tpu.memref_slice %arg2[%dma_start3A_429, %dma_start3A_430] : memref<20480x128xbf16, #tpu.memory_space<hbm>> -> memref<20480x128xbf16, #tpu.memory_space<hbm>>
        tpu.enqueue_indirect_dma source(%dma_start3A_431 : memref<20480x128xbf16, #tpu.memory_space<hbm>>) target(%dma_start3A_427 : memref<128x128xbf16, #tpu.memory_space<vmem>>) offsets(%dma_start3A_428 : memref<128xi32, #tpu.memory_space<vmem>>) semaphore(%arg11 : memref<!tpu.dma_semaphore, #tpu.memory_space<semaphore_mem>>)
      } else {
      }
      %mul3A_144 = arith.constant 8 : i32
      %mul3A_145 = arith.muli %scan3A_109, %mul3A_144 : i32
      %add3A_146 = arith.constant 1 : i32
      %add3A_147 = arith.addi %mul3A_145, %add3A_146 : i32
      %dma_wait3A_148 = arith.constant 1 : i32
      %dma_wait3A_149 = arith.constant 0 : i32
      %dma_wait3A_150 = arith.constant 0 : i32
      %dma_wait3A_151 = tpu.memref_slice %arg9[%dma_wait3A_148, %dma_wait3A_149, %dma_wait3A_150] : memref<8x128x128xbf16, #tpu.memory_space<vmem>> -> memref<1x128x128xbf16, #tpu.memory_space<vmem>>
      %dma_wait3A_152 = tpu.memref_squeeze %dma_wait3A_151 : memref<1x128x128xbf16, #tpu.memory_space<vmem>> -> memref<128x128xbf16, #tpu.memory_space<vmem>>
      %dma_wait3A_153 = arith.constant 0 : i32
      %dma_wait3A_154 = tpu.memref_slice %arg7[%dma_wait3A_153] : memref<10240xi32, #tpu.memory_space<vmem>> -> memref<128xi32, #tpu.memory_space<vmem>>
      %dma_wait3A_155 = arith.constant 0 : i32
      %dma_wait3A_156 = arith.constant 0 : i32
      %dma_wait3A_157 = tpu.memref_slice %arg2[%dma_wait3A_155, %dma_wait3A_156] : memref<20480x128xbf16, #tpu.memory_space<hbm>> -> memref<20480x128xbf16, #tpu.memory_space<hbm>>
      tpu.wait_indirect_dma semaphore(%arg11 : memref<!tpu.dma_semaphore, #tpu.memory_space<semaphore_mem>>) src(%dma_wait3A_157 : memref<20480x128xbf16, #tpu.memory_space<hbm>>) dst(%dma_wait3A_152 : memref<128x128xbf16, #tpu.memory_space<vmem>>)
      %dma_start3A_158 = arith.constant 1 : i32
      %dma_start3A_159 = arith.constant 0 : i32
      %dma_start3A_160 = arith.constant 0 : i32
      %dma_start3A_161 = tpu.memref_slice %arg9[%dma_start3A_158, %dma_start3A_159, %dma_start3A_160] : memref<8x128x128xbf16, #tpu.memory_space<vmem>> -> memref<1x128x128xbf16, #tpu.memory_space<vmem>>
      %dma_start3A_162 = tpu.memref_squeeze %dma_start3A_161 : memref<1x128x128xbf16, #tpu.memory_space<vmem>> -> memref<128x128xbf16, #tpu.memory_space<vmem>>
      %dma_start3A_163 = arith.constant 0 : i32
      %dma_start3A_164 = tpu.memref_slice %arg8[%add3A_147, %dma_start3A_163] : memref<80x128xi32, #tpu.memory_space<vmem>> -> memref<1x128xi32, #tpu.memory_space<vmem>>
      %dma_start3A_165 = tpu.memref_squeeze %dma_start3A_164 : memref<1x128xi32, #tpu.memory_space<vmem>> -> memref<128xi32, #tpu.memory_space<vmem>>
      %dma_start3A_166 = arith.constant 0 : i32
      %dma_start3A_167 = arith.constant 0 : i32
      %dma_start3A_168 = tpu.memref_slice %arg10[%dma_start3A_166, %dma_start3A_167] : memref<10240x128xbf16, #tpu.memory_space<vmem_shared>> -> memref<10240x128xbf16, #tpu.memory_space<vmem_shared>>
      tpu.enqueue_indirect_dma source(%dma_start3A_162 : memref<128x128xbf16, #tpu.memory_space<vmem>>) target(%dma_start3A_168 : memref<10240x128xbf16, #tpu.memory_space<vmem_shared>>) offsets(%dma_start3A_165 : memref<128xi32, #tpu.memory_space<vmem>>) semaphore(%arg12 : memref<!tpu.dma_semaphore, #tpu.memory_space<semaphore_mem>>) {add = true}
      %ge3A_169 = arith.constant 1 : i32
      %ge3A_170 = arith.cmpi sge, %add3A_147, %ge3A_169 : i32
      %convert_element_type3A_171 = arith.extui %ge3A_170 : i1 to i32
      %cond3A_172 = arith.constant 0 : i32
      %cond3A_173 = arith.cmpi ne, %convert_element_type3A_171, %cond3A_172 : i32
      scf.if %cond3A_173 {
        %sub3A_417 = arith.constant 1 : i32
        %sub3A_418 = arith.subi %add3A_147, %sub3A_417 : i32
        %dma_wait3A_419 = arith.constant 0 : i32
        %dma_wait3A_420 = arith.constant 0 : i32
        %dma_wait3A_421 = arith.constant 0 : i32
        %dma_wait3A_422 = tpu.memref_slice %arg9[%dma_wait3A_419, %dma_wait3A_420, %dma_wait3A_421] : memref<8x128x128xbf16, #tpu.memory_space<vmem>> -> memref<1x128x128xbf16, #tpu.memory_space<vmem>>
        %dma_wait3A_423 = tpu.memref_squeeze %dma_wait3A_422 : memref<1x128x128xbf16, #tpu.memory_space<vmem>> -> memref<128x128xbf16, #tpu.memory_space<vmem>>
        %dma_wait3A_424 = arith.constant 0 : i32
        %dma_wait3A_425 = tpu.memref_slice %arg8[%sub3A_418, %dma_wait3A_424] : memref<80x128xi32, #tpu.memory_space<vmem>> -> memref<1x128xi32, #tpu.memory_space<vmem>>
        %dma_wait3A_426 = tpu.memref_squeeze %dma_wait3A_425 : memref<1x128xi32, #tpu.memory_space<vmem>> -> memref<128xi32, #tpu.memory_space<vmem>>
        %dma_wait3A_427 = arith.constant 0 : i32
        %dma_wait3A_428 = arith.constant 0 : i32
        %dma_wait3A_429 = tpu.memref_slice %arg10[%dma_wait3A_427, %dma_wait3A_428] : memref<10240x128xbf16, #tpu.memory_space<vmem_shared>> -> memref<10240x128xbf16, #tpu.memory_space<vmem_shared>>
        tpu.wait_indirect_dma semaphore(%arg12 : memref<!tpu.dma_semaphore, #tpu.memory_space<semaphore_mem>>) src(%dma_wait3A_423 : memref<128x128xbf16, #tpu.memory_space<vmem>>) dst(%dma_wait3A_429 : memref<10240x128xbf16, #tpu.memory_space<vmem_shared>>)
      } else {
      }
      %add3A_174 = arith.constant 8 : i32
      %add3A_175 = arith.addi %add3A_147, %add3A_174 : i32
      %sub3A_176 = arith.constant 1 : i32
      %sub3A_177 = arith.subi %add3A_175, %sub3A_176 : i32
      %le3A_178 = arith.constant 79 : i32
      %le3A_179 = arith.cmpi sle, %sub3A_177, %le3A_178 : i32
      %convert_element_type3A_180 = arith.extui %le3A_179 : i1 to i32
      %cond3A_181 = arith.constant 0 : i32
      %cond3A_182 = arith.cmpi ne, %convert_element_type3A_180, %cond3A_181 : i32
      scf.if %cond3A_182 {
        %add3A_417 = arith.constant 8 : i32
        %add3A_418 = arith.addi %add3A_147, %add3A_417 : i32
        %sub3A_419 = arith.constant 1 : i32
        %sub3A_420 = arith.subi %add3A_418, %sub3A_419 : i32
        %mul3A_421 = arith.constant 128 : i32
        %mul3A_422 = arith.muli %sub3A_420, %mul3A_421 : i32
        %dma_start3A_423 = arith.constant 0 : i32
        %dma_start3A_424 = arith.constant 0 : i32
        %dma_start3A_425 = arith.constant 0 : i32
        %dma_start3A_426 = tpu.memref_slice %arg9[%dma_start3A_423, %dma_start3A_424, %dma_start3A_425] : memref<8x128x128xbf16, #tpu.memory_space<vmem>> -> memref<1x128x128xbf16, #tpu.memory_space<vmem>>
        %dma_start3A_427 = tpu.memref_squeeze %dma_start3A_426 : memref<1x128x128xbf16, #tpu.memory_space<vmem>> -> memref<128x128xbf16, #tpu.memory_space<vmem>>
        %dma_start3A_428 = tpu.memref_slice %arg7[%mul3A_422] : memref<10240xi32, #tpu.memory_space<vmem>> -> memref<128xi32, #tpu.memory_space<vmem>>
        %dma_start3A_429 = arith.constant 0 : i32
        %dma_start3A_430 = arith.constant 0 : i32
        %dma_start3A_431 = tpu.memref_slice %arg2[%dma_start3A_429, %dma_start3A_430] : memref<20480x128xbf16, #tpu.memory_space<hbm>> -> memref<20480x128xbf16, #tpu.memory_space<hbm>>
        tpu.enqueue_indirect_dma source(%dma_start3A_431 : memref<20480x128xbf16, #tpu.memory_space<hbm>>) target(%dma_start3A_427 : memref<128x128xbf16, #tpu.memory_space<vmem>>) offsets(%dma_start3A_428 : memref<128xi32, #tpu.memory_space<vmem>>) semaphore(%arg11 : memref<!tpu.dma_semaphore, #tpu.memory_space<semaphore_mem>>)
      } else {
      }
      %mul3A_183 = arith.constant 8 : i32
      %mul3A_184 = arith.muli %scan3A_109, %mul3A_183 : i32
      %add3A_185 = arith.constant 2 : i32
      %add3A_186 = arith.addi %mul3A_184, %add3A_185 : i32
      %dma_wait3A_187 = arith.constant 2 : i32
      %dma_wait3A_188 = arith.constant 0 : i32
      %dma_wait3A_189 = arith.constant 0 : i32
      %dma_wait3A_190 = tpu.memref_slice %arg9[%dma_wait3A_187, %dma_wait3A_188, %dma_wait3A_189] : memref<8x128x128xbf16, #tpu.memory_space<vmem>> -> memref<1x128x128xbf16, #tpu.memory_space<vmem>>
      %dma_wait3A_191 = tpu.memref_squeeze %dma_wait3A_190 : memref<1x128x128xbf16, #tpu.memory_space<vmem>> -> memref<128x128xbf16, #tpu.memory_space<vmem>>
      %dma_wait3A_192 = arith.constant 0 : i32
      %dma_wait3A_193 = tpu.memref_slice %arg7[%dma_wait3A_192] : memref<10240xi32, #tpu.memory_space<vmem>> -> memref<128xi32, #tpu.memory_space<vmem>>
      %dma_wait3A_194 = arith.constant 0 : i32
      %dma_wait3A_195 = arith.constant 0 : i32
      %dma_wait3A_196 = tpu.memref_slice %arg2[%dma_wait3A_194, %dma_wait3A_195] : memref<20480x128xbf16, #tpu.memory_space<hbm>> -> memref<20480x128xbf16, #tpu.memory_space<hbm>>
      tpu.wait_indirect_dma semaphore(%arg11 : memref<!tpu.dma_semaphore, #tpu.memory_space<semaphore_mem>>) src(%dma_wait3A_196 : memref<20480x128xbf16, #tpu.memory_space<hbm>>) dst(%dma_wait3A_191 : memref<128x128xbf16, #tpu.memory_space<vmem>>)
      %dma_start3A_197 = arith.constant 2 : i32
      %dma_start3A_198 = arith.constant 0 : i32
      %dma_start3A_199 = arith.constant 0 : i32
      %dma_start3A_200 = tpu.memref_slice %arg9[%dma_start3A_197, %dma_start3A_198, %dma_start3A_199] : memref<8x128x128xbf16, #tpu.memory_space<vmem>> -> memref<1x128x128xbf16, #tpu.memory_space<vmem>>
      %dma_start3A_201 = tpu.memref_squeeze %dma_start3A_200 : memref<1x128x128xbf16, #tpu.memory_space<vmem>> -> memref<128x128xbf16, #tpu.memory_space<vmem>>
      %dma_start3A_202 = arith.constant 0 : i32
      %dma_start3A_203 = tpu.memref_slice %arg8[%add3A_186, %dma_start3A_202] : memref<80x128xi32, #tpu.memory_space<vmem>> -> memref<1x128xi32, #tpu.memory_space<vmem>>
      %dma_start3A_204 = tpu.memref_squeeze %dma_start3A_203 : memref<1x128xi32, #tpu.memory_space<vmem>> -> memref<128xi32, #tpu.memory_space<vmem>>
      %dma_start3A_205 = arith.constant 0 : i32
      %dma_start3A_206 = arith.constant 0 : i32
      %dma_start3A_207 = tpu.memref_slice %arg10[%dma_start3A_205, %dma_start3A_206] : memref<10240x128xbf16, #tpu.memory_space<vmem_shared>> -> memref<10240x128xbf16, #tpu.memory_space<vmem_shared>>
      tpu.enqueue_indirect_dma source(%dma_start3A_201 : memref<128x128xbf16, #tpu.memory_space<vmem>>) target(%dma_start3A_207 : memref<10240x128xbf16, #tpu.memory_space<vmem_shared>>) offsets(%dma_start3A_204 : memref<128xi32, #tpu.memory_space<vmem>>) semaphore(%arg12 : memref<!tpu.dma_semaphore, #tpu.memory_space<semaphore_mem>>) {add = true}
      %ge3A_208 = arith.constant 1 : i32
      %ge3A_209 = arith.cmpi sge, %add3A_186, %ge3A_208 : i32
      %convert_element_type3A_210 = arith.extui %ge3A_209 : i1 to i32
      %cond3A_211 = arith.constant 0 : i32
      %cond3A_212 = arith.cmpi ne, %convert_element_type3A_210, %cond3A_211 : i32
      scf.if %cond3A_212 {
        %sub3A_417 = arith.constant 1 : i32
        %sub3A_418 = arith.subi %add3A_186, %sub3A_417 : i32
        %dma_wait3A_419 = arith.constant 1 : i32
        %dma_wait3A_420 = arith.constant 0 : i32
        %dma_wait3A_421 = arith.constant 0 : i32
        %dma_wait3A_422 = tpu.memref_slice %arg9[%dma_wait3A_419, %dma_wait3A_420, %dma_wait3A_421] : memref<8x128x128xbf16, #tpu.memory_space<vmem>> -> memref<1x128x128xbf16, #tpu.memory_space<vmem>>
        %dma_wait3A_423 = tpu.memref_squeeze %dma_wait3A_422 : memref<1x128x128xbf16, #tpu.memory_space<vmem>> -> memref<128x128xbf16, #tpu.memory_space<vmem>>
        %dma_wait3A_424 = arith.constant 0 : i32
        %dma_wait3A_425 = tpu.memref_slice %arg8[%sub3A_418, %dma_wait3A_424] : memref<80x128xi32, #tpu.memory_space<vmem>> -> memref<1x128xi32, #tpu.memory_space<vmem>>
        %dma_wait3A_426 = tpu.memref_squeeze %dma_wait3A_425 : memref<1x128xi32, #tpu.memory_space<vmem>> -> memref<128xi32, #tpu.memory_space<vmem>>
        %dma_wait3A_427 = arith.constant 0 : i32
        %dma_wait3A_428 = arith.constant 0 : i32
        %dma_wait3A_429 = tpu.memref_slice %arg10[%dma_wait3A_427, %dma_wait3A_428] : memref<10240x128xbf16, #tpu.memory_space<vmem_shared>> -> memref<10240x128xbf16, #tpu.memory_space<vmem_shared>>
        tpu.wait_indirect_dma semaphore(%arg12 : memref<!tpu.dma_semaphore, #tpu.memory_space<semaphore_mem>>) src(%dma_wait3A_423 : memref<128x128xbf16, #tpu.memory_space<vmem>>) dst(%dma_wait3A_429 : memref<10240x128xbf16, #tpu.memory_space<vmem_shared>>)
      } else {
      }
      %add3A_213 = arith.constant 8 : i32
      %add3A_214 = arith.addi %add3A_186, %add3A_213 : i32
      %sub3A_215 = arith.constant 1 : i32
      %sub3A_216 = arith.subi %add3A_214, %sub3A_215 : i32
      %le3A_217 = arith.constant 79 : i32
      %le3A_218 = arith.cmpi sle, %sub3A_216, %le3A_217 : i32
      %convert_element_type3A_219 = arith.extui %le3A_218 : i1 to i32
      %cond3A_220 = arith.constant 0 : i32
      %cond3A_221 = arith.cmpi ne, %convert_element_type3A_219, %cond3A_220 : i32
      scf.if %cond3A_221 {
        %add3A_417 = arith.constant 8 : i32
        %add3A_418 = arith.addi %add3A_186, %add3A_417 : i32
        %sub3A_419 = arith.constant 1 : i32
        %sub3A_420 = arith.subi %add3A_418, %sub3A_419 : i32
        %mul3A_421 = arith.constant 128 : i32
        %mul3A_422 = arith.muli %sub3A_420, %mul3A_421 : i32
        %dma_start3A_423 = arith.constant 1 : i32
        %dma_start3A_424 = arith.constant 0 : i32
        %dma_start3A_425 = arith.constant 0 : i32
        %dma_start3A_426 = tpu.memref_slice %arg9[%dma_start3A_423, %dma_start3A_424, %dma_start3A_425] : memref<8x128x128xbf16, #tpu.memory_space<vmem>> -> memref<1x128x128xbf16, #tpu.memory_space<vmem>>
        %dma_start3A_427 = tpu.memref_squeeze %dma_start3A_426 : memref<1x128x128xbf16, #tpu.memory_space<vmem>> -> memref<128x128xbf16, #tpu.memory_space<vmem>>
        %dma_start3A_428 = tpu.memref_slice %arg7[%mul3A_422] : memref<10240xi32, #tpu.memory_space<vmem>> -> memref<128xi32, #tpu.memory_space<vmem>>
        %dma_start3A_429 = arith.constant 0 : i32
        %dma_start3A_430 = arith.constant 0 : i32
        %dma_start3A_431 = tpu.memref_slice %arg2[%dma_start3A_429, %dma_start3A_430] : memref<20480x128xbf16, #tpu.memory_space<hbm>> -> memref<20480x128xbf16, #tpu.memory_space<hbm>>
        tpu.enqueue_indirect_dma source(%dma_start3A_431 : memref<20480x128xbf16, #tpu.memory_space<hbm>>) target(%dma_start3A_427 : memref<128x128xbf16, #tpu.memory_space<vmem>>) offsets(%dma_start3A_428 : memref<128xi32, #tpu.memory_space<vmem>>) semaphore(%arg11 : memref<!tpu.dma_semaphore, #tpu.memory_space<semaphore_mem>>)
      } else {
      }
      %mul3A_222 = arith.constant 8 : i32
      %mul3A_223 = arith.muli %scan3A_109, %mul3A_222 : i32
      %add3A_224 = arith.constant 3 : i32
      %add3A_225 = arith.addi %mul3A_223, %add3A_224 : i32
      %dma_wait3A_226 = arith.constant 3 : i32
      %dma_wait3A_227 = arith.constant 0 : i32
      %dma_wait3A_228 = arith.constant 0 : i32
      %dma_wait3A_229 = tpu.memref_slice %arg9[%dma_wait3A_226, %dma_wait3A_227, %dma_wait3A_228] : memref<8x128x128xbf16, #tpu.memory_space<vmem>> -> memref<1x128x128xbf16, #tpu.memory_space<vmem>>
      %dma_wait3A_230 = tpu.memref_squeeze %dma_wait3A_229 : memref<1x128x128xbf16, #tpu.memory_space<vmem>> -> memref<128x128xbf16, #tpu.memory_space<vmem>>
      %dma_wait3A_231 = arith.constant 0 : i32
      %dma_wait3A_232 = tpu.memref_slice %arg7[%dma_wait3A_231] : memref<10240xi32, #tpu.memory_space<vmem>> -> memref<128xi32, #tpu.memory_space<vmem>>
      %dma_wait3A_233 = arith.constant 0 : i32
      %dma_wait3A_234 = arith.constant 0 : i32
      %dma_wait3A_235 = tpu.memref_slice %arg2[%dma_wait3A_233, %dma_wait3A_234] : memref<20480x128xbf16, #tpu.memory_space<hbm>> -> memref<20480x128xbf16, #tpu.memory_space<hbm>>
      tpu.wait_indirect_dma semaphore(%arg11 : memref<!tpu.dma_semaphore, #tpu.memory_space<semaphore_mem>>) src(%dma_wait3A_235 : memref<20480x128xbf16, #tpu.memory_space<hbm>>) dst(%dma_wait3A_230 : memref<128x128xbf16, #tpu.memory_space<vmem>>)
      %dma_start3A_236 = arith.constant 3 : i32
      %dma_start3A_237 = arith.constant 0 : i32
      %dma_start3A_238 = arith.constant 0 : i32
      %dma_start3A_239 = tpu.memref_slice %arg9[%dma_start3A_236, %dma_start3A_237, %dma_start3A_238] : memref<8x128x128xbf16, #tpu.memory_space<vmem>> -> memref<1x128x128xbf16, #tpu.memory_space<vmem>>
      %dma_start3A_240 = tpu.memref_squeeze %dma_start3A_239 : memref<1x128x128xbf16, #tpu.memory_space<vmem>> -> memref<128x128xbf16, #tpu.memory_space<vmem>>
      %dma_start3A_241 = arith.constant 0 : i32
      %dma_start3A_242 = tpu.memref_slice %arg8[%add3A_225, %dma_start3A_241] : memref<80x128xi32, #tpu.memory_space<vmem>> -> memref<1x128xi32, #tpu.memory_space<vmem>>
      %dma_start3A_243 = tpu.memref_squeeze %dma_start3A_242 : memref<1x128xi32, #tpu.memory_space<vmem>> -> memref<128xi32, #tpu.memory_space<vmem>>
      %dma_start3A_244 = arith.constant 0 : i32
      %dma_start3A_245 = arith.constant 0 : i32
      %dma_start3A_246 = tpu.memref_slice %arg10[%dma_start3A_244, %dma_start3A_245] : memref<10240x128xbf16, #tpu.memory_space<vmem_shared>> -> memref<10240x128xbf16, #tpu.memory_space<vmem_shared>>
      tpu.enqueue_indirect_dma source(%dma_start3A_240 : memref<128x128xbf16, #tpu.memory_space<vmem>>) target(%dma_start3A_246 : memref<10240x128xbf16, #tpu.memory_space<vmem_shared>>) offsets(%dma_start3A_243 : memref<128xi32, #tpu.memory_space<vmem>>) semaphore(%arg12 : memref<!tpu.dma_semaphore, #tpu.memory_space<semaphore_mem>>) {add = true}
      %ge3A_247 = arith.constant 1 : i32
      %ge3A_248 = arith.cmpi sge, %add3A_225, %ge3A_247 : i32
      %convert_element_type3A_249 = arith.extui %ge3A_248 : i1 to i32
      %cond3A_250 = arith.constant 0 : i32
      %cond3A_251 = arith.cmpi ne, %convert_element_type3A_249, %cond3A_250 : i32
      scf.if %cond3A_251 {
        %sub3A_417 = arith.constant 1 : i32
        %sub3A_418 = arith.subi %add3A_225, %sub3A_417 : i32
        %dma_wait3A_419 = arith.constant 2 : i32
        %dma_wait3A_420 = arith.constant 0 : i32
        %dma_wait3A_421 = arith.constant 0 : i32
        %dma_wait3A_422 = tpu.memref_slice %arg9[%dma_wait3A_419, %dma_wait3A_420, %dma_wait3A_421] : memref<8x128x128xbf16, #tpu.memory_space<vmem>> -> memref<1x128x128xbf16, #tpu.memory_space<vmem>>
        %dma_wait3A_423 = tpu.memref_squeeze %dma_wait3A_422 : memref<1x128x128xbf16, #tpu.memory_space<vmem>> -> memref<128x128xbf16, #tpu.memory_space<vmem>>
        %dma_wait3A_424 = arith.constant 0 : i32
        %dma_wait3A_425 = tpu.memref_slice %arg8[%sub3A_418, %dma_wait3A_424] : memref<80x128xi32, #tpu.memory_space<vmem>> -> memref<1x128xi32, #tpu.memory_space<vmem>>
        %dma_wait3A_426 = tpu.memref_squeeze %dma_wait3A_425 : memref<1x128xi32, #tpu.memory_space<vmem>> -> memref<128xi32, #tpu.memory_space<vmem>>
        %dma_wait3A_427 = arith.constant 0 : i32
        %dma_wait3A_428 = arith.constant 0 : i32
        %dma_wait3A_429 = tpu.memref_slice %arg10[%dma_wait3A_427, %dma_wait3A_428] : memref<10240x128xbf16, #tpu.memory_space<vmem_shared>> -> memref<10240x128xbf16, #tpu.memory_space<vmem_shared>>
        tpu.wait_indirect_dma semaphore(%arg12 : memref<!tpu.dma_semaphore, #tpu.memory_space<semaphore_mem>>) src(%dma_wait3A_423 : memref<128x128xbf16, #tpu.memory_space<vmem>>) dst(%dma_wait3A_429 : memref<10240x128xbf16, #tpu.memory_space<vmem_shared>>)
      } else {
      }
      %add3A_252 = arith.constant 8 : i32
      %add3A_253 = arith.addi %add3A_225, %add3A_252 : i32
      %sub3A_254 = arith.constant 1 : i32
      %sub3A_255 = arith.subi %add3A_253, %sub3A_254 : i32
      %le3A_256 = arith.constant 79 : i32
      %le3A_257 = arith.cmpi sle, %sub3A_255, %le3A_256 : i32
      %convert_element_type3A_258 = arith.extui %le3A_257 : i1 to i32
      %cond3A_259 = arith.constant 0 : i32
      %cond3A_260 = arith.cmpi ne, %convert_element_type3A_258, %cond3A_259 : i32
      scf.if %cond3A_260 {
        %add3A_417 = arith.constant 8 : i32
        %add3A_418 = arith.addi %add3A_225, %add3A_417 : i32
        %sub3A_419 = arith.constant 1 : i32
        %sub3A_420 = arith.subi %add3A_418, %sub3A_419 : i32
        %mul3A_421 = arith.constant 128 : i32
        %mul3A_422 = arith.muli %sub3A_420, %mul3A_421 : i32
        %dma_start3A_423 = arith.constant 2 : i32
        %dma_start3A_424 = arith.constant 0 : i32
        %dma_start3A_425 = arith.constant 0 : i32
        %dma_start3A_426 = tpu.memref_slice %arg9[%dma_start3A_423, %dma_start3A_424, %dma_start3A_425] : memref<8x128x128xbf16, #tpu.memory_space<vmem>> -> memref<1x128x128xbf16, #tpu.memory_space<vmem>>
        %dma_start3A_427 = tpu.memref_squeeze %dma_start3A_426 : memref<1x128x128xbf16, #tpu.memory_space<vmem>> -> memref<128x128xbf16, #tpu.memory_space<vmem>>
        %dma_start3A_428 = tpu.memref_slice %arg7[%mul3A_422] : memref<10240xi32, #tpu.memory_space<vmem>> -> memref<128xi32, #tpu.memory_space<vmem>>
        %dma_start3A_429 = arith.constant 0 : i32
        %dma_start3A_430 = arith.constant 0 : i32
        %dma_start3A_431 = tpu.memref_slice %arg2[%dma_start3A_429, %dma_start3A_430] : memref<20480x128xbf16, #tpu.memory_space<hbm>> -> memref<20480x128xbf16, #tpu.memory_space<hbm>>
        tpu.enqueue_indirect_dma source(%dma_start3A_431 : memref<20480x128xbf16, #tpu.memory_space<hbm>>) target(%dma_start3A_427 : memref<128x128xbf16, #tpu.memory_space<vmem>>) offsets(%dma_start3A_428 : memref<128xi32, #tpu.memory_space<vmem>>) semaphore(%arg11 : memref<!tpu.dma_semaphore, #tpu.memory_space<semaphore_mem>>)
      } else {
      }
      %mul3A_261 = arith.constant 8 : i32
      %mul3A_262 = arith.muli %scan3A_109, %mul3A_261 : i32
      %add3A_263 = arith.constant 4 : i32
      %add3A_264 = arith.addi %mul3A_262, %add3A_263 : i32
      %dma_wait3A_265 = arith.constant 4 : i32
      %dma_wait3A_266 = arith.constant 0 : i32
      %dma_wait3A_267 = arith.constant 0 : i32
      %dma_wait3A_268 = tpu.memref_slice %arg9[%dma_wait3A_265, %dma_wait3A_266, %dma_wait3A_267] : memref<8x128x128xbf16, #tpu.memory_space<vmem>> -> memref<1x128x128xbf16, #tpu.memory_space<vmem>>
      %dma_wait3A_269 = tpu.memref_squeeze %dma_wait3A_268 : memref<1x128x128xbf16, #tpu.memory_space<vmem>> -> memref<128x128xbf16, #tpu.memory_space<vmem>>
      %dma_wait3A_270 = arith.constant 0 : i32
      %dma_wait3A_271 = tpu.memref_slice %arg7[%dma_wait3A_270] : memref<10240xi32, #tpu.memory_space<vmem>> -> memref<128xi32, #tpu.memory_space<vmem>>
      %dma_wait3A_272 = arith.constant 0 : i32
      %dma_wait3A_273 = arith.constant 0 : i32
      %dma_wait3A_274 = tpu.memref_slice %arg2[%dma_wait3A_272, %dma_wait3A_273] : memref<20480x128xbf16, #tpu.memory_space<hbm>> -> memref<20480x128xbf16, #tpu.memory_space<hbm>>
      tpu.wait_indirect_dma semaphore(%arg11 : memref<!tpu.dma_semaphore, #tpu.memory_space<semaphore_mem>>) src(%dma_wait3A_274 : memref<20480x128xbf16, #tpu.memory_space<hbm>>) dst(%dma_wait3A_269 : memref<128x128xbf16, #tpu.memory_space<vmem>>)
      %dma_start3A_275 = arith.constant 4 : i32
      %dma_start3A_276 = arith.constant 0 : i32
      %dma_start3A_277 = arith.constant 0 : i32
      %dma_start3A_278 = tpu.memref_slice %arg9[%dma_start3A_275, %dma_start3A_276, %dma_start3A_277] : memref<8x128x128xbf16, #tpu.memory_space<vmem>> -> memref<1x128x128xbf16, #tpu.memory_space<vmem>>
      %dma_start3A_279 = tpu.memref_squeeze %dma_start3A_278 : memref<1x128x128xbf16, #tpu.memory_space<vmem>> -> memref<128x128xbf16, #tpu.memory_space<vmem>>
      %dma_start3A_280 = arith.constant 0 : i32
      %dma_start3A_281 = tpu.memref_slice %arg8[%add3A_264, %dma_start3A_280] : memref<80x128xi32, #tpu.memory_space<vmem>> -> memref<1x128xi32, #tpu.memory_space<vmem>>
      %dma_start3A_282 = tpu.memref_squeeze %dma_start3A_281 : memref<1x128xi32, #tpu.memory_space<vmem>> -> memref<128xi32, #tpu.memory_space<vmem>>
      %dma_start3A_283 = arith.constant 0 : i32
      %dma_start3A_284 = arith.constant 0 : i32
      %dma_start3A_285 = tpu.memref_slice %arg10[%dma_start3A_283, %dma_start3A_284] : memref<10240x128xbf16, #tpu.memory_space<vmem_shared>> -> memref<10240x128xbf16, #tpu.memory_space<vmem_shared>>
      tpu.enqueue_indirect_dma source(%dma_start3A_279 : memref<128x128xbf16, #tpu.memory_space<vmem>>) target(%dma_start3A_285 : memref<10240x128xbf16, #tpu.memory_space<vmem_shared>>) offsets(%dma_start3A_282 : memref<128xi32, #tpu.memory_space<vmem>>) semaphore(%arg12 : memref<!tpu.dma_semaphore, #tpu.memory_space<semaphore_mem>>) {add = true}
      %ge3A_286 = arith.constant 1 : i32
      %ge3A_287 = arith.cmpi sge, %add3A_264, %ge3A_286 : i32
      %convert_element_type3A_288 = arith.extui %ge3A_287 : i1 to i32
      %cond3A_289 = arith.constant 0 : i32
      %cond3A_290 = arith.cmpi ne, %convert_element_type3A_288, %cond3A_289 : i32
      scf.if %cond3A_290 {
        %sub3A_417 = arith.constant 1 : i32
        %sub3A_418 = arith.subi %add3A_264, %sub3A_417 : i32
        %dma_wait3A_419 = arith.constant 3 : i32
        %dma_wait3A_420 = arith.constant 0 : i32
        %dma_wait3A_421 = arith.constant 0 : i32
        %dma_wait3A_422 = tpu.memref_slice %arg9[%dma_wait3A_419, %dma_wait3A_420, %dma_wait3A_421] : memref<8x128x128xbf16, #tpu.memory_space<vmem>> -> memref<1x128x128xbf16, #tpu.memory_space<vmem>>
        %dma_wait3A_423 = tpu.memref_squeeze %dma_wait3A_422 : memref<1x128x128xbf16, #tpu.memory_space<vmem>> -> memref<128x128xbf16, #tpu.memory_space<vmem>>
        %dma_wait3A_424 = arith.constant 0 : i32
        %dma_wait3A_425 = tpu.memref_slice %arg8[%sub3A_418, %dma_wait3A_424] : memref<80x128xi32, #tpu.memory_space<vmem>> -> memref<1x128xi32, #tpu.memory_space<vmem>>
        %dma_wait3A_426 = tpu.memref_squeeze %dma_wait3A_425 : memref<1x128xi32, #tpu.memory_space<vmem>> -> memref<128xi32, #tpu.memory_space<vmem>>
        %dma_wait3A_427 = arith.constant 0 : i32
        %dma_wait3A_428 = arith.constant 0 : i32
        %dma_wait3A_429 = tpu.memref_slice %arg10[%dma_wait3A_427, %dma_wait3A_428] : memref<10240x128xbf16, #tpu.memory_space<vmem_shared>> -> memref<10240x128xbf16, #tpu.memory_space<vmem_shared>>
        tpu.wait_indirect_dma semaphore(%arg12 : memref<!tpu.dma_semaphore, #tpu.memory_space<semaphore_mem>>) src(%dma_wait3A_423 : memref<128x128xbf16, #tpu.memory_space<vmem>>) dst(%dma_wait3A_429 : memref<10240x128xbf16, #tpu.memory_space<vmem_shared>>)
      } else {
      }
      %add3A_291 = arith.constant 8 : i32
      %add3A_292 = arith.addi %add3A_264, %add3A_291 : i32
      %sub3A_293 = arith.constant 1 : i32
      %sub3A_294 = arith.subi %add3A_292, %sub3A_293 : i32
      %le3A_295 = arith.constant 79 : i32
      %le3A_296 = arith.cmpi sle, %sub3A_294, %le3A_295 : i32
      %convert_element_type3A_297 = arith.extui %le3A_296 : i1 to i32
      %cond3A_298 = arith.constant 0 : i32
      %cond3A_299 = arith.cmpi ne, %convert_element_type3A_297, %cond3A_298 : i32
      scf.if %cond3A_299 {
        %add3A_417 = arith.constant 8 : i32
        %add3A_418 = arith.addi %add3A_264, %add3A_417 : i32
        %sub3A_419 = arith.constant 1 : i32
        %sub3A_420 = arith.subi %add3A_418, %sub3A_419 : i32
        %mul3A_421 = arith.constant 128 : i32
        %mul3A_422 = arith.muli %sub3A_420, %mul3A_421 : i32
        %dma_start3A_423 = arith.constant 3 : i32
        %dma_start3A_424 = arith.constant 0 : i32
        %dma_start3A_425 = arith.constant 0 : i32
        %dma_start3A_426 = tpu.memref_slice %arg9[%dma_start3A_423, %dma_start3A_424, %dma_start3A_425] : memref<8x128x128xbf16, #tpu.memory_space<vmem>> -> memref<1x128x128xbf16, #tpu.memory_space<vmem>>
        %dma_start3A_427 = tpu.memref_squeeze %dma_start3A_426 : memref<1x128x128xbf16, #tpu.memory_space<vmem>> -> memref<128x128xbf16, #tpu.memory_space<vmem>>
        %dma_start3A_428 = tpu.memref_slice %arg7[%mul3A_422] : memref<10240xi32, #tpu.memory_space<vmem>> -> memref<128xi32, #tpu.memory_space<vmem>>
        %dma_start3A_429 = arith.constant 0 : i32
        %dma_start3A_430 = arith.constant 0 : i32
        %dma_start3A_431 = tpu.memref_slice %arg2[%dma_start3A_429, %dma_start3A_430] : memref<20480x128xbf16, #tpu.memory_space<hbm>> -> memref<20480x128xbf16, #tpu.memory_space<hbm>>
        tpu.enqueue_indirect_dma source(%dma_start3A_431 : memref<20480x128xbf16, #tpu.memory_space<hbm>>) target(%dma_start3A_427 : memref<128x128xbf16, #tpu.memory_space<vmem>>) offsets(%dma_start3A_428 : memref<128xi32, #tpu.memory_space<vmem>>) semaphore(%arg11 : memref<!tpu.dma_semaphore, #tpu.memory_space<semaphore_mem>>)
      } else {
      }
      %mul3A_300 = arith.constant 8 : i32
      %mul3A_301 = arith.muli %scan3A_109, %mul3A_300 : i32
      %add3A_302 = arith.constant 5 : i32
      %add3A_303 = arith.addi %mul3A_301, %add3A_302 : i32
      %dma_wait3A_304 = arith.constant 5 : i32
      %dma_wait3A_305 = arith.constant 0 : i32
      %dma_wait3A_306 = arith.constant 0 : i32
      %dma_wait3A_307 = tpu.memref_slice %arg9[%dma_wait3A_304, %dma_wait3A_305, %dma_wait3A_306] : memref<8x128x128xbf16, #tpu.memory_space<vmem>> -> memref<1x128x128xbf16, #tpu.memory_space<vmem>>
      %dma_wait3A_308 = tpu.memref_squeeze %dma_wait3A_307 : memref<1x128x128xbf16, #tpu.memory_space<vmem>> -> memref<128x128xbf16, #tpu.memory_space<vmem>>
      %dma_wait3A_309 = arith.constant 0 : i32
      %dma_wait3A_310 = tpu.memref_slice %arg7[%dma_wait3A_309] : memref<10240xi32, #tpu.memory_space<vmem>> -> memref<128xi32, #tpu.memory_space<vmem>>
      %dma_wait3A_311 = arith.constant 0 : i32
      %dma_wait3A_312 = arith.constant 0 : i32
      %dma_wait3A_313 = tpu.memref_slice %arg2[%dma_wait3A_311, %dma_wait3A_312] : memref<20480x128xbf16, #tpu.memory_space<hbm>> -> memref<20480x128xbf16, #tpu.memory_space<hbm>>
      tpu.wait_indirect_dma semaphore(%arg11 : memref<!tpu.dma_semaphore, #tpu.memory_space<semaphore_mem>>) src(%dma_wait3A_313 : memref<20480x128xbf16, #tpu.memory_space<hbm>>) dst(%dma_wait3A_308 : memref<128x128xbf16, #tpu.memory_space<vmem>>)
      %dma_start3A_314 = arith.constant 5 : i32
      %dma_start3A_315 = arith.constant 0 : i32
      %dma_start3A_316 = arith.constant 0 : i32
      %dma_start3A_317 = tpu.memref_slice %arg9[%dma_start3A_314, %dma_start3A_315, %dma_start3A_316] : memref<8x128x128xbf16, #tpu.memory_space<vmem>> -> memref<1x128x128xbf16, #tpu.memory_space<vmem>>
      %dma_start3A_318 = tpu.memref_squeeze %dma_start3A_317 : memref<1x128x128xbf16, #tpu.memory_space<vmem>> -> memref<128x128xbf16, #tpu.memory_space<vmem>>
      %dma_start3A_319 = arith.constant 0 : i32
      %dma_start3A_320 = tpu.memref_slice %arg8[%add3A_303, %dma_start3A_319] : memref<80x128xi32, #tpu.memory_space<vmem>> -> memref<1x128xi32, #tpu.memory_space<vmem>>
      %dma_start3A_321 = tpu.memref_squeeze %dma_start3A_320 : memref<1x128xi32, #tpu.memory_space<vmem>> -> memref<128xi32, #tpu.memory_space<vmem>>
      %dma_start3A_322 = arith.constant 0 : i32
      %dma_start3A_323 = arith.constant 0 : i32
      %dma_start3A_324 = tpu.memref_slice %arg10[%dma_start3A_322, %dma_start3A_323] : memref<10240x128xbf16, #tpu.memory_space<vmem_shared>> -> memref<10240x128xbf16, #tpu.memory_space<vmem_shared>>
      tpu.enqueue_indirect_dma source(%dma_start3A_318 : memref<128x128xbf16, #tpu.memory_space<vmem>>) target(%dma_start3A_324 : memref<10240x128xbf16, #tpu.memory_space<vmem_shared>>) offsets(%dma_start3A_321 : memref<128xi32, #tpu.memory_space<vmem>>) semaphore(%arg12 : memref<!tpu.dma_semaphore, #tpu.memory_space<semaphore_mem>>) {add = true}
      %ge3A_325 = arith.constant 1 : i32
      %ge3A_326 = arith.cmpi sge, %add3A_303, %ge3A_325 : i32
      %convert_element_type3A_327 = arith.extui %ge3A_326 : i1 to i32
      %cond3A_328 = arith.constant 0 : i32
      %cond3A_329 = arith.cmpi ne, %convert_element_type3A_327, %cond3A_328 : i32
      scf.if %cond3A_329 {
        %sub3A_417 = arith.constant 1 : i32
        %sub3A_418 = arith.subi %add3A_303, %sub3A_417 : i32
        %dma_wait3A_419 = arith.constant 4 : i32
        %dma_wait3A_420 = arith.constant 0 : i32
        %dma_wait3A_421 = arith.constant 0 : i32
        %dma_wait3A_422 = tpu.memref_slice %arg9[%dma_wait3A_419, %dma_wait3A_420, %dma_wait3A_421] : memref<8x128x128xbf16, #tpu.memory_space<vmem>> -> memref<1x128x128xbf16, #tpu.memory_space<vmem>>
        %dma_wait3A_423 = tpu.memref_squeeze %dma_wait3A_422 : memref<1x128x128xbf16, #tpu.memory_space<vmem>> -> memref<128x128xbf16, #tpu.memory_space<vmem>>
        %dma_wait3A_424 = arith.constant 0 : i32
        %dma_wait3A_425 = tpu.memref_slice %arg8[%sub3A_418, %dma_wait3A_424] : memref<80x128xi32, #tpu.memory_space<vmem>> -> memref<1x128xi32, #tpu.memory_space<vmem>>
        %dma_wait3A_426 = tpu.memref_squeeze %dma_wait3A_425 : memref<1x128xi32, #tpu.memory_space<vmem>> -> memref<128xi32, #tpu.memory_space<vmem>>
        %dma_wait3A_427 = arith.constant 0 : i32
        %dma_wait3A_428 = arith.constant 0 : i32
        %dma_wait3A_429 = tpu.memref_slice %arg10[%dma_wait3A_427, %dma_wait3A_428] : memref<10240x128xbf16, #tpu.memory_space<vmem_shared>> -> memref<10240x128xbf16, #tpu.memory_space<vmem_shared>>
        tpu.wait_indirect_dma semaphore(%arg12 : memref<!tpu.dma_semaphore, #tpu.memory_space<semaphore_mem>>) src(%dma_wait3A_423 : memref<128x128xbf16, #tpu.memory_space<vmem>>) dst(%dma_wait3A_429 : memref<10240x128xbf16, #tpu.memory_space<vmem_shared>>)
      } else {
      }
      %add3A_330 = arith.constant 8 : i32
      %add3A_331 = arith.addi %add3A_303, %add3A_330 : i32
      %sub3A_332 = arith.constant 1 : i32
      %sub3A_333 = arith.subi %add3A_331, %sub3A_332 : i32
      %le3A_334 = arith.constant 79 : i32
      %le3A_335 = arith.cmpi sle, %sub3A_333, %le3A_334 : i32
      %convert_element_type3A_336 = arith.extui %le3A_335 : i1 to i32
      %cond3A_337 = arith.constant 0 : i32
      %cond3A_338 = arith.cmpi ne, %convert_element_type3A_336, %cond3A_337 : i32
      scf.if %cond3A_338 {
        %add3A_417 = arith.constant 8 : i32
        %add3A_418 = arith.addi %add3A_303, %add3A_417 : i32
        %sub3A_419 = arith.constant 1 : i32
        %sub3A_420 = arith.subi %add3A_418, %sub3A_419 : i32
        %mul3A_421 = arith.constant 128 : i32
        %mul3A_422 = arith.muli %sub3A_420, %mul3A_421 : i32
        %dma_start3A_423 = arith.constant 4 : i32
        %dma_start3A_424 = arith.constant 0 : i32
        %dma_start3A_425 = arith.constant 0 : i32
        %dma_start3A_426 = tpu.memref_slice %arg9[%dma_start3A_423, %dma_start3A_424, %dma_start3A_425] : memref<8x128x128xbf16, #tpu.memory_space<vmem>> -> memref<1x128x128xbf16, #tpu.memory_space<vmem>>
        %dma_start3A_427 = tpu.memref_squeeze %dma_start3A_426 : memref<1x128x128xbf16, #tpu.memory_space<vmem>> -> memref<128x128xbf16, #tpu.memory_space<vmem>>
        %dma_start3A_428 = tpu.memref_slice %arg7[%mul3A_422] : memref<10240xi32, #tpu.memory_space<vmem>> -> memref<128xi32, #tpu.memory_space<vmem>>
        %dma_start3A_429 = arith.constant 0 : i32
        %dma_start3A_430 = arith.constant 0 : i32
        %dma_start3A_431 = tpu.memref_slice %arg2[%dma_start3A_429, %dma_start3A_430] : memref<20480x128xbf16, #tpu.memory_space<hbm>> -> memref<20480x128xbf16, #tpu.memory_space<hbm>>
        tpu.enqueue_indirect_dma source(%dma_start3A_431 : memref<20480x128xbf16, #tpu.memory_space<hbm>>) target(%dma_start3A_427 : memref<128x128xbf16, #tpu.memory_space<vmem>>) offsets(%dma_start3A_428 : memref<128xi32, #tpu.memory_space<vmem>>) semaphore(%arg11 : memref<!tpu.dma_semaphore, #tpu.memory_space<semaphore_mem>>)
      } else {
      }
      %mul3A_339 = arith.constant 8 : i32
      %mul3A_340 = arith.muli %scan3A_109, %mul3A_339 : i32
      %add3A_341 = arith.constant 6 : i32
      %add3A_342 = arith.addi %mul3A_340, %add3A_341 : i32
      %dma_wait3A_343 = arith.constant 6 : i32
      %dma_wait3A_344 = arith.constant 0 : i32
      %dma_wait3A_345 = arith.constant 0 : i32
      %dma_wait3A_346 = tpu.memref_slice %arg9[%dma_wait3A_343, %dma_wait3A_344, %dma_wait3A_345] : memref<8x128x128xbf16, #tpu.memory_space<vmem>> -> memref<1x128x128xbf16, #tpu.memory_space<vmem>>
      %dma_wait3A_347 = tpu.memref_squeeze %dma_wait3A_346 : memref<1x128x128xbf16, #tpu.memory_space<vmem>> -> memref<128x128xbf16, #tpu.memory_space<vmem>>
      %dma_wait3A_348 = arith.constant 0 : i32
      %dma_wait3A_349 = tpu.memref_slice %arg7[%dma_wait3A_348] : memref<10240xi32, #tpu.memory_space<vmem>> -> memref<128xi32, #tpu.memory_space<vmem>>
      %dma_wait3A_350 = arith.constant 0 : i32
      %dma_wait3A_351 = arith.constant 0 : i32
      %dma_wait3A_352 = tpu.memref_slice %arg2[%dma_wait3A_350, %dma_wait3A_351] : memref<20480x128xbf16, #tpu.memory_space<hbm>> -> memref<20480x128xbf16, #tpu.memory_space<hbm>>
      tpu.wait_indirect_dma semaphore(%arg11 : memref<!tpu.dma_semaphore, #tpu.memory_space<semaphore_mem>>) src(%dma_wait3A_352 : memref<20480x128xbf16, #tpu.memory_space<hbm>>) dst(%dma_wait3A_347 : memref<128x128xbf16, #tpu.memory_space<vmem>>)
      %dma_start3A_353 = arith.constant 6 : i32
      %dma_start3A_354 = arith.constant 0 : i32
      %dma_start3A_355 = arith.constant 0 : i32
      %dma_start3A_356 = tpu.memref_slice %arg9[%dma_start3A_353, %dma_start3A_354, %dma_start3A_355] : memref<8x128x128xbf16, #tpu.memory_space<vmem>> -> memref<1x128x128xbf16, #tpu.memory_space<vmem>>
      %dma_start3A_357 = tpu.memref_squeeze %dma_start3A_356 : memref<1x128x128xbf16, #tpu.memory_space<vmem>> -> memref<128x128xbf16, #tpu.memory_space<vmem>>
      %dma_start3A_358 = arith.constant 0 : i32
      %dma_start3A_359 = tpu.memref_slice %arg8[%add3A_342, %dma_start3A_358] : memref<80x128xi32, #tpu.memory_space<vmem>> -> memref<1x128xi32, #tpu.memory_space<vmem>>
      %dma_start3A_360 = tpu.memref_squeeze %dma_start3A_359 : memref<1x128xi32, #tpu.memory_space<vmem>> -> memref<128xi32, #tpu.memory_space<vmem>>
      %dma_start3A_361 = arith.constant 0 : i32
      %dma_start3A_362 = arith.constant 0 : i32
      %dma_start3A_363 = tpu.memref_slice %arg10[%dma_start3A_361, %dma_start3A_362] : memref<10240x128xbf16, #tpu.memory_space<vmem_shared>> -> memref<10240x128xbf16, #tpu.memory_space<vmem_shared>>
      tpu.enqueue_indirect_dma source(%dma_start3A_357 : memref<128x128xbf16, #tpu.memory_space<vmem>>) target(%dma_start3A_363 : memref<10240x128xbf16, #tpu.memory_space<vmem_shared>>) offsets(%dma_start3A_360 : memref<128xi32, #tpu.memory_space<vmem>>) semaphore(%arg12 : memref<!tpu.dma_semaphore, #tpu.memory_space<semaphore_mem>>) {add = true}
      %ge3A_364 = arith.constant 1 : i32
      %ge3A_365 = arith.cmpi sge, %add3A_342, %ge3A_364 : i32
      %convert_element_type3A_366 = arith.extui %ge3A_365 : i1 to i32
      %cond3A_367 = arith.constant 0 : i32
      %cond3A_368 = arith.cmpi ne, %convert_element_type3A_366, %cond3A_367 : i32
      scf.if %cond3A_368 {
        %sub3A_417 = arith.constant 1 : i32
        %sub3A_418 = arith.subi %add3A_342, %sub3A_417 : i32
        %dma_wait3A_419 = arith.constant 5 : i32
        %dma_wait3A_420 = arith.constant 0 : i32
        %dma_wait3A_421 = arith.constant 0 : i32
        %dma_wait3A_422 = tpu.memref_slice %arg9[%dma_wait3A_419, %dma_wait3A_420, %dma_wait3A_421] : memref<8x128x128xbf16, #tpu.memory_space<vmem>> -> memref<1x128x128xbf16, #tpu.memory_space<vmem>>
        %dma_wait3A_423 = tpu.memref_squeeze %dma_wait3A_422 : memref<1x128x128xbf16, #tpu.memory_space<vmem>> -> memref<128x128xbf16, #tpu.memory_space<vmem>>
        %dma_wait3A_424 = arith.constant 0 : i32
        %dma_wait3A_425 = tpu.memref_slice %arg8[%sub3A_418, %dma_wait3A_424] : memref<80x128xi32, #tpu.memory_space<vmem>> -> memref<1x128xi32, #tpu.memory_space<vmem>>
        %dma_wait3A_426 = tpu.memref_squeeze %dma_wait3A_425 : memref<1x128xi32, #tpu.memory_space<vmem>> -> memref<128xi32, #tpu.memory_space<vmem>>
        %dma_wait3A_427 = arith.constant 0 : i32
        %dma_wait3A_428 = arith.constant 0 : i32
        %dma_wait3A_429 = tpu.memref_slice %arg10[%dma_wait3A_427, %dma_wait3A_428] : memref<10240x128xbf16, #tpu.memory_space<vmem_shared>> -> memref<10240x128xbf16, #tpu.memory_space<vmem_shared>>
        tpu.wait_indirect_dma semaphore(%arg12 : memref<!tpu.dma_semaphore, #tpu.memory_space<semaphore_mem>>) src(%dma_wait3A_423 : memref<128x128xbf16, #tpu.memory_space<vmem>>) dst(%dma_wait3A_429 : memref<10240x128xbf16, #tpu.memory_space<vmem_shared>>)
      } else {
      }
      %add3A_369 = arith.constant 8 : i32
      %add3A_370 = arith.addi %add3A_342, %add3A_369 : i32
      %sub3A_371 = arith.constant 1 : i32
      %sub3A_372 = arith.subi %add3A_370, %sub3A_371 : i32
      %le3A_373 = arith.constant 79 : i32
      %le3A_374 = arith.cmpi sle, %sub3A_372, %le3A_373 : i32
      %convert_element_type3A_375 = arith.extui %le3A_374 : i1 to i32
      %cond3A_376 = arith.constant 0 : i32
      %cond3A_377 = arith.cmpi ne, %convert_element_type3A_375, %cond3A_376 : i32
      scf.if %cond3A_377 {
        %add3A_417 = arith.constant 8 : i32
        %add3A_418 = arith.addi %add3A_342, %add3A_417 : i32
        %sub3A_419 = arith.constant 1 : i32
        %sub3A_420 = arith.subi %add3A_418, %sub3A_419 : i32
        %mul3A_421 = arith.constant 128 : i32
        %mul3A_422 = arith.muli %sub3A_420, %mul3A_421 : i32
        %dma_start3A_423 = arith.constant 5 : i32
        %dma_start3A_424 = arith.constant 0 : i32
        %dma_start3A_425 = arith.constant 0 : i32
        %dma_start3A_426 = tpu.memref_slice %arg9[%dma_start3A_423, %dma_start3A_424, %dma_start3A_425] : memref<8x128x128xbf16, #tpu.memory_space<vmem>> -> memref<1x128x128xbf16, #tpu.memory_space<vmem>>
        %dma_start3A_427 = tpu.memref_squeeze %dma_start3A_426 : memref<1x128x128xbf16, #tpu.memory_space<vmem>> -> memref<128x128xbf16, #tpu.memory_space<vmem>>
        %dma_start3A_428 = tpu.memref_slice %arg7[%mul3A_422] : memref<10240xi32, #tpu.memory_space<vmem>> -> memref<128xi32, #tpu.memory_space<vmem>>
        %dma_start3A_429 = arith.constant 0 : i32
        %dma_start3A_430 = arith.constant 0 : i32
        %dma_start3A_431 = tpu.memref_slice %arg2[%dma_start3A_429, %dma_start3A_430] : memref<20480x128xbf16, #tpu.memory_space<hbm>> -> memref<20480x128xbf16, #tpu.memory_space<hbm>>
        tpu.enqueue_indirect_dma source(%dma_start3A_431 : memref<20480x128xbf16, #tpu.memory_space<hbm>>) target(%dma_start3A_427 : memref<128x128xbf16, #tpu.memory_space<vmem>>) offsets(%dma_start3A_428 : memref<128xi32, #tpu.memory_space<vmem>>) semaphore(%arg11 : memref<!tpu.dma_semaphore, #tpu.memory_space<semaphore_mem>>)
      } else {
      }
      %mul3A_378 = arith.constant 8 : i32
      %mul3A_379 = arith.muli %scan3A_109, %mul3A_378 : i32
      %add3A_380 = arith.constant 7 : i32
      %add3A_381 = arith.addi %mul3A_379, %add3A_380 : i32
      %dma_wait3A_382 = arith.constant 7 : i32
      %dma_wait3A_383 = arith.constant 0 : i32
      %dma_wait3A_384 = arith.constant 0 : i32
      %dma_wait3A_385 = tpu.memref_slice %arg9[%dma_wait3A_382, %dma_wait3A_383, %dma_wait3A_384] : memref<8x128x128xbf16, #tpu.memory_space<vmem>> -> memref<1x128x128xbf16, #tpu.memory_space<vmem>>
      %dma_wait3A_386 = tpu.memref_squeeze %dma_wait3A_385 : memref<1x128x128xbf16, #tpu.memory_space<vmem>> -> memref<128x128xbf16, #tpu.memory_space<vmem>>
      %dma_wait3A_387 = arith.constant 0 : i32
      %dma_wait3A_388 = tpu.memref_slice %arg7[%dma_wait3A_387] : memref<10240xi32, #tpu.memory_space<vmem>> -> memref<128xi32, #tpu.memory_space<vmem>>
      %dma_wait3A_389 = arith.constant 0 : i32
      %dma_wait3A_390 = arith.constant 0 : i32
      %dma_wait3A_391 = tpu.memref_slice %arg2[%dma_wait3A_389, %dma_wait3A_390] : memref<20480x128xbf16, #tpu.memory_space<hbm>> -> memref<20480x128xbf16, #tpu.memory_space<hbm>>
      tpu.wait_indirect_dma semaphore(%arg11 : memref<!tpu.dma_semaphore, #tpu.memory_space<semaphore_mem>>) src(%dma_wait3A_391 : memref<20480x128xbf16, #tpu.memory_space<hbm>>) dst(%dma_wait3A_386 : memref<128x128xbf16, #tpu.memory_space<vmem>>)
      %dma_start3A_392 = arith.constant 7 : i32
      %dma_start3A_393 = arith.constant 0 : i32
      %dma_start3A_394 = arith.constant 0 : i32
      %dma_start3A_395 = tpu.memref_slice %arg9[%dma_start3A_392, %dma_start3A_393, %dma_start3A_394] : memref<8x128x128xbf16, #tpu.memory_space<vmem>> -> memref<1x128x128xbf16, #tpu.memory_space<vmem>>
      %dma_start3A_396 = tpu.memref_squeeze %dma_start3A_395 : memref<1x128x128xbf16, #tpu.memory_space<vmem>> -> memref<128x128xbf16, #tpu.memory_space<vmem>>
      %dma_start3A_397 = arith.constant 0 : i32
      %dma_start3A_398 = tpu.memref_slice %arg8[%add3A_381, %dma_start3A_397] : memref<80x128xi32, #tpu.memory_space<vmem>> -> memref<1x128xi32, #tpu.memory_space<vmem>>
      %dma_start3A_399 = tpu.memref_squeeze %dma_start3A_398 : memref<1x128xi32, #tpu.memory_space<vmem>> -> memref<128xi32, #tpu.memory_space<vmem>>
      %dma_start3A_400 = arith.constant 0 : i32
      %dma_start3A_401 = arith.constant 0 : i32
      %dma_start3A_402 = tpu.memref_slice %arg10[%dma_start3A_400, %dma_start3A_401] : memref<10240x128xbf16, #tpu.memory_space<vmem_shared>> -> memref<10240x128xbf16, #tpu.memory_space<vmem_shared>>
      tpu.enqueue_indirect_dma source(%dma_start3A_396 : memref<128x128xbf16, #tpu.memory_space<vmem>>) target(%dma_start3A_402 : memref<10240x128xbf16, #tpu.memory_space<vmem_shared>>) offsets(%dma_start3A_399 : memref<128xi32, #tpu.memory_space<vmem>>) semaphore(%arg12 : memref<!tpu.dma_semaphore, #tpu.memory_space<semaphore_mem>>) {add = true}
      %ge3A_403 = arith.constant 1 : i32
      %ge3A_404 = arith.cmpi sge, %add3A_381, %ge3A_403 : i32
      %convert_element_type3A_405 = arith.extui %ge3A_404 : i1 to i32
      %cond3A_406 = arith.constant 0 : i32
      %cond3A_407 = arith.cmpi ne, %convert_element_type3A_405, %cond3A_406 : i32
      scf.if %cond3A_407 {
        %sub3A_417 = arith.constant 1 : i32
        %sub3A_418 = arith.subi %add3A_381, %sub3A_417 : i32
        %dma_wait3A_419 = arith.constant 6 : i32
        %dma_wait3A_420 = arith.constant 0 : i32
        %dma_wait3A_421 = arith.constant 0 : i32
        %dma_wait3A_422 = tpu.memref_slice %arg9[%dma_wait3A_419, %dma_wait3A_420, %dma_wait3A_421] : memref<8x128x128xbf16, #tpu.memory_space<vmem>> -> memref<1x128x128xbf16, #tpu.memory_space<vmem>>
        %dma_wait3A_423 = tpu.memref_squeeze %dma_wait3A_422 : memref<1x128x128xbf16, #tpu.memory_space<vmem>> -> memref<128x128xbf16, #tpu.memory_space<vmem>>
        %dma_wait3A_424 = arith.constant 0 : i32
        %dma_wait3A_425 = tpu.memref_slice %arg8[%sub3A_418, %dma_wait3A_424] : memref<80x128xi32, #tpu.memory_space<vmem>> -> memref<1x128xi32, #tpu.memory_space<vmem>>
        %dma_wait3A_426 = tpu.memref_squeeze %dma_wait3A_425 : memref<1x128xi32, #tpu.memory_space<vmem>> -> memref<128xi32, #tpu.memory_space<vmem>>
        %dma_wait3A_427 = arith.constant 0 : i32
        %dma_wait3A_428 = arith.constant 0 : i32
        %dma_wait3A_429 = tpu.memref_slice %arg10[%dma_wait3A_427, %dma_wait3A_428] : memref<10240x128xbf16, #tpu.memory_space<vmem_shared>> -> memref<10240x128xbf16, #tpu.memory_space<vmem_shared>>
        tpu.wait_indirect_dma semaphore(%arg12 : memref<!tpu.dma_semaphore, #tpu.memory_space<semaphore_mem>>) src(%dma_wait3A_423 : memref<128x128xbf16, #tpu.memory_space<vmem>>) dst(%dma_wait3A_429 : memref<10240x128xbf16, #tpu.memory_space<vmem_shared>>)
      } else {
      }
      %add3A_408 = arith.constant 8 : i32
      %add3A_409 = arith.addi %add3A_381, %add3A_408 : i32
      %sub3A_410 = arith.constant 1 : i32
      %sub3A_411 = arith.subi %add3A_409, %sub3A_410 : i32
      %le3A_412 = arith.constant 79 : i32
      %le3A_413 = arith.cmpi sle, %sub3A_411, %le3A_412 : i32
      %convert_element_type3A_414 = arith.extui %le3A_413 : i1 to i32
      %cond3A_415 = arith.constant 0 : i32
      %cond3A_416 = arith.cmpi ne, %convert_element_type3A_414, %cond3A_415 : i32
      scf.if %cond3A_416 {
        %add3A_417 = arith.constant 8 : i32
        %add3A_418 = arith.addi %add3A_381, %add3A_417 : i32
        %sub3A_419 = arith.constant 1 : i32
        %sub3A_420 = arith.subi %add3A_418, %sub3A_419 : i32
        %mul3A_421 = arith.constant 128 : i32
        %mul3A_422 = arith.muli %sub3A_420, %mul3A_421 : i32
        %dma_start3A_423 = arith.constant 6 : i32
        %dma_start3A_424 = arith.constant 0 : i32
        %dma_start3A_425 = arith.constant 0 : i32
        %dma_start3A_426 = tpu.memref_slice %arg9[%dma_start3A_423, %dma_start3A_424, %dma_start3A_425] : memref<8x128x128xbf16, #tpu.memory_space<vmem>> -> memref<1x128x128xbf16, #tpu.memory_space<vmem>>
        %dma_start3A_427 = tpu.memref_squeeze %dma_start3A_426 : memref<1x128x128xbf16, #tpu.memory_space<vmem>> -> memref<128x128xbf16, #tpu.memory_space<vmem>>
        %dma_start3A_428 = tpu.memref_slice %arg7[%mul3A_422] : memref<10240xi32, #tpu.memory_space<vmem>> -> memref<128xi32, #tpu.memory_space<vmem>>
        %dma_start3A_429 = arith.constant 0 : i32
        %dma_start3A_430 = arith.constant 0 : i32
        %dma_start3A_431 = tpu.memref_slice %arg2[%dma_start3A_429, %dma_start3A_430] : memref<20480x128xbf16, #tpu.memory_space<hbm>> -> memref<20480x128xbf16, #tpu.memory_space<hbm>>
        tpu.enqueue_indirect_dma source(%dma_start3A_431 : memref<20480x128xbf16, #tpu.memory_space<hbm>>) target(%dma_start3A_427 : memref<128x128xbf16, #tpu.memory_space<vmem>>) offsets(%dma_start3A_428 : memref<128xi32, #tpu.memory_space<vmem>>) semaphore(%arg11 : memref<!tpu.dma_semaphore, #tpu.memory_space<semaphore_mem>>)
      } else {
      }
    }
    %scan3A_88 = arith.constant 10 : i32
    %dma_wait3A = arith.constant 7 : i32
    %dma_wait3A_89 = arith.constant 79 : i32
    %dma_wait3A_90 = arith.constant 0 : i32
    %dma_wait3A_91 = arith.constant 0 : i32
    %dma_wait3A_92 = tpu.memref_slice %arg9[%dma_wait3A, %dma_wait3A_90, %dma_wait3A_91] : memref<8x128x128xbf16, #tpu.memory_space<vmem>> -> memref<1x128x128xbf16, #tpu.memory_space<vmem>>
    %dma_wait3A_93 = tpu.memref_squeeze %dma_wait3A_92 : memref<1x128x128xbf16, #tpu.memory_space<vmem>> -> memref<128x128xbf16, #tpu.memory_space<vmem>>
    %dma_wait3A_94 = arith.constant 0 : i32
    %dma_wait3A_95 = tpu.memref_slice %arg8[%dma_wait3A_89, %dma_wait3A_94] : memref<80x128xi32, #tpu.memory_space<vmem>> -> memref<1x128xi32, #tpu.memory_space<vmem>>
    %dma_wait3A_96 = tpu.memref_squeeze %dma_wait3A_95 : memref<1x128xi32, #tpu.memory_space<vmem>> -> memref<128xi32, #tpu.memory_space<vmem>>
    %dma_wait3A_97 = arith.constant 0 : i32
    %dma_wait3A_98 = arith.constant 0 : i32
    %dma_wait3A_99 = tpu.memref_slice %arg10[%dma_wait3A_97, %dma_wait3A_98] : memref<10240x128xbf16, #tpu.memory_space<vmem_shared>> -> memref<10240x128xbf16, #tpu.memory_space<vmem_shared>>
    tpu.wait_indirect_dma semaphore(%arg12 : memref<!tpu.dma_semaphore, #tpu.memory_space<semaphore_mem>>) src(%dma_wait3A_93 : memref<128x128xbf16, #tpu.memory_space<vmem>>) dst(%dma_wait3A_99 : memref<10240x128xbf16, #tpu.memory_space<vmem_shared>>)
    %scan3A_100 = arith.constant 1 : i32
    %barrier3A_101 = arith.constant 0 : index
    tpu.barrier barrier_id(%barrier3A_101)
    %mul3A_102 = arith.constant 640 : i32
    %mul3A_103 = arith.muli %arg1, %mul3A_102 : i32
    %mul3A_104 = arith.constant 10240 : i32
    %mul3A_105 = arith.muli %arg0, %mul3A_104 : i32
    %mul3A_106 = arith.constant 640 : i32
    %mul3A_107 = arith.muli %arg1, %mul3A_106 : i32
    %add3A_108 = arith.addi %mul3A_105, %mul3A_107 : i32
    "tpu.region"() ({
      %run_scoped3A = tpu.sem_alloc : memref<!tpu.dma_semaphore, #tpu.memory_space<semaphore_mem>>
      %dma_start3A_109 = arith.constant 0 : i32
      %dma_start3A_110 = tpu.memref_slice %arg6[%add3A_108, %dma_start3A_109] : memref<20480x128xbf16, #tpu.memory_space<hbm>> -> memref<640x128xbf16, #tpu.memory_space<hbm>>
      %dma_start3A_111 = arith.constant 0 : i32
      %dma_start3A_112 = tpu.memref_slice %arg10[%mul3A_103, %dma_start3A_111] : memref<10240x128xbf16, #tpu.memory_space<vmem_shared>> -> memref<640x128xbf16, #tpu.memory_space<vmem_shared>>
      tpu.enqueue_dma source(%dma_start3A_112 : memref<640x128xbf16, #tpu.memory_space<vmem_shared>>) target(%dma_start3A_110 : memref<640x128xbf16, #tpu.memory_space<hbm>>) target_semaphore(%run_scoped3A : memref<!tpu.dma_semaphore, #tpu.memory_space<semaphore_mem>>)
      %dma_wait3A_113 = arith.constant 0 : i32
      %dma_wait3A_114 = tpu.memref_slice %arg6[%add3A_108, %dma_wait3A_113] : memref<20480x128xbf16, #tpu.memory_space<hbm>> -> memref<640x128xbf16, #tpu.memory_space<hbm>>
      %dma_wait3A_115 = arith.constant 0 : i32
      %dma_wait3A_116 = tpu.memref_slice %arg10[%mul3A_103, %dma_wait3A_115] : memref<10240x128xbf16, #tpu.memory_space<vmem_shared>> -> memref<640x128xbf16, #tpu.memory_space<vmem_shared>>
      tpu.wait_dma2 semaphore(%run_scoped3A : memref<!tpu.dma_semaphore, #tpu.memory_space<semaphore_mem>>) src(%dma_wait3A_116 : memref<640x128xbf16, #tpu.memory_space<vmem_shared>>) dst(%dma_wait3A_114 : memref<640x128xbf16, #tpu.memory_space<hbm>>)
      tpu.yield
    }) : () -> ()
    return
  }
}

#map = affine_map<(d0, d1) -> (0)>
#map1 = affine_map<(d0, d1) -> (0, 0)>
module attributes {stable_mosaic.version = 14 : i64} {
  func.func @deg_kernel(%arg0: i32, %arg1: i32, %arg2: memref<163840xi32, #tpu.memory_space<hbm>>, %arg3: memref<128x16xf32, #tpu.memory_space<hbm>>, %arg4: memref<640x16xf32, #tpu.memory_space<hbm>>, %arg5: memref<20480x16xf32, #tpu.memory_space<hbm>>, %arg6: memref<128xi32, #tpu.memory_space<vmem>>, %arg7: memref<128x16xf32, #tpu.memory_space<vmem>>, %arg8: memref<10240x16xf32, #tpu.memory_space<vmem_shared>>) attributes {dimension_semantics = [#tpu.dimension_semantics<core_parallel>, #tpu.dimension_semantics<subcore_parallel>], iteration_bounds = array<i64: 2, 16>, scalar_prefetch = 0 : i64, scratch_operands = 3 : i64, tpu.core_type = #tpu.core_type<sc_vector_subcore>, window_params = [{transform_indices = #map}, {transform_indices = #map1}, {transform_indices = #map1}, {transform_indices = #map1}]} {
    "tpu.region"() ({
      %run_scoped3A = tpu.sem_alloc : memref<!tpu.dma_semaphore, #tpu.memory_space<semaphore_mem>>
      tpu.enqueue_dma source(%arg3 : memref<128x16xf32, #tpu.memory_space<hbm>>) target(%arg7 : memref<128x16xf32, #tpu.memory_space<vmem>>) target_semaphore(%run_scoped3A : memref<!tpu.dma_semaphore, #tpu.memory_space<semaphore_mem>>)
      tpu.wait_dma2 semaphore(%run_scoped3A : memref<!tpu.dma_semaphore, #tpu.memory_space<semaphore_mem>>) src(%arg3 : memref<128x16xf32, #tpu.memory_space<hbm>>) dst(%arg7 : memref<128x16xf32, #tpu.memory_space<vmem>>)
      tpu.yield
    }) : () -> ()
    %mul3A = arith.constant 640 : i32
    %mul3A_0 = arith.muli %arg1, %mul3A : i32
    "tpu.region"() ({
      %run_scoped3A = tpu.sem_alloc : memref<!tpu.dma_semaphore, #tpu.memory_space<semaphore_mem>>
      %dma_start3A = arith.constant 0 : i32
      %dma_start3A_18 = tpu.memref_slice %arg8[%mul3A_0, %dma_start3A] : memref<10240x16xf32, #tpu.memory_space<vmem_shared>> -> memref<640x16xf32, #tpu.memory_space<vmem_shared>>
      tpu.enqueue_dma source(%arg4 : memref<640x16xf32, #tpu.memory_space<hbm>>) target(%dma_start3A_18 : memref<640x16xf32, #tpu.memory_space<vmem_shared>>) target_semaphore(%run_scoped3A : memref<!tpu.dma_semaphore, #tpu.memory_space<semaphore_mem>>)
      %dma_wait3A = arith.constant 0 : i32
      %dma_wait3A_19 = tpu.memref_slice %arg8[%mul3A_0, %dma_wait3A] : memref<10240x16xf32, #tpu.memory_space<vmem_shared>> -> memref<640x16xf32, #tpu.memory_space<vmem_shared>>
      tpu.wait_dma2 semaphore(%run_scoped3A : memref<!tpu.dma_semaphore, #tpu.memory_space<semaphore_mem>>) src(%arg4 : memref<640x16xf32, #tpu.memory_space<hbm>>) dst(%dma_wait3A_19 : memref<640x16xf32, #tpu.memory_space<vmem_shared>>)
      tpu.yield
    }) : () -> ()
    %barrier3A = arith.constant 0 : index
    tpu.barrier barrier_id(%barrier3A)
    %mul3A_1 = arith.constant 16 : i32
    %mul3A_2 = arith.muli %arg0, %mul3A_1 : i32
    %add3A = arith.addi %mul3A_2, %arg1 : i32
    %mul3A_3 = arith.constant 5120 : i32
    %mul3A_4 = arith.muli %add3A, %mul3A_3 : i32
    %scan3A = arith.constant 0 : i32
    %scan3A_5 = arith.constant 0 : i32
    %scan3A_6 = arith.constant 40 : i32
    %scan3A_7 = arith.addi %scan3A_5, %scan3A_6 : i32
    %scan3A_8 = arith.constant 1 : i32
    scf.for %scan3A_18 = %scan3A_5 to %scan3A_7 step %scan3A_8  : i32 {
      %mul3A_19 = arith.constant 128 : i32
      %mul3A_20 = arith.muli %scan3A_18, %mul3A_19 : i32
      %add3A_21 = arith.addi %mul3A_4, %mul3A_20 : i32
      "tpu.region"() ({
        %run_scoped3A = tpu.sem_alloc : memref<!tpu.dma_semaphore, #tpu.memory_space<semaphore_mem>>
        %dma_start3A = tpu.memref_slice %arg2[%add3A_21] : memref<163840xi32, #tpu.memory_space<hbm>> -> memref<128xi32, #tpu.memory_space<hbm>>
        %dma_start3A_22 = tpu.memref_slice %arg2[%add3A_21] : memref<163840xi32, #tpu.memory_space<hbm>> -> memref<128xi32, #tpu.memory_space<hbm>>
        tpu.enqueue_dma source(%dma_start3A_22 : memref<128xi32, #tpu.memory_space<hbm>>) target(%arg6 : memref<128xi32, #tpu.memory_space<vmem>>) target_semaphore(%run_scoped3A : memref<!tpu.dma_semaphore, #tpu.memory_space<semaphore_mem>>)
        %dma_wait3A = tpu.memref_slice %arg2[%add3A_21] : memref<163840xi32, #tpu.memory_space<hbm>> -> memref<128xi32, #tpu.memory_space<hbm>>
        %dma_wait3A_23 = tpu.memref_slice %arg2[%add3A_21] : memref<163840xi32, #tpu.memory_space<hbm>> -> memref<128xi32, #tpu.memory_space<hbm>>
        tpu.wait_dma2 semaphore(%run_scoped3A : memref<!tpu.dma_semaphore, #tpu.memory_space<semaphore_mem>>) src(%dma_wait3A_23 : memref<128xi32, #tpu.memory_space<hbm>>) dst(%arg6 : memref<128xi32, #tpu.memory_space<vmem>>)
        tpu.yield
      }) : () -> ()
      "tpu.region"() ({
        %run_scoped3A = tpu.sem_alloc : memref<!tpu.dma_semaphore, #tpu.memory_space<semaphore_mem>>
        %dma_start3A = arith.constant 0 : i32
        %dma_start3A_22 = arith.constant 0 : i32
        %dma_start3A_23 = tpu.memref_slice %arg8[%dma_start3A, %dma_start3A_22] : memref<10240x16xf32, #tpu.memory_space<vmem_shared>> -> memref<10240x16xf32, #tpu.memory_space<vmem_shared>>
        tpu.enqueue_indirect_dma source(%arg7 : memref<128x16xf32, #tpu.memory_space<vmem>>) target(%dma_start3A_23 : memref<10240x16xf32, #tpu.memory_space<vmem_shared>>) offsets(%arg6 : memref<128xi32, #tpu.memory_space<vmem>>) semaphore(%run_scoped3A : memref<!tpu.dma_semaphore, #tpu.memory_space<semaphore_mem>>) {add = true}
        %dma_wait3A = arith.constant 0 : i32
        %dma_wait3A_24 = arith.constant 0 : i32
        %dma_wait3A_25 = tpu.memref_slice %arg8[%dma_wait3A, %dma_wait3A_24] : memref<10240x16xf32, #tpu.memory_space<vmem_shared>> -> memref<10240x16xf32, #tpu.memory_space<vmem_shared>>
        tpu.wait_indirect_dma semaphore(%run_scoped3A : memref<!tpu.dma_semaphore, #tpu.memory_space<semaphore_mem>>) src(%arg7 : memref<128x16xf32, #tpu.memory_space<vmem>>) dst(%dma_wait3A_25 : memref<10240x16xf32, #tpu.memory_space<vmem_shared>>)
        tpu.yield
      }) : () -> ()
    }
    %scan3A_9 = arith.constant 40 : i32
    %barrier3A_10 = arith.constant 0 : index
    tpu.barrier barrier_id(%barrier3A_10)
    %mul3A_11 = arith.constant 640 : i32
    %mul3A_12 = arith.muli %arg1, %mul3A_11 : i32
    %mul3A_13 = arith.constant 10240 : i32
    %mul3A_14 = arith.muli %arg0, %mul3A_13 : i32
    %mul3A_15 = arith.constant 640 : i32
    %mul3A_16 = arith.muli %arg1, %mul3A_15 : i32
    %add3A_17 = arith.addi %mul3A_14, %mul3A_16 : i32
    "tpu.region"() ({
      %run_scoped3A = tpu.sem_alloc : memref<!tpu.dma_semaphore, #tpu.memory_space<semaphore_mem>>
      %dma_start3A = arith.constant 0 : i32
      %dma_start3A_18 = tpu.memref_slice %arg5[%add3A_17, %dma_start3A] : memref<20480x16xf32, #tpu.memory_space<hbm>> -> memref<640x16xf32, #tpu.memory_space<hbm>>
      %dma_start3A_19 = arith.constant 0 : i32
      %dma_start3A_20 = tpu.memref_slice %arg8[%mul3A_12, %dma_start3A_19] : memref<10240x16xf32, #tpu.memory_space<vmem_shared>> -> memref<640x16xf32, #tpu.memory_space<vmem_shared>>
      tpu.enqueue_dma source(%dma_start3A_20 : memref<640x16xf32, #tpu.memory_space<vmem_shared>>) target(%dma_start3A_18 : memref<640x16xf32, #tpu.memory_space<hbm>>) target_semaphore(%run_scoped3A : memref<!tpu.dma_semaphore, #tpu.memory_space<semaphore_mem>>)
      %dma_wait3A = arith.constant 0 : i32
      %dma_wait3A_21 = tpu.memref_slice %arg5[%add3A_17, %dma_wait3A] : memref<20480x16xf32, #tpu.memory_space<hbm>> -> memref<640x16xf32, #tpu.memory_space<hbm>>
      %dma_wait3A_22 = arith.constant 0 : i32
      %dma_wait3A_23 = tpu.memref_slice %arg8[%mul3A_12, %dma_wait3A_22] : memref<10240x16xf32, #tpu.memory_space<vmem_shared>> -> memref<640x16xf32, #tpu.memory_space<vmem_shared>>
      tpu.wait_dma2 semaphore(%run_scoped3A : memref<!tpu.dma_semaphore, #tpu.memory_space<semaphore_mem>>) src(%dma_wait3A_23 : memref<640x16xf32, #tpu.memory_space<vmem_shared>>) dst(%dma_wait3A_21 : memref<640x16xf32, #tpu.memory_space<hbm>>)
      tpu.yield
    }) : () -> ()
    return
  }
}

#map = affine_map<(d0, d1) -> (0, 0)>
#map1 = affine_map<(d0, d1) -> (0)>
module attributes {stable_mosaic.version = 14 : i64} {
  func.func @agg_kernel(%arg0: i32, %arg1: i32, %arg2: memref<20480x32xbf16, #tpu.memory_space<hbm>>, %arg3: memref<327680xi32, #tpu.memory_space<hbm>>, %arg4: memref<1280x128xi32, #tpu.memory_space<hbm>>, %arg5: memref<640x32xbf16, #tpu.memory_space<hbm>>, %arg6: memref<20480x32xbf16, #tpu.memory_space<hbm>>, %arg7: memref<10240xi32, #tpu.memory_space<vmem>>, %arg8: memref<80x128xi32, #tpu.memory_space<vmem>>, %arg9: memref<8x128x32xbf16, #tpu.memory_space<vmem>>, %arg10: memref<10240x32xbf16, #tpu.memory_space<vmem_shared>>, %arg11: memref<!tpu.dma_semaphore, #tpu.memory_space<semaphore_mem>>, %arg12: memref<!tpu.dma_semaphore, #tpu.memory_space<semaphore_mem>>) attributes {dimension_semantics = [#tpu.dimension_semantics<core_parallel>, #tpu.dimension_semantics<subcore_parallel>], iteration_bounds = array<i64: 2, 16>, scalar_prefetch = 0 : i64, scratch_operands = 6 : i64, tpu.core_type = #tpu.core_type<sc_vector_subcore>, window_params = [{transform_indices = #map}, {transform_indices = #map1}, {transform_indices = #map}, {transform_indices = #map}, {transform_indices = #map}]} {
    %mul3A = arith.constant 640 : i32
    %mul3A_0 = arith.muli %arg1, %mul3A : i32
    "tpu.region"() ({
      %run_scoped3A = tpu.sem_alloc : memref<!tpu.dma_semaphore, #tpu.memory_space<semaphore_mem>>
      %dma_start3A_109 = arith.constant 0 : i32
      %dma_start3A_110 = tpu.memref_slice %arg10[%mul3A_0, %dma_start3A_109] : memref<10240x32xbf16, #tpu.memory_space<vmem_shared>> -> memref<640x32xbf16, #tpu.memory_space<vmem_shared>>
      tpu.enqueue_dma source(%arg5 : memref<640x32xbf16, #tpu.memory_space<hbm>>) target(%dma_start3A_110 : memref<640x32xbf16, #tpu.memory_space<vmem_shared>>) target_semaphore(%run_scoped3A : memref<!tpu.dma_semaphore, #tpu.memory_space<semaphore_mem>>)
      %dma_wait3A_111 = arith.constant 0 : i32
      %dma_wait3A_112 = tpu.memref_slice %arg10[%mul3A_0, %dma_wait3A_111] : memref<10240x32xbf16, #tpu.memory_space<vmem_shared>> -> memref<640x32xbf16, #tpu.memory_space<vmem_shared>>
      tpu.wait_dma2 semaphore(%run_scoped3A : memref<!tpu.dma_semaphore, #tpu.memory_space<semaphore_mem>>) src(%arg5 : memref<640x32xbf16, #tpu.memory_space<hbm>>) dst(%dma_wait3A_112 : memref<640x32xbf16, #tpu.memory_space<vmem_shared>>)
      tpu.yield
    }) : () -> ()
    %barrier3A = arith.constant 0 : index
    tpu.barrier barrier_id(%barrier3A)
    %scan3A = arith.constant 0 : i32
    %scan3A_1 = arith.constant 0 : i32
    %mul3A_2 = arith.constant 163840 : i32
    %mul3A_3 = arith.muli %arg0, %mul3A_2 : i32
    %mul3A_4 = arith.constant 10240 : i32
    %mul3A_5 = arith.muli %arg1, %mul3A_4 : i32
    %add3A = arith.addi %mul3A_3, %mul3A_5 : i32
    %mul3A_6 = arith.constant 10240 : i32
    %mul3A_7 = arith.muli %scan3A_1, %mul3A_6 : i32
    %add3A_8 = arith.addi %add3A, %mul3A_7 : i32
    "tpu.region"() ({
      %run_scoped3A = tpu.sem_alloc : memref<!tpu.dma_semaphore, #tpu.memory_space<semaphore_mem>>
      %dma_start3A_109 = tpu.memref_slice %arg3[%add3A_8] : memref<327680xi32, #tpu.memory_space<hbm>> -> memref<10240xi32, #tpu.memory_space<hbm>>
      %dma_start3A_110 = tpu.memref_slice %arg3[%add3A_8] : memref<327680xi32, #tpu.memory_space<hbm>> -> memref<10240xi32, #tpu.memory_space<hbm>>
      tpu.enqueue_dma source(%dma_start3A_110 : memref<10240xi32, #tpu.memory_space<hbm>>) target(%arg7 : memref<10240xi32, #tpu.memory_space<vmem>>) target_semaphore(%run_scoped3A : memref<!tpu.dma_semaphore, #tpu.memory_space<semaphore_mem>>)
      %dma_wait3A_111 = tpu.memref_slice %arg3[%add3A_8] : memref<327680xi32, #tpu.memory_space<hbm>> -> memref<10240xi32, #tpu.memory_space<hbm>>
      %dma_wait3A_112 = tpu.memref_slice %arg3[%add3A_8] : memref<327680xi32, #tpu.memory_space<hbm>> -> memref<10240xi32, #tpu.memory_space<hbm>>
      tpu.wait_dma2 semaphore(%run_scoped3A : memref<!tpu.dma_semaphore, #tpu.memory_space<semaphore_mem>>) src(%dma_wait3A_112 : memref<10240xi32, #tpu.memory_space<hbm>>) dst(%arg7 : memref<10240xi32, #tpu.memory_space<vmem>>)
      tpu.yield
    }) : () -> ()
    %mul3A_9 = arith.constant 80 : i32
    %mul3A_10 = arith.muli %arg1, %mul3A_9 : i32
    %mul3A_11 = arith.constant 80 : i32
    %mul3A_12 = arith.muli %scan3A_1, %mul3A_11 : i32
    %add3A_13 = arith.addi %mul3A_10, %mul3A_12 : i32
    "tpu.region"() ({
      %run_scoped3A = tpu.sem_alloc : memref<!tpu.dma_semaphore, #tpu.memory_space<semaphore_mem>>
      %dma_start3A_109 = arith.constant 0 : i32
      %dma_start3A_110 = tpu.memref_slice %arg4[%add3A_13, %dma_start3A_109] : memref<1280x128xi32, #tpu.memory_space<hbm>> -> memref<80x128xi32, #tpu.memory_space<hbm>>
      %dma_start3A_111 = arith.constant 0 : i32
      %dma_start3A_112 = tpu.memref_slice %arg4[%add3A_13, %dma_start3A_111] : memref<1280x128xi32, #tpu.memory_space<hbm>> -> memref<80x128xi32, #tpu.memory_space<hbm>>
      tpu.enqueue_dma source(%dma_start3A_112 : memref<80x128xi32, #tpu.memory_space<hbm>>) target(%arg8 : memref<80x128xi32, #tpu.memory_space<vmem>>) target_semaphore(%run_scoped3A : memref<!tpu.dma_semaphore, #tpu.memory_space<semaphore_mem>>)
      %dma_wait3A_113 = arith.constant 0 : i32
      %dma_wait3A_114 = tpu.memref_slice %arg4[%add3A_13, %dma_wait3A_113] : memref<1280x128xi32, #tpu.memory_space<hbm>> -> memref<80x128xi32, #tpu.memory_space<hbm>>
      %dma_wait3A_115 = arith.constant 0 : i32
      %dma_wait3A_116 = tpu.memref_slice %arg4[%add3A_13, %dma_wait3A_115] : memref<1280x128xi32, #tpu.memory_space<hbm>> -> memref<80x128xi32, #tpu.memory_space<hbm>>
      tpu.wait_dma2 semaphore(%run_scoped3A : memref<!tpu.dma_semaphore, #tpu.memory_space<semaphore_mem>>) src(%dma_wait3A_116 : memref<80x128xi32, #tpu.memory_space<hbm>>) dst(%arg8 : memref<80x128xi32, #tpu.memory_space<vmem>>)
      tpu.yield
    }) : () -> ()
    %dma_start3A = arith.constant 0 : i32
    %dma_start3A_14 = arith.constant 0 : i32
    %dma_start3A_15 = arith.constant 0 : i32
    %dma_start3A_16 = tpu.memref_slice %arg9[%dma_start3A, %dma_start3A_14, %dma_start3A_15] : memref<8x128x32xbf16, #tpu.memory_space<vmem>> -> memref<1x128x32xbf16, #tpu.memory_space<vmem>>
    %dma_start3A_17 = tpu.memref_squeeze %dma_start3A_16 : memref<1x128x32xbf16, #tpu.memory_space<vmem>> -> memref<128x32xbf16, #tpu.memory_space<vmem>>
    %dma_start3A_18 = arith.constant 0 : i32
    %dma_start3A_19 = tpu.memref_slice %arg7[%dma_start3A_18] : memref<10240xi32, #tpu.memory_space<vmem>> -> memref<128xi32, #tpu.memory_space<vmem>>
    %dma_start3A_20 = arith.constant 0 : i32
    %dma_start3A_21 = arith.constant 0 : i32
    %dma_start3A_22 = tpu.memref_slice %arg2[%dma_start3A_20, %dma_start3A_21] : memref<20480x32xbf16, #tpu.memory_space<hbm>> -> memref<20480x32xbf16, #tpu.memory_space<hbm>>
    tpu.enqueue_indirect_dma source(%dma_start3A_22 : memref<20480x32xbf16, #tpu.memory_space<hbm>>) target(%dma_start3A_17 : memref<128x32xbf16, #tpu.memory_space<vmem>>) offsets(%dma_start3A_19 : memref<128xi32, #tpu.memory_space<vmem>>) semaphore(%arg11 : memref<!tpu.dma_semaphore, #tpu.memory_space<semaphore_mem>>)
    %dma_start3A_23 = arith.constant 1 : i32
    %dma_start3A_24 = arith.constant 0 : i32
    %dma_start3A_25 = arith.constant 0 : i32
    %dma_start3A_26 = tpu.memref_slice %arg9[%dma_start3A_23, %dma_start3A_24, %dma_start3A_25] : memref<8x128x32xbf16, #tpu.memory_space<vmem>> -> memref<1x128x32xbf16, #tpu.memory_space<vmem>>
    %dma_start3A_27 = tpu.memref_squeeze %dma_start3A_26 : memref<1x128x32xbf16, #tpu.memory_space<vmem>> -> memref<128x32xbf16, #tpu.memory_space<vmem>>
    %dma_start3A_28 = arith.constant 128 : i32
    %dma_start3A_29 = tpu.memref_slice %arg7[%dma_start3A_28] : memref<10240xi32, #tpu.memory_space<vmem>> -> memref<128xi32, #tpu.memory_space<vmem>>
    %dma_start3A_30 = arith.constant 0 : i32
    %dma_start3A_31 = arith.constant 0 : i32
    %dma_start3A_32 = tpu.memref_slice %arg2[%dma_start3A_30, %dma_start3A_31] : memref<20480x32xbf16, #tpu.memory_space<hbm>> -> memref<20480x32xbf16, #tpu.memory_space<hbm>>
    tpu.enqueue_indirect_dma source(%dma_start3A_32 : memref<20480x32xbf16, #tpu.memory_space<hbm>>) target(%dma_start3A_27 : memref<128x32xbf16, #tpu.memory_space<vmem>>) offsets(%dma_start3A_29 : memref<128xi32, #tpu.memory_space<vmem>>) semaphore(%arg11 : memref<!tpu.dma_semaphore, #tpu.memory_space<semaphore_mem>>)
    %dma_start3A_33 = arith.constant 2 : i32
    %dma_start3A_34 = arith.constant 0 : i32
    %dma_start3A_35 = arith.constant 0 : i32
    %dma_start3A_36 = tpu.memref_slice %arg9[%dma_start3A_33, %dma_start3A_34, %dma_start3A_35] : memref<8x128x32xbf16, #tpu.memory_space<vmem>> -> memref<1x128x32xbf16, #tpu.memory_space<vmem>>
    %dma_start3A_37 = tpu.memref_squeeze %dma_start3A_36 : memref<1x128x32xbf16, #tpu.memory_space<vmem>> -> memref<128x32xbf16, #tpu.memory_space<vmem>>
    %dma_start3A_38 = arith.constant 256 : i32
    %dma_start3A_39 = tpu.memref_slice %arg7[%dma_start3A_38] : memref<10240xi32, #tpu.memory_space<vmem>> -> memref<128xi32, #tpu.memory_space<vmem>>
    %dma_start3A_40 = arith.constant 0 : i32
    %dma_start3A_41 = arith.constant 0 : i32
    %dma_start3A_42 = tpu.memref_slice %arg2[%dma_start3A_40, %dma_start3A_41] : memref<20480x32xbf16, #tpu.memory_space<hbm>> -> memref<20480x32xbf16, #tpu.memory_space<hbm>>
    tpu.enqueue_indirect_dma source(%dma_start3A_42 : memref<20480x32xbf16, #tpu.memory_space<hbm>>) target(%dma_start3A_37 : memref<128x32xbf16, #tpu.memory_space<vmem>>) offsets(%dma_start3A_39 : memref<128xi32, #tpu.memory_space<vmem>>) semaphore(%arg11 : memref<!tpu.dma_semaphore, #tpu.memory_space<semaphore_mem>>)
    %dma_start3A_43 = arith.constant 3 : i32
    %dma_start3A_44 = arith.constant 0 : i32
    %dma_start3A_45 = arith.constant 0 : i32
    %dma_start3A_46 = tpu.memref_slice %arg9[%dma_start3A_43, %dma_start3A_44, %dma_start3A_45] : memref<8x128x32xbf16, #tpu.memory_space<vmem>> -> memref<1x128x32xbf16, #tpu.memory_space<vmem>>
    %dma_start3A_47 = tpu.memref_squeeze %dma_start3A_46 : memref<1x128x32xbf16, #tpu.memory_space<vmem>> -> memref<128x32xbf16, #tpu.memory_space<vmem>>
    %dma_start3A_48 = arith.constant 384 : i32
    %dma_start3A_49 = tpu.memref_slice %arg7[%dma_start3A_48] : memref<10240xi32, #tpu.memory_space<vmem>> -> memref<128xi32, #tpu.memory_space<vmem>>
    %dma_start3A_50 = arith.constant 0 : i32
    %dma_start3A_51 = arith.constant 0 : i32
    %dma_start3A_52 = tpu.memref_slice %arg2[%dma_start3A_50, %dma_start3A_51] : memref<20480x32xbf16, #tpu.memory_space<hbm>> -> memref<20480x32xbf16, #tpu.memory_space<hbm>>
    tpu.enqueue_indirect_dma source(%dma_start3A_52 : memref<20480x32xbf16, #tpu.memory_space<hbm>>) target(%dma_start3A_47 : memref<128x32xbf16, #tpu.memory_space<vmem>>) offsets(%dma_start3A_49 : memref<128xi32, #tpu.memory_space<vmem>>) semaphore(%arg11 : memref<!tpu.dma_semaphore, #tpu.memory_space<semaphore_mem>>)
    %dma_start3A_53 = arith.constant 4 : i32
    %dma_start3A_54 = arith.constant 0 : i32
    %dma_start3A_55 = arith.constant 0 : i32
    %dma_start3A_56 = tpu.memref_slice %arg9[%dma_start3A_53, %dma_start3A_54, %dma_start3A_55] : memref<8x128x32xbf16, #tpu.memory_space<vmem>> -> memref<1x128x32xbf16, #tpu.memory_space<vmem>>
    %dma_start3A_57 = tpu.memref_squeeze %dma_start3A_56 : memref<1x128x32xbf16, #tpu.memory_space<vmem>> -> memref<128x32xbf16, #tpu.memory_space<vmem>>
    %dma_start3A_58 = arith.constant 512 : i32
    %dma_start3A_59 = tpu.memref_slice %arg7[%dma_start3A_58] : memref<10240xi32, #tpu.memory_space<vmem>> -> memref<128xi32, #tpu.memory_space<vmem>>
    %dma_start3A_60 = arith.constant 0 : i32
    %dma_start3A_61 = arith.constant 0 : i32
    %dma_start3A_62 = tpu.memref_slice %arg2[%dma_start3A_60, %dma_start3A_61] : memref<20480x32xbf16, #tpu.memory_space<hbm>> -> memref<20480x32xbf16, #tpu.memory_space<hbm>>
    tpu.enqueue_indirect_dma source(%dma_start3A_62 : memref<20480x32xbf16, #tpu.memory_space<hbm>>) target(%dma_start3A_57 : memref<128x32xbf16, #tpu.memory_space<vmem>>) offsets(%dma_start3A_59 : memref<128xi32, #tpu.memory_space<vmem>>) semaphore(%arg11 : memref<!tpu.dma_semaphore, #tpu.memory_space<semaphore_mem>>)
    %dma_start3A_63 = arith.constant 5 : i32
    %dma_start3A_64 = arith.constant 0 : i32
    %dma_start3A_65 = arith.constant 0 : i32
    %dma_start3A_66 = tpu.memref_slice %arg9[%dma_start3A_63, %dma_start3A_64, %dma_start3A_65] : memref<8x128x32xbf16, #tpu.memory_space<vmem>> -> memref<1x128x32xbf16, #tpu.memory_space<vmem>>
    %dma_start3A_67 = tpu.memref_squeeze %dma_start3A_66 : memref<1x128x32xbf16, #tpu.memory_space<vmem>> -> memref<128x32xbf16, #tpu.memory_space<vmem>>
    %dma_start3A_68 = arith.constant 640 : i32
    %dma_start3A_69 = tpu.memref_slice %arg7[%dma_start3A_68] : memref<10240xi32, #tpu.memory_space<vmem>> -> memref<128xi32, #tpu.memory_space<vmem>>
    %dma_start3A_70 = arith.constant 0 : i32
    %dma_start3A_71 = arith.constant 0 : i32
    %dma_start3A_72 = tpu.memref_slice %arg2[%dma_start3A_70, %dma_start3A_71] : memref<20480x32xbf16, #tpu.memory_space<hbm>> -> memref<20480x32xbf16, #tpu.memory_space<hbm>>
    tpu.enqueue_indirect_dma source(%dma_start3A_72 : memref<20480x32xbf16, #tpu.memory_space<hbm>>) target(%dma_start3A_67 : memref<128x32xbf16, #tpu.memory_space<vmem>>) offsets(%dma_start3A_69 : memref<128xi32, #tpu.memory_space<vmem>>) semaphore(%arg11 : memref<!tpu.dma_semaphore, #tpu.memory_space<semaphore_mem>>)
    %dma_start3A_73 = arith.constant 6 : i32
    %dma_start3A_74 = arith.constant 0 : i32
    %dma_start3A_75 = arith.constant 0 : i32
    %dma_start3A_76 = tpu.memref_slice %arg9[%dma_start3A_73, %dma_start3A_74, %dma_start3A_75] : memref<8x128x32xbf16, #tpu.memory_space<vmem>> -> memref<1x128x32xbf16, #tpu.memory_space<vmem>>
    %dma_start3A_77 = tpu.memref_squeeze %dma_start3A_76 : memref<1x128x32xbf16, #tpu.memory_space<vmem>> -> memref<128x32xbf16, #tpu.memory_space<vmem>>
    %dma_start3A_78 = arith.constant 768 : i32
    %dma_start3A_79 = tpu.memref_slice %arg7[%dma_start3A_78] : memref<10240xi32, #tpu.memory_space<vmem>> -> memref<128xi32, #tpu.memory_space<vmem>>
    %dma_start3A_80 = arith.constant 0 : i32
    %dma_start3A_81 = arith.constant 0 : i32
    %dma_start3A_82 = tpu.memref_slice %arg2[%dma_start3A_80, %dma_start3A_81] : memref<20480x32xbf16, #tpu.memory_space<hbm>> -> memref<20480x32xbf16, #tpu.memory_space<hbm>>
    tpu.enqueue_indirect_dma source(%dma_start3A_82 : memref<20480x32xbf16, #tpu.memory_space<hbm>>) target(%dma_start3A_77 : memref<128x32xbf16, #tpu.memory_space<vmem>>) offsets(%dma_start3A_79 : memref<128xi32, #tpu.memory_space<vmem>>) semaphore(%arg11 : memref<!tpu.dma_semaphore, #tpu.memory_space<semaphore_mem>>)
    %scan3A_83 = arith.constant 0 : i32
    %scan3A_84 = arith.constant 0 : i32
    %scan3A_85 = arith.constant 10 : i32
    %scan3A_86 = arith.addi %scan3A_84, %scan3A_85 : i32
    %scan3A_87 = arith.constant 1 : i32
    scf.for %scan3A_109 = %scan3A_84 to %scan3A_86 step %scan3A_87  : i32 {
      %mul3A_110 = arith.constant 8 : i32
      %mul3A_111 = arith.muli %scan3A_109, %mul3A_110 : i32
      %add3A_112 = arith.constant 0 : i32
      %add3A_113 = arith.addi %mul3A_111, %add3A_112 : i32
      %dma_wait3A_114 = arith.constant 0 : i32
      %dma_wait3A_115 = arith.constant 0 : i32
      %dma_wait3A_116 = arith.constant 0 : i32
      %dma_wait3A_117 = tpu.memref_slice %arg9[%dma_wait3A_114, %dma_wait3A_115, %dma_wait3A_116] : memref<8x128x32xbf16, #tpu.memory_space<vmem>> -> memref<1x128x32xbf16, #tpu.memory_space<vmem>>
      %dma_wait3A_118 = tpu.memref_squeeze %dma_wait3A_117 : memref<1x128x32xbf16, #tpu.memory_space<vmem>> -> memref<128x32xbf16, #tpu.memory_space<vmem>>
      %dma_wait3A_119 = arith.constant 0 : i32
      %dma_wait3A_120 = tpu.memref_slice %arg7[%dma_wait3A_119] : memref<10240xi32, #tpu.memory_space<vmem>> -> memref<128xi32, #tpu.memory_space<vmem>>
      %dma_wait3A_121 = arith.constant 0 : i32
      %dma_wait3A_122 = arith.constant 0 : i32
      %dma_wait3A_123 = tpu.memref_slice %arg2[%dma_wait3A_121, %dma_wait3A_122] : memref<20480x32xbf16, #tpu.memory_space<hbm>> -> memref<20480x32xbf16, #tpu.memory_space<hbm>>
      tpu.wait_indirect_dma semaphore(%arg11 : memref<!tpu.dma_semaphore, #tpu.memory_space<semaphore_mem>>) src(%dma_wait3A_123 : memref<20480x32xbf16, #tpu.memory_space<hbm>>) dst(%dma_wait3A_118 : memref<128x32xbf16, #tpu.memory_space<vmem>>)
      %dma_start3A_124 = arith.constant 0 : i32
      %dma_start3A_125 = arith.constant 0 : i32
      %dma_start3A_126 = arith.constant 0 : i32
      %dma_start3A_127 = tpu.memref_slice %arg9[%dma_start3A_124, %dma_start3A_125, %dma_start3A_126] : memref<8x128x32xbf16, #tpu.memory_space<vmem>> -> memref<1x128x32xbf16, #tpu.memory_space<vmem>>
      %dma_start3A_128 = tpu.memref_squeeze %dma_start3A_127 : memref<1x128x32xbf16, #tpu.memory_space<vmem>> -> memref<128x32xbf16, #tpu.memory_space<vmem>>
      %dma_start3A_129 = arith.constant 0 : i32
      %dma_start3A_130 = tpu.memref_slice %arg8[%add3A_113, %dma_start3A_129] : memref<80x128xi32, #tpu.memory_space<vmem>> -> memref<1x128xi32, #tpu.memory_space<vmem>>
      %dma_start3A_131 = tpu.memref_squeeze %dma_start3A_130 : memref<1x128xi32, #tpu.memory_space<vmem>> -> memref<128xi32, #tpu.memory_space<vmem>>
      %dma_start3A_132 = arith.constant 0 : i32
      %dma_start3A_133 = arith.constant 0 : i32
      %dma_start3A_134 = tpu.memref_slice %arg10[%dma_start3A_132, %dma_start3A_133] : memref<10240x32xbf16, #tpu.memory_space<vmem_shared>> -> memref<10240x32xbf16, #tpu.memory_space<vmem_shared>>
      tpu.enqueue_indirect_dma source(%dma_start3A_128 : memref<128x32xbf16, #tpu.memory_space<vmem>>) target(%dma_start3A_134 : memref<10240x32xbf16, #tpu.memory_space<vmem_shared>>) offsets(%dma_start3A_131 : memref<128xi32, #tpu.memory_space<vmem>>) semaphore(%arg12 : memref<!tpu.dma_semaphore, #tpu.memory_space<semaphore_mem>>) {add = true}
      %ge3A = arith.constant 1 : i32
      %ge3A_135 = arith.cmpi sge, %add3A_113, %ge3A : i32
      %convert_element_type3A = arith.extui %ge3A_135 : i1 to i32
      %cond3A = arith.constant 0 : i32
      %cond3A_136 = arith.cmpi ne, %convert_element_type3A, %cond3A : i32
      scf.if %cond3A_136 {
        %sub3A_417 = arith.constant 1 : i32
        %sub3A_418 = arith.subi %add3A_113, %sub3A_417 : i32
        %dma_wait3A_419 = arith.constant 7 : i32
        %dma_wait3A_420 = arith.constant 0 : i32
        %dma_wait3A_421 = arith.constant 0 : i32
        %dma_wait3A_422 = tpu.memref_slice %arg9[%dma_wait3A_419, %dma_wait3A_420, %dma_wait3A_421] : memref<8x128x32xbf16, #tpu.memory_space<vmem>> -> memref<1x128x32xbf16, #tpu.memory_space<vmem>>
        %dma_wait3A_423 = tpu.memref_squeeze %dma_wait3A_422 : memref<1x128x32xbf16, #tpu.memory_space<vmem>> -> memref<128x32xbf16, #tpu.memory_space<vmem>>
        %dma_wait3A_424 = arith.constant 0 : i32
        %dma_wait3A_425 = tpu.memref_slice %arg8[%sub3A_418, %dma_wait3A_424] : memref<80x128xi32, #tpu.memory_space<vmem>> -> memref<1x128xi32, #tpu.memory_space<vmem>>
        %dma_wait3A_426 = tpu.memref_squeeze %dma_wait3A_425 : memref<1x128xi32, #tpu.memory_space<vmem>> -> memref<128xi32, #tpu.memory_space<vmem>>
        %dma_wait3A_427 = arith.constant 0 : i32
        %dma_wait3A_428 = arith.constant 0 : i32
        %dma_wait3A_429 = tpu.memref_slice %arg10[%dma_wait3A_427, %dma_wait3A_428] : memref<10240x32xbf16, #tpu.memory_space<vmem_shared>> -> memref<10240x32xbf16, #tpu.memory_space<vmem_shared>>
        tpu.wait_indirect_dma semaphore(%arg12 : memref<!tpu.dma_semaphore, #tpu.memory_space<semaphore_mem>>) src(%dma_wait3A_423 : memref<128x32xbf16, #tpu.memory_space<vmem>>) dst(%dma_wait3A_429 : memref<10240x32xbf16, #tpu.memory_space<vmem_shared>>)
      } else {
      }
      %add3A_137 = arith.constant 8 : i32
      %add3A_138 = arith.addi %add3A_113, %add3A_137 : i32
      %sub3A = arith.constant 1 : i32
      %sub3A_139 = arith.subi %add3A_138, %sub3A : i32
      %le3A = arith.constant 79 : i32
      %le3A_140 = arith.cmpi sle, %sub3A_139, %le3A : i32
      %convert_element_type3A_141 = arith.extui %le3A_140 : i1 to i32
      %cond3A_142 = arith.constant 0 : i32
      %cond3A_143 = arith.cmpi ne, %convert_element_type3A_141, %cond3A_142 : i32
      scf.if %cond3A_143 {
        %add3A_417 = arith.constant 8 : i32
        %add3A_418 = arith.addi %add3A_113, %add3A_417 : i32
        %sub3A_419 = arith.constant 1 : i32
        %sub3A_420 = arith.subi %add3A_418, %sub3A_419 : i32
        %mul3A_421 = arith.constant 128 : i32
        %mul3A_422 = arith.muli %sub3A_420, %mul3A_421 : i32
        %dma_start3A_423 = arith.constant 7 : i32
        %dma_start3A_424 = arith.constant 0 : i32
        %dma_start3A_425 = arith.constant 0 : i32
        %dma_start3A_426 = tpu.memref_slice %arg9[%dma_start3A_423, %dma_start3A_424, %dma_start3A_425] : memref<8x128x32xbf16, #tpu.memory_space<vmem>> -> memref<1x128x32xbf16, #tpu.memory_space<vmem>>
        %dma_start3A_427 = tpu.memref_squeeze %dma_start3A_426 : memref<1x128x32xbf16, #tpu.memory_space<vmem>> -> memref<128x32xbf16, #tpu.memory_space<vmem>>
        %dma_start3A_428 = tpu.memref_slice %arg7[%mul3A_422] : memref<10240xi32, #tpu.memory_space<vmem>> -> memref<128xi32, #tpu.memory_space<vmem>>
        %dma_start3A_429 = arith.constant 0 : i32
        %dma_start3A_430 = arith.constant 0 : i32
        %dma_start3A_431 = tpu.memref_slice %arg2[%dma_start3A_429, %dma_start3A_430] : memref<20480x32xbf16, #tpu.memory_space<hbm>> -> memref<20480x32xbf16, #tpu.memory_space<hbm>>
        tpu.enqueue_indirect_dma source(%dma_start3A_431 : memref<20480x32xbf16, #tpu.memory_space<hbm>>) target(%dma_start3A_427 : memref<128x32xbf16, #tpu.memory_space<vmem>>) offsets(%dma_start3A_428 : memref<128xi32, #tpu.memory_space<vmem>>) semaphore(%arg11 : memref<!tpu.dma_semaphore, #tpu.memory_space<semaphore_mem>>)
      } else {
      }
      %mul3A_144 = arith.constant 8 : i32
      %mul3A_145 = arith.muli %scan3A_109, %mul3A_144 : i32
      %add3A_146 = arith.constant 1 : i32
      %add3A_147 = arith.addi %mul3A_145, %add3A_146 : i32
      %dma_wait3A_148 = arith.constant 1 : i32
      %dma_wait3A_149 = arith.constant 0 : i32
      %dma_wait3A_150 = arith.constant 0 : i32
      %dma_wait3A_151 = tpu.memref_slice %arg9[%dma_wait3A_148, %dma_wait3A_149, %dma_wait3A_150] : memref<8x128x32xbf16, #tpu.memory_space<vmem>> -> memref<1x128x32xbf16, #tpu.memory_space<vmem>>
      %dma_wait3A_152 = tpu.memref_squeeze %dma_wait3A_151 : memref<1x128x32xbf16, #tpu.memory_space<vmem>> -> memref<128x32xbf16, #tpu.memory_space<vmem>>
      %dma_wait3A_153 = arith.constant 0 : i32
      %dma_wait3A_154 = tpu.memref_slice %arg7[%dma_wait3A_153] : memref<10240xi32, #tpu.memory_space<vmem>> -> memref<128xi32, #tpu.memory_space<vmem>>
      %dma_wait3A_155 = arith.constant 0 : i32
      %dma_wait3A_156 = arith.constant 0 : i32
      %dma_wait3A_157 = tpu.memref_slice %arg2[%dma_wait3A_155, %dma_wait3A_156] : memref<20480x32xbf16, #tpu.memory_space<hbm>> -> memref<20480x32xbf16, #tpu.memory_space<hbm>>
      tpu.wait_indirect_dma semaphore(%arg11 : memref<!tpu.dma_semaphore, #tpu.memory_space<semaphore_mem>>) src(%dma_wait3A_157 : memref<20480x32xbf16, #tpu.memory_space<hbm>>) dst(%dma_wait3A_152 : memref<128x32xbf16, #tpu.memory_space<vmem>>)
      %dma_start3A_158 = arith.constant 1 : i32
      %dma_start3A_159 = arith.constant 0 : i32
      %dma_start3A_160 = arith.constant 0 : i32
      %dma_start3A_161 = tpu.memref_slice %arg9[%dma_start3A_158, %dma_start3A_159, %dma_start3A_160] : memref<8x128x32xbf16, #tpu.memory_space<vmem>> -> memref<1x128x32xbf16, #tpu.memory_space<vmem>>
      %dma_start3A_162 = tpu.memref_squeeze %dma_start3A_161 : memref<1x128x32xbf16, #tpu.memory_space<vmem>> -> memref<128x32xbf16, #tpu.memory_space<vmem>>
      %dma_start3A_163 = arith.constant 0 : i32
      %dma_start3A_164 = tpu.memref_slice %arg8[%add3A_147, %dma_start3A_163] : memref<80x128xi32, #tpu.memory_space<vmem>> -> memref<1x128xi32, #tpu.memory_space<vmem>>
      %dma_start3A_165 = tpu.memref_squeeze %dma_start3A_164 : memref<1x128xi32, #tpu.memory_space<vmem>> -> memref<128xi32, #tpu.memory_space<vmem>>
      %dma_start3A_166 = arith.constant 0 : i32
      %dma_start3A_167 = arith.constant 0 : i32
      %dma_start3A_168 = tpu.memref_slice %arg10[%dma_start3A_166, %dma_start3A_167] : memref<10240x32xbf16, #tpu.memory_space<vmem_shared>> -> memref<10240x32xbf16, #tpu.memory_space<vmem_shared>>
      tpu.enqueue_indirect_dma source(%dma_start3A_162 : memref<128x32xbf16, #tpu.memory_space<vmem>>) target(%dma_start3A_168 : memref<10240x32xbf16, #tpu.memory_space<vmem_shared>>) offsets(%dma_start3A_165 : memref<128xi32, #tpu.memory_space<vmem>>) semaphore(%arg12 : memref<!tpu.dma_semaphore, #tpu.memory_space<semaphore_mem>>) {add = true}
      %ge3A_169 = arith.constant 1 : i32
      %ge3A_170 = arith.cmpi sge, %add3A_147, %ge3A_169 : i32
      %convert_element_type3A_171 = arith.extui %ge3A_170 : i1 to i32
      %cond3A_172 = arith.constant 0 : i32
      %cond3A_173 = arith.cmpi ne, %convert_element_type3A_171, %cond3A_172 : i32
      scf.if %cond3A_173 {
        %sub3A_417 = arith.constant 1 : i32
        %sub3A_418 = arith.subi %add3A_147, %sub3A_417 : i32
        %dma_wait3A_419 = arith.constant 0 : i32
        %dma_wait3A_420 = arith.constant 0 : i32
        %dma_wait3A_421 = arith.constant 0 : i32
        %dma_wait3A_422 = tpu.memref_slice %arg9[%dma_wait3A_419, %dma_wait3A_420, %dma_wait3A_421] : memref<8x128x32xbf16, #tpu.memory_space<vmem>> -> memref<1x128x32xbf16, #tpu.memory_space<vmem>>
        %dma_wait3A_423 = tpu.memref_squeeze %dma_wait3A_422 : memref<1x128x32xbf16, #tpu.memory_space<vmem>> -> memref<128x32xbf16, #tpu.memory_space<vmem>>
        %dma_wait3A_424 = arith.constant 0 : i32
        %dma_wait3A_425 = tpu.memref_slice %arg8[%sub3A_418, %dma_wait3A_424] : memref<80x128xi32, #tpu.memory_space<vmem>> -> memref<1x128xi32, #tpu.memory_space<vmem>>
        %dma_wait3A_426 = tpu.memref_squeeze %dma_wait3A_425 : memref<1x128xi32, #tpu.memory_space<vmem>> -> memref<128xi32, #tpu.memory_space<vmem>>
        %dma_wait3A_427 = arith.constant 0 : i32
        %dma_wait3A_428 = arith.constant 0 : i32
        %dma_wait3A_429 = tpu.memref_slice %arg10[%dma_wait3A_427, %dma_wait3A_428] : memref<10240x32xbf16, #tpu.memory_space<vmem_shared>> -> memref<10240x32xbf16, #tpu.memory_space<vmem_shared>>
        tpu.wait_indirect_dma semaphore(%arg12 : memref<!tpu.dma_semaphore, #tpu.memory_space<semaphore_mem>>) src(%dma_wait3A_423 : memref<128x32xbf16, #tpu.memory_space<vmem>>) dst(%dma_wait3A_429 : memref<10240x32xbf16, #tpu.memory_space<vmem_shared>>)
      } else {
      }
      %add3A_174 = arith.constant 8 : i32
      %add3A_175 = arith.addi %add3A_147, %add3A_174 : i32
      %sub3A_176 = arith.constant 1 : i32
      %sub3A_177 = arith.subi %add3A_175, %sub3A_176 : i32
      %le3A_178 = arith.constant 79 : i32
      %le3A_179 = arith.cmpi sle, %sub3A_177, %le3A_178 : i32
      %convert_element_type3A_180 = arith.extui %le3A_179 : i1 to i32
      %cond3A_181 = arith.constant 0 : i32
      %cond3A_182 = arith.cmpi ne, %convert_element_type3A_180, %cond3A_181 : i32
      scf.if %cond3A_182 {
        %add3A_417 = arith.constant 8 : i32
        %add3A_418 = arith.addi %add3A_147, %add3A_417 : i32
        %sub3A_419 = arith.constant 1 : i32
        %sub3A_420 = arith.subi %add3A_418, %sub3A_419 : i32
        %mul3A_421 = arith.constant 128 : i32
        %mul3A_422 = arith.muli %sub3A_420, %mul3A_421 : i32
        %dma_start3A_423 = arith.constant 0 : i32
        %dma_start3A_424 = arith.constant 0 : i32
        %dma_start3A_425 = arith.constant 0 : i32
        %dma_start3A_426 = tpu.memref_slice %arg9[%dma_start3A_423, %dma_start3A_424, %dma_start3A_425] : memref<8x128x32xbf16, #tpu.memory_space<vmem>> -> memref<1x128x32xbf16, #tpu.memory_space<vmem>>
        %dma_start3A_427 = tpu.memref_squeeze %dma_start3A_426 : memref<1x128x32xbf16, #tpu.memory_space<vmem>> -> memref<128x32xbf16, #tpu.memory_space<vmem>>
        %dma_start3A_428 = tpu.memref_slice %arg7[%mul3A_422] : memref<10240xi32, #tpu.memory_space<vmem>> -> memref<128xi32, #tpu.memory_space<vmem>>
        %dma_start3A_429 = arith.constant 0 : i32
        %dma_start3A_430 = arith.constant 0 : i32
        %dma_start3A_431 = tpu.memref_slice %arg2[%dma_start3A_429, %dma_start3A_430] : memref<20480x32xbf16, #tpu.memory_space<hbm>> -> memref<20480x32xbf16, #tpu.memory_space<hbm>>
        tpu.enqueue_indirect_dma source(%dma_start3A_431 : memref<20480x32xbf16, #tpu.memory_space<hbm>>) target(%dma_start3A_427 : memref<128x32xbf16, #tpu.memory_space<vmem>>) offsets(%dma_start3A_428 : memref<128xi32, #tpu.memory_space<vmem>>) semaphore(%arg11 : memref<!tpu.dma_semaphore, #tpu.memory_space<semaphore_mem>>)
      } else {
      }
      %mul3A_183 = arith.constant 8 : i32
      %mul3A_184 = arith.muli %scan3A_109, %mul3A_183 : i32
      %add3A_185 = arith.constant 2 : i32
      %add3A_186 = arith.addi %mul3A_184, %add3A_185 : i32
      %dma_wait3A_187 = arith.constant 2 : i32
      %dma_wait3A_188 = arith.constant 0 : i32
      %dma_wait3A_189 = arith.constant 0 : i32
      %dma_wait3A_190 = tpu.memref_slice %arg9[%dma_wait3A_187, %dma_wait3A_188, %dma_wait3A_189] : memref<8x128x32xbf16, #tpu.memory_space<vmem>> -> memref<1x128x32xbf16, #tpu.memory_space<vmem>>
      %dma_wait3A_191 = tpu.memref_squeeze %dma_wait3A_190 : memref<1x128x32xbf16, #tpu.memory_space<vmem>> -> memref<128x32xbf16, #tpu.memory_space<vmem>>
      %dma_wait3A_192 = arith.constant 0 : i32
      %dma_wait3A_193 = tpu.memref_slice %arg7[%dma_wait3A_192] : memref<10240xi32, #tpu.memory_space<vmem>> -> memref<128xi32, #tpu.memory_space<vmem>>
      %dma_wait3A_194 = arith.constant 0 : i32
      %dma_wait3A_195 = arith.constant 0 : i32
      %dma_wait3A_196 = tpu.memref_slice %arg2[%dma_wait3A_194, %dma_wait3A_195] : memref<20480x32xbf16, #tpu.memory_space<hbm>> -> memref<20480x32xbf16, #tpu.memory_space<hbm>>
      tpu.wait_indirect_dma semaphore(%arg11 : memref<!tpu.dma_semaphore, #tpu.memory_space<semaphore_mem>>) src(%dma_wait3A_196 : memref<20480x32xbf16, #tpu.memory_space<hbm>>) dst(%dma_wait3A_191 : memref<128x32xbf16, #tpu.memory_space<vmem>>)
      %dma_start3A_197 = arith.constant 2 : i32
      %dma_start3A_198 = arith.constant 0 : i32
      %dma_start3A_199 = arith.constant 0 : i32
      %dma_start3A_200 = tpu.memref_slice %arg9[%dma_start3A_197, %dma_start3A_198, %dma_start3A_199] : memref<8x128x32xbf16, #tpu.memory_space<vmem>> -> memref<1x128x32xbf16, #tpu.memory_space<vmem>>
      %dma_start3A_201 = tpu.memref_squeeze %dma_start3A_200 : memref<1x128x32xbf16, #tpu.memory_space<vmem>> -> memref<128x32xbf16, #tpu.memory_space<vmem>>
      %dma_start3A_202 = arith.constant 0 : i32
      %dma_start3A_203 = tpu.memref_slice %arg8[%add3A_186, %dma_start3A_202] : memref<80x128xi32, #tpu.memory_space<vmem>> -> memref<1x128xi32, #tpu.memory_space<vmem>>
      %dma_start3A_204 = tpu.memref_squeeze %dma_start3A_203 : memref<1x128xi32, #tpu.memory_space<vmem>> -> memref<128xi32, #tpu.memory_space<vmem>>
      %dma_start3A_205 = arith.constant 0 : i32
      %dma_start3A_206 = arith.constant 0 : i32
      %dma_start3A_207 = tpu.memref_slice %arg10[%dma_start3A_205, %dma_start3A_206] : memref<10240x32xbf16, #tpu.memory_space<vmem_shared>> -> memref<10240x32xbf16, #tpu.memory_space<vmem_shared>>
      tpu.enqueue_indirect_dma source(%dma_start3A_201 : memref<128x32xbf16, #tpu.memory_space<vmem>>) target(%dma_start3A_207 : memref<10240x32xbf16, #tpu.memory_space<vmem_shared>>) offsets(%dma_start3A_204 : memref<128xi32, #tpu.memory_space<vmem>>) semaphore(%arg12 : memref<!tpu.dma_semaphore, #tpu.memory_space<semaphore_mem>>) {add = true}
      %ge3A_208 = arith.constant 1 : i32
      %ge3A_209 = arith.cmpi sge, %add3A_186, %ge3A_208 : i32
      %convert_element_type3A_210 = arith.extui %ge3A_209 : i1 to i32
      %cond3A_211 = arith.constant 0 : i32
      %cond3A_212 = arith.cmpi ne, %convert_element_type3A_210, %cond3A_211 : i32
      scf.if %cond3A_212 {
        %sub3A_417 = arith.constant 1 : i32
        %sub3A_418 = arith.subi %add3A_186, %sub3A_417 : i32
        %dma_wait3A_419 = arith.constant 1 : i32
        %dma_wait3A_420 = arith.constant 0 : i32
        %dma_wait3A_421 = arith.constant 0 : i32
        %dma_wait3A_422 = tpu.memref_slice %arg9[%dma_wait3A_419, %dma_wait3A_420, %dma_wait3A_421] : memref<8x128x32xbf16, #tpu.memory_space<vmem>> -> memref<1x128x32xbf16, #tpu.memory_space<vmem>>
        %dma_wait3A_423 = tpu.memref_squeeze %dma_wait3A_422 : memref<1x128x32xbf16, #tpu.memory_space<vmem>> -> memref<128x32xbf16, #tpu.memory_space<vmem>>
        %dma_wait3A_424 = arith.constant 0 : i32
        %dma_wait3A_425 = tpu.memref_slice %arg8[%sub3A_418, %dma_wait3A_424] : memref<80x128xi32, #tpu.memory_space<vmem>> -> memref<1x128xi32, #tpu.memory_space<vmem>>
        %dma_wait3A_426 = tpu.memref_squeeze %dma_wait3A_425 : memref<1x128xi32, #tpu.memory_space<vmem>> -> memref<128xi32, #tpu.memory_space<vmem>>
        %dma_wait3A_427 = arith.constant 0 : i32
        %dma_wait3A_428 = arith.constant 0 : i32
        %dma_wait3A_429 = tpu.memref_slice %arg10[%dma_wait3A_427, %dma_wait3A_428] : memref<10240x32xbf16, #tpu.memory_space<vmem_shared>> -> memref<10240x32xbf16, #tpu.memory_space<vmem_shared>>
        tpu.wait_indirect_dma semaphore(%arg12 : memref<!tpu.dma_semaphore, #tpu.memory_space<semaphore_mem>>) src(%dma_wait3A_423 : memref<128x32xbf16, #tpu.memory_space<vmem>>) dst(%dma_wait3A_429 : memref<10240x32xbf16, #tpu.memory_space<vmem_shared>>)
      } else {
      }
      %add3A_213 = arith.constant 8 : i32
      %add3A_214 = arith.addi %add3A_186, %add3A_213 : i32
      %sub3A_215 = arith.constant 1 : i32
      %sub3A_216 = arith.subi %add3A_214, %sub3A_215 : i32
      %le3A_217 = arith.constant 79 : i32
      %le3A_218 = arith.cmpi sle, %sub3A_216, %le3A_217 : i32
      %convert_element_type3A_219 = arith.extui %le3A_218 : i1 to i32
      %cond3A_220 = arith.constant 0 : i32
      %cond3A_221 = arith.cmpi ne, %convert_element_type3A_219, %cond3A_220 : i32
      scf.if %cond3A_221 {
        %add3A_417 = arith.constant 8 : i32
        %add3A_418 = arith.addi %add3A_186, %add3A_417 : i32
        %sub3A_419 = arith.constant 1 : i32
        %sub3A_420 = arith.subi %add3A_418, %sub3A_419 : i32
        %mul3A_421 = arith.constant 128 : i32
        %mul3A_422 = arith.muli %sub3A_420, %mul3A_421 : i32
        %dma_start3A_423 = arith.constant 1 : i32
        %dma_start3A_424 = arith.constant 0 : i32
        %dma_start3A_425 = arith.constant 0 : i32
        %dma_start3A_426 = tpu.memref_slice %arg9[%dma_start3A_423, %dma_start3A_424, %dma_start3A_425] : memref<8x128x32xbf16, #tpu.memory_space<vmem>> -> memref<1x128x32xbf16, #tpu.memory_space<vmem>>
        %dma_start3A_427 = tpu.memref_squeeze %dma_start3A_426 : memref<1x128x32xbf16, #tpu.memory_space<vmem>> -> memref<128x32xbf16, #tpu.memory_space<vmem>>
        %dma_start3A_428 = tpu.memref_slice %arg7[%mul3A_422] : memref<10240xi32, #tpu.memory_space<vmem>> -> memref<128xi32, #tpu.memory_space<vmem>>
        %dma_start3A_429 = arith.constant 0 : i32
        %dma_start3A_430 = arith.constant 0 : i32
        %dma_start3A_431 = tpu.memref_slice %arg2[%dma_start3A_429, %dma_start3A_430] : memref<20480x32xbf16, #tpu.memory_space<hbm>> -> memref<20480x32xbf16, #tpu.memory_space<hbm>>
        tpu.enqueue_indirect_dma source(%dma_start3A_431 : memref<20480x32xbf16, #tpu.memory_space<hbm>>) target(%dma_start3A_427 : memref<128x32xbf16, #tpu.memory_space<vmem>>) offsets(%dma_start3A_428 : memref<128xi32, #tpu.memory_space<vmem>>) semaphore(%arg11 : memref<!tpu.dma_semaphore, #tpu.memory_space<semaphore_mem>>)
      } else {
      }
      %mul3A_222 = arith.constant 8 : i32
      %mul3A_223 = arith.muli %scan3A_109, %mul3A_222 : i32
      %add3A_224 = arith.constant 3 : i32
      %add3A_225 = arith.addi %mul3A_223, %add3A_224 : i32
      %dma_wait3A_226 = arith.constant 3 : i32
      %dma_wait3A_227 = arith.constant 0 : i32
      %dma_wait3A_228 = arith.constant 0 : i32
      %dma_wait3A_229 = tpu.memref_slice %arg9[%dma_wait3A_226, %dma_wait3A_227, %dma_wait3A_228] : memref<8x128x32xbf16, #tpu.memory_space<vmem>> -> memref<1x128x32xbf16, #tpu.memory_space<vmem>>
      %dma_wait3A_230 = tpu.memref_squeeze %dma_wait3A_229 : memref<1x128x32xbf16, #tpu.memory_space<vmem>> -> memref<128x32xbf16, #tpu.memory_space<vmem>>
      %dma_wait3A_231 = arith.constant 0 : i32
      %dma_wait3A_232 = tpu.memref_slice %arg7[%dma_wait3A_231] : memref<10240xi32, #tpu.memory_space<vmem>> -> memref<128xi32, #tpu.memory_space<vmem>>
      %dma_wait3A_233 = arith.constant 0 : i32
      %dma_wait3A_234 = arith.constant 0 : i32
      %dma_wait3A_235 = tpu.memref_slice %arg2[%dma_wait3A_233, %dma_wait3A_234] : memref<20480x32xbf16, #tpu.memory_space<hbm>> -> memref<20480x32xbf16, #tpu.memory_space<hbm>>
      tpu.wait_indirect_dma semaphore(%arg11 : memref<!tpu.dma_semaphore, #tpu.memory_space<semaphore_mem>>) src(%dma_wait3A_235 : memref<20480x32xbf16, #tpu.memory_space<hbm>>) dst(%dma_wait3A_230 : memref<128x32xbf16, #tpu.memory_space<vmem>>)
      %dma_start3A_236 = arith.constant 3 : i32
      %dma_start3A_237 = arith.constant 0 : i32
      %dma_start3A_238 = arith.constant 0 : i32
      %dma_start3A_239 = tpu.memref_slice %arg9[%dma_start3A_236, %dma_start3A_237, %dma_start3A_238] : memref<8x128x32xbf16, #tpu.memory_space<vmem>> -> memref<1x128x32xbf16, #tpu.memory_space<vmem>>
      %dma_start3A_240 = tpu.memref_squeeze %dma_start3A_239 : memref<1x128x32xbf16, #tpu.memory_space<vmem>> -> memref<128x32xbf16, #tpu.memory_space<vmem>>
      %dma_start3A_241 = arith.constant 0 : i32
      %dma_start3A_242 = tpu.memref_slice %arg8[%add3A_225, %dma_start3A_241] : memref<80x128xi32, #tpu.memory_space<vmem>> -> memref<1x128xi32, #tpu.memory_space<vmem>>
      %dma_start3A_243 = tpu.memref_squeeze %dma_start3A_242 : memref<1x128xi32, #tpu.memory_space<vmem>> -> memref<128xi32, #tpu.memory_space<vmem>>
      %dma_start3A_244 = arith.constant 0 : i32
      %dma_start3A_245 = arith.constant 0 : i32
      %dma_start3A_246 = tpu.memref_slice %arg10[%dma_start3A_244, %dma_start3A_245] : memref<10240x32xbf16, #tpu.memory_space<vmem_shared>> -> memref<10240x32xbf16, #tpu.memory_space<vmem_shared>>
      tpu.enqueue_indirect_dma source(%dma_start3A_240 : memref<128x32xbf16, #tpu.memory_space<vmem>>) target(%dma_start3A_246 : memref<10240x32xbf16, #tpu.memory_space<vmem_shared>>) offsets(%dma_start3A_243 : memref<128xi32, #tpu.memory_space<vmem>>) semaphore(%arg12 : memref<!tpu.dma_semaphore, #tpu.memory_space<semaphore_mem>>) {add = true}
      %ge3A_247 = arith.constant 1 : i32
      %ge3A_248 = arith.cmpi sge, %add3A_225, %ge3A_247 : i32
      %convert_element_type3A_249 = arith.extui %ge3A_248 : i1 to i32
      %cond3A_250 = arith.constant 0 : i32
      %cond3A_251 = arith.cmpi ne, %convert_element_type3A_249, %cond3A_250 : i32
      scf.if %cond3A_251 {
        %sub3A_417 = arith.constant 1 : i32
        %sub3A_418 = arith.subi %add3A_225, %sub3A_417 : i32
        %dma_wait3A_419 = arith.constant 2 : i32
        %dma_wait3A_420 = arith.constant 0 : i32
        %dma_wait3A_421 = arith.constant 0 : i32
        %dma_wait3A_422 = tpu.memref_slice %arg9[%dma_wait3A_419, %dma_wait3A_420, %dma_wait3A_421] : memref<8x128x32xbf16, #tpu.memory_space<vmem>> -> memref<1x128x32xbf16, #tpu.memory_space<vmem>>
        %dma_wait3A_423 = tpu.memref_squeeze %dma_wait3A_422 : memref<1x128x32xbf16, #tpu.memory_space<vmem>> -> memref<128x32xbf16, #tpu.memory_space<vmem>>
        %dma_wait3A_424 = arith.constant 0 : i32
        %dma_wait3A_425 = tpu.memref_slice %arg8[%sub3A_418, %dma_wait3A_424] : memref<80x128xi32, #tpu.memory_space<vmem>> -> memref<1x128xi32, #tpu.memory_space<vmem>>
        %dma_wait3A_426 = tpu.memref_squeeze %dma_wait3A_425 : memref<1x128xi32, #tpu.memory_space<vmem>> -> memref<128xi32, #tpu.memory_space<vmem>>
        %dma_wait3A_427 = arith.constant 0 : i32
        %dma_wait3A_428 = arith.constant 0 : i32
        %dma_wait3A_429 = tpu.memref_slice %arg10[%dma_wait3A_427, %dma_wait3A_428] : memref<10240x32xbf16, #tpu.memory_space<vmem_shared>> -> memref<10240x32xbf16, #tpu.memory_space<vmem_shared>>
        tpu.wait_indirect_dma semaphore(%arg12 : memref<!tpu.dma_semaphore, #tpu.memory_space<semaphore_mem>>) src(%dma_wait3A_423 : memref<128x32xbf16, #tpu.memory_space<vmem>>) dst(%dma_wait3A_429 : memref<10240x32xbf16, #tpu.memory_space<vmem_shared>>)
      } else {
      }
      %add3A_252 = arith.constant 8 : i32
      %add3A_253 = arith.addi %add3A_225, %add3A_252 : i32
      %sub3A_254 = arith.constant 1 : i32
      %sub3A_255 = arith.subi %add3A_253, %sub3A_254 : i32
      %le3A_256 = arith.constant 79 : i32
      %le3A_257 = arith.cmpi sle, %sub3A_255, %le3A_256 : i32
      %convert_element_type3A_258 = arith.extui %le3A_257 : i1 to i32
      %cond3A_259 = arith.constant 0 : i32
      %cond3A_260 = arith.cmpi ne, %convert_element_type3A_258, %cond3A_259 : i32
      scf.if %cond3A_260 {
        %add3A_417 = arith.constant 8 : i32
        %add3A_418 = arith.addi %add3A_225, %add3A_417 : i32
        %sub3A_419 = arith.constant 1 : i32
        %sub3A_420 = arith.subi %add3A_418, %sub3A_419 : i32
        %mul3A_421 = arith.constant 128 : i32
        %mul3A_422 = arith.muli %sub3A_420, %mul3A_421 : i32
        %dma_start3A_423 = arith.constant 2 : i32
        %dma_start3A_424 = arith.constant 0 : i32
        %dma_start3A_425 = arith.constant 0 : i32
        %dma_start3A_426 = tpu.memref_slice %arg9[%dma_start3A_423, %dma_start3A_424, %dma_start3A_425] : memref<8x128x32xbf16, #tpu.memory_space<vmem>> -> memref<1x128x32xbf16, #tpu.memory_space<vmem>>
        %dma_start3A_427 = tpu.memref_squeeze %dma_start3A_426 : memref<1x128x32xbf16, #tpu.memory_space<vmem>> -> memref<128x32xbf16, #tpu.memory_space<vmem>>
        %dma_start3A_428 = tpu.memref_slice %arg7[%mul3A_422] : memref<10240xi32, #tpu.memory_space<vmem>> -> memref<128xi32, #tpu.memory_space<vmem>>
        %dma_start3A_429 = arith.constant 0 : i32
        %dma_start3A_430 = arith.constant 0 : i32
        %dma_start3A_431 = tpu.memref_slice %arg2[%dma_start3A_429, %dma_start3A_430] : memref<20480x32xbf16, #tpu.memory_space<hbm>> -> memref<20480x32xbf16, #tpu.memory_space<hbm>>
        tpu.enqueue_indirect_dma source(%dma_start3A_431 : memref<20480x32xbf16, #tpu.memory_space<hbm>>) target(%dma_start3A_427 : memref<128x32xbf16, #tpu.memory_space<vmem>>) offsets(%dma_start3A_428 : memref<128xi32, #tpu.memory_space<vmem>>) semaphore(%arg11 : memref<!tpu.dma_semaphore, #tpu.memory_space<semaphore_mem>>)
      } else {
      }
      %mul3A_261 = arith.constant 8 : i32
      %mul3A_262 = arith.muli %scan3A_109, %mul3A_261 : i32
      %add3A_263 = arith.constant 4 : i32
      %add3A_264 = arith.addi %mul3A_262, %add3A_263 : i32
      %dma_wait3A_265 = arith.constant 4 : i32
      %dma_wait3A_266 = arith.constant 0 : i32
      %dma_wait3A_267 = arith.constant 0 : i32
      %dma_wait3A_268 = tpu.memref_slice %arg9[%dma_wait3A_265, %dma_wait3A_266, %dma_wait3A_267] : memref<8x128x32xbf16, #tpu.memory_space<vmem>> -> memref<1x128x32xbf16, #tpu.memory_space<vmem>>
      %dma_wait3A_269 = tpu.memref_squeeze %dma_wait3A_268 : memref<1x128x32xbf16, #tpu.memory_space<vmem>> -> memref<128x32xbf16, #tpu.memory_space<vmem>>
      %dma_wait3A_270 = arith.constant 0 : i32
      %dma_wait3A_271 = tpu.memref_slice %arg7[%dma_wait3A_270] : memref<10240xi32, #tpu.memory_space<vmem>> -> memref<128xi32, #tpu.memory_space<vmem>>
      %dma_wait3A_272 = arith.constant 0 : i32
      %dma_wait3A_273 = arith.constant 0 : i32
      %dma_wait3A_274 = tpu.memref_slice %arg2[%dma_wait3A_272, %dma_wait3A_273] : memref<20480x32xbf16, #tpu.memory_space<hbm>> -> memref<20480x32xbf16, #tpu.memory_space<hbm>>
      tpu.wait_indirect_dma semaphore(%arg11 : memref<!tpu.dma_semaphore, #tpu.memory_space<semaphore_mem>>) src(%dma_wait3A_274 : memref<20480x32xbf16, #tpu.memory_space<hbm>>) dst(%dma_wait3A_269 : memref<128x32xbf16, #tpu.memory_space<vmem>>)
      %dma_start3A_275 = arith.constant 4 : i32
      %dma_start3A_276 = arith.constant 0 : i32
      %dma_start3A_277 = arith.constant 0 : i32
      %dma_start3A_278 = tpu.memref_slice %arg9[%dma_start3A_275, %dma_start3A_276, %dma_start3A_277] : memref<8x128x32xbf16, #tpu.memory_space<vmem>> -> memref<1x128x32xbf16, #tpu.memory_space<vmem>>
      %dma_start3A_279 = tpu.memref_squeeze %dma_start3A_278 : memref<1x128x32xbf16, #tpu.memory_space<vmem>> -> memref<128x32xbf16, #tpu.memory_space<vmem>>
      %dma_start3A_280 = arith.constant 0 : i32
      %dma_start3A_281 = tpu.memref_slice %arg8[%add3A_264, %dma_start3A_280] : memref<80x128xi32, #tpu.memory_space<vmem>> -> memref<1x128xi32, #tpu.memory_space<vmem>>
      %dma_start3A_282 = tpu.memref_squeeze %dma_start3A_281 : memref<1x128xi32, #tpu.memory_space<vmem>> -> memref<128xi32, #tpu.memory_space<vmem>>
      %dma_start3A_283 = arith.constant 0 : i32
      %dma_start3A_284 = arith.constant 0 : i32
      %dma_start3A_285 = tpu.memref_slice %arg10[%dma_start3A_283, %dma_start3A_284] : memref<10240x32xbf16, #tpu.memory_space<vmem_shared>> -> memref<10240x32xbf16, #tpu.memory_space<vmem_shared>>
      tpu.enqueue_indirect_dma source(%dma_start3A_279 : memref<128x32xbf16, #tpu.memory_space<vmem>>) target(%dma_start3A_285 : memref<10240x32xbf16, #tpu.memory_space<vmem_shared>>) offsets(%dma_start3A_282 : memref<128xi32, #tpu.memory_space<vmem>>) semaphore(%arg12 : memref<!tpu.dma_semaphore, #tpu.memory_space<semaphore_mem>>) {add = true}
      %ge3A_286 = arith.constant 1 : i32
      %ge3A_287 = arith.cmpi sge, %add3A_264, %ge3A_286 : i32
      %convert_element_type3A_288 = arith.extui %ge3A_287 : i1 to i32
      %cond3A_289 = arith.constant 0 : i32
      %cond3A_290 = arith.cmpi ne, %convert_element_type3A_288, %cond3A_289 : i32
      scf.if %cond3A_290 {
        %sub3A_417 = arith.constant 1 : i32
        %sub3A_418 = arith.subi %add3A_264, %sub3A_417 : i32
        %dma_wait3A_419 = arith.constant 3 : i32
        %dma_wait3A_420 = arith.constant 0 : i32
        %dma_wait3A_421 = arith.constant 0 : i32
        %dma_wait3A_422 = tpu.memref_slice %arg9[%dma_wait3A_419, %dma_wait3A_420, %dma_wait3A_421] : memref<8x128x32xbf16, #tpu.memory_space<vmem>> -> memref<1x128x32xbf16, #tpu.memory_space<vmem>>
        %dma_wait3A_423 = tpu.memref_squeeze %dma_wait3A_422 : memref<1x128x32xbf16, #tpu.memory_space<vmem>> -> memref<128x32xbf16, #tpu.memory_space<vmem>>
        %dma_wait3A_424 = arith.constant 0 : i32
        %dma_wait3A_425 = tpu.memref_slice %arg8[%sub3A_418, %dma_wait3A_424] : memref<80x128xi32, #tpu.memory_space<vmem>> -> memref<1x128xi32, #tpu.memory_space<vmem>>
        %dma_wait3A_426 = tpu.memref_squeeze %dma_wait3A_425 : memref<1x128xi32, #tpu.memory_space<vmem>> -> memref<128xi32, #tpu.memory_space<vmem>>
        %dma_wait3A_427 = arith.constant 0 : i32
        %dma_wait3A_428 = arith.constant 0 : i32
        %dma_wait3A_429 = tpu.memref_slice %arg10[%dma_wait3A_427, %dma_wait3A_428] : memref<10240x32xbf16, #tpu.memory_space<vmem_shared>> -> memref<10240x32xbf16, #tpu.memory_space<vmem_shared>>
        tpu.wait_indirect_dma semaphore(%arg12 : memref<!tpu.dma_semaphore, #tpu.memory_space<semaphore_mem>>) src(%dma_wait3A_423 : memref<128x32xbf16, #tpu.memory_space<vmem>>) dst(%dma_wait3A_429 : memref<10240x32xbf16, #tpu.memory_space<vmem_shared>>)
      } else {
      }
      %add3A_291 = arith.constant 8 : i32
      %add3A_292 = arith.addi %add3A_264, %add3A_291 : i32
      %sub3A_293 = arith.constant 1 : i32
      %sub3A_294 = arith.subi %add3A_292, %sub3A_293 : i32
      %le3A_295 = arith.constant 79 : i32
      %le3A_296 = arith.cmpi sle, %sub3A_294, %le3A_295 : i32
      %convert_element_type3A_297 = arith.extui %le3A_296 : i1 to i32
      %cond3A_298 = arith.constant 0 : i32
      %cond3A_299 = arith.cmpi ne, %convert_element_type3A_297, %cond3A_298 : i32
      scf.if %cond3A_299 {
        %add3A_417 = arith.constant 8 : i32
        %add3A_418 = arith.addi %add3A_264, %add3A_417 : i32
        %sub3A_419 = arith.constant 1 : i32
        %sub3A_420 = arith.subi %add3A_418, %sub3A_419 : i32
        %mul3A_421 = arith.constant 128 : i32
        %mul3A_422 = arith.muli %sub3A_420, %mul3A_421 : i32
        %dma_start3A_423 = arith.constant 3 : i32
        %dma_start3A_424 = arith.constant 0 : i32
        %dma_start3A_425 = arith.constant 0 : i32
        %dma_start3A_426 = tpu.memref_slice %arg9[%dma_start3A_423, %dma_start3A_424, %dma_start3A_425] : memref<8x128x32xbf16, #tpu.memory_space<vmem>> -> memref<1x128x32xbf16, #tpu.memory_space<vmem>>
        %dma_start3A_427 = tpu.memref_squeeze %dma_start3A_426 : memref<1x128x32xbf16, #tpu.memory_space<vmem>> -> memref<128x32xbf16, #tpu.memory_space<vmem>>
        %dma_start3A_428 = tpu.memref_slice %arg7[%mul3A_422] : memref<10240xi32, #tpu.memory_space<vmem>> -> memref<128xi32, #tpu.memory_space<vmem>>
        %dma_start3A_429 = arith.constant 0 : i32
        %dma_start3A_430 = arith.constant 0 : i32
        %dma_start3A_431 = tpu.memref_slice %arg2[%dma_start3A_429, %dma_start3A_430] : memref<20480x32xbf16, #tpu.memory_space<hbm>> -> memref<20480x32xbf16, #tpu.memory_space<hbm>>
        tpu.enqueue_indirect_dma source(%dma_start3A_431 : memref<20480x32xbf16, #tpu.memory_space<hbm>>) target(%dma_start3A_427 : memref<128x32xbf16, #tpu.memory_space<vmem>>) offsets(%dma_start3A_428 : memref<128xi32, #tpu.memory_space<vmem>>) semaphore(%arg11 : memref<!tpu.dma_semaphore, #tpu.memory_space<semaphore_mem>>)
      } else {
      }
      %mul3A_300 = arith.constant 8 : i32
      %mul3A_301 = arith.muli %scan3A_109, %mul3A_300 : i32
      %add3A_302 = arith.constant 5 : i32
      %add3A_303 = arith.addi %mul3A_301, %add3A_302 : i32
      %dma_wait3A_304 = arith.constant 5 : i32
      %dma_wait3A_305 = arith.constant 0 : i32
      %dma_wait3A_306 = arith.constant 0 : i32
      %dma_wait3A_307 = tpu.memref_slice %arg9[%dma_wait3A_304, %dma_wait3A_305, %dma_wait3A_306] : memref<8x128x32xbf16, #tpu.memory_space<vmem>> -> memref<1x128x32xbf16, #tpu.memory_space<vmem>>
      %dma_wait3A_308 = tpu.memref_squeeze %dma_wait3A_307 : memref<1x128x32xbf16, #tpu.memory_space<vmem>> -> memref<128x32xbf16, #tpu.memory_space<vmem>>
      %dma_wait3A_309 = arith.constant 0 : i32
      %dma_wait3A_310 = tpu.memref_slice %arg7[%dma_wait3A_309] : memref<10240xi32, #tpu.memory_space<vmem>> -> memref<128xi32, #tpu.memory_space<vmem>>
      %dma_wait3A_311 = arith.constant 0 : i32
      %dma_wait3A_312 = arith.constant 0 : i32
      %dma_wait3A_313 = tpu.memref_slice %arg2[%dma_wait3A_311, %dma_wait3A_312] : memref<20480x32xbf16, #tpu.memory_space<hbm>> -> memref<20480x32xbf16, #tpu.memory_space<hbm>>
      tpu.wait_indirect_dma semaphore(%arg11 : memref<!tpu.dma_semaphore, #tpu.memory_space<semaphore_mem>>) src(%dma_wait3A_313 : memref<20480x32xbf16, #tpu.memory_space<hbm>>) dst(%dma_wait3A_308 : memref<128x32xbf16, #tpu.memory_space<vmem>>)
      %dma_start3A_314 = arith.constant 5 : i32
      %dma_start3A_315 = arith.constant 0 : i32
      %dma_start3A_316 = arith.constant 0 : i32
      %dma_start3A_317 = tpu.memref_slice %arg9[%dma_start3A_314, %dma_start3A_315, %dma_start3A_316] : memref<8x128x32xbf16, #tpu.memory_space<vmem>> -> memref<1x128x32xbf16, #tpu.memory_space<vmem>>
      %dma_start3A_318 = tpu.memref_squeeze %dma_start3A_317 : memref<1x128x32xbf16, #tpu.memory_space<vmem>> -> memref<128x32xbf16, #tpu.memory_space<vmem>>
      %dma_start3A_319 = arith.constant 0 : i32
      %dma_start3A_320 = tpu.memref_slice %arg8[%add3A_303, %dma_start3A_319] : memref<80x128xi32, #tpu.memory_space<vmem>> -> memref<1x128xi32, #tpu.memory_space<vmem>>
      %dma_start3A_321 = tpu.memref_squeeze %dma_start3A_320 : memref<1x128xi32, #tpu.memory_space<vmem>> -> memref<128xi32, #tpu.memory_space<vmem>>
      %dma_start3A_322 = arith.constant 0 : i32
      %dma_start3A_323 = arith.constant 0 : i32
      %dma_start3A_324 = tpu.memref_slice %arg10[%dma_start3A_322, %dma_start3A_323] : memref<10240x32xbf16, #tpu.memory_space<vmem_shared>> -> memref<10240x32xbf16, #tpu.memory_space<vmem_shared>>
      tpu.enqueue_indirect_dma source(%dma_start3A_318 : memref<128x32xbf16, #tpu.memory_space<vmem>>) target(%dma_start3A_324 : memref<10240x32xbf16, #tpu.memory_space<vmem_shared>>) offsets(%dma_start3A_321 : memref<128xi32, #tpu.memory_space<vmem>>) semaphore(%arg12 : memref<!tpu.dma_semaphore, #tpu.memory_space<semaphore_mem>>) {add = true}
      %ge3A_325 = arith.constant 1 : i32
      %ge3A_326 = arith.cmpi sge, %add3A_303, %ge3A_325 : i32
      %convert_element_type3A_327 = arith.extui %ge3A_326 : i1 to i32
      %cond3A_328 = arith.constant 0 : i32
      %cond3A_329 = arith.cmpi ne, %convert_element_type3A_327, %cond3A_328 : i32
      scf.if %cond3A_329 {
        %sub3A_417 = arith.constant 1 : i32
        %sub3A_418 = arith.subi %add3A_303, %sub3A_417 : i32
        %dma_wait3A_419 = arith.constant 4 : i32
        %dma_wait3A_420 = arith.constant 0 : i32
        %dma_wait3A_421 = arith.constant 0 : i32
        %dma_wait3A_422 = tpu.memref_slice %arg9[%dma_wait3A_419, %dma_wait3A_420, %dma_wait3A_421] : memref<8x128x32xbf16, #tpu.memory_space<vmem>> -> memref<1x128x32xbf16, #tpu.memory_space<vmem>>
        %dma_wait3A_423 = tpu.memref_squeeze %dma_wait3A_422 : memref<1x128x32xbf16, #tpu.memory_space<vmem>> -> memref<128x32xbf16, #tpu.memory_space<vmem>>
        %dma_wait3A_424 = arith.constant 0 : i32
        %dma_wait3A_425 = tpu.memref_slice %arg8[%sub3A_418, %dma_wait3A_424] : memref<80x128xi32, #tpu.memory_space<vmem>> -> memref<1x128xi32, #tpu.memory_space<vmem>>
        %dma_wait3A_426 = tpu.memref_squeeze %dma_wait3A_425 : memref<1x128xi32, #tpu.memory_space<vmem>> -> memref<128xi32, #tpu.memory_space<vmem>>
        %dma_wait3A_427 = arith.constant 0 : i32
        %dma_wait3A_428 = arith.constant 0 : i32
        %dma_wait3A_429 = tpu.memref_slice %arg10[%dma_wait3A_427, %dma_wait3A_428] : memref<10240x32xbf16, #tpu.memory_space<vmem_shared>> -> memref<10240x32xbf16, #tpu.memory_space<vmem_shared>>
        tpu.wait_indirect_dma semaphore(%arg12 : memref<!tpu.dma_semaphore, #tpu.memory_space<semaphore_mem>>) src(%dma_wait3A_423 : memref<128x32xbf16, #tpu.memory_space<vmem>>) dst(%dma_wait3A_429 : memref<10240x32xbf16, #tpu.memory_space<vmem_shared>>)
      } else {
      }
      %add3A_330 = arith.constant 8 : i32
      %add3A_331 = arith.addi %add3A_303, %add3A_330 : i32
      %sub3A_332 = arith.constant 1 : i32
      %sub3A_333 = arith.subi %add3A_331, %sub3A_332 : i32
      %le3A_334 = arith.constant 79 : i32
      %le3A_335 = arith.cmpi sle, %sub3A_333, %le3A_334 : i32
      %convert_element_type3A_336 = arith.extui %le3A_335 : i1 to i32
      %cond3A_337 = arith.constant 0 : i32
      %cond3A_338 = arith.cmpi ne, %convert_element_type3A_336, %cond3A_337 : i32
      scf.if %cond3A_338 {
        %add3A_417 = arith.constant 8 : i32
        %add3A_418 = arith.addi %add3A_303, %add3A_417 : i32
        %sub3A_419 = arith.constant 1 : i32
        %sub3A_420 = arith.subi %add3A_418, %sub3A_419 : i32
        %mul3A_421 = arith.constant 128 : i32
        %mul3A_422 = arith.muli %sub3A_420, %mul3A_421 : i32
        %dma_start3A_423 = arith.constant 4 : i32
        %dma_start3A_424 = arith.constant 0 : i32
        %dma_start3A_425 = arith.constant 0 : i32
        %dma_start3A_426 = tpu.memref_slice %arg9[%dma_start3A_423, %dma_start3A_424, %dma_start3A_425] : memref<8x128x32xbf16, #tpu.memory_space<vmem>> -> memref<1x128x32xbf16, #tpu.memory_space<vmem>>
        %dma_start3A_427 = tpu.memref_squeeze %dma_start3A_426 : memref<1x128x32xbf16, #tpu.memory_space<vmem>> -> memref<128x32xbf16, #tpu.memory_space<vmem>>
        %dma_start3A_428 = tpu.memref_slice %arg7[%mul3A_422] : memref<10240xi32, #tpu.memory_space<vmem>> -> memref<128xi32, #tpu.memory_space<vmem>>
        %dma_start3A_429 = arith.constant 0 : i32
        %dma_start3A_430 = arith.constant 0 : i32
        %dma_start3A_431 = tpu.memref_slice %arg2[%dma_start3A_429, %dma_start3A_430] : memref<20480x32xbf16, #tpu.memory_space<hbm>> -> memref<20480x32xbf16, #tpu.memory_space<hbm>>
        tpu.enqueue_indirect_dma source(%dma_start3A_431 : memref<20480x32xbf16, #tpu.memory_space<hbm>>) target(%dma_start3A_427 : memref<128x32xbf16, #tpu.memory_space<vmem>>) offsets(%dma_start3A_428 : memref<128xi32, #tpu.memory_space<vmem>>) semaphore(%arg11 : memref<!tpu.dma_semaphore, #tpu.memory_space<semaphore_mem>>)
      } else {
      }
      %mul3A_339 = arith.constant 8 : i32
      %mul3A_340 = arith.muli %scan3A_109, %mul3A_339 : i32
      %add3A_341 = arith.constant 6 : i32
      %add3A_342 = arith.addi %mul3A_340, %add3A_341 : i32
      %dma_wait3A_343 = arith.constant 6 : i32
      %dma_wait3A_344 = arith.constant 0 : i32
      %dma_wait3A_345 = arith.constant 0 : i32
      %dma_wait3A_346 = tpu.memref_slice %arg9[%dma_wait3A_343, %dma_wait3A_344, %dma_wait3A_345] : memref<8x128x32xbf16, #tpu.memory_space<vmem>> -> memref<1x128x32xbf16, #tpu.memory_space<vmem>>
      %dma_wait3A_347 = tpu.memref_squeeze %dma_wait3A_346 : memref<1x128x32xbf16, #tpu.memory_space<vmem>> -> memref<128x32xbf16, #tpu.memory_space<vmem>>
      %dma_wait3A_348 = arith.constant 0 : i32
      %dma_wait3A_349 = tpu.memref_slice %arg7[%dma_wait3A_348] : memref<10240xi32, #tpu.memory_space<vmem>> -> memref<128xi32, #tpu.memory_space<vmem>>
      %dma_wait3A_350 = arith.constant 0 : i32
      %dma_wait3A_351 = arith.constant 0 : i32
      %dma_wait3A_352 = tpu.memref_slice %arg2[%dma_wait3A_350, %dma_wait3A_351] : memref<20480x32xbf16, #tpu.memory_space<hbm>> -> memref<20480x32xbf16, #tpu.memory_space<hbm>>
      tpu.wait_indirect_dma semaphore(%arg11 : memref<!tpu.dma_semaphore, #tpu.memory_space<semaphore_mem>>) src(%dma_wait3A_352 : memref<20480x32xbf16, #tpu.memory_space<hbm>>) dst(%dma_wait3A_347 : memref<128x32xbf16, #tpu.memory_space<vmem>>)
      %dma_start3A_353 = arith.constant 6 : i32
      %dma_start3A_354 = arith.constant 0 : i32
      %dma_start3A_355 = arith.constant 0 : i32
      %dma_start3A_356 = tpu.memref_slice %arg9[%dma_start3A_353, %dma_start3A_354, %dma_start3A_355] : memref<8x128x32xbf16, #tpu.memory_space<vmem>> -> memref<1x128x32xbf16, #tpu.memory_space<vmem>>
      %dma_start3A_357 = tpu.memref_squeeze %dma_start3A_356 : memref<1x128x32xbf16, #tpu.memory_space<vmem>> -> memref<128x32xbf16, #tpu.memory_space<vmem>>
      %dma_start3A_358 = arith.constant 0 : i32
      %dma_start3A_359 = tpu.memref_slice %arg8[%add3A_342, %dma_start3A_358] : memref<80x128xi32, #tpu.memory_space<vmem>> -> memref<1x128xi32, #tpu.memory_space<vmem>>
      %dma_start3A_360 = tpu.memref_squeeze %dma_start3A_359 : memref<1x128xi32, #tpu.memory_space<vmem>> -> memref<128xi32, #tpu.memory_space<vmem>>
      %dma_start3A_361 = arith.constant 0 : i32
      %dma_start3A_362 = arith.constant 0 : i32
      %dma_start3A_363 = tpu.memref_slice %arg10[%dma_start3A_361, %dma_start3A_362] : memref<10240x32xbf16, #tpu.memory_space<vmem_shared>> -> memref<10240x32xbf16, #tpu.memory_space<vmem_shared>>
      tpu.enqueue_indirect_dma source(%dma_start3A_357 : memref<128x32xbf16, #tpu.memory_space<vmem>>) target(%dma_start3A_363 : memref<10240x32xbf16, #tpu.memory_space<vmem_shared>>) offsets(%dma_start3A_360 : memref<128xi32, #tpu.memory_space<vmem>>) semaphore(%arg12 : memref<!tpu.dma_semaphore, #tpu.memory_space<semaphore_mem>>) {add = true}
      %ge3A_364 = arith.constant 1 : i32
      %ge3A_365 = arith.cmpi sge, %add3A_342, %ge3A_364 : i32
      %convert_element_type3A_366 = arith.extui %ge3A_365 : i1 to i32
      %cond3A_367 = arith.constant 0 : i32
      %cond3A_368 = arith.cmpi ne, %convert_element_type3A_366, %cond3A_367 : i32
      scf.if %cond3A_368 {
        %sub3A_417 = arith.constant 1 : i32
        %sub3A_418 = arith.subi %add3A_342, %sub3A_417 : i32
        %dma_wait3A_419 = arith.constant 5 : i32
        %dma_wait3A_420 = arith.constant 0 : i32
        %dma_wait3A_421 = arith.constant 0 : i32
        %dma_wait3A_422 = tpu.memref_slice %arg9[%dma_wait3A_419, %dma_wait3A_420, %dma_wait3A_421] : memref<8x128x32xbf16, #tpu.memory_space<vmem>> -> memref<1x128x32xbf16, #tpu.memory_space<vmem>>
        %dma_wait3A_423 = tpu.memref_squeeze %dma_wait3A_422 : memref<1x128x32xbf16, #tpu.memory_space<vmem>> -> memref<128x32xbf16, #tpu.memory_space<vmem>>
        %dma_wait3A_424 = arith.constant 0 : i32
        %dma_wait3A_425 = tpu.memref_slice %arg8[%sub3A_418, %dma_wait3A_424] : memref<80x128xi32, #tpu.memory_space<vmem>> -> memref<1x128xi32, #tpu.memory_space<vmem>>
        %dma_wait3A_426 = tpu.memref_squeeze %dma_wait3A_425 : memref<1x128xi32, #tpu.memory_space<vmem>> -> memref<128xi32, #tpu.memory_space<vmem>>
        %dma_wait3A_427 = arith.constant 0 : i32
        %dma_wait3A_428 = arith.constant 0 : i32
        %dma_wait3A_429 = tpu.memref_slice %arg10[%dma_wait3A_427, %dma_wait3A_428] : memref<10240x32xbf16, #tpu.memory_space<vmem_shared>> -> memref<10240x32xbf16, #tpu.memory_space<vmem_shared>>
        tpu.wait_indirect_dma semaphore(%arg12 : memref<!tpu.dma_semaphore, #tpu.memory_space<semaphore_mem>>) src(%dma_wait3A_423 : memref<128x32xbf16, #tpu.memory_space<vmem>>) dst(%dma_wait3A_429 : memref<10240x32xbf16, #tpu.memory_space<vmem_shared>>)
      } else {
      }
      %add3A_369 = arith.constant 8 : i32
      %add3A_370 = arith.addi %add3A_342, %add3A_369 : i32
      %sub3A_371 = arith.constant 1 : i32
      %sub3A_372 = arith.subi %add3A_370, %sub3A_371 : i32
      %le3A_373 = arith.constant 79 : i32
      %le3A_374 = arith.cmpi sle, %sub3A_372, %le3A_373 : i32
      %convert_element_type3A_375 = arith.extui %le3A_374 : i1 to i32
      %cond3A_376 = arith.constant 0 : i32
      %cond3A_377 = arith.cmpi ne, %convert_element_type3A_375, %cond3A_376 : i32
      scf.if %cond3A_377 {
        %add3A_417 = arith.constant 8 : i32
        %add3A_418 = arith.addi %add3A_342, %add3A_417 : i32
        %sub3A_419 = arith.constant 1 : i32
        %sub3A_420 = arith.subi %add3A_418, %sub3A_419 : i32
        %mul3A_421 = arith.constant 128 : i32
        %mul3A_422 = arith.muli %sub3A_420, %mul3A_421 : i32
        %dma_start3A_423 = arith.constant 5 : i32
        %dma_start3A_424 = arith.constant 0 : i32
        %dma_start3A_425 = arith.constant 0 : i32
        %dma_start3A_426 = tpu.memref_slice %arg9[%dma_start3A_423, %dma_start3A_424, %dma_start3A_425] : memref<8x128x32xbf16, #tpu.memory_space<vmem>> -> memref<1x128x32xbf16, #tpu.memory_space<vmem>>
        %dma_start3A_427 = tpu.memref_squeeze %dma_start3A_426 : memref<1x128x32xbf16, #tpu.memory_space<vmem>> -> memref<128x32xbf16, #tpu.memory_space<vmem>>
        %dma_start3A_428 = tpu.memref_slice %arg7[%mul3A_422] : memref<10240xi32, #tpu.memory_space<vmem>> -> memref<128xi32, #tpu.memory_space<vmem>>
        %dma_start3A_429 = arith.constant 0 : i32
        %dma_start3A_430 = arith.constant 0 : i32
        %dma_start3A_431 = tpu.memref_slice %arg2[%dma_start3A_429, %dma_start3A_430] : memref<20480x32xbf16, #tpu.memory_space<hbm>> -> memref<20480x32xbf16, #tpu.memory_space<hbm>>
        tpu.enqueue_indirect_dma source(%dma_start3A_431 : memref<20480x32xbf16, #tpu.memory_space<hbm>>) target(%dma_start3A_427 : memref<128x32xbf16, #tpu.memory_space<vmem>>) offsets(%dma_start3A_428 : memref<128xi32, #tpu.memory_space<vmem>>) semaphore(%arg11 : memref<!tpu.dma_semaphore, #tpu.memory_space<semaphore_mem>>)
      } else {
      }
      %mul3A_378 = arith.constant 8 : i32
      %mul3A_379 = arith.muli %scan3A_109, %mul3A_378 : i32
      %add3A_380 = arith.constant 7 : i32
      %add3A_381 = arith.addi %mul3A_379, %add3A_380 : i32
      %dma_wait3A_382 = arith.constant 7 : i32
      %dma_wait3A_383 = arith.constant 0 : i32
      %dma_wait3A_384 = arith.constant 0 : i32
      %dma_wait3A_385 = tpu.memref_slice %arg9[%dma_wait3A_382, %dma_wait3A_383, %dma_wait3A_384] : memref<8x128x32xbf16, #tpu.memory_space<vmem>> -> memref<1x128x32xbf16, #tpu.memory_space<vmem>>
      %dma_wait3A_386 = tpu.memref_squeeze %dma_wait3A_385 : memref<1x128x32xbf16, #tpu.memory_space<vmem>> -> memref<128x32xbf16, #tpu.memory_space<vmem>>
      %dma_wait3A_387 = arith.constant 0 : i32
      %dma_wait3A_388 = tpu.memref_slice %arg7[%dma_wait3A_387] : memref<10240xi32, #tpu.memory_space<vmem>> -> memref<128xi32, #tpu.memory_space<vmem>>
      %dma_wait3A_389 = arith.constant 0 : i32
      %dma_wait3A_390 = arith.constant 0 : i32
      %dma_wait3A_391 = tpu.memref_slice %arg2[%dma_wait3A_389, %dma_wait3A_390] : memref<20480x32xbf16, #tpu.memory_space<hbm>> -> memref<20480x32xbf16, #tpu.memory_space<hbm>>
      tpu.wait_indirect_dma semaphore(%arg11 : memref<!tpu.dma_semaphore, #tpu.memory_space<semaphore_mem>>) src(%dma_wait3A_391 : memref<20480x32xbf16, #tpu.memory_space<hbm>>) dst(%dma_wait3A_386 : memref<128x32xbf16, #tpu.memory_space<vmem>>)
      %dma_start3A_392 = arith.constant 7 : i32
      %dma_start3A_393 = arith.constant 0 : i32
      %dma_start3A_394 = arith.constant 0 : i32
      %dma_start3A_395 = tpu.memref_slice %arg9[%dma_start3A_392, %dma_start3A_393, %dma_start3A_394] : memref<8x128x32xbf16, #tpu.memory_space<vmem>> -> memref<1x128x32xbf16, #tpu.memory_space<vmem>>
      %dma_start3A_396 = tpu.memref_squeeze %dma_start3A_395 : memref<1x128x32xbf16, #tpu.memory_space<vmem>> -> memref<128x32xbf16, #tpu.memory_space<vmem>>
      %dma_start3A_397 = arith.constant 0 : i32
      %dma_start3A_398 = tpu.memref_slice %arg8[%add3A_381, %dma_start3A_397] : memref<80x128xi32, #tpu.memory_space<vmem>> -> memref<1x128xi32, #tpu.memory_space<vmem>>
      %dma_start3A_399 = tpu.memref_squeeze %dma_start3A_398 : memref<1x128xi32, #tpu.memory_space<vmem>> -> memref<128xi32, #tpu.memory_space<vmem>>
      %dma_start3A_400 = arith.constant 0 : i32
      %dma_start3A_401 = arith.constant 0 : i32
      %dma_start3A_402 = tpu.memref_slice %arg10[%dma_start3A_400, %dma_start3A_401] : memref<10240x32xbf16, #tpu.memory_space<vmem_shared>> -> memref<10240x32xbf16, #tpu.memory_space<vmem_shared>>
      tpu.enqueue_indirect_dma source(%dma_start3A_396 : memref<128x32xbf16, #tpu.memory_space<vmem>>) target(%dma_start3A_402 : memref<10240x32xbf16, #tpu.memory_space<vmem_shared>>) offsets(%dma_start3A_399 : memref<128xi32, #tpu.memory_space<vmem>>) semaphore(%arg12 : memref<!tpu.dma_semaphore, #tpu.memory_space<semaphore_mem>>) {add = true}
      %ge3A_403 = arith.constant 1 : i32
      %ge3A_404 = arith.cmpi sge, %add3A_381, %ge3A_403 : i32
      %convert_element_type3A_405 = arith.extui %ge3A_404 : i1 to i32
      %cond3A_406 = arith.constant 0 : i32
      %cond3A_407 = arith.cmpi ne, %convert_element_type3A_405, %cond3A_406 : i32
      scf.if %cond3A_407 {
        %sub3A_417 = arith.constant 1 : i32
        %sub3A_418 = arith.subi %add3A_381, %sub3A_417 : i32
        %dma_wait3A_419 = arith.constant 6 : i32
        %dma_wait3A_420 = arith.constant 0 : i32
        %dma_wait3A_421 = arith.constant 0 : i32
        %dma_wait3A_422 = tpu.memref_slice %arg9[%dma_wait3A_419, %dma_wait3A_420, %dma_wait3A_421] : memref<8x128x32xbf16, #tpu.memory_space<vmem>> -> memref<1x128x32xbf16, #tpu.memory_space<vmem>>
        %dma_wait3A_423 = tpu.memref_squeeze %dma_wait3A_422 : memref<1x128x32xbf16, #tpu.memory_space<vmem>> -> memref<128x32xbf16, #tpu.memory_space<vmem>>
        %dma_wait3A_424 = arith.constant 0 : i32
        %dma_wait3A_425 = tpu.memref_slice %arg8[%sub3A_418, %dma_wait3A_424] : memref<80x128xi32, #tpu.memory_space<vmem>> -> memref<1x128xi32, #tpu.memory_space<vmem>>
        %dma_wait3A_426 = tpu.memref_squeeze %dma_wait3A_425 : memref<1x128xi32, #tpu.memory_space<vmem>> -> memref<128xi32, #tpu.memory_space<vmem>>
        %dma_wait3A_427 = arith.constant 0 : i32
        %dma_wait3A_428 = arith.constant 0 : i32
        %dma_wait3A_429 = tpu.memref_slice %arg10[%dma_wait3A_427, %dma_wait3A_428] : memref<10240x32xbf16, #tpu.memory_space<vmem_shared>> -> memref<10240x32xbf16, #tpu.memory_space<vmem_shared>>
        tpu.wait_indirect_dma semaphore(%arg12 : memref<!tpu.dma_semaphore, #tpu.memory_space<semaphore_mem>>) src(%dma_wait3A_423 : memref<128x32xbf16, #tpu.memory_space<vmem>>) dst(%dma_wait3A_429 : memref<10240x32xbf16, #tpu.memory_space<vmem_shared>>)
      } else {
      }
      %add3A_408 = arith.constant 8 : i32
      %add3A_409 = arith.addi %add3A_381, %add3A_408 : i32
      %sub3A_410 = arith.constant 1 : i32
      %sub3A_411 = arith.subi %add3A_409, %sub3A_410 : i32
      %le3A_412 = arith.constant 79 : i32
      %le3A_413 = arith.cmpi sle, %sub3A_411, %le3A_412 : i32
      %convert_element_type3A_414 = arith.extui %le3A_413 : i1 to i32
      %cond3A_415 = arith.constant 0 : i32
      %cond3A_416 = arith.cmpi ne, %convert_element_type3A_414, %cond3A_415 : i32
      scf.if %cond3A_416 {
        %add3A_417 = arith.constant 8 : i32
        %add3A_418 = arith.addi %add3A_381, %add3A_417 : i32
        %sub3A_419 = arith.constant 1 : i32
        %sub3A_420 = arith.subi %add3A_418, %sub3A_419 : i32
        %mul3A_421 = arith.constant 128 : i32
        %mul3A_422 = arith.muli %sub3A_420, %mul3A_421 : i32
        %dma_start3A_423 = arith.constant 6 : i32
        %dma_start3A_424 = arith.constant 0 : i32
        %dma_start3A_425 = arith.constant 0 : i32
        %dma_start3A_426 = tpu.memref_slice %arg9[%dma_start3A_423, %dma_start3A_424, %dma_start3A_425] : memref<8x128x32xbf16, #tpu.memory_space<vmem>> -> memref<1x128x32xbf16, #tpu.memory_space<vmem>>
        %dma_start3A_427 = tpu.memref_squeeze %dma_start3A_426 : memref<1x128x32xbf16, #tpu.memory_space<vmem>> -> memref<128x32xbf16, #tpu.memory_space<vmem>>
        %dma_start3A_428 = tpu.memref_slice %arg7[%mul3A_422] : memref<10240xi32, #tpu.memory_space<vmem>> -> memref<128xi32, #tpu.memory_space<vmem>>
        %dma_start3A_429 = arith.constant 0 : i32
        %dma_start3A_430 = arith.constant 0 : i32
        %dma_start3A_431 = tpu.memref_slice %arg2[%dma_start3A_429, %dma_start3A_430] : memref<20480x32xbf16, #tpu.memory_space<hbm>> -> memref<20480x32xbf16, #tpu.memory_space<hbm>>
        tpu.enqueue_indirect_dma source(%dma_start3A_431 : memref<20480x32xbf16, #tpu.memory_space<hbm>>) target(%dma_start3A_427 : memref<128x32xbf16, #tpu.memory_space<vmem>>) offsets(%dma_start3A_428 : memref<128xi32, #tpu.memory_space<vmem>>) semaphore(%arg11 : memref<!tpu.dma_semaphore, #tpu.memory_space<semaphore_mem>>)
      } else {
      }
    }
    %scan3A_88 = arith.constant 10 : i32
    %dma_wait3A = arith.constant 7 : i32
    %dma_wait3A_89 = arith.constant 79 : i32
    %dma_wait3A_90 = arith.constant 0 : i32
    %dma_wait3A_91 = arith.constant 0 : i32
    %dma_wait3A_92 = tpu.memref_slice %arg9[%dma_wait3A, %dma_wait3A_90, %dma_wait3A_91] : memref<8x128x32xbf16, #tpu.memory_space<vmem>> -> memref<1x128x32xbf16, #tpu.memory_space<vmem>>
    %dma_wait3A_93 = tpu.memref_squeeze %dma_wait3A_92 : memref<1x128x32xbf16, #tpu.memory_space<vmem>> -> memref<128x32xbf16, #tpu.memory_space<vmem>>
    %dma_wait3A_94 = arith.constant 0 : i32
    %dma_wait3A_95 = tpu.memref_slice %arg8[%dma_wait3A_89, %dma_wait3A_94] : memref<80x128xi32, #tpu.memory_space<vmem>> -> memref<1x128xi32, #tpu.memory_space<vmem>>
    %dma_wait3A_96 = tpu.memref_squeeze %dma_wait3A_95 : memref<1x128xi32, #tpu.memory_space<vmem>> -> memref<128xi32, #tpu.memory_space<vmem>>
    %dma_wait3A_97 = arith.constant 0 : i32
    %dma_wait3A_98 = arith.constant 0 : i32
    %dma_wait3A_99 = tpu.memref_slice %arg10[%dma_wait3A_97, %dma_wait3A_98] : memref<10240x32xbf16, #tpu.memory_space<vmem_shared>> -> memref<10240x32xbf16, #tpu.memory_space<vmem_shared>>
    tpu.wait_indirect_dma semaphore(%arg12 : memref<!tpu.dma_semaphore, #tpu.memory_space<semaphore_mem>>) src(%dma_wait3A_93 : memref<128x32xbf16, #tpu.memory_space<vmem>>) dst(%dma_wait3A_99 : memref<10240x32xbf16, #tpu.memory_space<vmem_shared>>)
    %scan3A_100 = arith.constant 1 : i32
    %barrier3A_101 = arith.constant 0 : index
    tpu.barrier barrier_id(%barrier3A_101)
    %mul3A_102 = arith.constant 640 : i32
    %mul3A_103 = arith.muli %arg1, %mul3A_102 : i32
    %mul3A_104 = arith.constant 10240 : i32
    %mul3A_105 = arith.muli %arg0, %mul3A_104 : i32
    %mul3A_106 = arith.constant 640 : i32
    %mul3A_107 = arith.muli %arg1, %mul3A_106 : i32
    %add3A_108 = arith.addi %mul3A_105, %mul3A_107 : i32
    "tpu.region"() ({
      %run_scoped3A = tpu.sem_alloc : memref<!tpu.dma_semaphore, #tpu.memory_space<semaphore_mem>>
      %dma_start3A_109 = arith.constant 0 : i32
      %dma_start3A_110 = tpu.memref_slice %arg6[%add3A_108, %dma_start3A_109] : memref<20480x32xbf16, #tpu.memory_space<hbm>> -> memref<640x32xbf16, #tpu.memory_space<hbm>>
      %dma_start3A_111 = arith.constant 0 : i32
      %dma_start3A_112 = tpu.memref_slice %arg10[%mul3A_103, %dma_start3A_111] : memref<10240x32xbf16, #tpu.memory_space<vmem_shared>> -> memref<640x32xbf16, #tpu.memory_space<vmem_shared>>
      tpu.enqueue_dma source(%dma_start3A_112 : memref<640x32xbf16, #tpu.memory_space<vmem_shared>>) target(%dma_start3A_110 : memref<640x32xbf16, #tpu.memory_space<hbm>>) target_semaphore(%run_scoped3A : memref<!tpu.dma_semaphore, #tpu.memory_space<semaphore_mem>>)
      %dma_wait3A_113 = arith.constant 0 : i32
      %dma_wait3A_114 = tpu.memref_slice %arg6[%add3A_108, %dma_wait3A_113] : memref<20480x32xbf16, #tpu.memory_space<hbm>> -> memref<640x32xbf16, #tpu.memory_space<hbm>>
      %dma_wait3A_115 = arith.constant 0 : i32
      %dma_wait3A_116 = tpu.memref_slice %arg10[%mul3A_103, %dma_wait3A_115] : memref<10240x32xbf16, #tpu.memory_space<vmem_shared>> -> memref<640x32xbf16, #tpu.memory_space<vmem_shared>>
      tpu.wait_dma2 semaphore(%run_scoped3A : memref<!tpu.dma_semaphore, #tpu.memory_space<semaphore_mem>>) src(%dma_wait3A_116 : memref<640x32xbf16, #tpu.memory_space<vmem_shared>>) dst(%dma_wait3A_114 : memref<640x32xbf16, #tpu.memory_space<hbm>>)
      tpu.yield
    }) : () -> ()
    return
  }
}

module attributes {stable_mosaic.version = 14 : i64} {
  func.func @body(%arg0: i32, %arg1: memref<512x256xf32, #tpu.memory_space<vmem>>, %arg2: memref<256x256xf32, #tpu.memory_space<vmem>>, %arg3: memref<256x256xf32, #tpu.memory_space<vmem>>, %arg4: memref<2x512x128xbf16, #tpu.memory_space<vmem>>) attributes {dimension_semantics = [#tpu.dimension_semantics<arbitrary>], iteration_bounds = array<i64: 20>, scalar_prefetch = 0 : i64, scratch_operands = 0 : i64, tpu.core_type = #tpu.core_type<tc>, window_params = [{transform_indices = @transform_0, window_bounds = array<i64: 512, 256>}, {pipeline_mode = #tpu.pipeline_mode<synchronous>, transform_indices = @transform_1, window_bounds = array<i64: 256, 256>}, {pipeline_mode = #tpu.pipeline_mode<synchronous>, transform_indices = @transform_2, window_bounds = array<i64: 256, 256>}, {transform_indices = @transform_3, window_bounds = array<i64: 2, 512, 128>}]} {
    %get3A = arith.constant 0 : index
    %get3A_0 = arith.constant 0 : index
    %get3A_1 = vector.load %arg2[%get3A, %get3A_0] : memref<256x256xf32, #tpu.memory_space<vmem>>, vector<256x256xf32>
    %get3A_2 = arith.constant 0 : index
    %get3A_3 = arith.constant 0 : index
    %get3A_4 = vector.load %arg3[%get3A_2, %get3A_3] : memref<256x256xf32, #tpu.memory_space<vmem>>, vector<256x256xf32>
    %add3A = arith.addf %get3A_1, %get3A_4 : vector<256x256xf32>
    %convert_element_type3A = arith.truncf %add3A : vector<256x256xf32> to vector<256x256xbf16>
    %get3A_5 = arith.constant 0 : index
    %get3A_6 = arith.constant 0 : index
    %get3A_7 = vector.load %arg1[%get3A_5, %get3A_6] : memref<512x256xf32, #tpu.memory_space<vmem>>, vector<512x256xf32>
    %convert_element_type3A_8 = arith.truncf %get3A_7 : vector<512x256xf32> to vector<512x256xbf16>
    %dot_general3A = arith.constant dense<0.000000e+00> : vector<512x256xf32>
    %dot_general3A_9 = tpu.matmul %convert_element_type3A_8, %convert_element_type3A, %dot_general3A {dimension_numbers = #tpu.dot_dimension_numbers<[1], [0], [0], [1], [0, 0, 1, 1], [], []>, transpose_lhs_hint = false} : vector<512x256xbf16>, vector<256x256xbf16>, vector<512x256xf32> -> vector<512x256xf32>
    %convert_element_type3A_10 = arith.truncf %dot_general3A_9 : vector<512x256xf32> to vector<512x256xbf16>
    %slice3A = vector.extract_strided_slice %convert_element_type3A_10 {offsets = [0, 0], sizes = [512, 128], strides = [1, 1]} : vector<512x256xbf16> to vector<512x128xbf16>
    %swap3A = arith.constant 0 : index
    %swap3A_11 = arith.constant 0 : index
    %swap3A_12 = arith.constant 0 : index
    %swap3A_13 = vector.load %arg4[%swap3A, %swap3A_11, %swap3A_12] : memref<2x512x128xbf16, #tpu.memory_space<vmem>>, vector<1x512x128xbf16>
    %swap3A_14 = vector.shape_cast %swap3A_13 : vector<1x512x128xbf16> to vector<512x128xbf16>
    %swap3A_15 = vector.shape_cast %slice3A : vector<512x128xbf16> to vector<1x512x128xbf16>
    tpu.vector_store %arg4[%swap3A, %swap3A_11, %swap3A_12], %swap3A_15 {strides = array<i32>} : memref<2x512x128xbf16, #tpu.memory_space<vmem>>, vector<1x512x128xbf16>,
    %slice3A_16 = vector.extract_strided_slice %convert_element_type3A_10 {offsets = [0, 128], sizes = [512, 128], strides = [1, 1]} : vector<512x256xbf16> to vector<512x128xbf16>
    %swap3A_17 = arith.constant 1 : index
    %swap3A_18 = arith.constant 0 : index
    %swap3A_19 = arith.constant 0 : index
    %swap3A_20 = vector.load %arg4[%swap3A_17, %swap3A_18, %swap3A_19] : memref<2x512x128xbf16, #tpu.memory_space<vmem>>, vector<1x512x128xbf16>
    %swap3A_21 = vector.shape_cast %swap3A_20 : vector<1x512x128xbf16> to vector<512x128xbf16>
    %swap3A_22 = vector.shape_cast %slice3A_16 : vector<512x128xbf16> to vector<1x512x128xbf16>
    tpu.vector_store %arg4[%swap3A_17, %swap3A_18, %swap3A_19], %swap3A_22 {strides = array<i32>} : memref<2x512x128xbf16, #tpu.memory_space<vmem>>, vector<1x512x128xbf16>,
    return
  }
  func.func @transform_0(%arg0: i32) -> (i32, i32) {
    %c0_i32 = arith.constant 0 : i32
    %c0_i32_0 = arith.constant 0 : i32
    return %arg0, %c0_i32 : i32, i32
  }
  func.func @transform_1(%arg0: i32) -> (i32, i32) {
    %c0_i32 = arith.constant 0 : i32
    %c0_i32_0 = arith.constant 0 : i32
    %c0_i32_1 = arith.constant 0 : i32
    return %c0_i32, %c0_i32_0 : i32, i32
  }
  func.func @transform_2(%arg0: i32) -> (i32, i32) {
    %c0_i32 = arith.constant 0 : i32
    %c0_i32_0 = arith.constant 0 : i32
    %c0_i32_1 = arith.constant 0 : i32
    return %c0_i32, %c0_i32_0 : i32, i32
  }
  func.func @transform_3(%arg0: i32) -> (i32, i32, i32) {
    %c0_i32 = arith.constant 0 : i32
    %c0_i32_0 = arith.constant 0 : i32
    %c0_i32_1 = arith.constant 0 : i32
    return %c0_i32, %arg0, %c0_i32_0 : i32, i32, i32
  }
}

module attributes {stable_mosaic.version = 14 : i64} {
  func.func @body(%arg0: i32, %arg1: memref<512x128xbf16, #tpu.memory_space<vmem>>, %arg2: memref<512x128xbf16, #tpu.memory_space<vmem>>, %arg3: memref<512x16xf32, #tpu.memory_space<vmem>>, %arg4: memref<512x16xf32, #tpu.memory_space<vmem>>, %arg5: memref<256x256xf32, #tpu.memory_space<vmem>>, %arg6: memref<256x256xf32, #tpu.memory_space<vmem>>, %arg7: memref<1x256xf32, #tpu.memory_space<vmem>>, %arg8: memref<2x512x128xbf16, #tpu.memory_space<vmem>>) attributes {dimension_semantics = [#tpu.dimension_semantics<arbitrary>], iteration_bounds = array<i64: 20>, scalar_prefetch = 0 : i64, scratch_operands = 0 : i64, tpu.core_type = #tpu.core_type<tc>, window_params = [{transform_indices = @transform_0, window_bounds = array<i64: 512, 128>}, {transform_indices = @transform_1, window_bounds = array<i64: 512, 128>}, {transform_indices = @transform_2, window_bounds = array<i64: 512, 16>}, {transform_indices = @transform_3, window_bounds = array<i64: 512, 16>}, {pipeline_mode = #tpu.pipeline_mode<synchronous>, transform_indices = @transform_4, window_bounds = array<i64: 256, 256>}, {pipeline_mode = #tpu.pipeline_mode<synchronous>, transform_indices = @transform_5, window_bounds = array<i64: 256, 256>}, {pipeline_mode = #tpu.pipeline_mode<synchronous>, transform_indices = @transform_6, window_bounds = array<i64: 1, 256>}, {transform_indices = @transform_7, window_bounds = array<i64: 2, 512, 128>}]} {
    %get3A = arith.constant 0 : index
    %get3A_0 = arith.constant 0 : index
    %get3A_1 = vector.load %arg3[%get3A, %get3A_0] : memref<512x16xf32, #tpu.memory_space<vmem>>, vector<512x1xf32>
    %get3A_2 = arith.constant 0 : index
    %get3A_3 = arith.constant 0 : index
    %get3A_4 = vector.load %arg4[%get3A_2, %get3A_3] : memref<512x16xf32, #tpu.memory_space<vmem>>, vector<512x1xf32>
    %add3A = arith.addf %get3A_1, %get3A_4 : vector<512x1xf32>
    %max3A = arith.constant 1.000000e+00 : f32
    %max3A_5 = vector.broadcast %max3A : f32 to vector<512x1xf32>
    %max3A_6 = arith.maximumf %add3A, %max3A_5 : vector<512x1xf32>
    %get3A_7 = arith.constant 0 : index
    %get3A_8 = arith.constant 0 : index
    %get3A_9 = vector.load %arg7[%get3A_7, %get3A_8] : memref<1x256xf32, #tpu.memory_space<vmem>>, vector<1x256xf32>
    %get3A_10 = arith.constant 0 : index
    %get3A_11 = arith.constant 0 : index
    %get3A_12 = vector.load %arg1[%get3A_10, %get3A_11] : memref<512x128xbf16, #tpu.memory_space<vmem>>, vector<512x128xbf16>
    %convert_element_type3A = arith.extf %get3A_12 : vector<512x128xbf16> to vector<512x128xf32>
    %div3A = vector.broadcast %max3A_6 : vector<512x1xf32> to vector<512x128xf32>
    %div3A_13 = arith.divf %convert_element_type3A, %div3A : vector<512x128xf32>
    %slice3A = vector.extract_strided_slice %get3A_9 {offsets = [0, 0], sizes = [1, 128], strides = [1, 1]} : vector<1x256xf32> to vector<1x128xf32>
    %add3A_14 = vector.broadcast %slice3A : vector<1x128xf32> to vector<512x128xf32>
    %add3A_15 = arith.addf %div3A_13, %add3A_14 : vector<512x128xf32>
    %max3A_16 = arith.constant 0.000000e+00 : f32
    %max3A_17 = vector.broadcast %max3A_16 : f32 to vector<512x128xf32>
    %max3A_18 = arith.maximumf %add3A_15, %max3A_17 : vector<512x128xf32>
    %convert_element_type3A_19 = arith.truncf %max3A_18 : vector<512x128xf32> to vector<512x128xbf16>
    %get3A_20 = arith.constant 0 : index
    %get3A_21 = arith.constant 0 : index
    %get3A_22 = vector.load %arg2[%get3A_20, %get3A_21] : memref<512x128xbf16, #tpu.memory_space<vmem>>, vector<512x128xbf16>
    %convert_element_type3A_23 = arith.extf %get3A_22 : vector<512x128xbf16> to vector<512x128xf32>
    %div3A_24 = vector.broadcast %max3A_6 : vector<512x1xf32> to vector<512x128xf32>
    %div3A_25 = arith.divf %convert_element_type3A_23, %div3A_24 : vector<512x128xf32>
    %slice3A_26 = vector.extract_strided_slice %get3A_9 {offsets = [0, 128], sizes = [1, 128], strides = [1, 1]} : vector<1x256xf32> to vector<1x128xf32>
    %add3A_27 = vector.broadcast %slice3A_26 : vector<1x128xf32> to vector<512x128xf32>
    %add3A_28 = arith.addf %div3A_25, %add3A_27 : vector<512x128xf32>
    %max3A_29 = arith.constant 0.000000e+00 : f32
    %max3A_30 = vector.broadcast %max3A_29 : f32 to vector<512x128xf32>
    %max3A_31 = arith.maximumf %add3A_28, %max3A_30 : vector<512x128xf32>
    %convert_element_type3A_32 = arith.truncf %max3A_31 : vector<512x128xf32> to vector<512x128xbf16>
    %get3A_33 = arith.constant 0 : index
    %get3A_34 = arith.constant 0 : index
    %get3A_35 = vector.load %arg5[%get3A_33, %get3A_34] : memref<256x256xf32, #tpu.memory_space<vmem>>, vector<256x256xf32>
    %get3A_36 = arith.constant 0 : index
    %get3A_37 = arith.constant 0 : index
    %get3A_38 = vector.load %arg6[%get3A_36, %get3A_37] : memref<256x256xf32, #tpu.memory_space<vmem>>, vector<256x256xf32>
    %add3A_39 = arith.addf %get3A_35, %get3A_38 : vector<256x256xf32>
    %convert_element_type3A_40 = arith.truncf %add3A_39 : vector<256x256xf32> to vector<256x256xbf16>
    %slice3A_41 = vector.extract_strided_slice %convert_element_type3A_40 {offsets = [0, 0], sizes = [128, 256], strides = [1, 1]} : vector<256x256xbf16> to vector<128x256xbf16>
    %dot_general3A = arith.constant dense<0.000000e+00> : vector<512x256xf32>
    %dot_general3A_42 = tpu.matmul %convert_element_type3A_19, %slice3A_41, %dot_general3A {dimension_numbers = #tpu.dot_dimension_numbers<[1], [0], [0], [1], [0, 0, 1, 1], [], []>, transpose_lhs_hint = false} : vector<512x128xbf16>, vector<128x256xbf16>, vector<512x256xf32> -> vector<512x256xf32>
    %slice3A_43 = vector.extract_strided_slice %convert_element_type3A_40 {offsets = [128, 0], sizes = [128, 256], strides = [1, 1]} : vector<256x256xbf16> to vector<128x256xbf16>
    %dot_general3A_44 = arith.constant dense<0.000000e+00> : vector<512x256xf32>
    %dot_general3A_45 = tpu.matmul %convert_element_type3A_32, %slice3A_43, %dot_general3A_44 {dimension_numbers = #tpu.dot_dimension_numbers<[1], [0], [0], [1], [0, 0, 1, 1], [], []>, transpose_lhs_hint = false} : vector<512x128xbf16>, vector<128x256xbf16>, vector<512x256xf32> -> vector<512x256xf32>
    %add3A_46 = arith.addf %dot_general3A_42, %dot_general3A_45 : vector<512x256xf32>
    %convert_element_type3A_47 = arith.truncf %add3A_46 : vector<512x256xf32> to vector<512x256xbf16>
    %slice3A_48 = vector.extract_strided_slice %convert_element_type3A_47 {offsets = [0, 0], sizes = [512, 128], strides = [1, 1]} : vector<512x256xbf16> to vector<512x128xbf16>
    %swap3A = arith.constant 0 : index
    %swap3A_49 = arith.constant 0 : index
    %swap3A_50 = arith.constant 0 : index
    %swap3A_51 = vector.load %arg8[%swap3A, %swap3A_49, %swap3A_50] : memref<2x512x128xbf16, #tpu.memory_space<vmem>>, vector<1x512x128xbf16>
    %swap3A_52 = vector.shape_cast %swap3A_51 : vector<1x512x128xbf16> to vector<512x128xbf16>
    %swap3A_53 = vector.shape_cast %slice3A_48 : vector<512x128xbf16> to vector<1x512x128xbf16>
    tpu.vector_store %arg8[%swap3A, %swap3A_49, %swap3A_50], %swap3A_53 {strides = array<i32>} : memref<2x512x128xbf16, #tpu.memory_space<vmem>>, vector<1x512x128xbf16>,
    %slice3A_54 = vector.extract_strided_slice %convert_element_type3A_47 {offsets = [0, 128], sizes = [512, 128], strides = [1, 1]} : vector<512x256xbf16> to vector<512x128xbf16>
    %swap3A_55 = arith.constant 1 : index
    %swap3A_56 = arith.constant 0 : index
    %swap3A_57 = arith.constant 0 : index
    %swap3A_58 = vector.load %arg8[%swap3A_55, %swap3A_56, %swap3A_57] : memref<2x512x128xbf16, #tpu.memory_space<vmem>>, vector<1x512x128xbf16>
    %swap3A_59 = vector.shape_cast %swap3A_58 : vector<1x512x128xbf16> to vector<512x128xbf16>
    %swap3A_60 = vector.shape_cast %slice3A_54 : vector<512x128xbf16> to vector<1x512x128xbf16>
    tpu.vector_store %arg8[%swap3A_55, %swap3A_56, %swap3A_57], %swap3A_60 {strides = array<i32>} : memref<2x512x128xbf16, #tpu.memory_space<vmem>>, vector<1x512x128xbf16>,
    return
  }
  func.func @transform_0(%arg0: i32) -> (i32, i32) {
    %c0_i32 = arith.constant 0 : i32
    %c0_i32_0 = arith.constant 0 : i32
    return %arg0, %c0_i32 : i32, i32
  }
  func.func @transform_1(%arg0: i32) -> (i32, i32) {
    %add3A = arith.constant 20 : i32
    %add3A_0 = arith.addi %arg0, %add3A : i32
    %c0_i32 = arith.constant 0 : i32
    %c0_i32_1 = arith.constant 0 : i32
    return %add3A_0, %c0_i32 : i32, i32
  }
  func.func @transform_2(%arg0: i32) -> (i32, i32) {
    %c0_i32 = arith.constant 0 : i32
    %c0_i32_0 = arith.constant 0 : i32
    return %arg0, %c0_i32 : i32, i32
  }
  func.func @transform_3(%arg0: i32) -> (i32, i32) {
    %add3A = arith.constant 20 : i32
    %add3A_0 = arith.addi %arg0, %add3A : i32
    %c0_i32 = arith.constant 0 : i32
    %c0_i32_1 = arith.constant 0 : i32
    return %add3A_0, %c0_i32 : i32, i32
  }
  func.func @transform_4(%arg0: i32) -> (i32, i32) {
    %c0_i32 = arith.constant 0 : i32
    %c0_i32_0 = arith.constant 0 : i32
    %c0_i32_1 = arith.constant 0 : i32
    return %c0_i32, %c0_i32_0 : i32, i32
  }
  func.func @transform_5(%arg0: i32) -> (i32, i32) {
    %c0_i32 = arith.constant 0 : i32
    %c0_i32_0 = arith.constant 0 : i32
    %c0_i32_1 = arith.constant 0 : i32
    return %c0_i32, %c0_i32_0 : i32, i32
  }
  func.func @transform_6(%arg0: i32) -> (i32, i32) {
    %c0_i32 = arith.constant 0 : i32
    %c0_i32_0 = arith.constant 0 : i32
    %c0_i32_1 = arith.constant 0 : i32
    return %c0_i32, %c0_i32_0 : i32, i32
  }
  func.func @transform_7(%arg0: i32) -> (i32, i32, i32) {
    %c0_i32 = arith.constant 0 : i32
    %c0_i32_0 = arith.constant 0 : i32
    %c0_i32_1 = arith.constant 0 : i32
    return %c0_i32, %arg0, %c0_i32_0 : i32, i32, i32
  }
}

module attributes {stable_mosaic.version = 14 : i64} {
  func.func @body(%arg0: i32, %arg1: memref<512x128xbf16, #tpu.memory_space<vmem>>, %arg2: memref<512x128xbf16, #tpu.memory_space<vmem>>, %arg3: memref<512x16xf32, #tpu.memory_space<vmem>>, %arg4: memref<512x16xf32, #tpu.memory_space<vmem>>, %arg5: memref<256x64xf32, #tpu.memory_space<vmem>>, %arg6: memref<256x64xf32, #tpu.memory_space<vmem>>, %arg7: memref<1x256xf32, #tpu.memory_space<vmem>>, %arg8: memref<2x512x32xbf16, #tpu.memory_space<vmem>>) attributes {dimension_semantics = [#tpu.dimension_semantics<arbitrary>], iteration_bounds = array<i64: 20>, scalar_prefetch = 0 : i64, scratch_operands = 0 : i64, tpu.core_type = #tpu.core_type<tc>, window_params = [{transform_indices = @transform_0, window_bounds = array<i64: 512, 128>}, {transform_indices = @transform_1, window_bounds = array<i64: 512, 128>}, {transform_indices = @transform_2, window_bounds = array<i64: 512, 16>}, {transform_indices = @transform_3, window_bounds = array<i64: 512, 16>}, {pipeline_mode = #tpu.pipeline_mode<synchronous>, transform_indices = @transform_4, window_bounds = array<i64: 256, 64>}, {pipeline_mode = #tpu.pipeline_mode<synchronous>, transform_indices = @transform_5, window_bounds = array<i64: 256, 64>}, {pipeline_mode = #tpu.pipeline_mode<synchronous>, transform_indices = @transform_6, window_bounds = array<i64: 1, 256>}, {transform_indices = @transform_7, window_bounds = array<i64: 2, 512, 32>}]} {
    %get3A = arith.constant 0 : index
    %get3A_0 = arith.constant 0 : index
    %get3A_1 = vector.load %arg3[%get3A, %get3A_0] : memref<512x16xf32, #tpu.memory_space<vmem>>, vector<512x1xf32>
    %get3A_2 = arith.constant 0 : index
    %get3A_3 = arith.constant 0 : index
    %get3A_4 = vector.load %arg4[%get3A_2, %get3A_3] : memref<512x16xf32, #tpu.memory_space<vmem>>, vector<512x1xf32>
    %add3A = arith.addf %get3A_1, %get3A_4 : vector<512x1xf32>
    %max3A = arith.constant 1.000000e+00 : f32
    %max3A_5 = vector.broadcast %max3A : f32 to vector<512x1xf32>
    %max3A_6 = arith.maximumf %add3A, %max3A_5 : vector<512x1xf32>
    %get3A_7 = arith.constant 0 : index
    %get3A_8 = arith.constant 0 : index
    %get3A_9 = vector.load %arg7[%get3A_7, %get3A_8] : memref<1x256xf32, #tpu.memory_space<vmem>>, vector<1x256xf32>
    %get3A_10 = arith.constant 0 : index
    %get3A_11 = arith.constant 0 : index
    %get3A_12 = vector.load %arg1[%get3A_10, %get3A_11] : memref<512x128xbf16, #tpu.memory_space<vmem>>, vector<512x128xbf16>
    %convert_element_type3A = arith.extf %get3A_12 : vector<512x128xbf16> to vector<512x128xf32>
    %div3A = vector.broadcast %max3A_6 : vector<512x1xf32> to vector<512x128xf32>
    %div3A_13 = arith.divf %convert_element_type3A, %div3A : vector<512x128xf32>
    %slice3A = vector.extract_strided_slice %get3A_9 {offsets = [0, 0], sizes = [1, 128], strides = [1, 1]} : vector<1x256xf32> to vector<1x128xf32>
    %add3A_14 = vector.broadcast %slice3A : vector<1x128xf32> to vector<512x128xf32>
    %add3A_15 = arith.addf %div3A_13, %add3A_14 : vector<512x128xf32>
    %max3A_16 = arith.constant 0.000000e+00 : f32
    %max3A_17 = vector.broadcast %max3A_16 : f32 to vector<512x128xf32>
    %max3A_18 = arith.maximumf %add3A_15, %max3A_17 : vector<512x128xf32>
    %convert_element_type3A_19 = arith.truncf %max3A_18 : vector<512x128xf32> to vector<512x128xbf16>
    %get3A_20 = arith.constant 0 : index
    %get3A_21 = arith.constant 0 : index
    %get3A_22 = vector.load %arg2[%get3A_20, %get3A_21] : memref<512x128xbf16, #tpu.memory_space<vmem>>, vector<512x128xbf16>
    %convert_element_type3A_23 = arith.extf %get3A_22 : vector<512x128xbf16> to vector<512x128xf32>
    %div3A_24 = vector.broadcast %max3A_6 : vector<512x1xf32> to vector<512x128xf32>
    %div3A_25 = arith.divf %convert_element_type3A_23, %div3A_24 : vector<512x128xf32>
    %slice3A_26 = vector.extract_strided_slice %get3A_9 {offsets = [0, 128], sizes = [1, 128], strides = [1, 1]} : vector<1x256xf32> to vector<1x128xf32>
    %add3A_27 = vector.broadcast %slice3A_26 : vector<1x128xf32> to vector<512x128xf32>
    %add3A_28 = arith.addf %div3A_25, %add3A_27 : vector<512x128xf32>
    %max3A_29 = arith.constant 0.000000e+00 : f32
    %max3A_30 = vector.broadcast %max3A_29 : f32 to vector<512x128xf32>
    %max3A_31 = arith.maximumf %add3A_28, %max3A_30 : vector<512x128xf32>
    %convert_element_type3A_32 = arith.truncf %max3A_31 : vector<512x128xf32> to vector<512x128xbf16>
    %get3A_33 = arith.constant 0 : index
    %get3A_34 = arith.constant 0 : index
    %get3A_35 = vector.load %arg5[%get3A_33, %get3A_34] : memref<256x64xf32, #tpu.memory_space<vmem>>, vector<256x64xf32>
    %get3A_36 = arith.constant 0 : index
    %get3A_37 = arith.constant 0 : index
    %get3A_38 = vector.load %arg6[%get3A_36, %get3A_37] : memref<256x64xf32, #tpu.memory_space<vmem>>, vector<256x64xf32>
    %add3A_39 = arith.addf %get3A_35, %get3A_38 : vector<256x64xf32>
    %convert_element_type3A_40 = arith.truncf %add3A_39 : vector<256x64xf32> to vector<256x64xbf16>
    %slice3A_41 = vector.extract_strided_slice %convert_element_type3A_40 {offsets = [0, 0], sizes = [128, 64], strides = [1, 1]} : vector<256x64xbf16> to vector<128x64xbf16>
    %dot_general3A = arith.constant dense<0.000000e+00> : vector<512x64xf32>
    %dot_general3A_42 = tpu.matmul %convert_element_type3A_19, %slice3A_41, %dot_general3A {dimension_numbers = #tpu.dot_dimension_numbers<[1], [0], [0], [1], [0, 0, 1, 1], [], []>, transpose_lhs_hint = false} : vector<512x128xbf16>, vector<128x64xbf16>, vector<512x64xf32> -> vector<512x64xf32>
    %slice3A_43 = vector.extract_strided_slice %convert_element_type3A_40 {offsets = [128, 0], sizes = [128, 64], strides = [1, 1]} : vector<256x64xbf16> to vector<128x64xbf16>
    %dot_general3A_44 = arith.constant dense<0.000000e+00> : vector<512x64xf32>
    %dot_general3A_45 = tpu.matmul %convert_element_type3A_32, %slice3A_43, %dot_general3A_44 {dimension_numbers = #tpu.dot_dimension_numbers<[1], [0], [0], [1], [0, 0, 1, 1], [], []>, transpose_lhs_hint = false} : vector<512x128xbf16>, vector<128x64xbf16>, vector<512x64xf32> -> vector<512x64xf32>
    %add3A_46 = arith.addf %dot_general3A_42, %dot_general3A_45 : vector<512x64xf32>
    %convert_element_type3A_47 = arith.truncf %add3A_46 : vector<512x64xf32> to vector<512x64xbf16>
    %slice3A_48 = vector.extract_strided_slice %convert_element_type3A_47 {offsets = [0, 0], sizes = [512, 32], strides = [1, 1]} : vector<512x64xbf16> to vector<512x32xbf16>
    %swap3A = arith.constant 0 : index
    %swap3A_49 = arith.constant 0 : index
    %swap3A_50 = arith.constant 0 : index
    %swap3A_51 = vector.load %arg8[%swap3A, %swap3A_49, %swap3A_50] : memref<2x512x32xbf16, #tpu.memory_space<vmem>>, vector<1x512x32xbf16>
    %swap3A_52 = vector.shape_cast %swap3A_51 : vector<1x512x32xbf16> to vector<512x32xbf16>
    %swap3A_53 = vector.shape_cast %slice3A_48 : vector<512x32xbf16> to vector<1x512x32xbf16>
    tpu.vector_store %arg8[%swap3A, %swap3A_49, %swap3A_50], %swap3A_53 {strides = array<i32>} : memref<2x512x32xbf16, #tpu.memory_space<vmem>>, vector<1x512x32xbf16>,
    %slice3A_54 = vector.extract_strided_slice %convert_element_type3A_47 {offsets = [0, 32], sizes = [512, 32], strides = [1, 1]} : vector<512x64xbf16> to vector<512x32xbf16>
    %swap3A_55 = arith.constant 1 : index
    %swap3A_56 = arith.constant 0 : index
    %swap3A_57 = arith.constant 0 : index
    %swap3A_58 = vector.load %arg8[%swap3A_55, %swap3A_56, %swap3A_57] : memref<2x512x32xbf16, #tpu.memory_space<vmem>>, vector<1x512x32xbf16>
    %swap3A_59 = vector.shape_cast %swap3A_58 : vector<1x512x32xbf16> to vector<512x32xbf16>
    %swap3A_60 = vector.shape_cast %slice3A_54 : vector<512x32xbf16> to vector<1x512x32xbf16>
    tpu.vector_store %arg8[%swap3A_55, %swap3A_56, %swap3A_57], %swap3A_60 {strides = array<i32>} : memref<2x512x32xbf16, #tpu.memory_space<vmem>>, vector<1x512x32xbf16>,
    return
  }
  func.func @transform_0(%arg0: i32) -> (i32, i32) {
    %c0_i32 = arith.constant 0 : i32
    %c0_i32_0 = arith.constant 0 : i32
    return %arg0, %c0_i32 : i32, i32
  }
  func.func @transform_1(%arg0: i32) -> (i32, i32) {
    %add3A = arith.constant 20 : i32
    %add3A_0 = arith.addi %arg0, %add3A : i32
    %c0_i32 = arith.constant 0 : i32
    %c0_i32_1 = arith.constant 0 : i32
    return %add3A_0, %c0_i32 : i32, i32
  }
  func.func @transform_2(%arg0: i32) -> (i32, i32) {
    %c0_i32 = arith.constant 0 : i32
    %c0_i32_0 = arith.constant 0 : i32
    return %arg0, %c0_i32 : i32, i32
  }
  func.func @transform_3(%arg0: i32) -> (i32, i32) {
    %add3A = arith.constant 20 : i32
    %add3A_0 = arith.addi %arg0, %add3A : i32
    %c0_i32 = arith.constant 0 : i32
    %c0_i32_1 = arith.constant 0 : i32
    return %add3A_0, %c0_i32 : i32, i32
  }
  func.func @transform_4(%arg0: i32) -> (i32, i32) {
    %c0_i32 = arith.constant 0 : i32
    %c0_i32_0 = arith.constant 0 : i32
    %c0_i32_1 = arith.constant 0 : i32
    return %c0_i32, %c0_i32_0 : i32, i32
  }
  func.func @transform_5(%arg0: i32) -> (i32, i32) {
    %c0_i32 = arith.constant 0 : i32
    %c0_i32_0 = arith.constant 0 : i32
    %c0_i32_1 = arith.constant 0 : i32
    return %c0_i32, %c0_i32_0 : i32, i32
  }
  func.func @transform_6(%arg0: i32) -> (i32, i32) {
    %c0_i32 = arith.constant 0 : i32
    %c0_i32_0 = arith.constant 0 : i32
    %c0_i32_1 = arith.constant 0 : i32
    return %c0_i32, %c0_i32_0 : i32, i32
  }
  func.func @transform_7(%arg0: i32) -> (i32, i32, i32) {
    %c0_i32 = arith.constant 0 : i32
    %c0_i32_0 = arith.constant 0 : i32
    %c0_i32_1 = arith.constant 0 : i32
    return %c0_i32, %arg0, %c0_i32_0 : i32, i32, i32
  }
}

module attributes {stable_mosaic.version = 14 : i64} {
  func.func @body(%arg0: i32, %arg1: memref<512x32xbf16, #tpu.memory_space<vmem>>, %arg2: memref<512x32xbf16, #tpu.memory_space<vmem>>, %arg3: memref<512x16xf32, #tpu.memory_space<vmem>>, %arg4: memref<512x16xf32, #tpu.memory_space<vmem>>, %arg5: memref<1x64xf32, #tpu.memory_space<vmem>>, %arg6: memref<512x64xf32, #tpu.memory_space<vmem>>) attributes {dimension_semantics = [#tpu.dimension_semantics<arbitrary>], iteration_bounds = array<i64: 20>, scalar_prefetch = 0 : i64, scratch_operands = 0 : i64, tpu.core_type = #tpu.core_type<tc>, window_params = [{transform_indices = @transform_0, window_bounds = array<i64: 512, 32>}, {transform_indices = @transform_1, window_bounds = array<i64: 512, 32>}, {transform_indices = @transform_2, window_bounds = array<i64: 512, 16>}, {transform_indices = @transform_3, window_bounds = array<i64: 512, 16>}, {pipeline_mode = #tpu.pipeline_mode<synchronous>, transform_indices = @transform_4, window_bounds = array<i64: 1, 64>}, {transform_indices = @transform_5, window_bounds = array<i64: 512, 64>}]} {
    %get3A = arith.constant 0 : index
    %get3A_0 = arith.constant 0 : index
    %get3A_1 = vector.load %arg3[%get3A, %get3A_0] : memref<512x16xf32, #tpu.memory_space<vmem>>, vector<512x1xf32>
    %get3A_2 = arith.constant 0 : index
    %get3A_3 = arith.constant 0 : index
    %get3A_4 = vector.load %arg4[%get3A_2, %get3A_3] : memref<512x16xf32, #tpu.memory_space<vmem>>, vector<512x1xf32>
    %add3A = arith.addf %get3A_1, %get3A_4 : vector<512x1xf32>
    %max3A = arith.constant 1.000000e+00 : f32
    %max3A_5 = vector.broadcast %max3A : f32 to vector<512x1xf32>
    %max3A_6 = arith.maximumf %add3A, %max3A_5 : vector<512x1xf32>
    %get3A_7 = arith.constant 0 : index
    %get3A_8 = arith.constant 0 : index
    %get3A_9 = vector.load %arg5[%get3A_7, %get3A_8] : memref<1x64xf32, #tpu.memory_space<vmem>>, vector<1x64xf32>
    %get3A_10 = arith.constant 0 : index
    %get3A_11 = arith.constant 0 : index
    %get3A_12 = vector.load %arg1[%get3A_10, %get3A_11] : memref<512x32xbf16, #tpu.memory_space<vmem>>, vector<512x32xbf16>
    %convert_element_type3A = arith.extf %get3A_12 : vector<512x32xbf16> to vector<512x32xf32>
    %div3A = vector.broadcast %max3A_6 : vector<512x1xf32> to vector<512x32xf32>
    %div3A_13 = arith.divf %convert_element_type3A, %div3A : vector<512x32xf32>
    %slice3A = vector.extract_strided_slice %get3A_9 {offsets = [0, 0], sizes = [1, 32], strides = [1, 1]} : vector<1x64xf32> to vector<1x32xf32>
    %add3A_14 = vector.broadcast %slice3A : vector<1x32xf32> to vector<512x32xf32>
    %add3A_15 = arith.addf %div3A_13, %add3A_14 : vector<512x32xf32>
    %swap3A = arith.constant 0 : index
    %swap3A_16 = arith.constant 0 : index
    %swap3A_17 = vector.load %arg6[%swap3A, %swap3A_16] : memref<512x64xf32, #tpu.memory_space<vmem>>, vector<512x32xf32>
    tpu.vector_store %arg6[%swap3A, %swap3A_16], %add3A_15 {strides = array<i32>} : memref<512x64xf32, #tpu.memory_space<vmem>>, vector<512x32xf32>,
    %get3A_18 = arith.constant 0 : index
    %get3A_19 = arith.constant 0 : index
    %get3A_20 = vector.load %arg2[%get3A_18, %get3A_19] : memref<512x32xbf16, #tpu.memory_space<vmem>>, vector<512x32xbf16>
    %convert_element_type3A_21 = arith.extf %get3A_20 : vector<512x32xbf16> to vector<512x32xf32>
    %div3A_22 = vector.broadcast %max3A_6 : vector<512x1xf32> to vector<512x32xf32>
    %div3A_23 = arith.divf %convert_element_type3A_21, %div3A_22 : vector<512x32xf32>
    %slice3A_24 = vector.extract_strided_slice %get3A_9 {offsets = [0, 32], sizes = [1, 32], strides = [1, 1]} : vector<1x64xf32> to vector<1x32xf32>
    %add3A_25 = vector.broadcast %slice3A_24 : vector<1x32xf32> to vector<512x32xf32>
    %add3A_26 = arith.addf %div3A_23, %add3A_25 : vector<512x32xf32>
    %swap3A_27 = arith.constant 0 : index
    %swap3A_28 = arith.constant 32 : index
    %swap3A_29 = vector.load %arg6[%swap3A_27, %swap3A_28] : memref<512x64xf32, #tpu.memory_space<vmem>>, vector<512x32xf32>
    tpu.vector_store %arg6[%swap3A_27, %swap3A_28], %add3A_26 {strides = array<i32>} : memref<512x64xf32, #tpu.memory_space<vmem>>, vector<512x32xf32>,
    return
  }
  func.func @transform_0(%arg0: i32) -> (i32, i32) {
    %c0_i32 = arith.constant 0 : i32
    %c0_i32_0 = arith.constant 0 : i32
    return %arg0, %c0_i32 : i32, i32
  }
  func.func @transform_1(%arg0: i32) -> (i32, i32) {
    %add3A = arith.constant 20 : i32
    %add3A_0 = arith.addi %arg0, %add3A : i32
    %c0_i32 = arith.constant 0 : i32
    %c0_i32_1 = arith.constant 0 : i32
    return %add3A_0, %c0_i32 : i32, i32
  }
  func.func @transform_2(%arg0: i32) -> (i32, i32) {
    %c0_i32 = arith.constant 0 : i32
    %c0_i32_0 = arith.constant 0 : i32
    return %arg0, %c0_i32 : i32, i32
  }
  func.func @transform_3(%arg0: i32) -> (i32, i32) {
    %add3A = arith.constant 20 : i32
    %add3A_0 = arith.addi %arg0, %add3A : i32
    %c0_i32 = arith.constant 0 : i32
    %c0_i32_1 = arith.constant 0 : i32
    return %add3A_0, %c0_i32 : i32, i32
  }
  func.func @transform_4(%arg0: i32) -> (i32, i32) {
    %c0_i32 = arith.constant 0 : i32
    %c0_i32_0 = arith.constant 0 : i32
    %c0_i32_1 = arith.constant 0 : i32
    return %c0_i32, %c0_i32_0 : i32, i32
  }
  func.func @transform_5(%arg0: i32) -> (i32, i32) {
    %c0_i32 = arith.constant 0 : i32
    %c0_i32_0 = arith.constant 0 : i32
    return %arg0, %c0_i32 : i32, i32
  }
}

</mosaic_0001>

<sc_bundles>
// kernel: kernel.10.cloned.1.call-start
scs
__scs_entry_jumppad:
0x0: {  	(pc) =	sbr.rel $0x88, $3  }
0x1: {  	(tag) =	ssettag $0x0;
	lr =	simm.s32 $0x1  }
0x2: {  	[smem:$0x3F96] =	sst lr;
	_ =	strace $0xD0000000  }
0x3: {  	_ = 	snop  }
0x4: {  	_ = 	snop  }
0x5: {  	_ = 	snop  }
0x6: {  	_ = 	snop  }
0x7: {  	_ = 	snop  }
__scs_overlays_trampoline_lowered:
0x8: {  	[smem:$0x3FA5] =	sst s0  }
0x9: {  	[smem:$0x3FA6] =	sst s1  }
0xa: {  	[smem:$0x3FA7] =	sst s2  }
0xb: {  	[smem:$0x3FA8] =	sst s3  }
0xc: {  	[smem:$0x3FA9] =	sst s4  }
0xd: {  	[smem:$0x3FAA] =	sst s5  }
0xe: {  	[smem:$0x3FAB] =	sst s6  }
0xf: {  	[smem:$0x3FAC] =	sst s7  }
0x10: {  	[smem:$0x3FAD] =	sst s8  }
0x11: {  	[smem:$0x3FAE] =	sst s9;
	s0 =	simm.s32 @!p0 $0x0  }
0x12: {  	s1 =	sld [smem:$0x3F94];
	s0 =	simm.s32 @p0 $0x1  }
0x13: {  	[smem:$0x3FAF] =	sst s0;
	s0 =	simm.s32 @!p1 $0x0  }
0x14: {  	s2 =	sld [smem:$0x3F93];
	s0 =	simm.s32 @p1 $0x1  }
0x15: {  	[smem:$0x3FB0] =	sst s0;
	s0 =	simm.s32 @!p2 $0x0  }
0x16: {  	s3 =	sld [smem:$0x3FDB];
	s0 =	simm.s32 @p2 $0x1  }
0x17: {  	s4 =	simm.s32 $0x1BF5;
	[smem:$0x3FB2] =	sst s0  }
0x18: {  	s0 =	sld [smem:$0x3F95];
	_ =	swait.ge [sflag:s4], $0x0  }
0x19: {  	s7 =	sld [smem:$0x3F96]  }
0x1a: {  	s8 =	sadd.s32 $0xFFFFE003, lr  }
0x1b: {  	s9 =	sadd.s32 $0xFFFFFEF7, lr;
	s5 =	simm.s32 $0xFFFFFFFF;
	p2 =	slt.u32 s8, $0xFFFFF086  }
0x1c: {  	p1 =	slt.u32 s9, $0xF7A;
	s5 =	simm.s32 @!p2 $0x0  }
0x1d: {  	s5 =	simm.s32 @p1 $0x1;
	p0 =	seq.s32 s7, s2  }
0x1e: {  	s7 =	smul.u32 @!p0 $0xF7A, s2;
	p2 =	seq.s32 @!p0 s5, $0x0  }
0x1f: {  	s9 =	smul.u32 $0xF7A, s1;
	s8 =	simm.s32 @!p0 $0x1BF5;
	p2 =	por !p2, p0  }
0x20: {  	[sflag:s8] =	ssyncset.s32 @!p0 $0xFFFFF086;
	s6 =	sadd.s32 @!p0 s3, s7;
	s7 =	simm.s32 @!p0 $0x108  }
0x21: {  	s3 =	sadd.s32 s3, s9;
	s6 =	sadd.s32 @!p0 $0x88, s6;
	s7 =	simm.s32 @p2 $0x1082  }
0x22: {  	[simem:s7], [sflag:s8] =	dma.local @!p0 [hbm:s6], $0xF7A  }
0x23: {  	s9 =	sor.u32 $0xD0000000, s2;
	s6 =	simm.s32 $0x108;
	_ =	swait.ge @!p0 [sflag:s8], $0x0  }
0x24: {  	s3 =	sadd.s32 $0x88, s3;
	s6 =	simm.s32 @!p1 $0x1082;
	[sflag:s4] =	ssyncset.s32 $0xFFFFF086  }
0x25: {  	[simem:s6], [sflag:s4] =	dma.local [hbm:s3], $0xF7A  }
0x26: {  	[smem:$0x3F96] =	sst s1;
	(tag) =	ssettag s2;
	_ =	strace s9  }
0x27: {  	s1 =	sld [smem:$0x3FA6]  }
0x28: {  	s2 =	sld [smem:$0x3FA7]  }
0x29: {  	s4 =	sld [smem:$0x3FA9]  }
0x2a: {  	p0 =	seq.s32 s5, $0x0;
	s5 =	sld [smem:$0x3FAA]  }
0x2b: {  	s6 =	sld [smem:$0x3FAB]  }
0x2c: {  	s7 =	sld [smem:$0x3FAC]  }
0x2d: {  	s3 =	simm.s32 $0x108;
	s8 =	sld [smem:$0x3FAD]  }
0x2e: {  	s3 =	simm.s32 @!p0 $0x1082;
	s9 =	sld [smem:$0x3FAE]  }
0x2f: {  	lr =	sadd.s32 s0, s3;
	s0 =	sld [smem:$0x3FA5]  }
0x30: {  	s3 =	sld [smem:$0x3FA8]  }
0x31: {  	[smem:$0x3FB1] =	sst s10  }
0x32: {  	s10 =	sld [smem:$0x3FAF];
	_ =	sdelay $0x3  }
0x33: {  	p0 =	seq.s32 s10, $0x1;
	s10 =	sld [smem:$0x3FB1];
	_ =	sdelay $0x3  }
0x34: {  	[smem:$0x3FB1] =	sst s10  }
0x35: {  	s10 =	sld [smem:$0x3FB0];
	_ =	sdelay $0x3  }
0x36: {  	p1 =	seq.s32 s10, $0x1;
	s10 =	sld [smem:$0x3FB1];
	_ =	sdelay $0x3  }
0x37: {  	[smem:$0x3FB1] =	sst s10  }
0x38: {  	s10 =	sld [smem:$0x3FB2]  }
0x39: {  	_ = 	snop;
	(pc) =	sbr.ind lr, $3  }
0x3a: {  	_ = 	snop  }
0x3b: {  	_ = 	snop  }
0x3c: {  	p2 =	seq.s32 s10, $0x1;
	s10 =	sld [smem:$0x3FB1]  }
0x3d: {  	_ =	shalt  }
0x3e: {  	_ =	shalt  }
0x3f: {  	_ =	shalt  }
0x40: {  	_ =	shalt  }
0x41: {  	_ =	shalt  }
0x42: {  	_ =	shalt  }
0x43: {  	_ =	shalt  }
0x44: {  	_ =	shalt  }
0x45: {  	_ =	shalt  }
0x46: {  	_ =	shalt  }
0x47: {  	_ =	shalt  }
0x48: {  	_ =	shalt  }
0x49: {  	_ =	shalt  }
0x4a: {  	_ =	shalt  }
0x4b: {  	_ =	shalt  }
0x4c: {  	_ =	shalt  }
0x4d: {  	_ =	shalt  }
0x4e: {  	_ =	shalt  }
0x4f: {  	_ =	shalt  }
0x50: {  	_ =	shalt  }
0x51: {  	_ =	shalt  }
0x52: {  	_ =	shalt  }
0x53: {  	_ =	shalt  }
0x54: {  	_ =	shalt  }
0x55: {  	_ =	shalt  }
0x56: {  	_ =	shalt  }
0x57: {  	_ =	shalt  }
0x58: {  	_ =	shalt  }
0x59: {  	_ =	shalt  }
0x5a: {  	_ =	shalt  }
0x5b: {  	_ =	shalt  }
0x5c: {  	_ =	shalt  }
0x5d: {  	_ =	shalt  }
0x5e: {  	_ =	shalt  }
0x5f: {  	_ =	shalt  }
0x60: {  	_ =	shalt  }
0x61: {  	_ =	shalt  }
0x62: {  	_ =	shalt  }
0x63: {  	_ =	shalt  }
0x64: {  	_ =	shalt  }
0x65: {  	_ =	shalt  }
0x66: {  	_ =	shalt  }
0x67: {  	_ =	shalt  }
0x68: {  	_ =	shalt  }
0x69: {  	_ =	shalt  }
0x6a: {  	_ =	shalt  }
0x6b: {  	_ =	shalt  }
0x6c: {  	_ =	shalt  }
0x6d: {  	_ =	shalt  }
0x6e: {  	_ =	shalt  }
0x6f: {  	_ =	shalt  }
0x70: {  	_ =	shalt  }
0x71: {  	_ =	shalt  }
0x72: {  	_ =	shalt  }
0x73: {  	_ =	shalt  }
0x74: {  	_ =	shalt  }
0x75: {  	_ =	shalt  }
0x76: {  	_ =	shalt  }
0x77: {  	_ =	shalt  }
0x78: {  	_ =	shalt  }
0x79: {  	_ =	shalt  }
0x7a: {  	_ =	shalt  }
0x7b: {  	_ =	shalt  }
0x7c: {  	_ =	shalt  }
0x7d: {  	_ =	shalt  }
0x7e: {  	_ =	shalt  }
0x7f: {  	_ =	shalt  }
0x80: {  	_ =	shalt  }
0x81: {  	_ =	shalt  }
0x82: {  	_ =	shalt  }
0x83: {  	_ =	shalt  }
0x84: {  	_ =	shalt  }
0x85: {  	_ =	shalt  }
0x86: {  	_ =	shalt  }
0x87: {  	_ =	shalt  }
.Lfunc_end0:
.L_simem_size_0:
called_computation_lowered:
.L_overlay_start_0:
0x88: {  	s2 =	sld [smem:$0x3FD9]  }
0x89: {  	s3 =	sld [smem:$0x3FFE];
	_ =	sdelay $0x1  }
0x8a: {  	s1 =	srdreg.scid  }
0x8b: {  	s0 =	sand.u32 $0x1, s1  }
0x8c: {  	s17 =	sshll.u32 s0, $0xA;
	s2 =	sadd.s32 s3, s2  }
0x8d: {  	s2 =	sadd.s32 s2, s17  }
0x8e: {  	[smem:$0x3FBD] =	sst s2  }
0x8f: {  	_ = 	snop  }
0x90: {  	(tm) =	ssettm $0x1  }
0x91: {  	s18 =	sld [smem:$0x3FFB];
	_ =	sdelay $0x3  }
0x92: {  	_ =	strace s18  }
0x93: {  	s2 =	sld [smem:$0x3FFC];
	_ =	sdelay $0x3  }
0x94: {  	_ =	strace s2  }
0x95: {  	s2 =	sld [smem:$0x3FFD];
	_ =	sdelay $0x3  }
0x96: {  	_ =	strace s2  }
0x97: {  	_ =	strace $0x8FFFFFFF  }
0x98: {  	s19 =	sld [smem:$0x3FDB];
	_ =	sdelay $0x1  }
0x99: {  	s20 =	simm.s32 $_scs_section_size  }
0x9a: {  	s4 =	simm.s32 $_size__tile_overlayer_lowered;
	s5 =	simm.s32 $_tile_overlayer_lowered  }
0x9b: {  	s6 =	simm.s32 $0x1BFF;
	s21 =	sshll.u32 s5, $0x1;
	s3 =	sadd.s32 s20, s19  }
0x9c: {  	s22 =	simm.s32 $0x0;
	s4 =	sshll.u32 s4, $0x1;
	s5 =	sadd.s32 s21, s3  }
0x9d: {  	[timem:s22], [sflag:s6] =	dma.local [hbm:s5], s4  }
0x9e: {  	_ =	swait.ge [sflag:s6], s4  }
0x9f: {  	s4 =	ssub.s32 $0x0, s4;
	[sflag:s6] =	ssyncset.done $0x0  }
0xa0: {  	[sflag:s6] =	ssyncadd.s32 s4;
	_ =	sdelay $0x1  }
0xa1: {  	s23 =	simm.s32 $0x1B8B  }
0xa2: {  	_ =	swait.ge [sflag:s23], $0x1  }
0xa3: {  	[sflag:s23] =	ssyncset.done $0x0  }
0xa4: {  	[sflag:s23] =	ssyncadd.s32 $0xFFFFFFFF  }
0xa5: {  	s4 =	sld [smem:$0x0]  }
0xa6: {  	s5 =	sand.u32 $0xFFFFFFFE, s1  }
0xa7: {  	p0 =	sne.s32 s1, s5  }
0xa8: {  	s5 =	sshll.u32 @p0 s5, $0xE  }
0xa9: {  	s5 =	sadd.s32 @p0 $0x11B8D, s5;
	s6 =	sshll.u32 @p0 s4, $0x11  }
0xaa: {  	s5 =	sor.u32 @p0 s6, s5  }
0xab: {  	[sflag:s5] =	ssyncadd.remote.s32 @p0 $0x1;
	_ =	sdelay $0x1  }
0xac: {  	s5 =	simm.s32 @p0 $0x1B8D  }
0xad: {  	_ =	swait.eq @p0 [sflag:s5], $0x1  }
0xae: {  	[sflag:s5] =	ssyncadd.s32 @p0 $0xFFFFFFFF  }
0xaf: {  	s6 =	sshll.u32 @!p0 s1, $0xE  }
0xb0: {  	s6 =	sor.u32 @!p0 $0x4000, s6;
	s5 =	simm.s32 @!p0 $0x1B8D  }
0xb1: {  	s4 =	sshll.u32 @!p0 s4, $0x11;
	s6 =	sadd.s32 @!p0 $0x11B8D, s6;
	_ =	swait.eq @!p0 [sflag:s5], $0x1  }
0xb2: {  	s4 =	sor.u32 @!p0 s4, s6;
	[sflag:s5] =	ssyncadd.s32 @!p0 $0xFFFFFFFF  }
0xb3: {  	s25 =	simm.s32 $0x1B8E;
	s24 =	sld [smem:$0x3FFE];
	[sflag:s4] =	ssyncadd.remote.s32 @!p0 $0x1  }
0xb4: {  	s26 =	simm.s32 $execute0_lowered;
	[smem:$0x3FD2] =	sst s25  }
0xb5: {  	s5 =	sshll.u32 s26, $0x1;
	_ =	strace $0x80000049;
	[dreg:$0x1] =	wrdreg $0xFFFFFFFF  }
0xb6: {  	s28 =	simm.s32 $_size_execute0_lowered;
	s3 =	sadd.s32 s3, s5;
	[dreg:$0x0] =	wrdreg $0x0  }
0xb7: {  	s5 =	sshll.u32 s28, $0x1;
	[dreg:$0x2] =	wrdreg s3  }
0xb8: {  	[dreg:$0x3] =	wrdreg s5  }
0xb9: {  	[dreg:$0x4] =	wrdreg $0xC0  }
0xba: {  	_ =	task [dreg:s22], $0x5FFFF  }
0xbb: {  	[dreg:$0x1] =	wrdreg $0xFFFFFFFF  }
0xbc: {  	[dreg:$0x0] =	wrdreg $0x60  }
0xbd: {  	[dreg:$0x2] =	wrdreg s24  }
0xbe: {  	[dreg:$0x3] =	wrdreg $0x8800  }
0xbf: {  	[dreg:$0x4] =	wrdreg $0x9  }
0xc0: {  	_ =	task.clear_ibuf [dreg:s22], $0x5FFFF;
	_ =	strace $0x90000049  }
0xc1: {  	s29 =	simm.s32 $0x9;
	_ =	strace $0x8000004B  }
0xc2: {  	_ =	swait.ge [sflag:s29], $0x1  }
0xc3: {  	[sflag:s29] =	ssyncadd.s32 $0xFFFFFFFF  }
0xc4: {  	_ =	strace $0x9000004B  }
0xc5: {  	_ =	sfence  }
0xc6: {  	s30 =	sld [smem:$0x0];
	_ =	sdelay $0x2  }
0xc7: {  	s31 =	sshll.u32 s1, $0xD;
	s1 =	sshrl.u32 s1, $0x2  }
0xc8: {  	s4 =	sand.u32 $0x4000, s31;
	s1 =	sadd.s32 s1, s30  }
0xc9: {  	s0 =	sor.u32 s4, s0;
	s1 =	sshll.u32 s1, $0x11  }
0xca: {  	s0 =	sor.u32 s1, s0  }
0xcb: {  	s0 =	sadd.s32 $0x8F2B, s0  }
0xcc: {  	[sflag:s0] =	ssyncadd.remote.s32 $0x1  }
0xcd: {  	_ =	sfence.sel $0xFFFF  }
0xce: {  	[dreg:$0x0] =	wrdreg $0xFFFFFFFF;
	(pc) =	sbr.abs _section_cstart, $3  }
0xcf: {  	[dreg:$0x1] =	wrdreg $0xFFFFFFFF  }
0xd0: {  	_ =	task.clear_ibuf [dreg:s22], $0x2FFFF;
	_ =	strace $0x9FFFFFFF  }
0xd1: {  	(tm) =	ssettm $0x7FFFFFFF  }
tec
execute0_lowered:
.L_overlay_start_1:
0x0: {  	(tag) =	ssettag $0x1  }
0x1: {  	s0 =	srdreg.scid;
	s6 =	rddreg [dreg:$0x0]  }
0x2: {  	s2 =	rddreg [dreg:$0x1];
	s7 =	sand.u32 $0x1, s0  }
0x3: {  	s0 =	stileid.u32;
	s4 =	smul.u32 $0x14000, s7  }
0x4: {  	s1 =	rddreg [dreg:$0x2];
	s3 =	simm.s32 $0x0;
	s5 =	smul.u32 $0x1400, s0  }
0x5: {  	[smem:$0x7FF] =	sst s3;
	s8 =	smul.u32 $0x500, s0  }
0x6: {  	s13 =	simm.s32 $0x0;
	s9 =	smul.u32 $0x5000, s7;
	_ =	strace $0x8000004A  }
0x7: {  	s11 =	smul.u32 $0xA000, s0;
	s7 =	ssub.s32 $0x2, s7;
	s31 =	sshll.u32 s0, $0x6  }
0x8: {  	s30 =	sshrl.u32 s7, $0x1;
	s4 =	sadd.s32 s5, s4;
	s5 =	sadd.s32 $0x57E00, s6  }
0x9: {  	s8 =	sadd.s32 s8, s9;
	s11 =	sshrl.u32 s11, $0x2;
	s7 =	ssub.s32 s7, s30  }
0xa: {  	s9 =	simm.s32 $0x80;
	s4 =	sshrl.u32 s4, $0x3;
	s12 =	sadd.s32 s11, s2  }
0xb: {  	s7 =	smax.u32 s7, $0x1;
	s11 =	sor.u32 $0x1C01, s31;
	s10 =	sadd.s32 s4, s6  }
0xc: {  	s4 =	sadd.s32 $0x58400, s6;
	s6 =	sadd.s32 s8, s6;
	s12 =	sshrl.u32 s12, $0x3  }
0xd: {  	s6 =	sadd.s32 $0x58600, s6;
	s8 =	sadd.s32 $0x2AE00, s10;
	s10 =	simm.s32 $0x1  }
.LBB2_1:
0xe: {  	[tilespmem:s9], [sflag:$0x1] =	stream.linear.gather [hbm4b:s4+s3], $0x800, $0x38;
	[tilespmem:$0x3080] =	vst v63  }
0xf: {  	_ =	swait.ge [sflag:s10], $0x800  }
0x10: {  	[sflag:s10] =	ssyncset.done $0x0  }
0x11: {  	[sflag:s10] =	ssyncadd.s32 $0xFFFFF800  }
0x12: {  	[spmem:s12], [sflag:s11] =	dma.local [hbm:s5], $0x500  }
0x13: {  	_ =	swait.ge [sflag:s10], $0x500  }
0x14: {  	[sflag:s10] =	ssyncset.done $0x0  }
0x15: {  	[sflag:s10] =	ssyncadd.s32 $0xFFFFFB00  }
0x16: {  	s14 =	sadd.s32 $0x0, s8;
	[bflag:$0x0] =	sbarrier.arrive $0xFFFF  }
0x17: {  	[tilespmem:s3], [sflag:$0x1] =	stream.linear.gather [hbm4b:s14+s3], $0x80, $0x38;
	[tilespmem:$0x3080] =	vst v63  }
0x18: {  	_ =	swait.ge [sflag:s10], $0x80  }
0x19: {  	[sflag:s10] =	ssyncset.done $0x0  }
0x1a: {  	[sflag:s10] =	ssyncadd.s32 $0xFFFFFF80  }
0x1b: {  	[spmem:s2] =	stream.indirect.scatter.add.f32 [tilespmem:s9], [sflag:$0x1], $0x10, s3, s9, $0xb8;
	[tilespmem:$0x3080] =	vst v63  }
0x1c: {  	_ =	swait.ge [sflag:s10], $0x800  }
0x1d: {  	s15 =	simm.s32 $0x20;
	s14 =	simm.s32 $0x10;
	[sflag:s10] =	ssyncset.done $0x0  }
.LBB2_2:
0x1e: {  	s16 =	sadd.s32 s14, s8  }
0x1f: {  	[sflag:s10] =	ssyncadd.s32 $0xFFFFF800;
	s14 =	smov.u32 s15;
	s17 =	sadd.s32 $0x10, s15  }
0x20: {  	[tilespmem:s3], [sflag:$0x1] =	stream.linear.gather [hbm4b:s16+s3], $0x80, $0x38;
	[tilespmem:$0x3080] =	vst v63  }
0x21: {  	p0 =	sne.s32 s15, $0x270;
	_ =	swait.ge [sflag:s10], $0x80  }
.Ltmp0:
0x22: {  	[sflag:s10] =	ssyncset.done $0x0;
	(pc) =	sbr.rel @p0 .LBB2_2-.Ltmp0, $4  }
0x23: {  	[sflag:s10] =	ssyncadd.s32 $0xFFFFFF80  }
0x24: {  	[spmem:s2] =	stream.indirect.scatter.add.f32 [tilespmem:s9], [sflag:$0x1], $0x10, s3, s9, $0xb8;
	[tilespmem:$0x3080] =	vst v63  }
0x25: {  	_ =	swait.ge [sflag:s10], $0x800  }
0x26: {  	s15 =	smov.u32 s17;
	[sflag:s10] =	ssyncset.done $0x0  }
0x27: {  	s14 =	sadd.s32 s14, s8;
	[sflag:s10] =	ssyncadd.s32 $0xFFFFF800  }
0x28: {  	[tilespmem:s3], [sflag:$0x1] =	stream.linear.gather [hbm4b:s14+s3], $0x80, $0x38;
	[tilespmem:$0x3080] =	vst v63  }
0x29: {  	_ =	swait.ge [sflag:s10], $0x80  }
0x2a: {  	[sflag:s10] =	ssyncset.done $0x0  }
0x2b: {  	[sflag:s10] =	ssyncadd.s32 $0xFFFFFF80  }
0x2c: {  	[spmem:s2] =	stream.indirect.scatter.add.f32 [tilespmem:s9], [sflag:$0x1], $0x10, s3, s9, $0xb8;
	[tilespmem:$0x3080] =	vst v63  }
0x2d: {  	_ =	swait.ge [sflag:s10], $0x800  }
0x2e: {  	s13 =	sadd.s32 $0x1, s13;
	[sflag:s10] =	ssyncset.done $0x0  }
0x2f: {  	p0 =	sne.s32 s13, s7;
	[sflag:s10] =	ssyncadd.s32 $0xFFFFF800  }
.Ltmp1:
0x30: {  	[bflag:$0x0] =	sbarrier.arrive $0xFFFF;
	(pc) =	sbr.rel @p0 .LBB2_1-.Ltmp1, $4  }
0x31: {  	[hbm:s6], [sflag:s11] =	dma.local [spmem:s12], $0x500  }
0x32: {  	_ =	swait.ge [sflag:s10], $0x500  }
0x33: {  	[sflag:s10] =	ssyncset.done $0x0  }
0x34: {  	[sflag:s10] =	ssyncadd.s32 $0xFFFFFB00  }
0x35: {  	_ =	sfence.sel $0x180000  }
0x36: {  	[bflag:$0x0] =	sbarrier.arrive $0xFFFF  }
0x37: {  	p0 =	sne.s32 s0, $0x0;
	_ =	strace $0x9000004A  }
0x38: {  	s0 =	sadd.s32 @!p0 $0x100000, s1;
	[bflag:$0x2] =	sbarrier.arrive $0xFFFF  }
0x39: {  	[sflag:s0] =	ssyncadd.tile.s32 @!p0 $0x1;
	_ =	shalt  }
.Lfunc_end2:
_tile_overlayer_lowered:
.L_overlay_start_2:
0x3a: {  	(tag) =	ssettag $0x2  }
0x3b: {  	s0 =	rddreg [dreg:$0x0];
	s2 =	stileid.u32  }
0x3c: {  	s1 =	rddreg [dreg:$0x1];
	p0 =	sne.s32 s2, $0x0  }
0x3d: {  	s3 =	rddreg [dreg:$0x2];
	[bflag:$0x3] =	sbarrier.arrive $0xFFFF;
	s2 =	simm.s32 @!p0 $0x1C01  }
0x3e: {  	[timem:s3], [sflag:s2] =	dma.local @!p0 [hbm:s0], s1  }
0x3f: {  	s0 =	simm.s32 @!p0 $0x1  }
0x40: {  	_ =	swait.ge @!p0 [sflag:s0], s1  }
0x41: {  	s1 =	ssub.s32 @!p0 $0x0, s1;
	[sflag:s0] =	ssyncset.done @!p0 $0x0  }
0x42: {  	[sflag:s0] =	ssyncadd.s32 @!p0 s1  }
0x43: {  	[bflag:$0x3] =	sbarrier.arrive $0xFFFF  }
0x44: {  	_ =	shalt  }

// kernel: kernel.13.cloned.1.call-start
scs
__scs_entry_jumppad:
0x0: {  	(pc) =	sbr.rel $0x88, $3  }
0x1: {  	(tag) =	ssettag $0x0;
	lr =	simm.s32 $0x1  }
0x2: {  	[smem:$0x3F96] =	sst lr;
	_ =	strace $0xD0000000  }
0x3: {  	_ = 	snop  }
0x4: {  	_ = 	snop  }
0x5: {  	_ = 	snop  }
0x6: {  	_ = 	snop  }
0x7: {  	_ = 	snop  }
__scs_overlays_trampoline_lowered:
0x8: {  	[smem:$0x3FA5] =	sst s0  }
0x9: {  	[smem:$0x3FA6] =	sst s1  }
0xa: {  	[smem:$0x3FA7] =	sst s2  }
0xb: {  	[smem:$0x3FA8] =	sst s3  }
0xc: {  	[smem:$0x3FA9] =	sst s4  }
0xd: {  	[smem:$0x3FAA] =	sst s5  }
0xe: {  	[smem:$0x3FAB] =	sst s6  }
0xf: {  	[smem:$0x3FAC] =	sst s7  }
0x10: {  	[smem:$0x3FAD] =	sst s8  }
0x11: {  	[smem:$0x3FAE] =	sst s9;
	s0 =	simm.s32 @!p0 $0x0  }
0x12: {  	s1 =	sld [smem:$0x3F94];
	s0 =	simm.s32 @p0 $0x1  }
0x13: {  	[smem:$0x3FAF] =	sst s0;
	s0 =	simm.s32 @!p1 $0x0  }
0x14: {  	s2 =	sld [smem:$0x3F93];
	s0 =	simm.s32 @p1 $0x1  }
0x15: {  	[smem:$0x3FB0] =	sst s0;
	s0 =	simm.s32 @!p2 $0x0  }
0x16: {  	s3 =	sld [smem:$0x3FDB];
	s0 =	simm.s32 @p2 $0x1  }
0x17: {  	s4 =	simm.s32 $0x1BF5;
	[smem:$0x3FB2] =	sst s0  }
0x18: {  	s0 =	sld [smem:$0x3F95];
	_ =	swait.ge [sflag:s4], $0x0  }
0x19: {  	s7 =	sld [smem:$0x3F96]  }
0x1a: {  	s8 =	sadd.s32 $0xFFFFE003, lr  }
0x1b: {  	s9 =	sadd.s32 $0xFFFFFEF7, lr;
	s5 =	simm.s32 $0xFFFFFFFF;
	p2 =	slt.u32 s8, $0xFFFFF086  }
0x1c: {  	p1 =	slt.u32 s9, $0xF7A;
	s5 =	simm.s32 @!p2 $0x0  }
0x1d: {  	s5 =	simm.s32 @p1 $0x1;
	p0 =	seq.s32 s7, s2  }
0x1e: {  	s7 =	smul.u32 @!p0 $0xF7A, s2;
	p2 =	seq.s32 @!p0 s5, $0x0  }
0x1f: {  	s9 =	smul.u32 $0xF7A, s1;
	s8 =	simm.s32 @!p0 $0x1BF5;
	p2 =	por !p2, p0  }
0x20: {  	[sflag:s8] =	ssyncset.s32 @!p0 $0xFFFFF086;
	s6 =	sadd.s32 @!p0 s3, s7;
	s7 =	simm.s32 @!p0 $0x108  }
0x21: {  	s3 =	sadd.s32 s3, s9;
	s6 =	sadd.s32 @!p0 $0x88, s6;
	s7 =	simm.s32 @p2 $0x1082  }
0x22: {  	[simem:s7], [sflag:s8] =	dma.local @!p0 [hbm:s6], $0xF7A  }
0x23: {  	s9 =	sor.u32 $0xD0000000, s2;
	s6 =	simm.s32 $0x108;
	_ =	swait.ge @!p0 [sflag:s8], $0x0  }
0x24: {  	s3 =	sadd.s32 $0x88, s3;
	s6 =	simm.s32 @!p1 $0x1082;
	[sflag:s4] =	ssyncset.s32 $0xFFFFF086  }
0x25: {  	[simem:s6], [sflag:s4] =	dma.local [hbm:s3], $0xF7A  }
0x26: {  	[smem:$0x3F96] =	sst s1;
	(tag) =	ssettag s2;
	_ =	strace s9  }
0x27: {  	s1 =	sld [smem:$0x3FA6]  }
0x28: {  	s2 =	sld [smem:$0x3FA7]  }
0x29: {  	s4 =	sld [smem:$0x3FA9]  }
0x2a: {  	p0 =	seq.s32 s5, $0x0;
	s5 =	sld [smem:$0x3FAA]  }
0x2b: {  	s6 =	sld [smem:$0x3FAB]  }
0x2c: {  	s7 =	sld [smem:$0x3FAC]  }
0x2d: {  	s3 =	simm.s32 $0x108;
	s8 =	sld [smem:$0x3FAD]  }
0x2e: {  	s3 =	simm.s32 @!p0 $0x1082;
	s9 =	sld [smem:$0x3FAE]  }
0x2f: {  	lr =	sadd.s32 s0, s3;
	s0 =	sld [smem:$0x3FA5]  }
0x30: {  	s3 =	sld [smem:$0x3FA8]  }
0x31: {  	[smem:$0x3FB1] =	sst s10  }
0x32: {  	s10 =	sld [smem:$0x3FAF];
	_ =	sdelay $0x3  }
0x33: {  	p0 =	seq.s32 s10, $0x1;
	s10 =	sld [smem:$0x3FB1];
	_ =	sdelay $0x3  }
0x34: {  	[smem:$0x3FB1] =	sst s10  }
0x35: {  	s10 =	sld [smem:$0x3FB0];
	_ =	sdelay $0x3  }
0x36: {  	p1 =	seq.s32 s10, $0x1;
	s10 =	sld [smem:$0x3FB1];
	_ =	sdelay $0x3  }
0x37: {  	[smem:$0x3FB1] =	sst s10  }
0x38: {  	s10 =	sld [smem:$0x3FB2]  }
0x39: {  	_ = 	snop;
	(pc) =	sbr.ind lr, $3  }
0x3a: {  	_ = 	snop  }
0x3b: {  	_ = 	snop  }
0x3c: {  	p2 =	seq.s32 s10, $0x1;
	s10 =	sld [smem:$0x3FB1]  }
0x3d: {  	_ =	shalt  }
0x3e: {  	_ =	shalt  }
0x3f: {  	_ =	shalt  }
0x40: {  	_ =	shalt  }
0x41: {  	_ =	shalt  }
0x42: {  	_ =	shalt  }
0x43: {  	_ =	shalt  }
0x44: {  	_ =	shalt  }
0x45: {  	_ =	shalt  }
0x46: {  	_ =	shalt  }
0x47: {  	_ =	shalt  }
0x48: {  	_ =	shalt  }
0x49: {  	_ =	shalt  }
0x4a: {  	_ =	shalt  }
0x4b: {  	_ =	shalt  }
0x4c: {  	_ =	shalt  }
0x4d: {  	_ =	shalt  }
0x4e: {  	_ =	shalt  }
0x4f: {  	_ =	shalt  }
0x50: {  	_ =	shalt  }
0x51: {  	_ =	shalt  }
0x52: {  	_ =	shalt  }
0x53: {  	_ =	shalt  }
0x54: {  	_ =	shalt  }
0x55: {  	_ =	shalt  }
0x56: {  	_ =	shalt  }
0x57: {  	_ =	shalt  }
0x58: {  	_ =	shalt  }
0x59: {  	_ =	shalt  }
0x5a: {  	_ =	shalt  }
0x5b: {  	_ =	shalt  }
0x5c: {  	_ =	shalt  }
0x5d: {  	_ =	shalt  }
0x5e: {  	_ =	shalt  }
0x5f: {  	_ =	shalt  }
0x60: {  	_ =	shalt  }
0x61: {  	_ =	shalt  }
0x62: {  	_ =	shalt  }
0x63: {  	_ =	shalt  }
0x64: {  	_ =	shalt  }
0x65: {  	_ =	shalt  }
0x66: {  	_ =	shalt  }
0x67: {  	_ =	shalt  }
0x68: {  	_ =	shalt  }
0x69: {  	_ =	shalt  }
0x6a: {  	_ =	shalt  }
0x6b: {  	_ =	shalt  }
0x6c: {  	_ =	shalt  }
0x6d: {  	_ =	shalt  }
0x6e: {  	_ =	shalt  }
0x6f: {  	_ =	shalt  }
0x70: {  	_ =	shalt  }
0x71: {  	_ =	shalt  }
0x72: {  	_ =	shalt  }
0x73: {  	_ =	shalt  }
0x74: {  	_ =	shalt  }
0x75: {  	_ =	shalt  }
0x76: {  	_ =	shalt  }
0x77: {  	_ =	shalt  }
0x78: {  	_ =	shalt  }
0x79: {  	_ =	shalt  }
0x7a: {  	_ =	shalt  }
0x7b: {  	_ =	shalt  }
0x7c: {  	_ =	shalt  }
0x7d: {  	_ =	shalt  }
0x7e: {  	_ =	shalt  }
0x7f: {  	_ =	shalt  }
0x80: {  	_ =	shalt  }
0x81: {  	_ =	shalt  }
0x82: {  	_ =	shalt  }
0x83: {  	_ =	shalt  }
0x84: {  	_ =	shalt  }
0x85: {  	_ =	shalt  }
0x86: {  	_ =	shalt  }
0x87: {  	_ =	shalt  }
.Lfunc_end0:
.L_simem_size_0:
called_computation.1_lowered:
.L_overlay_start_0:
0x88: {  	s2 =	sld [smem:$0x3FD9]  }
0x89: {  	s3 =	sld [smem:$0x3FFE];
	_ =	sdelay $0x1  }
0x8a: {  	s1 =	srdreg.scid  }
0x8b: {  	s0 =	sand.u32 $0x1, s1  }
0x8c: {  	s17 =	sshll.u32 s0, $0xA;
	s2 =	sadd.s32 s3, s2  }
0x8d: {  	s2 =	sadd.s32 s2, s17  }
0x8e: {  	[smem:$0x3FBD] =	sst s2  }
0x8f: {  	_ = 	snop  }
0x90: {  	s2 =	sld [smem:$0x3FD0];
	(tm) =	ssettm $0x1  }
0x91: {  	s18 =	sld [smem:$0x3FFB];
	_ =	sdelay $0x3  }
0x92: {  	_ =	strace s18  }
0x93: {  	s3 =	sld [smem:$0x3FFC];
	_ =	sdelay $0x3  }
0x94: {  	_ =	strace s3  }
0x95: {  	s3 =	sld [smem:$0x3FFD];
	_ =	sdelay $0x3  }
0x96: {  	_ =	strace s3  }
0x97: {  	_ =	strace $0x8FFFFFFF  }
0x98: {  	s19 =	sld [smem:$0x3FDB];
	_ =	sdelay $0x1  }
0x99: {  	s4 =	simm.s32 $_scs_section_size  }
0x9a: {  	s5 =	simm.s32 $_size__tile_overlayer_lowered;
	s6 =	simm.s32 $_tile_overlayer_lowered  }
0x9b: {  	s22 =	simm.s32 $0x1BFF;
	s21 =	sshll.u32 s6, $0x1;
	s3 =	sadd.s32 s4, s19  }
0x9c: {  	s7 =	simm.s32 $0x0;
	s20 =	sshll.u32 s5, $0x1;
	s5 =	sadd.s32 s21, s3  }
0x9d: {  	[timem:s7], [sflag:s22] =	dma.local [hbm:s5], s20  }
0x9e: {  	_ =	swait.ge [sflag:s22], s20  }
0x9f: {  	s4 =	ssub.s32 $0x0, s20;
	[sflag:s22] =	ssyncset.done $0x0  }
0xa0: {  	[sflag:s22] =	ssyncadd.s32 s4;
	_ =	sdelay $0x1  }
0xa1: {  	s23 =	simm.s32 $0x1B8B  }
0xa2: {  	_ =	swait.ge [sflag:s23], $0x1  }
0xa3: {  	[sflag:s23] =	ssyncset.done $0x0  }
0xa4: {  	s25 =	simm.s32 $0x1B8E;
	s24 =	sld [smem:$0x3FFE];
	[sflag:s23] =	ssyncadd.s32 $0xFFFFFFFF  }
0xa5: {  	s26 =	simm.s32 $execute0_lowered;
	[smem:$0x3FD2] =	sst s25  }
0xa6: {  	s5 =	sshll.u32 s26, $0x1;
	_ =	strace $0x80000046;
	[dreg:$0x1] =	wrdreg $0xFFFFFFFF  }
0xa7: {  	s28 =	simm.s32 $_size_execute0_lowered;
	s3 =	sadd.s32 s3, s5;
	[dreg:$0x0] =	wrdreg $0x0  }
0xa8: {  	s5 =	sshll.u32 s28, $0x1;
	[dreg:$0x2] =	wrdreg s3  }
0xa9: {  	[dreg:$0x3] =	wrdreg s5  }
0xaa: {  	[dreg:$0x4] =	wrdreg $0xC0  }
0xab: {  	_ =	task [dreg:s7], $0x5FFFF  }
0xac: {  	[dreg:$0x1] =	wrdreg $0xFFFFFFFF  }
0xad: {  	[dreg:$0x0] =	wrdreg $0x60  }
0xae: {  	[dreg:$0x2] =	wrdreg s24  }
0xaf: {  	[dreg:$0x3] =	wrdreg s2  }
0xb0: {  	[dreg:$0x4] =	wrdreg $0x150000  }
0xb1: {  	[dreg:$0x5] =	wrdreg $0xA  }
0xb2: {  	_ =	task.clear_ibuf [dreg:s7], $0x6FFFF;
	_ =	strace $0x90000046  }
0xb3: {  	s29 =	simm.s32 $0xA;
	_ =	strace $0x80000048  }
0xb4: {  	_ =	swait.ge [sflag:s29], $0x1  }
0xb5: {  	[sflag:s29] =	ssyncadd.s32 $0xFFFFFFFF  }
0xb6: {  	_ =	strace $0x90000048  }
0xb7: {  	_ =	sfence  }
0xb8: {  	s30 =	sld [smem:$0x0];
	_ =	sdelay $0x2  }
0xb9: {  	s31 =	sshll.u32 s1, $0xD;
	s1 =	sshrl.u32 s1, $0x2  }
0xba: {  	s3 =	sand.u32 $0x4000, s31;
	s1 =	sadd.s32 s1, s30  }
0xbb: {  	s0 =	sor.u32 s3, s0;
	s1 =	sshll.u32 s1, $0x11  }
0xbc: {  	s0 =	sor.u32 s1, s0  }
0xbd: {  	s0 =	sadd.s32 $0x8F2B, s0  }
0xbe: {  	[sflag:s0] =	ssyncadd.remote.s32 $0x1  }
0xbf: {  	_ =	sfence.sel $0xFFFF  }
0xc0: {  	[dreg:$0x0] =	wrdreg $0xFFFFFFFF;
	(pc) =	sbr.abs _section_cstart, $3  }
0xc1: {  	[dreg:$0x1] =	wrdreg $0xFFFFFFFF  }
0xc2: {  	_ =	task.clear_ibuf [dreg:s7], $0x2FFFF;
	_ =	strace $0x9FFFFFFF  }
0xc3: {  	(tm) =	ssettm $0x7FFFFFFF  }
tec
execute0_lowered:
.L_overlay_start_1:
0x0: {  	(tag) =	ssettag $0x1  }
0x1: {  	s0 =	rddreg [dreg:$0x0]  }
0x2: {  	s1 =	rddreg [dreg:$0x1]  }
0x3: {  	s2 =	rddreg [dreg:$0x2];
	s13 =	stileid.u32  }
0x4: {  	s4 =	srdreg.scid;
	s3 =	simm.s32 $0x0;
	s14 =	simm.s32 $0x80  }
0x5: {  	s15 =	simm.s32 $0x5000;
	s16 =	simm.s32 $0x7000;
	s28 =	simm.s32 $0x1  }
0x6: {  	s29 =	simm.s32 $0x13000;
	s30 =	simm.s32 $0x2;
	s5 =	smul.u32 $0x500, s13  }
0x7: {  	s31 =	simm.s32 $0x0;
	s6 =	sand.u32 $0x1, s4;
	s7 =	smul.u32 $0x1400, s13  }
0x8: {  	[smem:$0x7FF] =	sst s3;
	s4 =	sadd.s32 $0x2E00, s0;
	s9 =	smul.u32 $0x28000, s13  }
0x9: {  	s12 =	smul.u32 $0x2800, s13;
	s20 =	sadd.s32 $0x1A00, s0;
	s22 =	sshll.u32 s13, $0x6  }
0xa: {  	s8 =	smul.u32 $0x14000, s6;
	_ =	strace $0x80000047;
	s11 =	ssub.s32 $0x2, s6  }
0xb: {  	s6 =	smul.u32 $0x28000, s6;
	[dreg:$0x4] =	wrdreg s20;
	s20 =	simm.s32 $0xB000  }
0xc: {  	s10 =	sadd.s32 s5, s0;
	s19 =	sshrl.u32 s11, $0x1;
	s21 =	sshrl.u32 s9, $0x2  }
0xd: {  	s7 =	sadd.s32 s7, s8;
	s11 =	ssub.s32 s11, s19;
	s23 =	sadd.s32 s12, s6  }
.Ltmp0:
0xe: {  	s24 =	sadd.s32 s21, s2;
	s6 =	sor.u32 $0x1C03, s22;
	(pc) =	sbr.rel .LBB2_1-.Ltmp0, $4  }
0xf: {  	s26 =	sadd.s32 $0x2AE00, s10;
	s12 =	simm.s32 $0x3;
	s0 =	sadd.s32 s7, s0  }
0x10: {  	s25 =	sshrl.u32 s23, $0x3;
	[dreg:$0x6] =	wrdreg s26;
	s10 =	smax.u32 s11, $0x1  }
0x11: {  	s11 =	sshrl.u32 s24, $0x3;
	s24 =	simm.s32 $0xF000;
	s1 =	sadd.s32 s1, s25  }
0x12: {  	s26 =	simm.s32 $0x11000;
	s9 =	sadd.s32 $0x2FE00, s0;
	[dreg:$0x5] =	wrdreg s1  }
.LBB2_4:
0x13: {  	_ =	swait.ge [sflag:s30], $0x2000  }
0x14: {  	s31 =	sadd.s32 $0x1, s31;
	[sflag:s30] =	ssyncset.done $0x0  }
0x15: {  	p0 =	sne.s32 s31, s10;
	[sflag:s30] =	ssyncadd.s32 $0xFFFFE000  }
.Ltmp1:
0x16: {  	[bflag:$0x0] =	sbarrier.arrive $0xFFFF;
	(pc) =	sbr.rel @!p0 .LBB2_5-.Ltmp1, $4  }
0x17: {  	[hbm:s9], [sflag:s6] =	dma.local [spmem:s11], $0x1400  }
0x18: {  	_ =	swait.ge [sflag:s12], $0x1400  }
0x19: {  	[sflag:s12] =	ssyncset.done $0x0  }
0x1a: {  	[sflag:s12] =	ssyncadd.s32 $0xFFFFEC00  }
.LBB2_1:
0x1b: {  	s0 =	rddreg [dreg:$0x4]  }
0x1c: {  	[spmem:s11], [sflag:s6] =	dma.local [hbm:s0], $0x1400  }
0x1d: {  	_ =	swait.ge [sflag:s12], $0x1400  }
0x1e: {  	[sflag:s12] =	ssyncset.done $0x0  }
0x1f: {  	[sflag:s12] =	ssyncadd.s32 $0xFFFFEC00  }
0x20: {  	[bflag:$0x0] =	sbarrier.arrive $0xFFFF  }
0x21: {  	s8 =	rddreg [dreg:$0x5]  }
0x22: {  	[tilespmem:s3], [sflag:$0x3] =	stream.linear.gather [hbm4b:s8+s3], $0x2800, $0x38;
	[tilespmem:$0x1F000] =	vst v63  }
0x23: {  	_ =	swait.ge [sflag:s12], $0x2800  }
0x24: {  	[sflag:s12] =	ssyncset.done $0x0  }
0x25: {  	s1 =	simm.s32 $0x2800;
	s13 =	rddreg [dreg:$0x6];
	[sflag:s12] =	ssyncadd.s32 $0xFFFFD800  }
0x26: {  	[tilespmem:s1], [sflag:$0x3] =	stream.linear.gather [hbm4b:s13+s3], $0x2800, $0x38;
	[tilespmem:$0x1F000] =	vst v63  }
0x27: {  	_ =	swait.ge [sflag:s12], $0x2800  }
0x28: {  	[sflag:s12] =	ssyncset.done $0x0  }
0x29: {  	[sflag:s12] =	ssyncadd.s32 $0xFFFFD800  }
0x2a: {  	[tilespmem:s15], [sflag:$0x1] =	stream.indirect.gather [hbm4b:s4+s14], $0x40, s3, s14, $0xb8;
	[tilespmem:$0x1F000] =	vst v63  }
0x2b: {  	_ = 	snop  }
0x2c: {  	[tilespmem:s16], [sflag:$0x1] =	stream.indirect.gather [hbm4b:s4+s14], $0x40, s14, s14, $0xb8;
	[tilespmem:$0x1F000] =	vst v63  }
0x2d: {  	s17 =	simm.s32 $0x100;
	s18 =	simm.s32 $0x9000  }
0x2e: {  	[tilespmem:s18], [sflag:$0x1] =	stream.indirect.gather [hbm4b:s4+s14], $0x40, s17, s14, $0xb8;
	[tilespmem:$0x1F000] =	vst v63  }
0x2f: {  	s19 =	simm.s32 $0x180  }
0x30: {  	[tilespmem:s20], [sflag:$0x1] =	stream.indirect.gather [hbm4b:s4+s14], $0x40, s19, s14, $0xb8;
	[tilespmem:$0x1F000] =	vst v63  }
0x31: {  	s21 =	simm.s32 $0x200;
	s22 =	simm.s32 $0xD000  }
0x32: {  	[tilespmem:s22], [sflag:$0x1] =	stream.indirect.gather [hbm4b:s4+s14], $0x40, s21, s14, $0xb8;
	[tilespmem:$0x1F000] =	vst v63  }
0x33: {  	s23 =	simm.s32 $0x280  }
0x34: {  	[tilespmem:s24], [sflag:$0x1] =	stream.indirect.gather [hbm4b:s4+s14], $0x40, s23, s14, $0xb8;
	[tilespmem:$0x1F000] =	vst v63  }
0x35: {  	s25 =	simm.s32 $0x300;
	s0 =	simm.s32 $0x0  }
0x36: {  	[tilespmem:s26], [sflag:$0x1] =	stream.indirect.gather [hbm4b:s4+s14], $0x40, s25, s14, $0xb8;
	[tilespmem:$0x1F000] =	vst v63  }
.LBB2_2:
0x37: {  	_ =	swait.ge [sflag:s28], $0x2000  }
0x38: {  	s1 =	sshra.s32 s0, $0x2;
	[sflag:s28] =	ssyncset.done $0x0  }
0x39: {  	p0 =	seq.s32 s0, $0x0;
	s13 =	sadd.s32 $0x2800, s1;
	[sflag:s28] =	ssyncadd.s32 $0xFFFFE000  }
0x3a: {  	[spmem:s2] =	stream.indirect.scatter.add.bf16 [tilespmem:s15], [sflag:$0x2], $0x40, s13, s14, $0xb8;
	[tilespmem:$0x1F000] =	vst v63  }
0x3b: {  	s13 =	simm.s32 @!p0 $0x2  }
0x3c: {  	_ =	swait.ge @!p0 [sflag:s13], $0x2000  }
0x3d: {  	[sflag:s13] =	ssyncset.done @!p0 $0x0  }
0x3e: {  	s5 =	sadd.s32 $0x380, s1;
	[sflag:s13] =	ssyncadd.s32 @!p0 $0xFFFFE000  }
0x3f: {  	[tilespmem:s29], [sflag:$0x1] =	stream.indirect.gather [hbm4b:s4+s14], $0x40, s5, s14, $0xb8;
	[tilespmem:$0x1F000] =	vst v63  }
0x40: {  	_ =	swait.ge [sflag:s28], $0x2000  }
0x41: {  	[sflag:s28] =	ssyncset.done $0x0  }
0x42: {  	s7 =	sadd.s32 $0x2880, s1;
	[sflag:s28] =	ssyncadd.s32 $0xFFFFE000  }
0x43: {  	[spmem:s2] =	stream.indirect.scatter.add.bf16 [tilespmem:s16], [sflag:$0x2], $0x40, s7, s14, $0xb8;
	[tilespmem:$0x1F000] =	vst v63  }
0x44: {  	_ =	swait.ge [sflag:s30], $0x2000  }
0x45: {  	p0 =	seq.s32 s0, $0x9000;
	[sflag:s30] =	ssyncset.done $0x0  }
0x46: {  	s18 =	simm.s32 @p0 $0x1;
	[sflag:s30] =	ssyncadd.s32 $0xFFFFE000  }
0x47: {  	s19 =	sshra.s32 @p0 s0, $0x2;
	_ =	swait.ge @p0 [sflag:s18], $0x2000  }
0x48: {  	s21 =	simm.s32 @p0 $0x80;
	s17 =	simm.s32 @p0 $0x9000;
	[sflag:s18] =	ssyncset.done @p0 $0x0  }
0x49: {  	s22 =	simm.s32 @p0 $0x2;
	s13 =	sadd.s32 @p0 $0x2900, s19;
	[sflag:s18] =	ssyncadd.s32 @p0 $0xFFFFE000  }
0x4a: {  	[spmem:s2] =	stream.indirect.scatter.add.bf16 @p0 [tilespmem:s17], [sflag:$0x2], $0x40, s13, s21, $0xb8;
	[tilespmem:$0x1F000] =	vst v63  }
0x4b: {  	_ =	swait.ge @p0 [sflag:s22], $0x2000  }
0x4c: {  	s25 =	simm.s32 @!p0 $0x5000;
	s13 =	sshra.s32 @!p0 s0, $0x2;
	[sflag:s22] =	ssyncset.done @p0 $0x0  }
0x4d: {  	s17 =	simm.s32 @!p0 $0x80;
	s23 =	sadd.s32 @!p0 $0x400, s13;
	[sflag:s22] =	ssyncadd.s32 @p0 $0xFFFFE000  }
0x4e: {  	[tilespmem:s25], [sflag:$0x1] =	stream.indirect.gather @!p0 [hbm4b:s4+s17], $0x40, s23, s17, $0xb8;
	[tilespmem:$0x1F000] =	vst v63  }
0x4f: {  	s23 =	simm.s32 @!p0 $0x1  }
0x50: {  	_ =	swait.ge @!p0 [sflag:s23], $0x2000  }
0x51: {  	[sflag:s23] =	ssyncset.done @!p0 $0x0  }
0x52: {  	s5 =	simm.s32 @!p0 $0x9000;
	s25 =	sadd.s32 @!p0 $0x2900, s13;
	[sflag:s23] =	ssyncadd.s32 @!p0 $0xFFFFE000  }
0x53: {  	[spmem:s2] =	stream.indirect.scatter.add.bf16 @!p0 [tilespmem:s5], [sflag:$0x2], $0x40, s25, s17, $0xb8;
	[tilespmem:$0x1F000] =	vst v63  }
0x54: {  	s25 =	simm.s32 @!p0 $0x2  }
0x55: {  	_ =	swait.ge @!p0 [sflag:s25], $0x2000  }
0x56: {  	[sflag:s25] =	ssyncset.done @!p0 $0x0  }
0x57: {  	s8 =	simm.s32 @!p0 $0x7000;
	s7 =	sadd.s32 @!p0 $0x480, s13;
	[sflag:s25] =	ssyncadd.s32 @!p0 $0xFFFFE000  }
0x58: {  	[tilespmem:s8], [sflag:$0x1] =	stream.indirect.gather @!p0 [hbm4b:s4+s17], $0x40, s7, s17, $0xb8;
	[tilespmem:$0x1F000] =	vst v63  }
0x59: {  	_ =	swait.ge [sflag:s28], $0x2000  }
0x5a: {  	[sflag:s28] =	ssyncset.done $0x0  }
0x5b: {  	s8 =	sadd.s32 $0x2980, s1;
	[sflag:s28] =	ssyncadd.s32 $0xFFFFE000  }
0x5c: {  	[spmem:s2] =	stream.indirect.scatter.add.bf16 [tilespmem:s20], [sflag:$0x2], $0x40, s8, s14, $0xb8;
	[tilespmem:$0x1F000] =	vst v63  }
0x5d: {  	_ =	swait.ge [sflag:s30], $0x2000  }
0x5e: {  	[sflag:s30] =	ssyncset.done $0x0  }
0x5f: {  	[sflag:s30] =	ssyncadd.s32 $0xFFFFE000  }
0x60: {  	_ =	swait.ge @p0 [sflag:s18], $0x2000  }
0x61: {  	[sflag:s18] =	ssyncset.done @p0 $0x0  }
0x62: {  	s7 =	sadd.s32 @p0 $0x2A00, s19;
	s8 =	simm.s32 @p0 $0xD000;
	[sflag:s18] =	ssyncadd.s32 @p0 $0xFFFFE000  }
0x63: {  	[spmem:s2] =	stream.indirect.scatter.add.bf16 @p0 [tilespmem:s8], [sflag:$0x2], $0x40, s7, s21, $0xb8;
	[tilespmem:$0x1F000] =	vst v63  }
0x64: {  	_ =	swait.ge @p0 [sflag:s22], $0x2000  }
0x65: {  	[sflag:s22] =	ssyncset.done @p0 $0x0  }
0x66: {  	s7 =	sadd.s32 @!p0 $0x500, s13;
	[sflag:s22] =	ssyncadd.s32 @p0 $0xFFFFE000  }
0x67: {  	[tilespmem:s5], [sflag:$0x1] =	stream.indirect.gather @!p0 [hbm4b:s4+s17], $0x40, s7, s17, $0xb8;
	[tilespmem:$0x1F000] =	vst v63  }
0x68: {  	_ =	swait.ge @!p0 [sflag:s23], $0x2000  }
0x69: {  	[sflag:s23] =	ssyncset.done @!p0 $0x0  }
0x6a: {  	s5 =	sadd.s32 @!p0 $0x2A00, s13;
	s7 =	simm.s32 @!p0 $0xD000;
	[sflag:s23] =	ssyncadd.s32 @!p0 $0xFFFFE000  }
0x6b: {  	[spmem:s2] =	stream.indirect.scatter.add.bf16 @!p0 [tilespmem:s7], [sflag:$0x2], $0x40, s5, s17, $0xb8;
	[tilespmem:$0x1F000] =	vst v63  }
0x6c: {  	_ =	swait.ge @!p0 [sflag:s25], $0x2000  }
0x6d: {  	[sflag:s25] =	ssyncset.done @!p0 $0x0  }
0x6e: {  	s8 =	simm.s32 @!p0 $0xB000;
	s5 =	sadd.s32 @!p0 $0x580, s13;
	[sflag:s25] =	ssyncadd.s32 @!p0 $0xFFFFE000  }
0x6f: {  	[tilespmem:s8], [sflag:$0x1] =	stream.indirect.gather @!p0 [hbm4b:s4+s17], $0x40, s5, s17, $0xb8;
	[tilespmem:$0x1F000] =	vst v63  }
0x70: {  	_ =	swait.ge [sflag:s28], $0x2000  }
0x71: {  	[sflag:s28] =	ssyncset.done $0x0  }
0x72: {  	s8 =	sadd.s32 $0x2A80, s1;
	[sflag:s28] =	ssyncadd.s32 $0xFFFFE000  }
0x73: {  	[spmem:s2] =	stream.indirect.scatter.add.bf16 [tilespmem:s24], [sflag:$0x2], $0x40, s8, s14, $0xb8;
	[tilespmem:$0x1F000] =	vst v63  }
0x74: {  	_ =	swait.ge [sflag:s30], $0x2000  }
0x75: {  	[sflag:s30] =	ssyncset.done $0x0  }
0x76: {  	[sflag:s30] =	ssyncadd.s32 $0xFFFFE000  }
0x77: {  	_ =	swait.ge @p0 [sflag:s18], $0x2000  }
0x78: {  	[sflag:s18] =	ssyncset.done @p0 $0x0  }
0x79: {  	s5 =	sadd.s32 @p0 $0x2B00, s19;
	s8 =	simm.s32 @p0 $0x11000;
	[sflag:s18] =	ssyncadd.s32 @p0 $0xFFFFE000  }
0x7a: {  	[spmem:s2] =	stream.indirect.scatter.add.bf16 @p0 [tilespmem:s8], [sflag:$0x2], $0x40, s5, s21, $0xb8;
	[tilespmem:$0x1F000] =	vst v63  }
0x7b: {  	_ =	swait.ge @p0 [sflag:s22], $0x2000  }
0x7c: {  	[sflag:s22] =	ssyncset.done @p0 $0x0  }
0x7d: {  	s5 =	sadd.s32 @!p0 $0x600, s13;
	[sflag:s22] =	ssyncadd.s32 @p0 $0xFFFFE000  }
0x7e: {  	[tilespmem:s7], [sflag:$0x1] =	stream.indirect.gather @!p0 [hbm4b:s4+s17], $0x40, s5, s17, $0xb8;
	[tilespmem:$0x1F000] =	vst v63  }
0x7f: {  	_ =	swait.ge @!p0 [sflag:s23], $0x2000  }
0x80: {  	[sflag:s23] =	ssyncset.done @!p0 $0x0  }
0x81: {  	s5 =	sadd.s32 @!p0 $0x2B00, s13;
	s7 =	simm.s32 @!p0 $0x11000;
	[sflag:s23] =	ssyncadd.s32 @!p0 $0xFFFFE000  }
0x82: {  	[spmem:s2] =	stream.indirect.scatter.add.bf16 @!p0 [tilespmem:s7], [sflag:$0x2], $0x40, s5, s17, $0xb8;
	[tilespmem:$0x1F000] =	vst v63  }
0x83: {  	_ =	swait.ge @!p0 [sflag:s25], $0x2000  }
0x84: {  	[sflag:s25] =	ssyncset.done @!p0 $0x0  }
0x85: {  	s5 =	sadd.s32 @!p0 $0x680, s13;
	s7 =	simm.s32 @!p0 $0xF000;
	[sflag:s25] =	ssyncadd.s32 @!p0 $0xFFFFE000  }
0x86: {  	[tilespmem:s7], [sflag:$0x1] =	stream.indirect.gather @!p0 [hbm4b:s4+s17], $0x40, s5, s17, $0xb8;
	[tilespmem:$0x1F000] =	vst v63  }
0x87: {  	_ =	swait.ge [sflag:s28], $0x2000  }
0x88: {  	[sflag:s28] =	ssyncset.done $0x0  }
.Ltmp2:
0x89: {  	s25 =	sadd.s32 $0x2B80, s1;
	[sflag:s28] =	ssyncadd.s32 $0xFFFFE000;
	(pc) =	sbr.rel @p0 .LBB2_4-.Ltmp2, $4  }
0x8a: {  	[spmem:s2] =	stream.indirect.scatter.add.bf16 [tilespmem:s29], [sflag:$0x2], $0x40, s25, s14, $0xb8;
	[tilespmem:$0x1F000] =	vst v63  }
0x8b: {  	_ =	swait.ge [sflag:s30], $0x2000  }
0x8c: {  	[sflag:s30] =	ssyncset.done $0x0  }
0x8d: {  	[sflag:s30] =	ssyncadd.s32 $0xFFFFE000  }
.Ltmp3:
0x8e: {  	(pc) =	sbr.rel .LBB2_2-.Ltmp3, $3  }
0x8f: {  	_ =	sdelay $0x1  }
0x90: {  	s1 =	sadd.s32 $0x700, s1;
	s0 =	sadd.s32 $0x1000, s0  }
0x91: {  	[tilespmem:s26], [sflag:$0x1] =	stream.indirect.gather [hbm4b:s4+s14], $0x40, s1, s14, $0xb8;
	[tilespmem:$0x1F000] =	vst v63  }
.LBB2_5:
0x92: {  	_ =	sfence.sel $0x180000  }
0x93: {  	[bflag:$0x0] =	sbarrier.arrive $0xFFFF  }
0x94: {  	_ =	strace $0x90000047  }
0x95: {  	s0 =	stileid.u32;
	[bflag:$0x2] =	sbarrier.arrive $0xFFFF  }
0x96: {  	p0 =	sne.s32 s0, $0x0;
	s0 =	rddreg [dreg:$0x3]  }
0x97: {  	s0 =	sadd.s32 @!p0 $0x100000, s0  }
0x98: {  	[sflag:s0] =	ssyncadd.tile.s32 @!p0 $0x1;
	_ =	shalt  }
.Lfunc_end2:
_tile_overlayer_lowered:
.L_overlay_start_2:
0x99: {  	(tag) =	ssettag $0x2  }
0x9a: {  	s0 =	rddreg [dreg:$0x0];
	s2 =	stileid.u32  }
0x9b: {  	s1 =	rddreg [dreg:$0x1];
	p0 =	sne.s32 s2, $0x0  }
0x9c: {  	s3 =	rddreg [dreg:$0x2];
	[bflag:$0x3] =	sbarrier.arrive $0xFFFF;
	s2 =	simm.s32 @!p0 $0x1C03  }
0x9d: {  	[timem:s3], [sflag:s2] =	dma.local @!p0 [hbm:s0], s1  }
0x9e: {  	s0 =	simm.s32 @!p0 $0x3  }
0x9f: {  	_ =	swait.ge @!p0 [sflag:s0], s1  }
0xa0: {  	s1 =	ssub.s32 @!p0 $0x0, s1;
	[sflag:s0] =	ssyncset.done @!p0 $0x0  }
0xa1: {  	[sflag:s0] =	ssyncadd.s32 @!p0 s1  }
0xa2: {  	[bflag:$0x3] =	sbarrier.arrive $0xFFFF  }
0xa3: {  	_ =	shalt  }

// kernel: kernel.16.cloned.1.call-start
scs
__scs_entry_jumppad:
0x0: {  	(pc) =	sbr.rel $0x88, $3  }
0x1: {  	(tag) =	ssettag $0x0;
	lr =	simm.s32 $0x1  }
0x2: {  	[smem:$0x3F96] =	sst lr;
	_ =	strace $0xD0000000  }
0x3: {  	_ = 	snop  }
0x4: {  	_ = 	snop  }
0x5: {  	_ = 	snop  }
0x6: {  	_ = 	snop  }
0x7: {  	_ = 	snop  }
__scs_overlays_trampoline_lowered:
0x8: {  	[smem:$0x3FA5] =	sst s0  }
0x9: {  	[smem:$0x3FA6] =	sst s1  }
0xa: {  	[smem:$0x3FA7] =	sst s2  }
0xb: {  	[smem:$0x3FA8] =	sst s3  }
0xc: {  	[smem:$0x3FA9] =	sst s4  }
0xd: {  	[smem:$0x3FAA] =	sst s5  }
0xe: {  	[smem:$0x3FAB] =	sst s6  }
0xf: {  	[smem:$0x3FAC] =	sst s7  }
0x10: {  	[smem:$0x3FAD] =	sst s8  }
0x11: {  	[smem:$0x3FAE] =	sst s9;
	s0 =	simm.s32 @!p0 $0x0  }
0x12: {  	s1 =	sld [smem:$0x3F94];
	s0 =	simm.s32 @p0 $0x1  }
0x13: {  	[smem:$0x3FAF] =	sst s0;
	s0 =	simm.s32 @!p1 $0x0  }
0x14: {  	s2 =	sld [smem:$0x3F93];
	s0 =	simm.s32 @p1 $0x1  }
0x15: {  	[smem:$0x3FB0] =	sst s0;
	s0 =	simm.s32 @!p2 $0x0  }
0x16: {  	s3 =	sld [smem:$0x3FDB];
	s0 =	simm.s32 @p2 $0x1  }
0x17: {  	s4 =	simm.s32 $0x1BF5;
	[smem:$0x3FB2] =	sst s0  }
0x18: {  	s0 =	sld [smem:$0x3F95];
	_ =	swait.ge [sflag:s4], $0x0  }
0x19: {  	s7 =	sld [smem:$0x3F96]  }
0x1a: {  	s8 =	sadd.s32 $0xFFFFE003, lr  }
0x1b: {  	s9 =	sadd.s32 $0xFFFFFEF7, lr;
	s5 =	simm.s32 $0xFFFFFFFF;
	p2 =	slt.u32 s8, $0xFFFFF086  }
0x1c: {  	p1 =	slt.u32 s9, $0xF7A;
	s5 =	simm.s32 @!p2 $0x0  }
0x1d: {  	s5 =	simm.s32 @p1 $0x1;
	p0 =	seq.s32 s7, s2  }
0x1e: {  	s7 =	smul.u32 @!p0 $0xF7A, s2;
	p2 =	seq.s32 @!p0 s5, $0x0  }
0x1f: {  	s9 =	smul.u32 $0xF7A, s1;
	s8 =	simm.s32 @!p0 $0x1BF5;
	p2 =	por !p2, p0  }
0x20: {  	[sflag:s8] =	ssyncset.s32 @!p0 $0xFFFFF086;
	s6 =	sadd.s32 @!p0 s3, s7;
	s7 =	simm.s32 @!p0 $0x108  }
0x21: {  	s3 =	sadd.s32 s3, s9;
	s6 =	sadd.s32 @!p0 $0x88, s6;
	s7 =	simm.s32 @p2 $0x1082  }
0x22: {  	[simem:s7], [sflag:s8] =	dma.local @!p0 [hbm:s6], $0xF7A  }
0x23: {  	s9 =	sor.u32 $0xD0000000, s2;
	s6 =	simm.s32 $0x108;
	_ =	swait.ge @!p0 [sflag:s8], $0x0  }
0x24: {  	s3 =	sadd.s32 $0x88, s3;
	s6 =	simm.s32 @!p1 $0x1082;
	[sflag:s4] =	ssyncset.s32 $0xFFFFF086  }
0x25: {  	[simem:s6], [sflag:s4] =	dma.local [hbm:s3], $0xF7A  }
0x26: {  	[smem:$0x3F96] =	sst s1;
	(tag) =	ssettag s2;
	_ =	strace s9  }
0x27: {  	s1 =	sld [smem:$0x3FA6]  }
0x28: {  	s2 =	sld [smem:$0x3FA7]  }
0x29: {  	s4 =	sld [smem:$0x3FA9]  }
0x2a: {  	p0 =	seq.s32 s5, $0x0;
	s5 =	sld [smem:$0x3FAA]  }
0x2b: {  	s6 =	sld [smem:$0x3FAB]  }
0x2c: {  	s7 =	sld [smem:$0x3FAC]  }
0x2d: {  	s3 =	simm.s32 $0x108;
	s8 =	sld [smem:$0x3FAD]  }
0x2e: {  	s3 =	simm.s32 @!p0 $0x1082;
	s9 =	sld [smem:$0x3FAE]  }
0x2f: {  	lr =	sadd.s32 s0, s3;
	s0 =	sld [smem:$0x3FA5]  }
0x30: {  	s3 =	sld [smem:$0x3FA8]  }
0x31: {  	[smem:$0x3FB1] =	sst s10  }
0x32: {  	s10 =	sld [smem:$0x3FAF];
	_ =	sdelay $0x3  }
0x33: {  	p0 =	seq.s32 s10, $0x1;
	s10 =	sld [smem:$0x3FB1];
	_ =	sdelay $0x3  }
0x34: {  	[smem:$0x3FB1] =	sst s10  }
0x35: {  	s10 =	sld [smem:$0x3FB0];
	_ =	sdelay $0x3  }
0x36: {  	p1 =	seq.s32 s10, $0x1;
	s10 =	sld [smem:$0x3FB1];
	_ =	sdelay $0x3  }
0x37: {  	[smem:$0x3FB1] =	sst s10  }
0x38: {  	s10 =	sld [smem:$0x3FB2]  }
0x39: {  	_ = 	snop;
	(pc) =	sbr.ind lr, $3  }
0x3a: {  	_ = 	snop  }
0x3b: {  	_ = 	snop  }
0x3c: {  	p2 =	seq.s32 s10, $0x1;
	s10 =	sld [smem:$0x3FB1]  }
0x3d: {  	_ =	shalt  }
0x3e: {  	_ =	shalt  }
0x3f: {  	_ =	shalt  }
0x40: {  	_ =	shalt  }
0x41: {  	_ =	shalt  }
0x42: {  	_ =	shalt  }
0x43: {  	_ =	shalt  }
0x44: {  	_ =	shalt  }
0x45: {  	_ =	shalt  }
0x46: {  	_ =	shalt  }
0x47: {  	_ =	shalt  }
0x48: {  	_ =	shalt  }
0x49: {  	_ =	shalt  }
0x4a: {  	_ =	shalt  }
0x4b: {  	_ =	shalt  }
0x4c: {  	_ =	shalt  }
0x4d: {  	_ =	shalt  }
0x4e: {  	_ =	shalt  }
0x4f: {  	_ =	shalt  }
0x50: {  	_ =	shalt  }
0x51: {  	_ =	shalt  }
0x52: {  	_ =	shalt  }
0x53: {  	_ =	shalt  }
0x54: {  	_ =	shalt  }
0x55: {  	_ =	shalt  }
0x56: {  	_ =	shalt  }
0x57: {  	_ =	shalt  }
0x58: {  	_ =	shalt  }
0x59: {  	_ =	shalt  }
0x5a: {  	_ =	shalt  }
0x5b: {  	_ =	shalt  }
0x5c: {  	_ =	shalt  }
0x5d: {  	_ =	shalt  }
0x5e: {  	_ =	shalt  }
0x5f: {  	_ =	shalt  }
0x60: {  	_ =	shalt  }
0x61: {  	_ =	shalt  }
0x62: {  	_ =	shalt  }
0x63: {  	_ =	shalt  }
0x64: {  	_ =	shalt  }
0x65: {  	_ =	shalt  }
0x66: {  	_ =	shalt  }
0x67: {  	_ =	shalt  }
0x68: {  	_ =	shalt  }
0x69: {  	_ =	shalt  }
0x6a: {  	_ =	shalt  }
0x6b: {  	_ =	shalt  }
0x6c: {  	_ =	shalt  }
0x6d: {  	_ =	shalt  }
0x6e: {  	_ =	shalt  }
0x6f: {  	_ =	shalt  }
0x70: {  	_ =	shalt  }
0x71: {  	_ =	shalt  }
0x72: {  	_ =	shalt  }
0x73: {  	_ =	shalt  }
0x74: {  	_ =	shalt  }
0x75: {  	_ =	shalt  }
0x76: {  	_ =	shalt  }
0x77: {  	_ =	shalt  }
0x78: {  	_ =	shalt  }
0x79: {  	_ =	shalt  }
0x7a: {  	_ =	shalt  }
0x7b: {  	_ =	shalt  }
0x7c: {  	_ =	shalt  }
0x7d: {  	_ =	shalt  }
0x7e: {  	_ =	shalt  }
0x7f: {  	_ =	shalt  }
0x80: {  	_ =	shalt  }
0x81: {  	_ =	shalt  }
0x82: {  	_ =	shalt  }
0x83: {  	_ =	shalt  }
0x84: {  	_ =	shalt  }
0x85: {  	_ =	shalt  }
0x86: {  	_ =	shalt  }
0x87: {  	_ =	shalt  }
.Lfunc_end0:
.L_simem_size_0:
called_computation.2_lowered:
.L_overlay_start_0:
0x88: {  	s2 =	sld [smem:$0x3FD9]  }
0x89: {  	s3 =	sld [smem:$0x3FFE];
	_ =	sdelay $0x1  }
0x8a: {  	s1 =	srdreg.scid  }
0x8b: {  	s0 =	sand.u32 $0x1, s1  }
0x8c: {  	s17 =	sshll.u32 s0, $0xA;
	s2 =	sadd.s32 s3, s2  }
0x8d: {  	s2 =	sadd.s32 s2, s17  }
0x8e: {  	[smem:$0x3FBD] =	sst s2  }
0x8f: {  	_ = 	snop  }
0x90: {  	s2 =	sld [smem:$0x3FD0];
	(tm) =	ssettm $0x1  }
0x91: {  	s18 =	sld [smem:$0x3FFB];
	_ =	sdelay $0x3  }
0x92: {  	_ =	strace s18  }
0x93: {  	s3 =	sld [smem:$0x3FFC];
	_ =	sdelay $0x3  }
0x94: {  	_ =	strace s3  }
0x95: {  	s3 =	sld [smem:$0x3FFD];
	_ =	sdelay $0x3  }
0x96: {  	_ =	strace s3  }
0x97: {  	_ =	strace $0x8FFFFFFF  }
0x98: {  	s19 =	sld [smem:$0x3FDB];
	_ =	sdelay $0x1  }
0x99: {  	s4 =	simm.s32 $_scs_section_size  }
0x9a: {  	s5 =	simm.s32 $_size__tile_overlayer_lowered;
	s6 =	simm.s32 $_tile_overlayer_lowered  }
0x9b: {  	s22 =	simm.s32 $0x1BFF;
	s21 =	sshll.u32 s6, $0x1;
	s3 =	sadd.s32 s4, s19  }
0x9c: {  	s7 =	simm.s32 $0x0;
	s20 =	sshll.u32 s5, $0x1;
	s5 =	sadd.s32 s21, s3  }
0x9d: {  	[timem:s7], [sflag:s22] =	dma.local [hbm:s5], s20  }
0x9e: {  	_ =	swait.ge [sflag:s22], s20  }
0x9f: {  	s4 =	ssub.s32 $0x0, s20;
	[sflag:s22] =	ssyncset.done $0x0  }
0xa0: {  	[sflag:s22] =	ssyncadd.s32 s4;
	_ =	sdelay $0x1  }
0xa1: {  	s23 =	simm.s32 $0x1B8B  }
0xa2: {  	_ =	swait.ge [sflag:s23], $0x1  }
0xa3: {  	[sflag:s23] =	ssyncset.done $0x0  }
0xa4: {  	s25 =	simm.s32 $0x1B8E;
	s24 =	sld [smem:$0x3FFE];
	[sflag:s23] =	ssyncadd.s32 $0xFFFFFFFF  }
0xa5: {  	s26 =	simm.s32 $execute0_lowered;
	[smem:$0x3FD2] =	sst s25  }
0xa6: {  	s5 =	sshll.u32 s26, $0x1;
	_ =	strace $0x8000004C;
	[dreg:$0x1] =	wrdreg $0xFFFFFFFF  }
0xa7: {  	s28 =	simm.s32 $_size_execute0_lowered;
	s3 =	sadd.s32 s3, s5;
	[dreg:$0x0] =	wrdreg $0x0  }
0xa8: {  	s5 =	sshll.u32 s28, $0x1;
	[dreg:$0x2] =	wrdreg s3  }
0xa9: {  	[dreg:$0x3] =	wrdreg s5  }
0xaa: {  	[dreg:$0x4] =	wrdreg $0xC0  }
0xab: {  	_ =	task [dreg:s7], $0x5FFFF  }
0xac: {  	[dreg:$0x1] =	wrdreg $0xFFFFFFFF  }
0xad: {  	[dreg:$0x0] =	wrdreg $0x60  }
0xae: {  	[dreg:$0x2] =	wrdreg s24  }
0xaf: {  	[dreg:$0x3] =	wrdreg s2  }
0xb0: {  	[dreg:$0x4] =	wrdreg $0x150000  }
0xb1: {  	[dreg:$0x5] =	wrdreg $0x9  }
0xb2: {  	_ =	task.clear_ibuf [dreg:s7], $0x6FFFF;
	_ =	strace $0x9000004C  }
0xb3: {  	s29 =	simm.s32 $0x9;
	_ =	strace $0x8000004E  }
0xb4: {  	_ =	swait.ge [sflag:s29], $0x1  }
0xb5: {  	[sflag:s29] =	ssyncadd.s32 $0xFFFFFFFF  }
0xb6: {  	_ =	strace $0x9000004E  }
0xb7: {  	_ =	sfence  }
0xb8: {  	s30 =	sld [smem:$0x0];
	_ =	sdelay $0x2  }
0xb9: {  	s31 =	sshll.u32 s1, $0xD;
	s1 =	sshrl.u32 s1, $0x2  }
0xba: {  	s3 =	sand.u32 $0x4000, s31;
	s1 =	sadd.s32 s1, s30  }
0xbb: {  	s0 =	sor.u32 s3, s0;
	s1 =	sshll.u32 s1, $0x11  }
0xbc: {  	s0 =	sor.u32 s1, s0  }
0xbd: {  	s0 =	sadd.s32 $0x8F2B, s0  }
0xbe: {  	[sflag:s0] =	ssyncadd.remote.s32 $0x1  }
0xbf: {  	_ =	sfence.sel $0xFFFF  }
0xc0: {  	[dreg:$0x0] =	wrdreg $0xFFFFFFFF;
	(pc) =	sbr.abs _section_cstart, $3  }
0xc1: {  	[dreg:$0x1] =	wrdreg $0xFFFFFFFF  }
0xc2: {  	_ =	task.clear_ibuf [dreg:s7], $0x2FFFF;
	_ =	strace $0x9FFFFFFF  }
0xc3: {  	(tm) =	ssettm $0x7FFFFFFF  }
tec
execute0_lowered:
.L_overlay_start_1:
0x0: {  	(tag) =	ssettag $0x1  }
0x1: {  	s0 =	rddreg [dreg:$0x0]  }
0x2: {  	s1 =	rddreg [dreg:$0x1]  }
0x3: {  	s2 =	rddreg [dreg:$0x2];
	s13 =	stileid.u32  }
0x4: {  	s4 =	srdreg.scid;
	s3 =	simm.s32 $0x0;
	s14 =	simm.s32 $0x80  }
0x5: {  	s15 =	simm.s32 $0x5000;
	s16 =	simm.s32 $0x7000;
	s28 =	simm.s32 $0x1  }
0x6: {  	s29 =	simm.s32 $0x13000;
	s30 =	simm.s32 $0x2;
	s5 =	smul.u32 $0x500, s13  }
0x7: {  	s31 =	simm.s32 $0x0;
	s6 =	sand.u32 $0x1, s4;
	s7 =	smul.u32 $0x1400, s13  }
0x8: {  	[smem:$0x7FF] =	sst s3;
	s4 =	sadd.s32 $0x2E00, s0;
	s9 =	smul.u32 $0x28000, s13  }
0x9: {  	s12 =	smul.u32 $0x2800, s13;
	s20 =	sadd.s32 $0x1A00, s0;
	s22 =	sshll.u32 s13, $0x6  }
0xa: {  	s8 =	smul.u32 $0x14000, s6;
	_ =	strace $0x8000004D;
	s11 =	ssub.s32 $0x2, s6  }
0xb: {  	s6 =	smul.u32 $0x28000, s6;
	[dreg:$0x4] =	wrdreg s20;
	s20 =	simm.s32 $0xB000  }
0xc: {  	s10 =	sadd.s32 s5, s0;
	s19 =	sshrl.u32 s11, $0x1;
	s21 =	sshrl.u32 s9, $0x2  }
0xd: {  	s7 =	sadd.s32 s7, s8;
	s11 =	ssub.s32 s11, s19;
	s23 =	sadd.s32 s12, s6  }
.Ltmp0:
0xe: {  	s24 =	sadd.s32 s21, s2;
	s6 =	sor.u32 $0x1C03, s22;
	(pc) =	sbr.rel .LBB2_1-.Ltmp0, $4  }
0xf: {  	s26 =	sadd.s32 $0x2AE00, s10;
	s12 =	simm.s32 $0x3;
	s0 =	sadd.s32 s7, s0  }
0x10: {  	s25 =	sshrl.u32 s23, $0x3;
	[dreg:$0x6] =	wrdreg s26;
	s10 =	smax.u32 s11, $0x1  }
0x11: {  	s11 =	sshrl.u32 s24, $0x3;
	s24 =	simm.s32 $0xF000;
	s1 =	sadd.s32 s1, s25  }
0x12: {  	s26 =	simm.s32 $0x11000;
	s9 =	sadd.s32 $0x2FE00, s0;
	[dreg:$0x5] =	wrdreg s1  }
.LBB2_4:
0x13: {  	_ =	swait.ge [sflag:s30], $0x2000  }
0x14: {  	s31 =	sadd.s32 $0x1, s31;
	[sflag:s30] =	ssyncset.done $0x0  }
0x15: {  	p0 =	sne.s32 s31, s10;
	[sflag:s30] =	ssyncadd.s32 $0xFFFFE000  }
.Ltmp1:
0x16: {  	[bflag:$0x0] =	sbarrier.arrive $0xFFFF;
	(pc) =	sbr.rel @!p0 .LBB2_5-.Ltmp1, $4  }
0x17: {  	[hbm:s9], [sflag:s6] =	dma.local [spmem:s11], $0x1400  }
0x18: {  	_ =	swait.ge [sflag:s12], $0x1400  }
0x19: {  	[sflag:s12] =	ssyncset.done $0x0  }
0x1a: {  	[sflag:s12] =	ssyncadd.s32 $0xFFFFEC00  }
.LBB2_1:
0x1b: {  	s0 =	rddreg [dreg:$0x4]  }
0x1c: {  	[spmem:s11], [sflag:s6] =	dma.local [hbm:s0], $0x1400  }
0x1d: {  	_ =	swait.ge [sflag:s12], $0x1400  }
0x1e: {  	[sflag:s12] =	ssyncset.done $0x0  }
0x1f: {  	[sflag:s12] =	ssyncadd.s32 $0xFFFFEC00  }
0x20: {  	[bflag:$0x0] =	sbarrier.arrive $0xFFFF  }
0x21: {  	s8 =	rddreg [dreg:$0x5]  }
0x22: {  	[tilespmem:s3], [sflag:$0x3] =	stream.linear.gather [hbm4b:s8+s3], $0x2800, $0x38;
	[tilespmem:$0x1F000] =	vst v63  }
0x23: {  	_ =	swait.ge [sflag:s12], $0x2800  }
0x24: {  	[sflag:s12] =	ssyncset.done $0x0  }
0x25: {  	s1 =	simm.s32 $0x2800;
	s13 =	rddreg [dreg:$0x6];
	[sflag:s12] =	ssyncadd.s32 $0xFFFFD800  }
0x26: {  	[tilespmem:s1], [sflag:$0x3] =	stream.linear.gather [hbm4b:s13+s3], $0x2800, $0x38;
	[tilespmem:$0x1F000] =	vst v63  }
0x27: {  	_ =	swait.ge [sflag:s12], $0x2800  }
0x28: {  	[sflag:s12] =	ssyncset.done $0x0  }
0x29: {  	[sflag:s12] =	ssyncadd.s32 $0xFFFFD800  }
0x2a: {  	[tilespmem:s15], [sflag:$0x1] =	stream.indirect.gather [hbm4b:s4+s14], $0x40, s3, s14, $0xb8;
	[tilespmem:$0x1F000] =	vst v63  }
0x2b: {  	_ = 	snop  }
0x2c: {  	[tilespmem:s16], [sflag:$0x1] =	stream.indirect.gather [hbm4b:s4+s14], $0x40, s14, s14, $0xb8;
	[tilespmem:$0x1F000] =	vst v63  }
0x2d: {  	s17 =	simm.s32 $0x100;
	s18 =	simm.s32 $0x9000  }
0x2e: {  	[tilespmem:s18], [sflag:$0x1] =	stream.indirect.gather [hbm4b:s4+s14], $0x40, s17, s14, $0xb8;
	[tilespmem:$0x1F000] =	vst v63  }
0x2f: {  	s19 =	simm.s32 $0x180  }
0x30: {  	[tilespmem:s20], [sflag:$0x1] =	stream.indirect.gather [hbm4b:s4+s14], $0x40, s19, s14, $0xb8;
	[tilespmem:$0x1F000] =	vst v63  }
0x31: {  	s21 =	simm.s32 $0x200;
	s22 =	simm.s32 $0xD000  }
0x32: {  	[tilespmem:s22], [sflag:$0x1] =	stream.indirect.gather [hbm4b:s4+s14], $0x40, s21, s14, $0xb8;
	[tilespmem:$0x1F000] =	vst v63  }
0x33: {  	s23 =	simm.s32 $0x280  }
0x34: {  	[tilespmem:s24], [sflag:$0x1] =	stream.indirect.gather [hbm4b:s4+s14], $0x40, s23, s14, $0xb8;
	[tilespmem:$0x1F000] =	vst v63  }
0x35: {  	s25 =	simm.s32 $0x300;
	s0 =	simm.s32 $0x0  }
0x36: {  	[tilespmem:s26], [sflag:$0x1] =	stream.indirect.gather [hbm4b:s4+s14], $0x40, s25, s14, $0xb8;
	[tilespmem:$0x1F000] =	vst v63  }
.LBB2_2:
0x37: {  	_ =	swait.ge [sflag:s28], $0x2000  }
0x38: {  	s1 =	sshra.s32 s0, $0x2;
	[sflag:s28] =	ssyncset.done $0x0  }
0x39: {  	p0 =	seq.s32 s0, $0x0;
	s13 =	sadd.s32 $0x2800, s1;
	[sflag:s28] =	ssyncadd.s32 $0xFFFFE000  }
0x3a: {  	[spmem:s2] =	stream.indirect.scatter.add.bf16 [tilespmem:s15], [sflag:$0x2], $0x40, s13, s14, $0xb8;
	[tilespmem:$0x1F000] =	vst v63  }
0x3b: {  	s13 =	simm.s32 @!p0 $0x2  }
0x3c: {  	_ =	swait.ge @!p0 [sflag:s13], $0x2000  }
0x3d: {  	[sflag:s13] =	ssyncset.done @!p0 $0x0  }
0x3e: {  	s5 =	sadd.s32 $0x380, s1;
	[sflag:s13] =	ssyncadd.s32 @!p0 $0xFFFFE000  }
0x3f: {  	[tilespmem:s29], [sflag:$0x1] =	stream.indirect.gather [hbm4b:s4+s14], $0x40, s5, s14, $0xb8;
	[tilespmem:$0x1F000] =	vst v63  }
0x40: {  	_ =	swait.ge [sflag:s28], $0x2000  }
0x41: {  	[sflag:s28] =	ssyncset.done $0x0  }
0x42: {  	s7 =	sadd.s32 $0x2880, s1;
	[sflag:s28] =	ssyncadd.s32 $0xFFFFE000  }
0x43: {  	[spmem:s2] =	stream.indirect.scatter.add.bf16 [tilespmem:s16], [sflag:$0x2], $0x40, s7, s14, $0xb8;
	[tilespmem:$0x1F000] =	vst v63  }
0x44: {  	_ =	swait.ge [sflag:s30], $0x2000  }
0x45: {  	p0 =	seq.s32 s0, $0x9000;
	[sflag:s30] =	ssyncset.done $0x0  }
0x46: {  	s18 =	simm.s32 @p0 $0x1;
	[sflag:s30] =	ssyncadd.s32 $0xFFFFE000  }
0x47: {  	s19 =	sshra.s32 @p0 s0, $0x2;
	_ =	swait.ge @p0 [sflag:s18], $0x2000  }
0x48: {  	s21 =	simm.s32 @p0 $0x80;
	s17 =	simm.s32 @p0 $0x9000;
	[sflag:s18] =	ssyncset.done @p0 $0x0  }
0x49: {  	s22 =	simm.s32 @p0 $0x2;
	s13 =	sadd.s32 @p0 $0x2900, s19;
	[sflag:s18] =	ssyncadd.s32 @p0 $0xFFFFE000  }
0x4a: {  	[spmem:s2] =	stream.indirect.scatter.add.bf16 @p0 [tilespmem:s17], [sflag:$0x2], $0x40, s13, s21, $0xb8;
	[tilespmem:$0x1F000] =	vst v63  }
0x4b: {  	_ =	swait.ge @p0 [sflag:s22], $0x2000  }
0x4c: {  	s25 =	simm.s32 @!p0 $0x5000;
	s13 =	sshra.s32 @!p0 s0, $0x2;
	[sflag:s22] =	ssyncset.done @p0 $0x0  }
0x4d: {  	s17 =	simm.s32 @!p0 $0x80;
	s23 =	sadd.s32 @!p0 $0x400, s13;
	[sflag:s22] =	ssyncadd.s32 @p0 $0xFFFFE000  }
0x4e: {  	[tilespmem:s25], [sflag:$0x1] =	stream.indirect.gather @!p0 [hbm4b:s4+s17], $0x40, s23, s17, $0xb8;
	[tilespmem:$0x1F000] =	vst v63  }
0x4f: {  	s23 =	simm.s32 @!p0 $0x1  }
0x50: {  	_ =	swait.ge @!p0 [sflag:s23], $0x2000  }
0x51: {  	[sflag:s23] =	ssyncset.done @!p0 $0x0  }
0x52: {  	s5 =	simm.s32 @!p0 $0x9000;
	s25 =	sadd.s32 @!p0 $0x2900, s13;
	[sflag:s23] =	ssyncadd.s32 @!p0 $0xFFFFE000  }
0x53: {  	[spmem:s2] =	stream.indirect.scatter.add.bf16 @!p0 [tilespmem:s5], [sflag:$0x2], $0x40, s25, s17, $0xb8;
	[tilespmem:$0x1F000] =	vst v63  }
0x54: {  	s25 =	simm.s32 @!p0 $0x2  }
0x55: {  	_ =	swait.ge @!p0 [sflag:s25], $0x2000  }
0x56: {  	[sflag:s25] =	ssyncset.done @!p0 $0x0  }
0x57: {  	s8 =	simm.s32 @!p0 $0x7000;
	s7 =	sadd.s32 @!p0 $0x480, s13;
	[sflag:s25] =	ssyncadd.s32 @!p0 $0xFFFFE000  }
0x58: {  	[tilespmem:s8], [sflag:$0x1] =	stream.indirect.gather @!p0 [hbm4b:s4+s17], $0x40, s7, s17, $0xb8;
	[tilespmem:$0x1F000] =	vst v63  }
0x59: {  	_ =	swait.ge [sflag:s28], $0x2000  }
0x5a: {  	[sflag:s28] =	ssyncset.done $0x0  }
0x5b: {  	s8 =	sadd.s32 $0x2980, s1;
	[sflag:s28] =	ssyncadd.s32 $0xFFFFE000  }
0x5c: {  	[spmem:s2] =	stream.indirect.scatter.add.bf16 [tilespmem:s20], [sflag:$0x2], $0x40, s8, s14, $0xb8;
	[tilespmem:$0x1F000] =	vst v63  }
0x5d: {  	_ =	swait.ge [sflag:s30], $0x2000  }
0x5e: {  	[sflag:s30] =	ssyncset.done $0x0  }
0x5f: {  	[sflag:s30] =	ssyncadd.s32 $0xFFFFE000  }
0x60: {  	_ =	swait.ge @p0 [sflag:s18], $0x2000  }
0x61: {  	[sflag:s18] =	ssyncset.done @p0 $0x0  }
0x62: {  	s7 =	sadd.s32 @p0 $0x2A00, s19;
	s8 =	simm.s32 @p0 $0xD000;
	[sflag:s18] =	ssyncadd.s32 @p0 $0xFFFFE000  }
0x63: {  	[spmem:s2] =	stream.indirect.scatter.add.bf16 @p0 [tilespmem:s8], [sflag:$0x2], $0x40, s7, s21, $0xb8;
	[tilespmem:$0x1F000] =	vst v63  }
0x64: {  	_ =	swait.ge @p0 [sflag:s22], $0x2000  }
0x65: {  	[sflag:s22] =	ssyncset.done @p0 $0x0  }
0x66: {  	s7 =	sadd.s32 @!p0 $0x500, s13;
	[sflag:s22] =	ssyncadd.s32 @p0 $0xFFFFE000  }
0x67: {  	[tilespmem:s5], [sflag:$0x1] =	stream.indirect.gather @!p0 [hbm4b:s4+s17], $0x40, s7, s17, $0xb8;
	[tilespmem:$0x1F000] =	vst v63  }
0x68: {  	_ =	swait.ge @!p0 [sflag:s23], $0x2000  }
0x69: {  	[sflag:s23] =	ssyncset.done @!p0 $0x0  }
0x6a: {  	s5 =	sadd.s32 @!p0 $0x2A00, s13;
	s7 =	simm.s32 @!p0 $0xD000;
	[sflag:s23] =	ssyncadd.s32 @!p0 $0xFFFFE000  }
0x6b: {  	[spmem:s2] =	stream.indirect.scatter.add.bf16 @!p0 [tilespmem:s7], [sflag:$0x2], $0x40, s5, s17, $0xb8;
	[tilespmem:$0x1F000] =	vst v63  }
0x6c: {  	_ =	swait.ge @!p0 [sflag:s25], $0x2000  }
0x6d: {  	[sflag:s25] =	ssyncset.done @!p0 $0x0  }
0x6e: {  	s8 =	simm.s32 @!p0 $0xB000;
	s5 =	sadd.s32 @!p0 $0x580, s13;
	[sflag:s25] =	ssyncadd.s32 @!p0 $0xFFFFE000  }
0x6f: {  	[tilespmem:s8], [sflag:$0x1] =	stream.indirect.gather @!p0 [hbm4b:s4+s17], $0x40, s5, s17, $0xb8;
	[tilespmem:$0x1F000] =	vst v63  }
0x70: {  	_ =	swait.ge [sflag:s28], $0x2000  }
0x71: {  	[sflag:s28] =	ssyncset.done $0x0  }
0x72: {  	s8 =	sadd.s32 $0x2A80, s1;
	[sflag:s28] =	ssyncadd.s32 $0xFFFFE000  }
0x73: {  	[spmem:s2] =	stream.indirect.scatter.add.bf16 [tilespmem:s24], [sflag:$0x2], $0x40, s8, s14, $0xb8;
	[tilespmem:$0x1F000] =	vst v63  }
0x74: {  	_ =	swait.ge [sflag:s30], $0x2000  }
0x75: {  	[sflag:s30] =	ssyncset.done $0x0  }
0x76: {  	[sflag:s30] =	ssyncadd.s32 $0xFFFFE000  }
0x77: {  	_ =	swait.ge @p0 [sflag:s18], $0x2000  }
0x78: {  	[sflag:s18] =	ssyncset.done @p0 $0x0  }
0x79: {  	s5 =	sadd.s32 @p0 $0x2B00, s19;
	s8 =	simm.s32 @p0 $0x11000;
	[sflag:s18] =	ssyncadd.s32 @p0 $0xFFFFE000  }
0x7a: {  	[spmem:s2] =	stream.indirect.scatter.add.bf16 @p0 [tilespmem:s8], [sflag:$0x2], $0x40, s5, s21, $0xb8;
	[tilespmem:$0x1F000] =	vst v63  }
0x7b: {  	_ =	swait.ge @p0 [sflag:s22], $0x2000  }
0x7c: {  	[sflag:s22] =	ssyncset.done @p0 $0x0  }
0x7d: {  	s5 =	sadd.s32 @!p0 $0x600, s13;
	[sflag:s22] =	ssyncadd.s32 @p0 $0xFFFFE000  }
0x7e: {  	[tilespmem:s7], [sflag:$0x1] =	stream.indirect.gather @!p0 [hbm4b:s4+s17], $0x40, s5, s17, $0xb8;
	[tilespmem:$0x1F000] =	vst v63  }
0x7f: {  	_ =	swait.ge @!p0 [sflag:s23], $0x2000  }
0x80: {  	[sflag:s23] =	ssyncset.done @!p0 $0x0  }
0x81: {  	s5 =	sadd.s32 @!p0 $0x2B00, s13;
	s7 =	simm.s32 @!p0 $0x11000;
	[sflag:s23] =	ssyncadd.s32 @!p0 $0xFFFFE000  }
0x82: {  	[spmem:s2] =	stream.indirect.scatter.add.bf16 @!p0 [tilespmem:s7], [sflag:$0x2], $0x40, s5, s17, $0xb8;
	[tilespmem:$0x1F000] =	vst v63  }
0x83: {  	_ =	swait.ge @!p0 [sflag:s25], $0x2000  }
0x84: {  	[sflag:s25] =	ssyncset.done @!p0 $0x0  }
0x85: {  	s5 =	sadd.s32 @!p0 $0x680, s13;
	s7 =	simm.s32 @!p0 $0xF000;
	[sflag:s25] =	ssyncadd.s32 @!p0 $0xFFFFE000  }
0x86: {  	[tilespmem:s7], [sflag:$0x1] =	stream.indirect.gather @!p0 [hbm4b:s4+s17], $0x40, s5, s17, $0xb8;
	[tilespmem:$0x1F000] =	vst v63  }
0x87: {  	_ =	swait.ge [sflag:s28], $0x2000  }
0x88: {  	[sflag:s28] =	ssyncset.done $0x0  }
.Ltmp2:
0x89: {  	s25 =	sadd.s32 $0x2B80, s1;
	[sflag:s28] =	ssyncadd.s32 $0xFFFFE000;
	(pc) =	sbr.rel @p0 .LBB2_4-.Ltmp2, $4  }
0x8a: {  	[spmem:s2] =	stream.indirect.scatter.add.bf16 [tilespmem:s29], [sflag:$0x2], $0x40, s25, s14, $0xb8;
	[tilespmem:$0x1F000] =	vst v63  }
0x8b: {  	_ =	swait.ge [sflag:s30], $0x2000  }
0x8c: {  	[sflag:s30] =	ssyncset.done $0x0  }
0x8d: {  	[sflag:s30] =	ssyncadd.s32 $0xFFFFE000  }
.Ltmp3:
0x8e: {  	(pc) =	sbr.rel .LBB2_2-.Ltmp3, $3  }
0x8f: {  	_ =	sdelay $0x1  }
0x90: {  	s1 =	sadd.s32 $0x700, s1;
	s0 =	sadd.s32 $0x1000, s0  }
0x91: {  	[tilespmem:s26], [sflag:$0x1] =	stream.indirect.gather [hbm4b:s4+s14], $0x40, s1, s14, $0xb8;
	[tilespmem:$0x1F000] =	vst v63  }
.LBB2_5:
0x92: {  	_ =	sfence.sel $0x180000  }
0x93: {  	[bflag:$0x0] =	sbarrier.arrive $0xFFFF  }
0x94: {  	_ =	strace $0x9000004D  }
0x95: {  	s0 =	stileid.u32;
	[bflag:$0x2] =	sbarrier.arrive $0xFFFF  }
0x96: {  	p0 =	sne.s32 s0, $0x0;
	s0 =	rddreg [dreg:$0x3]  }
0x97: {  	s0 =	sadd.s32 @!p0 $0x100000, s0  }
0x98: {  	[sflag:s0] =	ssyncadd.tile.s32 @!p0 $0x1;
	_ =	shalt  }
.Lfunc_end2:
_tile_overlayer_lowered:
.L_overlay_start_2:
0x99: {  	(tag) =	ssettag $0x2  }
0x9a: {  	s0 =	rddreg [dreg:$0x0];
	s2 =	stileid.u32  }
0x9b: {  	s1 =	rddreg [dreg:$0x1];
	p0 =	sne.s32 s2, $0x0  }
0x9c: {  	s3 =	rddreg [dreg:$0x2];
	[bflag:$0x3] =	sbarrier.arrive $0xFFFF;
	s2 =	simm.s32 @!p0 $0x1C03  }
0x9d: {  	[timem:s3], [sflag:s2] =	dma.local @!p0 [hbm:s0], s1  }
0x9e: {  	s0 =	simm.s32 @!p0 $0x3  }
0x9f: {  	_ =	swait.ge @!p0 [sflag:s0], s1  }
0xa0: {  	s1 =	ssub.s32 @!p0 $0x0, s1;
	[sflag:s0] =	ssyncset.done @!p0 $0x0  }
0xa1: {  	[sflag:s0] =	ssyncadd.s32 @!p0 s1  }
0xa2: {  	[bflag:$0x3] =	sbarrier.arrive $0xFFFF  }
0xa3: {  	_ =	shalt  }

// kernel: kernel.19.cloned.1.call-start
scs
__scs_entry_jumppad:
0x0: {  	(pc) =	sbr.rel $0x88, $3  }
0x1: {  	(tag) =	ssettag $0x0;
	lr =	simm.s32 $0x1  }
0x2: {  	[smem:$0x3F96] =	sst lr;
	_ =	strace $0xD0000000  }
0x3: {  	_ = 	snop  }
0x4: {  	_ = 	snop  }
0x5: {  	_ = 	snop  }
0x6: {  	_ = 	snop  }
0x7: {  	_ = 	snop  }
__scs_overlays_trampoline_lowered:
0x8: {  	[smem:$0x3FA5] =	sst s0  }
0x9: {  	[smem:$0x3FA6] =	sst s1  }
0xa: {  	[smem:$0x3FA7] =	sst s2  }
0xb: {  	[smem:$0x3FA8] =	sst s3  }
0xc: {  	[smem:$0x3FA9] =	sst s4  }
0xd: {  	[smem:$0x3FAA] =	sst s5  }
0xe: {  	[smem:$0x3FAB] =	sst s6  }
0xf: {  	[smem:$0x3FAC] =	sst s7  }
0x10: {  	[smem:$0x3FAD] =	sst s8  }
0x11: {  	[smem:$0x3FAE] =	sst s9;
	s0 =	simm.s32 @!p0 $0x0  }
0x12: {  	s1 =	sld [smem:$0x3F94];
	s0 =	simm.s32 @p0 $0x1  }
0x13: {  	[smem:$0x3FAF] =	sst s0;
	s0 =	simm.s32 @!p1 $0x0  }
0x14: {  	s2 =	sld [smem:$0x3F93];
	s0 =	simm.s32 @p1 $0x1  }
0x15: {  	[smem:$0x3FB0] =	sst s0;
	s0 =	simm.s32 @!p2 $0x0  }
0x16: {  	s3 =	sld [smem:$0x3FDB];
	s0 =	simm.s32 @p2 $0x1  }
0x17: {  	s4 =	simm.s32 $0x1BF5;
	[smem:$0x3FB2] =	sst s0  }
0x18: {  	s0 =	sld [smem:$0x3F95];
	_ =	swait.ge [sflag:s4], $0x0  }
0x19: {  	s7 =	sld [smem:$0x3F96]  }
0x1a: {  	s8 =	sadd.s32 $0xFFFFE003, lr  }
0x1b: {  	s9 =	sadd.s32 $0xFFFFFEF7, lr;
	s5 =	simm.s32 $0xFFFFFFFF;
	p2 =	slt.u32 s8, $0xFFFFF086  }
0x1c: {  	p1 =	slt.u32 s9, $0xF7A;
	s5 =	simm.s32 @!p2 $0x0  }
0x1d: {  	s5 =	simm.s32 @p1 $0x1;
	p0 =	seq.s32 s7, s2  }
0x1e: {  	s7 =	smul.u32 @!p0 $0xF7A, s2;
	p2 =	seq.s32 @!p0 s5, $0x0  }
0x1f: {  	s9 =	smul.u32 $0xF7A, s1;
	s8 =	simm.s32 @!p0 $0x1BF5;
	p2 =	por !p2, p0  }
0x20: {  	[sflag:s8] =	ssyncset.s32 @!p0 $0xFFFFF086;
	s6 =	sadd.s32 @!p0 s3, s7;
	s7 =	simm.s32 @!p0 $0x108  }
0x21: {  	s3 =	sadd.s32 s3, s9;
	s6 =	sadd.s32 @!p0 $0x88, s6;
	s7 =	simm.s32 @p2 $0x1082  }
0x22: {  	[simem:s7], [sflag:s8] =	dma.local @!p0 [hbm:s6], $0xF7A  }
0x23: {  	s9 =	sor.u32 $0xD0000000, s2;
	s6 =	simm.s32 $0x108;
	_ =	swait.ge @!p0 [sflag:s8], $0x0  }
0x24: {  	s3 =	sadd.s32 $0x88, s3;
	s6 =	simm.s32 @!p1 $0x1082;
	[sflag:s4] =	ssyncset.s32 $0xFFFFF086  }
0x25: {  	[simem:s6], [sflag:s4] =	dma.local [hbm:s3], $0xF7A  }
0x26: {  	[smem:$0x3F96] =	sst s1;
	(tag) =	ssettag s2;
	_ =	strace s9  }
0x27: {  	s1 =	sld [smem:$0x3FA6]  }
0x28: {  	s2 =	sld [smem:$0x3FA7]  }
0x29: {  	s4 =	sld [smem:$0x3FA9]  }
0x2a: {  	p0 =	seq.s32 s5, $0x0;
	s5 =	sld [smem:$0x3FAA]  }
0x2b: {  	s6 =	sld [smem:$0x3FAB]  }
0x2c: {  	s7 =	sld [smem:$0x3FAC]  }
0x2d: {  	s3 =	simm.s32 $0x108;
	s8 =	sld [smem:$0x3FAD]  }
0x2e: {  	s3 =	simm.s32 @!p0 $0x1082;
	s9 =	sld [smem:$0x3FAE]  }
0x2f: {  	lr =	sadd.s32 s0, s3;
	s0 =	sld [smem:$0x3FA5]  }
0x30: {  	s3 =	sld [smem:$0x3FA8]  }
0x31: {  	[smem:$0x3FB1] =	sst s10  }
0x32: {  	s10 =	sld [smem:$0x3FAF];
	_ =	sdelay $0x3  }
0x33: {  	p0 =	seq.s32 s10, $0x1;
	s10 =	sld [smem:$0x3FB1];
	_ =	sdelay $0x3  }
0x34: {  	[smem:$0x3FB1] =	sst s10  }
0x35: {  	s10 =	sld [smem:$0x3FB0];
	_ =	sdelay $0x3  }
0x36: {  	p1 =	seq.s32 s10, $0x1;
	s10 =	sld [smem:$0x3FB1];
	_ =	sdelay $0x3  }
0x37: {  	[smem:$0x3FB1] =	sst s10  }
0x38: {  	s10 =	sld [smem:$0x3FB2]  }
0x39: {  	_ = 	snop;
	(pc) =	sbr.ind lr, $3  }
0x3a: {  	_ = 	snop  }
0x3b: {  	_ = 	snop  }
0x3c: {  	p2 =	seq.s32 s10, $0x1;
	s10 =	sld [smem:$0x3FB1]  }
0x3d: {  	_ =	shalt  }
0x3e: {  	_ =	shalt  }
0x3f: {  	_ =	shalt  }
0x40: {  	_ =	shalt  }
0x41: {  	_ =	shalt  }
0x42: {  	_ =	shalt  }
0x43: {  	_ =	shalt  }
0x44: {  	_ =	shalt  }
0x45: {  	_ =	shalt  }
0x46: {  	_ =	shalt  }
0x47: {  	_ =	shalt  }
0x48: {  	_ =	shalt  }
0x49: {  	_ =	shalt  }
0x4a: {  	_ =	shalt  }
0x4b: {  	_ =	shalt  }
0x4c: {  	_ =	shalt  }
0x4d: {  	_ =	shalt  }
0x4e: {  	_ =	shalt  }
0x4f: {  	_ =	shalt  }
0x50: {  	_ =	shalt  }
0x51: {  	_ =	shalt  }
0x52: {  	_ =	shalt  }
0x53: {  	_ =	shalt  }
0x54: {  	_ =	shalt  }
0x55: {  	_ =	shalt  }
0x56: {  	_ =	shalt  }
0x57: {  	_ =	shalt  }
0x58: {  	_ =	shalt  }
0x59: {  	_ =	shalt  }
0x5a: {  	_ =	shalt  }
0x5b: {  	_ =	shalt  }
0x5c: {  	_ =	shalt  }
0x5d: {  	_ =	shalt  }
0x5e: {  	_ =	shalt  }
0x5f: {  	_ =	shalt  }
0x60: {  	_ =	shalt  }
0x61: {  	_ =	shalt  }
0x62: {  	_ =	shalt  }
0x63: {  	_ =	shalt  }
0x64: {  	_ =	shalt  }
0x65: {  	_ =	shalt  }
0x66: {  	_ =	shalt  }
0x67: {  	_ =	shalt  }
0x68: {  	_ =	shalt  }
0x69: {  	_ =	shalt  }
0x6a: {  	_ =	shalt  }
0x6b: {  	_ =	shalt  }
0x6c: {  	_ =	shalt  }
0x6d: {  	_ =	shalt  }
0x6e: {  	_ =	shalt  }
0x6f: {  	_ =	shalt  }
0x70: {  	_ =	shalt  }
0x71: {  	_ =	shalt  }
0x72: {  	_ =	shalt  }
0x73: {  	_ =	shalt  }
0x74: {  	_ =	shalt  }
0x75: {  	_ =	shalt  }
0x76: {  	_ =	shalt  }
0x77: {  	_ =	shalt  }
0x78: {  	_ =	shalt  }
0x79: {  	_ =	shalt  }
0x7a: {  	_ =	shalt  }
0x7b: {  	_ =	shalt  }
0x7c: {  	_ =	shalt  }
0x7d: {  	_ =	shalt  }
0x7e: {  	_ =	shalt  }
0x7f: {  	_ =	shalt  }
0x80: {  	_ =	shalt  }
0x81: {  	_ =	shalt  }
0x82: {  	_ =	shalt  }
0x83: {  	_ =	shalt  }
0x84: {  	_ =	shalt  }
0x85: {  	_ =	shalt  }
0x86: {  	_ =	shalt  }
0x87: {  	_ =	shalt  }
.Lfunc_end0:
.L_simem_size_0:
called_computation.3_lowered:
.L_overlay_start_0:
0x88: {  	s2 =	sld [smem:$0x3FD9]  }
0x89: {  	s3 =	sld [smem:$0x3FFE];
	_ =	sdelay $0x1  }
0x8a: {  	s1 =	srdreg.scid  }
0x8b: {  	s0 =	sand.u32 $0x1, s1  }
0x8c: {  	s17 =	sshll.u32 s0, $0xA;
	s2 =	sadd.s32 s3, s2  }
0x8d: {  	s2 =	sadd.s32 s2, s17  }
0x8e: {  	[smem:$0x3FBD] =	sst s2  }
0x8f: {  	_ = 	snop  }
0x90: {  	s2 =	sld [smem:$0x3FD0];
	(tm) =	ssettm $0x1  }
0x91: {  	s18 =	sld [smem:$0x3FFB];
	_ =	sdelay $0x3  }
0x92: {  	_ =	strace s18  }
0x93: {  	s3 =	sld [smem:$0x3FFC];
	_ =	sdelay $0x3  }
0x94: {  	_ =	strace s3  }
0x95: {  	s3 =	sld [smem:$0x3FFD];
	_ =	sdelay $0x3  }
0x96: {  	_ =	strace s3  }
0x97: {  	_ =	strace $0x8FFFFFFF  }
0x98: {  	s19 =	sld [smem:$0x3FDB];
	_ =	sdelay $0x1  }
0x99: {  	s4 =	simm.s32 $_scs_section_size  }
0x9a: {  	s5 =	simm.s32 $_size__tile_overlayer_lowered;
	s6 =	simm.s32 $_tile_overlayer_lowered  }
0x9b: {  	s22 =	simm.s32 $0x1BFF;
	s21 =	sshll.u32 s6, $0x1;
	s3 =	sadd.s32 s4, s19  }
0x9c: {  	s7 =	simm.s32 $0x0;
	s20 =	sshll.u32 s5, $0x1;
	s5 =	sadd.s32 s21, s3  }
0x9d: {  	[timem:s7], [sflag:s22] =	dma.local [hbm:s5], s20  }
0x9e: {  	_ =	swait.ge [sflag:s22], s20  }
0x9f: {  	s4 =	ssub.s32 $0x0, s20;
	[sflag:s22] =	ssyncset.done $0x0  }
0xa0: {  	[sflag:s22] =	ssyncadd.s32 s4;
	_ =	sdelay $0x1  }
0xa1: {  	s23 =	simm.s32 $0x1B8B  }
0xa2: {  	_ =	swait.ge [sflag:s23], $0x1  }
0xa3: {  	[sflag:s23] =	ssyncset.done $0x0  }
0xa4: {  	s25 =	simm.s32 $0x1B8E;
	s24 =	sld [smem:$0x3FFE];
	[sflag:s23] =	ssyncadd.s32 $0xFFFFFFFF  }
0xa5: {  	s26 =	simm.s32 $execute0_lowered;
	[smem:$0x3FD2] =	sst s25  }
0xa6: {  	s5 =	sshll.u32 s26, $0x1;
	_ =	strace $0x8000004F;
	[dreg:$0x1] =	wrdreg $0xFFFFFFFF  }
0xa7: {  	s28 =	simm.s32 $_size_execute0_lowered;
	s3 =	sadd.s32 s3, s5;
	[dreg:$0x0] =	wrdreg $0x0  }
0xa8: {  	s5 =	sshll.u32 s28, $0x1;
	[dreg:$0x2] =	wrdreg s3  }
0xa9: {  	[dreg:$0x3] =	wrdreg s5  }
0xaa: {  	[dreg:$0x4] =	wrdreg $0xC0  }
0xab: {  	_ =	task [dreg:s7], $0x5FFFF  }
0xac: {  	[dreg:$0x1] =	wrdreg $0xFFFFFFFF  }
0xad: {  	[dreg:$0x0] =	wrdreg $0x60  }
0xae: {  	[dreg:$0x2] =	wrdreg s24  }
0xaf: {  	[dreg:$0x3] =	wrdreg s2  }
0xb0: {  	[dreg:$0x4] =	wrdreg $0x90000  }
0xb1: {  	[dreg:$0x5] =	wrdreg $0x9  }
0xb2: {  	_ =	task.clear_ibuf [dreg:s7], $0x6FFFF;
	_ =	strace $0x9000004F  }
0xb3: {  	s29 =	simm.s32 $0x9;
	_ =	strace $0x80000051  }
0xb4: {  	_ =	swait.ge [sflag:s29], $0x1  }
0xb5: {  	[sflag:s29] =	ssyncadd.s32 $0xFFFFFFFF  }
0xb6: {  	_ =	strace $0x90000051  }
0xb7: {  	_ =	sfence  }
0xb8: {  	s30 =	sld [smem:$0x0];
	_ =	sdelay $0x2  }
0xb9: {  	s31 =	sshll.u32 s1, $0xD;
	s1 =	sshrl.u32 s1, $0x2  }
0xba: {  	s3 =	sand.u32 $0x4000, s31;
	s1 =	sadd.s32 s1, s30  }
0xbb: {  	s0 =	sor.u32 s3, s0;
	s1 =	sshll.u32 s1, $0x11  }
0xbc: {  	s0 =	sor.u32 s1, s0  }
0xbd: {  	s0 =	sadd.s32 $0x8F2B, s0  }
0xbe: {  	[sflag:s0] =	ssyncadd.remote.s32 $0x1  }
0xbf: {  	_ =	sfence.sel $0xFFFF  }
0xc0: {  	[dreg:$0x0] =	wrdreg $0xFFFFFFFF;
	(pc) =	sbr.abs _section_cstart, $3  }
0xc1: {  	[dreg:$0x1] =	wrdreg $0xFFFFFFFF  }
0xc2: {  	_ =	task.clear_ibuf [dreg:s7], $0x2FFFF;
	_ =	strace $0x9FFFFFFF  }
0xc3: {  	(tm) =	ssettm $0x7FFFFFFF  }
tec
execute0_lowered:
.L_overlay_start_1:
0x0: {  	(tag) =	ssettag $0x1  }
0x1: {  	s0 =	rddreg [dreg:$0x0]  }
0x2: {  	s1 =	rddreg [dreg:$0x1]  }
0x3: {  	s2 =	rddreg [dreg:$0x2]  }
0x4: {  	s13 =	stileid.u32;
	s4 =	srdreg.scid;
	s3 =	simm.s32 $0x0  }
0x5: {  	s14 =	simm.s32 $0x80;
	s15 =	simm.s32 $0x5000;
	s16 =	simm.s32 $0x5800  }
0x6: {  	s28 =	simm.s32 $0x1;
	s29 =	simm.s32 $0x8800;
	s30 =	simm.s32 $0x2  }
0x7: {  	s31 =	simm.s32 $0x0;
	s5 =	smul.u32 $0x500, s13;
	s6 =	sand.u32 $0x1, s4  }
0x8: {  	[smem:$0x7FF] =	sst s3;
	s4 =	sadd.s32 $0x2FE00, s0;
	s8 =	smul.u32 $0xA000, s13  }
0x9: {  	s12 =	smul.u32 $0x2800, s13;
	s20 =	sadd.s32 $0x57E00, s0;
	s22 =	sshll.u32 s13, $0x6  }
0xa: {  	s7 =	smul.u32 $0x5000, s6;
	_ =	strace $0x80000050;
	s10 =	ssub.s32 $0x2, s6  }
0xb: {  	s6 =	smul.u32 $0x28000, s6;
	[dreg:$0x4] =	wrdreg s20;
	s20 =	simm.s32 $0x6800  }
0xc: {  	s9 =	sadd.s32 s5, s0;
	s11 =	sshrl.u32 s10, $0x1;
	s21 =	sshrl.u32 s8, $0x2  }
0xd: {  	s7 =	sadd.s32 s5, s7;
	s10 =	ssub.s32 s10, s11;
	s23 =	sadd.s32 s12, s6  }
.Ltmp0:
0xe: {  	s24 =	sadd.s32 s21, s2;
	s6 =	sor.u32 $0x1C03, s22;
	(pc) =	sbr.rel .LBB2_1-.Ltmp0, $4  }
0xf: {  	s26 =	sadd.s32 $0x2AE00, s9;
	s12 =	simm.s32 $0x3;
	s0 =	sadd.s32 s7, s0  }
0x10: {  	s25 =	sshrl.u32 s23, $0x3;
	[dreg:$0x6] =	wrdreg s26;
	s10 =	smax.u32 s10, $0x1  }
0x11: {  	s11 =	sshrl.u32 s24, $0x3;
	s24 =	simm.s32 $0x7800;
	s1 =	sadd.s32 s1, s25  }
0x12: {  	s26 =	simm.s32 $0x8000;
	s9 =	sadd.s32 $0x39E00, s0;
	[dreg:$0x5] =	wrdreg s1  }
.LBB2_4:
0x13: {  	_ =	swait.ge [sflag:s30], $0x800  }
0x14: {  	s31 =	sadd.s32 $0x1, s31;
	[sflag:s30] =	ssyncset.done $0x0  }
0x15: {  	p0 =	sne.s32 s31, s10;
	[sflag:s30] =	ssyncadd.s32 $0xFFFFF800  }
.Ltmp1:
0x16: {  	[bflag:$0x0] =	sbarrier.arrive $0xFFFF;
	(pc) =	sbr.rel @!p0 .LBB2_5-.Ltmp1, $4  }
0x17: {  	[hbm:s9], [sflag:s6] =	dma.local [spmem:s11], $0x500  }
0x18: {  	_ =	swait.ge [sflag:s12], $0x500  }
0x19: {  	[sflag:s12] =	ssyncset.done $0x0  }
0x1a: {  	[sflag:s12] =	ssyncadd.s32 $0xFFFFFB00  }
.LBB2_1:
0x1b: {  	s0 =	rddreg [dreg:$0x4]  }
0x1c: {  	[spmem:s11], [sflag:s6] =	dma.local [hbm:s0], $0x500  }
0x1d: {  	_ =	swait.ge [sflag:s12], $0x500  }
0x1e: {  	[sflag:s12] =	ssyncset.done $0x0  }
0x1f: {  	[sflag:s12] =	ssyncadd.s32 $0xFFFFFB00  }
0x20: {  	[bflag:$0x0] =	sbarrier.arrive $0xFFFF  }
0x21: {  	s8 =	rddreg [dreg:$0x5]  }
0x22: {  	[tilespmem:s3], [sflag:$0x3] =	stream.linear.gather [hbm4b:s8+s3], $0x2800, $0x38;
	[tilespmem:$0xB800] =	vst v63  }
0x23: {  	_ =	swait.ge [sflag:s12], $0x2800  }
0x24: {  	[sflag:s12] =	ssyncset.done $0x0  }
0x25: {  	s1 =	simm.s32 $0x2800;
	s13 =	rddreg [dreg:$0x6];
	[sflag:s12] =	ssyncadd.s32 $0xFFFFD800  }
0x26: {  	[tilespmem:s1], [sflag:$0x3] =	stream.linear.gather [hbm4b:s13+s3], $0x2800, $0x38;
	[tilespmem:$0xB800] =	vst v63  }
0x27: {  	_ =	swait.ge [sflag:s12], $0x2800  }
0x28: {  	[sflag:s12] =	ssyncset.done $0x0  }
0x29: {  	[sflag:s12] =	ssyncadd.s32 $0xFFFFD800  }
0x2a: {  	[tilespmem:s15], [sflag:$0x1] =	stream.indirect.gather [hbm4b:s4+s14], $0x10, s3, s14, $0xb8;
	[tilespmem:$0xB800] =	vst v63  }
0x2b: {  	_ = 	snop  }
0x2c: {  	[tilespmem:s16], [sflag:$0x1] =	stream.indirect.gather [hbm4b:s4+s14], $0x10, s14, s14, $0xb8;
	[tilespmem:$0xB800] =	vst v63  }
0x2d: {  	s17 =	simm.s32 $0x100;
	s18 =	simm.s32 $0x6000  }
0x2e: {  	[tilespmem:s18], [sflag:$0x1] =	stream.indirect.gather [hbm4b:s4+s14], $0x10, s17, s14, $0xb8;
	[tilespmem:$0xB800] =	vst v63  }
0x2f: {  	s19 =	simm.s32 $0x180  }
0x30: {  	[tilespmem:s20], [sflag:$0x1] =	stream.indirect.gather [hbm4b:s4+s14], $0x10, s19, s14, $0xb8;
	[tilespmem:$0xB800] =	vst v63  }
0x31: {  	s21 =	simm.s32 $0x200;
	s22 =	simm.s32 $0x7000  }
0x32: {  	[tilespmem:s22], [sflag:$0x1] =	stream.indirect.gather [hbm4b:s4+s14], $0x10, s21, s14, $0xb8;
	[tilespmem:$0xB800] =	vst v63  }
0x33: {  	s23 =	simm.s32 $0x280  }
0x34: {  	[tilespmem:s24], [sflag:$0x1] =	stream.indirect.gather [hbm4b:s4+s14], $0x10, s23, s14, $0xb8;
	[tilespmem:$0xB800] =	vst v63  }
0x35: {  	s25 =	simm.s32 $0x300;
	s0 =	simm.s32 $0x0  }
0x36: {  	[tilespmem:s26], [sflag:$0x1] =	stream.indirect.gather [hbm4b:s4+s14], $0x10, s25, s14, $0xb8;
	[tilespmem:$0xB800] =	vst v63  }
.LBB2_2:
0x37: {  	_ =	swait.ge [sflag:s28], $0x800  }
0x38: {  	s1 =	sshra.s32 s0, $0x2;
	[sflag:s28] =	ssyncset.done $0x0  }
0x39: {  	p0 =	seq.s32 s0, $0x0;
	s13 =	sadd.s32 $0x2800, s1;
	[sflag:s28] =	ssyncadd.s32 $0xFFFFF800  }
0x3a: {  	[spmem:s2] =	stream.indirect.scatter.add.bf16 [tilespmem:s15], [sflag:$0x2], $0x10, s13, s14, $0xb8;
	[tilespmem:$0xB800] =	vst v63  }
0x3b: {  	s13 =	simm.s32 @!p0 $0x2  }
0x3c: {  	_ =	swait.ge @!p0 [sflag:s13], $0x800  }
0x3d: {  	[sflag:s13] =	ssyncset.done @!p0 $0x0  }
0x3e: {  	s5 =	sadd.s32 $0x380, s1;
	[sflag:s13] =	ssyncadd.s32 @!p0 $0xFFFFF800  }
0x3f: {  	[tilespmem:s29], [sflag:$0x1] =	stream.indirect.gather [hbm4b:s4+s14], $0x10, s5, s14, $0xb8;
	[tilespmem:$0xB800] =	vst v63  }
0x40: {  	_ =	swait.ge [sflag:s28], $0x800  }
0x41: {  	[sflag:s28] =	ssyncset.done $0x0  }
0x42: {  	s7 =	sadd.s32 $0x2880, s1;
	[sflag:s28] =	ssyncadd.s32 $0xFFFFF800  }
0x43: {  	[spmem:s2] =	stream.indirect.scatter.add.bf16 [tilespmem:s16], [sflag:$0x2], $0x10, s7, s14, $0xb8;
	[tilespmem:$0xB800] =	vst v63  }
0x44: {  	_ =	swait.ge [sflag:s30], $0x800  }
0x45: {  	p0 =	seq.s32 s0, $0x9000;
	[sflag:s30] =	ssyncset.done $0x0  }
0x46: {  	s18 =	simm.s32 @p0 $0x1;
	[sflag:s30] =	ssyncadd.s32 $0xFFFFF800  }
0x47: {  	s19 =	sshra.s32 @p0 s0, $0x2;
	_ =	swait.ge @p0 [sflag:s18], $0x800  }
0x48: {  	s21 =	simm.s32 @p0 $0x80;
	s17 =	simm.s32 @p0 $0x6000;
	[sflag:s18] =	ssyncset.done @p0 $0x0  }
0x49: {  	s22 =	simm.s32 @p0 $0x2;
	s13 =	sadd.s32 @p0 $0x2900, s19;
	[sflag:s18] =	ssyncadd.s32 @p0 $0xFFFFF800  }
0x4a: {  	[spmem:s2] =	stream.indirect.scatter.add.bf16 @p0 [tilespmem:s17], [sflag:$0x2], $0x10, s13, s21, $0xb8;
	[tilespmem:$0xB800] =	vst v63  }
0x4b: {  	_ =	swait.ge @p0 [sflag:s22], $0x800  }
0x4c: {  	s25 =	simm.s32 @!p0 $0x5000;
	s13 =	sshra.s32 @!p0 s0, $0x2;
	[sflag:s22] =	ssyncset.done @p0 $0x0  }
0x4d: {  	s17 =	simm.s32 @!p0 $0x80;
	s23 =	sadd.s32 @!p0 $0x400, s13;
	[sflag:s22] =	ssyncadd.s32 @p0 $0xFFFFF800  }
0x4e: {  	[tilespmem:s25], [sflag:$0x1] =	stream.indirect.gather @!p0 [hbm4b:s4+s17], $0x10, s23, s17, $0xb8;
	[tilespmem:$0xB800] =	vst v63  }
0x4f: {  	s23 =	simm.s32 @!p0 $0x1  }
0x50: {  	_ =	swait.ge @!p0 [sflag:s23], $0x800  }
0x51: {  	[sflag:s23] =	ssyncset.done @!p0 $0x0  }
0x52: {  	s5 =	simm.s32 @!p0 $0x6000;
	s25 =	sadd.s32 @!p0 $0x2900, s13;
	[sflag:s23] =	ssyncadd.s32 @!p0 $0xFFFFF800  }
0x53: {  	[spmem:s2] =	stream.indirect.scatter.add.bf16 @!p0 [tilespmem:s5], [sflag:$0x2], $0x10, s25, s17, $0xb8;
	[tilespmem:$0xB800] =	vst v63  }
0x54: {  	s25 =	simm.s32 @!p0 $0x2  }
0x55: {  	_ =	swait.ge @!p0 [sflag:s25], $0x800  }
0x56: {  	[sflag:s25] =	ssyncset.done @!p0 $0x0  }
0x57: {  	s8 =	simm.s32 @!p0 $0x5800;
	s7 =	sadd.s32 @!p0 $0x480, s13;
	[sflag:s25] =	ssyncadd.s32 @!p0 $0xFFFFF800  }
0x58: {  	[tilespmem:s8], [sflag:$0x1] =	stream.indirect.gather @!p0 [hbm4b:s4+s17], $0x10, s7, s17, $0xb8;
	[tilespmem:$0xB800] =	vst v63  }
0x59: {  	_ =	swait.ge [sflag:s28], $0x800  }
0x5a: {  	[sflag:s28] =	ssyncset.done $0x0  }
0x5b: {  	s8 =	sadd.s32 $0x2980, s1;
	[sflag:s28] =	ssyncadd.s32 $0xFFFFF800  }
0x5c: {  	[spmem:s2] =	stream.indirect.scatter.add.bf16 [tilespmem:s20], [sflag:$0x2], $0x10, s8, s14, $0xb8;
	[tilespmem:$0xB800] =	vst v63  }
0x5d: {  	_ =	swait.ge [sflag:s30], $0x800  }
0x5e: {  	[sflag:s30] =	ssyncset.done $0x0  }
0x5f: {  	[sflag:s30] =	ssyncadd.s32 $0xFFFFF800  }
0x60: {  	_ =	swait.ge @p0 [sflag:s18], $0x800  }
0x61: {  	[sflag:s18] =	ssyncset.done @p0 $0x0  }
0x62: {  	s7 =	sadd.s32 @p0 $0x2A00, s19;
	s8 =	simm.s32 @p0 $0x7000;
	[sflag:s18] =	ssyncadd.s32 @p0 $0xFFFFF800  }
0x63: {  	[spmem:s2] =	stream.indirect.scatter.add.bf16 @p0 [tilespmem:s8], [sflag:$0x2], $0x10, s7, s21, $0xb8;
	[tilespmem:$0xB800] =	vst v63  }
0x64: {  	_ =	swait.ge @p0 [sflag:s22], $0x800  }
0x65: {  	[sflag:s22] =	ssyncset.done @p0 $0x0  }
0x66: {  	s7 =	sadd.s32 @!p0 $0x500, s13;
	[sflag:s22] =	ssyncadd.s32 @p0 $0xFFFFF800  }
0x67: {  	[tilespmem:s5], [sflag:$0x1] =	stream.indirect.gather @!p0 [hbm4b:s4+s17], $0x10, s7, s17, $0xb8;
	[tilespmem:$0xB800] =	vst v63  }
0x68: {  	_ =	swait.ge @!p0 [sflag:s23], $0x800  }
0x69: {  	[sflag:s23] =	ssyncset.done @!p0 $0x0  }
0x6a: {  	s5 =	sadd.s32 @!p0 $0x2A00, s13;
	s7 =	simm.s32 @!p0 $0x7000;
	[sflag:s23] =	ssyncadd.s32 @!p0 $0xFFFFF800  }
0x6b: {  	[spmem:s2] =	stream.indirect.scatter.add.bf16 @!p0 [tilespmem:s7], [sflag:$0x2], $0x10, s5, s17, $0xb8;
	[tilespmem:$0xB800] =	vst v63  }
0x6c: {  	_ =	swait.ge @!p0 [sflag:s25], $0x800  }
0x6d: {  	[sflag:s25] =	ssyncset.done @!p0 $0x0  }
0x6e: {  	s8 =	simm.s32 @!p0 $0x6800;
	s5 =	sadd.s32 @!p0 $0x580, s13;
	[sflag:s25] =	ssyncadd.s32 @!p0 $0xFFFFF800  }
0x6f: {  	[tilespmem:s8], [sflag:$0x1] =	stream.indirect.gather @!p0 [hbm4b:s4+s17], $0x10, s5, s17, $0xb8;
	[tilespmem:$0xB800] =	vst v63  }
0x70: {  	_ =	swait.ge [sflag:s28], $0x800  }
0x71: {  	[sflag:s28] =	ssyncset.done $0x0  }
0x72: {  	s8 =	sadd.s32 $0x2A80, s1;
	[sflag:s28] =	ssyncadd.s32 $0xFFFFF800  }
0x73: {  	[spmem:s2] =	stream.indirect.scatter.add.bf16 [tilespmem:s24], [sflag:$0x2], $0x10, s8, s14, $0xb8;
	[tilespmem:$0xB800] =	vst v63  }
0x74: {  	_ =	swait.ge [sflag:s30], $0x800  }
0x75: {  	[sflag:s30] =	ssyncset.done $0x0  }
0x76: {  	[sflag:s30] =	ssyncadd.s32 $0xFFFFF800  }
0x77: {  	_ =	swait.ge @p0 [sflag:s18], $0x800  }
0x78: {  	[sflag:s18] =	ssyncset.done @p0 $0x0  }
0x79: {  	s5 =	sadd.s32 @p0 $0x2B00, s19;
	s8 =	simm.s32 @p0 $0x8000;
	[sflag:s18] =	ssyncadd.s32 @p0 $0xFFFFF800  }
0x7a: {  	[spmem:s2] =	stream.indirect.scatter.add.bf16 @p0 [tilespmem:s8], [sflag:$0x2], $0x10, s5, s21, $0xb8;
	[tilespmem:$0xB800] =	vst v63  }
0x7b: {  	_ =	swait.ge @p0 [sflag:s22], $0x800  }
0x7c: {  	[sflag:s22] =	ssyncset.done @p0 $0x0  }
0x7d: {  	s5 =	sadd.s32 @!p0 $0x600, s13;
	[sflag:s22] =	ssyncadd.s32 @p0 $0xFFFFF800  }
0x7e: {  	[tilespmem:s7], [sflag:$0x1] =	stream.indirect.gather @!p0 [hbm4b:s4+s17], $0x10, s5, s17, $0xb8;
	[tilespmem:$0xB800] =	vst v63  }
0x7f: {  	_ =	swait.ge @!p0 [sflag:s23], $0x800  }
0x80: {  	[sflag:s23] =	ssyncset.done @!p0 $0x0  }
0x81: {  	s5 =	sadd.s32 @!p0 $0x2B00, s13;
	s7 =	simm.s32 @!p0 $0x8000;
	[sflag:s23] =	ssyncadd.s32 @!p0 $0xFFFFF800  }
0x82: {  	[spmem:s2] =	stream.indirect.scatter.add.bf16 @!p0 [tilespmem:s7], [sflag:$0x2], $0x10, s5, s17, $0xb8;
	[tilespmem:$0xB800] =	vst v63  }
0x83: {  	_ =	swait.ge @!p0 [sflag:s25], $0x800  }
0x84: {  	[sflag:s25] =	ssyncset.done @!p0 $0x0  }
0x85: {  	s5 =	sadd.s32 @!p0 $0x680, s13;
	s7 =	simm.s32 @!p0 $0x7800;
	[sflag:s25] =	ssyncadd.s32 @!p0 $0xFFFFF800  }
0x86: {  	[tilespmem:s7], [sflag:$0x1] =	stream.indirect.gather @!p0 [hbm4b:s4+s17], $0x10, s5, s17, $0xb8;
	[tilespmem:$0xB800] =	vst v63  }
0x87: {  	_ =	swait.ge [sflag:s28], $0x800  }
0x88: {  	[sflag:s28] =	ssyncset.done $0x0  }
.Ltmp2:
0x89: {  	s25 =	sadd.s32 $0x2B80, s1;
	[sflag:s28] =	ssyncadd.s32 $0xFFFFF800;
	(pc) =	sbr.rel @p0 .LBB2_4-.Ltmp2, $4  }
0x8a: {  	[spmem:s2] =	stream.indirect.scatter.add.bf16 [tilespmem:s29], [sflag:$0x2], $0x10, s25, s14, $0xb8;
	[tilespmem:$0xB800] =	vst v63  }
0x8b: {  	_ =	swait.ge [sflag:s30], $0x800  }
0x8c: {  	[sflag:s30] =	ssyncset.done $0x0  }
0x8d: {  	[sflag:s30] =	ssyncadd.s32 $0xFFFFF800  }
.Ltmp3:
0x8e: {  	(pc) =	sbr.rel .LBB2_2-.Ltmp3, $3  }
0x8f: {  	_ =	sdelay $0x1  }
0x90: {  	s1 =	sadd.s32 $0x700, s1;
	s0 =	sadd.s32 $0x1000, s0  }
0x91: {  	[tilespmem:s26], [sflag:$0x1] =	stream.indirect.gather [hbm4b:s4+s14], $0x10, s1, s14, $0xb8;
	[tilespmem:$0xB800] =	vst v63  }
.LBB2_5:
0x92: {  	_ =	sfence.sel $0x180000  }
0x93: {  	[bflag:$0x0] =	sbarrier.arrive $0xFFFF  }
0x94: {  	_ =	strace $0x90000050  }
0x95: {  	s0 =	stileid.u32;
	[bflag:$0x2] =	sbarrier.arrive $0xFFFF  }
0x96: {  	p0 =	sne.s32 s0, $0x0;
	s0 =	rddreg [dreg:$0x3]  }
0x97: {  	s0 =	sadd.s32 @!p0 $0x100000, s0  }
0x98: {  	[sflag:s0] =	ssyncadd.tile.s32 @!p0 $0x1;
	_ =	shalt  }
.Lfunc_end2:
_tile_overlayer_lowered:
.L_overlay_start_2:
0x99: {  	(tag) =	ssettag $0x2  }
0x9a: {  	s0 =	rddreg [dreg:$0x0];
	s2 =	stileid.u32  }
0x9b: {  	s1 =	rddreg [dreg:$0x1];
	p0 =	sne.s32 s2, $0x0  }
0x9c: {  	s3 =	rddreg [dreg:$0x2];
	[bflag:$0x3] =	sbarrier.arrive $0xFFFF;
	s2 =	simm.s32 @!p0 $0x1C03  }
0x9d: {  	[timem:s3], [sflag:s2] =	dma.local @!p0 [hbm:s0], s1  }
0x9e: {  	s0 =	simm.s32 @!p0 $0x3  }
0x9f: {  	_ =	swait.ge @!p0 [sflag:s0], s1  }
0xa0: {  	s1 =	ssub.s32 @!p0 $0x0, s1;
	[sflag:s0] =	ssyncset.done @!p0 $0x0  }
0xa1: {  	[sflag:s0] =	ssyncadd.s32 @!p0 s1  }
0xa2: {  	[bflag:$0x3] =	sbarrier.arrive $0xFFFF  }
0xa3: {  	_ =	shalt  }

</sc_bundles>
